<compile_context>
chip_gen: v7x
topology: tpu7x:2x2x1
jax: 0.10.2.dev20260603
libtpu: 0.0.44.dev20260713+nightly
codegen_flags: <defaults>
</compile_context>

<pallas_src>
import functools

import jax
import jax.numpy as jnp
from jax import lax
from jax.experimental import pallas as pl
from jax.experimental.pallas import tpu as pltpu
from jax.experimental.pallas import tpu_sc as plsc

N = 10000
E = 320000
NPAD = 10240
NACC = 10112
B = 128
NBH = 80
NBI = NBH + 8
NTILES = 32
ETOT = NTILES * NBH * B
EPAD = ETOT - E
NDEAD = 112
BR = 1000
F_IN = 128
H = 256
C = 40
CP = 128

_MESH = plsc.VectorSubcoreMesh(core_axis_name="c", subcore_axis_name="s")
_SC_PARAMS = pltpu.CompilerParams(needs_layout_passes=False)



def _sc_hist(dst3, zrows):

    @functools.partial(
        pl.kernel,
        out_type=jax.ShapeDtypeStruct((NTILES, 640, 16), jnp.float32),
        mesh=_MESH,
        compiler_params=_SC_PARAMS,
        scratch_types=[
            pltpu.VMEM((NBH, B), jnp.int32),
            pltpu.VMEM((640, 16), jnp.float32),
        ],
    )
    def k(dst_hbm, z_hbm, out_hbm, dbuf, hist):
        c = lax.axis_index("c")
        s = lax.axis_index("s")
        t = c * 16 + s
        pltpu.sync_copy(dst_hbm.at[t], dbuf)
        pltpu.sync_copy(z_hbm, hist)

        @pl.loop(0, NBH)
        def _(j):
            @pl.loop(0, B, step=16)
            def _(kk):
                d = dbuf[j, pl.ds(kk, 16)]
                row = lax.shift_right_logical(d, 4)
                lane = lax.bitwise_and(d, 15)
                plsc.addupdate_scatter(
                    hist, [row, lane], jnp.ones((16,), jnp.float32))

        pltpu.sync_copy(hist, out_hbm.at[t])

    return k(dst3, zrows)


def _sc_prop(table, idx4, zrows, width):

    @functools.partial(
        pl.kernel,
        out_type=jax.ShapeDtypeStruct((2, NACC, width), jnp.float32),
        mesh=_MESH,
        scratch_types=[
            pltpu.VMEM((2, B), jnp.int32),
            pltpu.VMEM((2, B), jnp.int32),
            pltpu.VMEM((2, B), jnp.int32),
            pltpu.VMEM((2, B), jnp.int32),
            pltpu.VMEM((B, width), jnp.float32),
            pltpu.VMEM((B, width), jnp.float32),
            pltpu.VMEM_SHARED((NACC, width), jnp.float32),
            pltpu.SemaphoreType.DMA,
            pltpu.SemaphoreType.DMA,
            pltpu.SemaphoreType.DMA,
            pltpu.SemaphoreType.DMA,
            pltpu.SemaphoreType.DMA,
            pltpu.SemaphoreType.DMA,
        ],
    )
    def k(tab_hbm, idx_hbm, z_hbm, out_hbm,
          ib0, ib1, ib2, ib3, buf_a, buf_b, accum,
          is0, is1, is2, is3, sem_a, sem_b):
        c = lax.axis_index("c")
        s = lax.axis_index("s")
        t = c * 16 + s
        ti = idx_hbm.at[t]

        pltpu.async_copy(ti.at[0], ib0, is0)
        pltpu.async_copy(ti.at[1], ib1, is1)
        pltpu.async_copy(ti.at[2], ib2, is2)
        pltpu.async_copy(ti.at[3], ib3, is3)
        pltpu.sync_copy(z_hbm, accum.at[pl.ds(s * 632, 632)])
        plsc.subcore_barrier()
        pltpu.make_async_copy(ti.at[0], ib0, is0).wait()
        pltpu.async_copy(tab_hbm.at[ib0.at[0]], buf_a, sem_a)

        def gather(ib, isem, j, buf, sem):
            pltpu.make_async_copy(ti.at[j], ib, isem).wait()
            pltpu.async_copy(tab_hbm.at[ib.at[0]], buf, sem)

        def scatter(ib, buf, sem, jn, isem):
            pltpu.make_async_copy(tab_hbm.at[ib.at[0]], buf, sem).wait()
            pltpu.sync_copy(buf, accum.at[ib.at[1]], add=True)
            pltpu.async_copy(ti.at[jn], ib, isem)

        @pl.loop(0, NBH // 4)
        def _(kk):
            j = kk * 4
            gather(ib1, is1, j + 1, buf_b, sem_b)
            scatter(ib0, buf_a, sem_a, j + 4, is0)
            gather(ib2, is2, j + 2, buf_a, sem_a)
            scatter(ib1, buf_b, sem_b, j + 5, is1)
            gather(ib3, is3, j + 3, buf_b, sem_b)
            scatter(ib2, buf_a, sem_a, j + 6, is2)
            gather(ib0, is0, j + 4, buf_a, sem_a)
            scatter(ib3, buf_b, sem_b, j + 7, is3)

        pltpu.make_async_copy(tab_hbm.at[ib0.at[0]], buf_a, sem_a).wait()
        pltpu.make_async_copy(ti.at[NBH + 1], ib1, is1).wait()
        pltpu.make_async_copy(ti.at[NBH + 2], ib2, is2).wait()
        pltpu.make_async_copy(ti.at[NBH + 3], ib3, is3).wait()

        plsc.subcore_barrier()
        pltpu.sync_copy(accum.at[pl.ds(s * 632, 632)],
                        out_hbm.at[c, pl.ds(s * 632, 632)])

    return k(table, idx4, zrows)



def _tc_hsum(hist):

    def body(h_ref, o_ref):
        o_ref[...] = jnp.sum(h_ref[...], axis=0)

    return pl.pallas_call(
        body,
        out_shape=jax.ShapeDtypeStruct((640, 16), jnp.float32),
    )(hist)


def _tc_prep(hist, x):

    def body(h_ref, x_ref, dinv_ref, xt_ref):
        deg = h_ref[...] + 1.0
        dinv = lax.rsqrt(deg)
        dinv_ref[...] = dinv
        xt_ref[...] = x_ref[...] * dinv

    return pl.pallas_call(
        body,
        grid=(N // BR,),
        in_specs=[
            pl.BlockSpec((BR, 1), lambda i: (i, 0)),
            pl.BlockSpec((BR, F_IN), lambda i: (i, 0)),
        ],
        out_specs=[
            pl.BlockSpec((BR, 1), lambda i: (i, 0)),
            pl.BlockSpec((BR, F_IN), lambda i: (i, 0)),
        ],
        out_shape=[
            jax.ShapeDtypeStruct((N, 1), jnp.float32),
            jax.ShapeDtypeStruct((N, F_IN), jnp.float32),
        ],
    )(hist, x)


def _bn_affine(b, g, be, rm, rv):
    sc = g * lax.rsqrt(rv + 1e-5)
    return sc, (b - rm) * sc + be


def _tc_layer1(parts, xt, dinv, W1, b1, g1, be1, rm1, rv1):
    def body(p_ref, xt_ref, dinv_ref, w_ref, b_ref, g_ref, be_ref, rm_ref,
             rv_ref, ha_ref, hb_ref):
        dinv = dinv_ref[...]
        agg = (p_ref[0] + p_ref[1] + xt_ref[...]) * dinv
        z = jnp.dot(agg, w_ref[...], preferred_element_type=jnp.float32)
        sc, sh = _bn_affine(b_ref[...], g_ref[...], be_ref[...], rm_ref[...],
                            rv_ref[...])
        h = jnp.maximum(z * sc + sh, 0.0) * dinv
        ha_ref[...] = h[:, :F_IN]
        hb_ref[...] = h[:, F_IN:]

    p_spec = pl.BlockSpec((2, BR, F_IN), lambda i: (0, i, 0))
    v_spec = pl.BlockSpec((1, H), lambda i: (0, 0))
    return pl.pallas_call(
        body,
        grid=(N // BR,),
        in_specs=[
            p_spec,
            pl.BlockSpec((BR, F_IN), lambda i: (i, 0)),
            pl.BlockSpec((BR, 1), lambda i: (i, 0)),
            pl.BlockSpec((F_IN, H), lambda i: (0, 0)),
            v_spec, v_spec, v_spec, v_spec, v_spec,
        ],
        out_specs=[
            pl.BlockSpec((BR, F_IN), lambda i: (i, 0)),
            pl.BlockSpec((BR, F_IN), lambda i: (i, 0)),
        ],
        out_shape=[
            jax.ShapeDtypeStruct((N, F_IN), jnp.float32),
            jax.ShapeDtypeStruct((N, F_IN), jnp.float32),
        ],
    )(parts, xt, dinv, W1, b1, g1, be1, rm1, rv1)


def _tc_layer2(qa, qb, ha, hb, dinv, W2, b2, g2, be2, rm2, rv2, W3p):
    def body(qa_ref, qb_ref, ha_ref, hb_ref, dinv_ref, w2_ref, b_ref, g_ref,
             be_ref, rm_ref, rv_ref, w3_ref, tt_ref):
        dinv = dinv_ref[...]
        agg_a = (qa_ref[0] + qa_ref[1] + ha_ref[...]) * dinv
        agg_b = (qb_ref[0] + qb_ref[1] + hb_ref[...]) * dinv
        agg = jnp.concatenate([agg_a, agg_b], axis=1)
        z = jnp.dot(agg, w2_ref[...], preferred_element_type=jnp.float32)
        sc, sh = _bn_affine(b_ref[...], g_ref[...], be_ref[...], rm_ref[...],
                            rv_ref[...])
        h2 = jnp.maximum(z * sc + sh, 0.0)
        t = jnp.dot(h2, w3_ref[...], preferred_element_type=jnp.float32)
        tt_ref[...] = t * dinv

    p_spec = pl.BlockSpec((2, BR, F_IN), lambda i: (0, i, 0))
    h_spec = pl.BlockSpec((BR, F_IN), lambda i: (i, 0))
    v_spec = pl.BlockSpec((1, H), lambda i: (0, 0))
    return pl.pallas_call(
        body,
        grid=(N // BR,),
        in_specs=[
            p_spec, p_spec, h_spec, h_spec,
            pl.BlockSpec((BR, 1), lambda i: (i, 0)),
            pl.BlockSpec((H, H), lambda i: (0, 0)),
            v_spec, v_spec, v_spec, v_spec, v_spec,
            pl.BlockSpec((H, CP), lambda i: (0, 0)),
        ],
        out_specs=pl.BlockSpec((BR, CP), lambda i: (i, 0)),
        out_shape=jax.ShapeDtypeStruct((N, CP), jnp.float32),
    )(qa, qb, ha, hb, dinv, W2, b2, g2, be2, rm2, rv2, W3p)


def _tc_layer3(r, tt, dinv, b3p):
    def body(r_ref, tt_ref, dinv_ref, b_ref, out_ref):
        agg = (r_ref[0] + r_ref[1] + tt_ref[...]) * dinv_ref[...]
        logits = agg + b_ref[...]
        col = lax.broadcasted_iota(jnp.int32, (BR, CP), 1)
        masked = jnp.where(col < C, logits, -1e30)
        m = jnp.max(masked, axis=1, keepdims=True)
        lse = jnp.log(jnp.sum(jnp.exp(masked - m), axis=1, keepdims=True))
        out_ref[...] = logits - m - lse

    return pl.pallas_call(
        body,
        grid=(N // BR,),
        in_specs=[
            pl.BlockSpec((2, BR, CP), lambda i: (0, i, 0)),
            pl.BlockSpec((BR, CP), lambda i: (i, 0)),
            pl.BlockSpec((BR, 1), lambda i: (i, 0)),
            pl.BlockSpec((1, CP), lambda i: (0, 0)),
        ],
        out_specs=pl.BlockSpec((BR, CP), lambda i: (i, 0)),
        out_shape=jax.ShapeDtypeStruct((N, CP), jnp.float32),
    )(r, tt, dinv, b3p)



def kernel(x, W1, b1, g1, be1, rm1, rv1, W2, b2, g2, be2, rm2, rv2, W3, b3,
           edge_index):
    ei = edge_index.astype(jnp.int32)
    pad = jnp.arange(EPAD, dtype=jnp.int32)
    src = jnp.concatenate([ei[0], pad % N])
    dst = jnp.concatenate([ei[1], N + pad % NDEAD])
    dst3h = dst.reshape(NTILES, NBH, B)
    idx_main = jnp.stack(
        [src.reshape(NTILES, NBH, B), dst.reshape(NTILES, NBH, B)], axis=2)
    spad = jnp.arange(NTILES * (NBI - NBH) * B, dtype=jnp.int32)
    slack = jnp.stack(
        [(spad % N).reshape(NTILES, NBI - NBH, B),
         (N + spad % NDEAD).reshape(NTILES, NBI - NBH, B)], axis=2)
    idx4 = jnp.concatenate([idx_main, slack], axis=1)

    z16 = jnp.zeros((640, 16), jnp.float32)
    z128 = jnp.zeros((632, F_IN), jnp.float32)

    hist = _tc_hsum(_sc_hist(dst3h, z16)).reshape(NPAD, 1)
    dinv, xt = _tc_prep(hist, x)

    p = _sc_prop(xt, idx4, z128, F_IN)
    ha, hb = _tc_layer1(p, xt, dinv, W1,
                        b1.reshape(1, H), g1.reshape(1, H),
                        be1.reshape(1, H), rm1.reshape(1, H),
                        rv1.reshape(1, H))

    qa = _sc_prop(ha, idx4, z128, F_IN)
    qb = _sc_prop(hb, idx4, z128, F_IN)
    W3p = jnp.pad(W3, ((0, 0), (0, CP - C)))
    tt = _tc_layer2(qa, qb, ha, hb, dinv, W2,
                    b2.reshape(1, H), g2.reshape(1, H), be2.reshape(1, H),
                    rm2.reshape(1, H), rv2.reshape(1, H), W3p)

    r = _sc_prop(tt, idx4, z128, CP)
    b3p = jnp.pad(b3, (0, CP - C)).reshape(1, CP)
    out = _tc_layer3(r, tt, dinv, b3p)
    return out[:, :C]

# --- scband reference (transcript-rebuilt; emitter-appended) ---
"""Pipeline reference for scband-gcnnet-25340307046429 (READ-ONLY COPY).

The authoritative reference and input builder live on the scoring server;
editing this copy changes nothing except your own understanding.
"""

import jax, jax.numpy as jnp
import numpy as np

N = 10000
E = 320000
F_IN = 128
H = 256
C = 40


def setup_inputs(seed: int = 0) -> dict:
    key = jax.random.key(seed)
    ks = jax.random.split(key, 20)
    x = jax.random.normal(ks[0], (N, F_IN), dtype=jnp.float32)
    edge_index = jax.random.randint(ks[1], (2, E), 0, N, dtype=jnp.int64 if jax.config.read('jax_enable_x64') else jnp.int32)
    W1 = jax.random.normal(ks[2], (F_IN, H), dtype=jnp.float32) * (1.0 / np.sqrt(F_IN))
    b1 = jnp.zeros((H,), dtype=jnp.float32)
    g1 = jax.random.normal(ks[3], (H,), dtype=jnp.float32) * 0.1 + 1.0
    be1 = jax.random.normal(ks[4], (H,), dtype=jnp.float32) * 0.1
    rm1 = jax.random.normal(ks[5], (H,), dtype=jnp.float32) * 0.1
    rv1 = jax.random.uniform(ks[6], (H,), dtype=jnp.float32, minval=0.5, maxval=1.5)
    W2 = jax.random.normal(ks[7], (H, H), dtype=jnp.float32) * (1.0 / np.sqrt(H))
    b2 = jnp.zeros((H,), dtype=jnp.float32)
    g2 = jax.random.normal(ks[8], (H,), dtype=jnp.float32) * 0.1 + 1.0
    be2 = jax.random.normal(ks[9], (H,), dtype=jnp.float32) * 0.1
    rm2 = jax.random.normal(ks[10], (H,), dtype=jnp.float32) * 0.1
    rv2 = jax.random.uniform(ks[11], (H,), dtype=jnp.float32, minval=0.5, maxval=1.5)
    W3 = jax.random.normal(ks[12], (H, C), dtype=jnp.float32) * (1.0 / np.sqrt(H))
    b3 = jnp.zeros((C,), dtype=jnp.float32)
    return {"x": x, "W1": W1, "b1": b1, "g1": g1, "be1": be1, "rm1": rm1, "rv1": rv1,
            "W2": W2, "b2": b2, "g2": g2, "be2": be2, "rm2": rm2, "rv2": rv2,
            "W3": W3, "b3": b3, "edge_index": edge_index}


def reference(x, W1, b1, g1, be1, rm1, rv1, W2, b2, g2, be2, rm2, rv2, W3, b3, edge_index):
    n = x.shape[0]
    loops = jnp.arange(n, dtype=edge_index.dtype)
    src = jnp.concatenate([edge_index[0], loops])
    dst = jnp.concatenate([edge_index[1], loops])
    deg = jax.ops.segment_sum(jnp.ones(src.shape[0], dtype=x.dtype), dst, num_segments=n)
    dinv = jax.lax.rsqrt(jnp.maximum(deg, 1.0))
    norm = dinv[src] * dinv[dst]

    def gcn_conv(h, W, b):
        h = h @ W
        msg = jnp.take(h, src, axis=0) * norm[:, None]
        return jax.ops.segment_sum(msg, dst, num_segments=n) + b

    def bn(h, g, be, rm, rv):
        return (h - rm) * jax.lax.rsqrt(rv + 1e-5) * g + be

    h = gcn_conv(x, W1, b1)
    h = jax.nn.relu(bn(h, g1, be1, rm1, rv1))
    h = gcn_conv(h, W2, b2)
    h = jax.nn.relu(bn(h, g2, be2, rm2, rv2))
    h = gcn_conv(h, W3, b3)
    return jax.nn.log_softmax(h, axis=1)

if __name__ == "__main__":
    import jax
    _d = setup_inputs()
    print(jax.jit(kernel)(*tuple(_d.values())))

</pallas_src>

<mosaic_0001>
#map = affine_map<(d0, d1) -> (0, 0)>
#map1 = affine_map<(d0, d1) -> (0, 0, 0, 0)>
#map2 = affine_map<(d0, d1) -> (0, 0, 0)>
module attributes {stable_mosaic.version = 14 : i64} {
  func.func @k(%arg0: i32, %arg1: i32, %arg2: memref<10000x128xf32, #tpu.memory_space<hbm>>, %arg3: memref<32x88x2x128xi32, #tpu.memory_space<hbm>>, %arg4: memref<632x128xf32, #tpu.memory_space<hbm>>, %arg5: memref<2x10112x128xf32, #tpu.memory_space<hbm>>, %arg6: memref<2x128xi32, #tpu.memory_space<vmem>>, %arg7: memref<2x128xi32, #tpu.memory_space<vmem>>, %arg8: memref<2x128xi32, #tpu.memory_space<vmem>>, %arg9: memref<2x128xi32, #tpu.memory_space<vmem>>, %arg10: memref<128x128xf32, #tpu.memory_space<vmem>>, %arg11: memref<128x128xf32, #tpu.memory_space<vmem>>, %arg12: memref<10112x128xf32, #tpu.memory_space<vmem_shared>>, %arg13: memref<!tpu.dma_semaphore, #tpu.memory_space<semaphore_mem>>, %arg14: memref<!tpu.dma_semaphore, #tpu.memory_space<semaphore_mem>>, %arg15: memref<!tpu.dma_semaphore, #tpu.memory_space<semaphore_mem>>, %arg16: memref<!tpu.dma_semaphore, #tpu.memory_space<semaphore_mem>>, %arg17: memref<!tpu.dma_semaphore, #tpu.memory_space<semaphore_mem>>, %arg18: memref<!tpu.dma_semaphore, #tpu.memory_space<semaphore_mem>>) attributes {dimension_semantics = [#tpu.dimension_semantics<core_parallel>, #tpu.dimension_semantics<subcore_parallel>], iteration_bounds = array<i64: 2, 16>, scalar_prefetch = 0 : i64, scratch_operands = 13 : i64, tpu.core_type = #tpu.core_type<sc_vector_subcore>, window_params = [{transform_indices = #map}, {transform_indices = #map1}, {transform_indices = #map}, {transform_indices = #map2}]} {
    %mul3A = arith.constant 16 : i32
    %mul3A_0 = arith.muli %arg0, %mul3A : i32
    %add3A = arith.addi %mul3A_0, %arg1 : i32
    %dma_start3A = arith.constant 0 : i32
    %dma_start3A_1 = arith.constant 0 : i32
    %dma_start3A_2 = arith.constant 0 : i32
    %dma_start3A_3 = arith.constant 0 : i32
    %dma_start3A_4 = tpu.memref_slice %arg3[%add3A, %dma_start3A_1, %dma_start3A_2, %dma_start3A_3] : memref<32x88x2x128xi32, #tpu.memory_space<hbm>> -> memref<1x88x2x128xi32, #tpu.memory_space<hbm>>
    %dma_start3A_5 = tpu.memref_squeeze %dma_start3A_4 : memref<1x88x2x128xi32, #tpu.memory_space<hbm>> -> memref<88x2x128xi32, #tpu.memory_space<hbm>>
    %dma_start3A_6 = arith.constant 0 : i32
    %dma_start3A_7 = arith.constant 0 : i32
    %dma_start3A_8 = tpu.memref_slice %dma_start3A_5[%dma_start3A, %dma_start3A_6, %dma_start3A_7] : memref<88x2x128xi32, #tpu.memory_space<hbm>> -> memref<1x2x128xi32, #tpu.memory_space<hbm>>
    %dma_start3A_9 = tpu.memref_squeeze %dma_start3A_8 : memref<1x2x128xi32, #tpu.memory_space<hbm>> -> memref<2x128xi32, #tpu.memory_space<hbm>>
    %dma_start3A_10 = arith.constant 0 : i32
    %dma_start3A_11 = arith.constant 0 : i32
    %dma_start3A_12 = arith.constant 0 : i32
    %dma_start3A_13 = tpu.memref_slice %arg3[%add3A, %dma_start3A_10, %dma_start3A_11, %dma_start3A_12] : memref<32x88x2x128xi32, #tpu.memory_space<hbm>> -> memref<1x88x2x128xi32, #tpu.memory_space<hbm>>
    %dma_start3A_14 = tpu.memref_squeeze %dma_start3A_13 : memref<1x88x2x128xi32, #tpu.memory_space<hbm>> -> memref<88x2x128xi32, #tpu.memory_space<hbm>>
    %dma_start3A_15 = arith.constant 0 : i32
    %dma_start3A_16 = arith.constant 0 : i32
    %dma_start3A_17 = tpu.memref_slice %dma_start3A_14[%dma_start3A, %dma_start3A_15, %dma_start3A_16] : memref<88x2x128xi32, #tpu.memory_space<hbm>> -> memref<1x2x128xi32, #tpu.memory_space<hbm>>
    %dma_start3A_18 = tpu.memref_squeeze %dma_start3A_17 : memref<1x2x128xi32, #tpu.memory_space<hbm>> -> memref<2x128xi32, #tpu.memory_space<hbm>>
    tpu.enqueue_dma source(%dma_start3A_18 : memref<2x128xi32, #tpu.memory_space<hbm>>) target(%arg6 : memref<2x128xi32, #tpu.memory_space<vmem>>) target_semaphore(%arg13 : memref<!tpu.dma_semaphore, #tpu.memory_space<semaphore_mem>>)
    %dma_start3A_19 = arith.constant 1 : i32
    %dma_start3A_20 = arith.constant 0 : i32
    %dma_start3A_21 = arith.constant 0 : i32
    %dma_start3A_22 = arith.constant 0 : i32
    %dma_start3A_23 = tpu.memref_slice %arg3[%add3A, %dma_start3A_20, %dma_start3A_21, %dma_start3A_22] : memref<32x88x2x128xi32, #tpu.memory_space<hbm>> -> memref<1x88x2x128xi32, #tpu.memory_space<hbm>>
    %dma_start3A_24 = tpu.memref_squeeze %dma_start3A_23 : memref<1x88x2x128xi32, #tpu.memory_space<hbm>> -> memref<88x2x128xi32, #tpu.memory_space<hbm>>
    %dma_start3A_25 = arith.constant 0 : i32
    %dma_start3A_26 = arith.constant 0 : i32
    %dma_start3A_27 = tpu.memref_slice %dma_start3A_24[%dma_start3A_19, %dma_start3A_25, %dma_start3A_26] : memref<88x2x128xi32, #tpu.memory_space<hbm>> -> memref<1x2x128xi32, #tpu.memory_space<hbm>>
    %dma_start3A_28 = tpu.memref_squeeze %dma_start3A_27 : memref<1x2x128xi32, #tpu.memory_space<hbm>> -> memref<2x128xi32, #tpu.memory_space<hbm>>
    %dma_start3A_29 = arith.constant 0 : i32
    %dma_start3A_30 = arith.constant 0 : i32
    %dma_start3A_31 = arith.constant 0 : i32
    %dma_start3A_32 = tpu.memref_slice %arg3[%add3A, %dma_start3A_29, %dma_start3A_30, %dma_start3A_31] : memref<32x88x2x128xi32, #tpu.memory_space<hbm>> -> memref<1x88x2x128xi32, #tpu.memory_space<hbm>>
    %dma_start3A_33 = tpu.memref_squeeze %dma_start3A_32 : memref<1x88x2x128xi32, #tpu.memory_space<hbm>> -> memref<88x2x128xi32, #tpu.memory_space<hbm>>
    %dma_start3A_34 = arith.constant 0 : i32
    %dma_start3A_35 = arith.constant 0 : i32
    %dma_start3A_36 = tpu.memref_slice %dma_start3A_33[%dma_start3A_19, %dma_start3A_34, %dma_start3A_35] : memref<88x2x128xi32, #tpu.memory_space<hbm>> -> memref<1x2x128xi32, #tpu.memory_space<hbm>>
    %dma_start3A_37 = tpu.memref_squeeze %dma_start3A_36 : memref<1x2x128xi32, #tpu.memory_space<hbm>> -> memref<2x128xi32, #tpu.memory_space<hbm>>
    tpu.enqueue_dma source(%dma_start3A_37 : memref<2x128xi32, #tpu.memory_space<hbm>>) target(%arg7 : memref<2x128xi32, #tpu.memory_space<vmem>>) target_semaphore(%arg14 : memref<!tpu.dma_semaphore, #tpu.memory_space<semaphore_mem>>)
    %dma_start3A_38 = arith.constant 2 : i32
    %dma_start3A_39 = arith.constant 0 : i32
    %dma_start3A_40 = arith.constant 0 : i32
    %dma_start3A_41 = arith.constant 0 : i32
    %dma_start3A_42 = tpu.memref_slice %arg3[%add3A, %dma_start3A_39, %dma_start3A_40, %dma_start3A_41] : memref<32x88x2x128xi32, #tpu.memory_space<hbm>> -> memref<1x88x2x128xi32, #tpu.memory_space<hbm>>
    %dma_start3A_43 = tpu.memref_squeeze %dma_start3A_42 : memref<1x88x2x128xi32, #tpu.memory_space<hbm>> -> memref<88x2x128xi32, #tpu.memory_space<hbm>>
    %dma_start3A_44 = arith.constant 0 : i32
    %dma_start3A_45 = arith.constant 0 : i32
    %dma_start3A_46 = tpu.memref_slice %dma_start3A_43[%dma_start3A_38, %dma_start3A_44, %dma_start3A_45] : memref<88x2x128xi32, #tpu.memory_space<hbm>> -> memref<1x2x128xi32, #tpu.memory_space<hbm>>
    %dma_start3A_47 = tpu.memref_squeeze %dma_start3A_46 : memref<1x2x128xi32, #tpu.memory_space<hbm>> -> memref<2x128xi32, #tpu.memory_space<hbm>>
    %dma_start3A_48 = arith.constant 0 : i32
    %dma_start3A_49 = arith.constant 0 : i32
    %dma_start3A_50 = arith.constant 0 : i32
    %dma_start3A_51 = tpu.memref_slice %arg3[%add3A, %dma_start3A_48, %dma_start3A_49, %dma_start3A_50] : memref<32x88x2x128xi32, #tpu.memory_space<hbm>> -> memref<1x88x2x128xi32, #tpu.memory_space<hbm>>
    %dma_start3A_52 = tpu.memref_squeeze %dma_start3A_51 : memref<1x88x2x128xi32, #tpu.memory_space<hbm>> -> memref<88x2x128xi32, #tpu.memory_space<hbm>>
    %dma_start3A_53 = arith.constant 0 : i32
    %dma_start3A_54 = arith.constant 0 : i32
    %dma_start3A_55 = tpu.memref_slice %dma_start3A_52[%dma_start3A_38, %dma_start3A_53, %dma_start3A_54] : memref<88x2x128xi32, #tpu.memory_space<hbm>> -> memref<1x2x128xi32, #tpu.memory_space<hbm>>
    %dma_start3A_56 = tpu.memref_squeeze %dma_start3A_55 : memref<1x2x128xi32, #tpu.memory_space<hbm>> -> memref<2x128xi32, #tpu.memory_space<hbm>>
    tpu.enqueue_dma source(%dma_start3A_56 : memref<2x128xi32, #tpu.memory_space<hbm>>) target(%arg8 : memref<2x128xi32, #tpu.memory_space<vmem>>) target_semaphore(%arg15 : memref<!tpu.dma_semaphore, #tpu.memory_space<semaphore_mem>>)
    %dma_start3A_57 = arith.constant 3 : i32
    %dma_start3A_58 = arith.constant 0 : i32
    %dma_start3A_59 = arith.constant 0 : i32
    %dma_start3A_60 = arith.constant 0 : i32
    %dma_start3A_61 = tpu.memref_slice %arg3[%add3A, %dma_start3A_58, %dma_start3A_59, %dma_start3A_60] : memref<32x88x2x128xi32, #tpu.memory_space<hbm>> -> memref<1x88x2x128xi32, #tpu.memory_space<hbm>>
    %dma_start3A_62 = tpu.memref_squeeze %dma_start3A_61 : memref<1x88x2x128xi32, #tpu.memory_space<hbm>> -> memref<88x2x128xi32, #tpu.memory_space<hbm>>
    %dma_start3A_63 = arith.constant 0 : i32
    %dma_start3A_64 = arith.constant 0 : i32
    %dma_start3A_65 = tpu.memref_slice %dma_start3A_62[%dma_start3A_57, %dma_start3A_63, %dma_start3A_64] : memref<88x2x128xi32, #tpu.memory_space<hbm>> -> memref<1x2x128xi32, #tpu.memory_space<hbm>>
    %dma_start3A_66 = tpu.memref_squeeze %dma_start3A_65 : memref<1x2x128xi32, #tpu.memory_space<hbm>> -> memref<2x128xi32, #tpu.memory_space<hbm>>
    %dma_start3A_67 = arith.constant 0 : i32
    %dma_start3A_68 = arith.constant 0 : i32
    %dma_start3A_69 = arith.constant 0 : i32
    %dma_start3A_70 = tpu.memref_slice %arg3[%add3A, %dma_start3A_67, %dma_start3A_68, %dma_start3A_69] : memref<32x88x2x128xi32, #tpu.memory_space<hbm>> -> memref<1x88x2x128xi32, #tpu.memory_space<hbm>>
    %dma_start3A_71 = tpu.memref_squeeze %dma_start3A_70 : memref<1x88x2x128xi32, #tpu.memory_space<hbm>> -> memref<88x2x128xi32, #tpu.memory_space<hbm>>
    %dma_start3A_72 = arith.constant 0 : i32
    %dma_start3A_73 = arith.constant 0 : i32
    %dma_start3A_74 = tpu.memref_slice %dma_start3A_71[%dma_start3A_57, %dma_start3A_72, %dma_start3A_73] : memref<88x2x128xi32, #tpu.memory_space<hbm>> -> memref<1x2x128xi32, #tpu.memory_space<hbm>>
    %dma_start3A_75 = tpu.memref_squeeze %dma_start3A_74 : memref<1x2x128xi32, #tpu.memory_space<hbm>> -> memref<2x128xi32, #tpu.memory_space<hbm>>
    tpu.enqueue_dma source(%dma_start3A_75 : memref<2x128xi32, #tpu.memory_space<hbm>>) target(%arg9 : memref<2x128xi32, #tpu.memory_space<vmem>>) target_semaphore(%arg16 : memref<!tpu.dma_semaphore, #tpu.memory_space<semaphore_mem>>)
    %mul3A_76 = arith.constant 632 : i32
    %mul3A_77 = arith.muli %arg1, %mul3A_76 : i32
    "tpu.region"() ({
      %run_scoped3A = tpu.sem_alloc : memref<!tpu.dma_semaphore, #tpu.memory_space<semaphore_mem>>
      %dma_start3A_176 = arith.constant 0 : i32
      %dma_start3A_177 = tpu.memref_slice %arg12[%mul3A_77, %dma_start3A_176] : memref<10112x128xf32, #tpu.memory_space<vmem_shared>> -> memref<632x128xf32, #tpu.memory_space<vmem_shared>>
      tpu.enqueue_dma source(%arg4 : memref<632x128xf32, #tpu.memory_space<hbm>>) target(%dma_start3A_177 : memref<632x128xf32, #tpu.memory_space<vmem_shared>>) target_semaphore(%run_scoped3A : memref<!tpu.dma_semaphore, #tpu.memory_space<semaphore_mem>>)
      %dma_wait3A_178 = arith.constant 0 : i32
      %dma_wait3A_179 = tpu.memref_slice %arg12[%mul3A_77, %dma_wait3A_178] : memref<10112x128xf32, #tpu.memory_space<vmem_shared>> -> memref<632x128xf32, #tpu.memory_space<vmem_shared>>
      tpu.wait_dma2 semaphore(%run_scoped3A : memref<!tpu.dma_semaphore, #tpu.memory_space<semaphore_mem>>) src(%arg4 : memref<632x128xf32, #tpu.memory_space<hbm>>) dst(%dma_wait3A_179 : memref<632x128xf32, #tpu.memory_space<vmem_shared>>)
      tpu.yield
    }) : () -> ()
    %barrier3A = arith.constant 0 : index
    tpu.barrier barrier_id(%barrier3A)
    %dma_wait3A = arith.constant 0 : i32
    %dma_wait3A_78 = arith.constant 0 : i32
    %dma_wait3A_79 = arith.constant 0 : i32
    %dma_wait3A_80 = arith.constant 0 : i32
    %dma_wait3A_81 = tpu.memref_slice %arg3[%add3A, %dma_wait3A_78, %dma_wait3A_79, %dma_wait3A_80] : memref<32x88x2x128xi32, #tpu.memory_space<hbm>> -> memref<1x88x2x128xi32, #tpu.memory_space<hbm>>
    %dma_wait3A_82 = tpu.memref_squeeze %dma_wait3A_81 : memref<1x88x2x128xi32, #tpu.memory_space<hbm>> -> memref<88x2x128xi32, #tpu.memory_space<hbm>>
    %dma_wait3A_83 = arith.constant 0 : i32
    %dma_wait3A_84 = arith.constant 0 : i32
    %dma_wait3A_85 = tpu.memref_slice %dma_wait3A_82[%dma_wait3A, %dma_wait3A_83, %dma_wait3A_84] : memref<88x2x128xi32, #tpu.memory_space<hbm>> -> memref<1x2x128xi32, #tpu.memory_space<hbm>>
    %dma_wait3A_86 = tpu.memref_squeeze %dma_wait3A_85 : memref<1x2x128xi32, #tpu.memory_space<hbm>> -> memref<2x128xi32, #tpu.memory_space<hbm>>
    %dma_wait3A_87 = arith.constant 0 : i32
    %dma_wait3A_88 = arith.constant 0 : i32
    %dma_wait3A_89 = arith.constant 0 : i32
    %dma_wait3A_90 = tpu.memref_slice %arg3[%add3A, %dma_wait3A_87, %dma_wait3A_88, %dma_wait3A_89] : memref<32x88x2x128xi32, #tpu.memory_space<hbm>> -> memref<1x88x2x128xi32, #tpu.memory_space<hbm>>
    %dma_wait3A_91 = tpu.memref_squeeze %dma_wait3A_90 : memref<1x88x2x128xi32, #tpu.memory_space<hbm>> -> memref<88x2x128xi32, #tpu.memory_space<hbm>>
    %dma_wait3A_92 = arith.constant 0 : i32
    %dma_wait3A_93 = arith.constant 0 : i32
    %dma_wait3A_94 = tpu.memref_slice %dma_wait3A_91[%dma_wait3A, %dma_wait3A_92, %dma_wait3A_93] : memref<88x2x128xi32, #tpu.memory_space<hbm>> -> memref<1x2x128xi32, #tpu.memory_space<hbm>>
    %dma_wait3A_95 = tpu.memref_squeeze %dma_wait3A_94 : memref<1x2x128xi32, #tpu.memory_space<hbm>> -> memref<2x128xi32, #tpu.memory_space<hbm>>
    tpu.wait_dma2 semaphore(%arg13 : memref<!tpu.dma_semaphore, #tpu.memory_space<semaphore_mem>>) src(%dma_wait3A_95 : memref<2x128xi32, #tpu.memory_space<hbm>>) dst(%arg6 : memref<2x128xi32, #tpu.memory_space<vmem>>)
    %dma_start3A_96 = arith.constant 0 : i32
    %dma_start3A_97 = arith.constant 0 : i32
    %dma_start3A_98 = tpu.memref_slice %arg6[%dma_start3A_96, %dma_start3A_97] : memref<2x128xi32, #tpu.memory_space<vmem>> -> memref<1x128xi32, #tpu.memory_space<vmem>>
    %dma_start3A_99 = tpu.memref_squeeze %dma_start3A_98 : memref<1x128xi32, #tpu.memory_space<vmem>> -> memref<128xi32, #tpu.memory_space<vmem>>
    %dma_start3A_100 = arith.constant 0 : i32
    %dma_start3A_101 = arith.constant 0 : i32
    %dma_start3A_102 = tpu.memref_slice %arg2[%dma_start3A_100, %dma_start3A_101] : memref<10000x128xf32, #tpu.memory_space<hbm>> -> memref<10000x128xf32, #tpu.memory_space<hbm>>
    tpu.enqueue_indirect_dma source(%dma_start3A_102 : memref<10000x128xf32, #tpu.memory_space<hbm>>) target(%arg10 : memref<128x128xf32, #tpu.memory_space<vmem>>) offsets(%dma_start3A_99 : memref<128xi32, #tpu.memory_space<vmem>>) semaphore(%arg17 : memref<!tpu.dma_semaphore, #tpu.memory_space<semaphore_mem>>)
    %scan3A = arith.constant 0 : i32
    %scan3A_103 = arith.constant 20 : i32
    %scan3A_104 = arith.addi %scan3A, %scan3A_103 : i32
    %scan3A_105 = arith.constant 1 : i32
    scf.for %scan3A_176 = %scan3A to %scan3A_104 step %scan3A_105  : i32 {
      %mul3A_177 = arith.constant 1 : i32
      %mul3A_178 = arith.muli %scan3A_176, %mul3A_177 : i32
      %add3A_179 = arith.constant 0 : i32
      %add3A_180 = arith.addi %add3A_179, %mul3A_178 : i32
      %mul3A_181 = arith.constant 4 : i32
      %mul3A_182 = arith.muli %add3A_180, %mul3A_181 : i32
      %add3A_183 = arith.constant 1 : i32
      %add3A_184 = arith.addi %mul3A_182, %add3A_183 : i32
      %dma_wait3A_185 = arith.constant 0 : i32
      %dma_wait3A_186 = arith.constant 0 : i32
      %dma_wait3A_187 = arith.constant 0 : i32
      %dma_wait3A_188 = tpu.memref_slice %arg3[%add3A, %dma_wait3A_185, %dma_wait3A_186, %dma_wait3A_187] : memref<32x88x2x128xi32, #tpu.memory_space<hbm>> -> memref<1x88x2x128xi32, #tpu.memory_space<hbm>>
      %dma_wait3A_189 = tpu.memref_squeeze %dma_wait3A_188 : memref<1x88x2x128xi32, #tpu.memory_space<hbm>> -> memref<88x2x128xi32, #tpu.memory_space<hbm>>
      %dma_wait3A_190 = arith.constant 0 : i32
      %dma_wait3A_191 = arith.constant 0 : i32
      %dma_wait3A_192 = tpu.memref_slice %dma_wait3A_189[%add3A_184, %dma_wait3A_190, %dma_wait3A_191] : memref<88x2x128xi32, #tpu.memory_space<hbm>> -> memref<1x2x128xi32, #tpu.memory_space<hbm>>
      %dma_wait3A_193 = tpu.memref_squeeze %dma_wait3A_192 : memref<1x2x128xi32, #tpu.memory_space<hbm>> -> memref<2x128xi32, #tpu.memory_space<hbm>>
      %dma_wait3A_194 = arith.constant 0 : i32
      %dma_wait3A_195 = arith.constant 0 : i32
      %dma_wait3A_196 = arith.constant 0 : i32
      %dma_wait3A_197 = tpu.memref_slice %arg3[%add3A, %dma_wait3A_194, %dma_wait3A_195, %dma_wait3A_196] : memref<32x88x2x128xi32, #tpu.memory_space<hbm>> -> memref<1x88x2x128xi32, #tpu.memory_space<hbm>>
      %dma_wait3A_198 = tpu.memref_squeeze %dma_wait3A_197 : memref<1x88x2x128xi32, #tpu.memory_space<hbm>> -> memref<88x2x128xi32, #tpu.memory_space<hbm>>
      %dma_wait3A_199 = arith.constant 0 : i32
      %dma_wait3A_200 = arith.constant 0 : i32
      %dma_wait3A_201 = tpu.memref_slice %dma_wait3A_198[%add3A_184, %dma_wait3A_199, %dma_wait3A_200] : memref<88x2x128xi32, #tpu.memory_space<hbm>> -> memref<1x2x128xi32, #tpu.memory_space<hbm>>
      %dma_wait3A_202 = tpu.memref_squeeze %dma_wait3A_201 : memref<1x2x128xi32, #tpu.memory_space<hbm>> -> memref<2x128xi32, #tpu.memory_space<hbm>>
      tpu.wait_dma2 semaphore(%arg14 : memref<!tpu.dma_semaphore, #tpu.memory_space<semaphore_mem>>) src(%dma_wait3A_202 : memref<2x128xi32, #tpu.memory_space<hbm>>) dst(%arg7 : memref<2x128xi32, #tpu.memory_space<vmem>>)
      %dma_start3A_203 = arith.constant 0 : i32
      %dma_start3A_204 = arith.constant 0 : i32
      %dma_start3A_205 = tpu.memref_slice %arg7[%dma_start3A_203, %dma_start3A_204] : memref<2x128xi32, #tpu.memory_space<vmem>> -> memref<1x128xi32, #tpu.memory_space<vmem>>
      %dma_start3A_206 = tpu.memref_squeeze %dma_start3A_205 : memref<1x128xi32, #tpu.memory_space<vmem>> -> memref<128xi32, #tpu.memory_space<vmem>>
      %dma_start3A_207 = arith.constant 0 : i32
      %dma_start3A_208 = arith.constant 0 : i32
      %dma_start3A_209 = tpu.memref_slice %arg2[%dma_start3A_207, %dma_start3A_208] : memref<10000x128xf32, #tpu.memory_space<hbm>> -> memref<10000x128xf32, #tpu.memory_space<hbm>>
      tpu.enqueue_indirect_dma source(%dma_start3A_209 : memref<10000x128xf32, #tpu.memory_space<hbm>>) target(%arg11 : memref<128x128xf32, #tpu.memory_space<vmem>>) offsets(%dma_start3A_206 : memref<128xi32, #tpu.memory_space<vmem>>) semaphore(%arg18 : memref<!tpu.dma_semaphore, #tpu.memory_space<semaphore_mem>>)
      %add3A_210 = arith.constant 4 : i32
      %add3A_211 = arith.addi %mul3A_182, %add3A_210 : i32
      %dma_wait3A_212 = arith.constant 0 : i32
      %dma_wait3A_213 = arith.constant 0 : i32
      %dma_wait3A_214 = tpu.memref_slice %arg6[%dma_wait3A_212, %dma_wait3A_213] : memref<2x128xi32, #tpu.memory_space<vmem>> -> memref<1x128xi32, #tpu.memory_space<vmem>>
      %dma_wait3A_215 = tpu.memref_squeeze %dma_wait3A_214 : memref<1x128xi32, #tpu.memory_space<vmem>> -> memref<128xi32, #tpu.memory_space<vmem>>
      %dma_wait3A_216 = arith.constant 0 : i32
      %dma_wait3A_217 = arith.constant 0 : i32
      %dma_wait3A_218 = tpu.memref_slice %arg2[%dma_wait3A_216, %dma_wait3A_217] : memref<10000x128xf32, #tpu.memory_space<hbm>> -> memref<10000x128xf32, #tpu.memory_space<hbm>>
      tpu.wait_indirect_dma semaphore(%arg17 : memref<!tpu.dma_semaphore, #tpu.memory_space<semaphore_mem>>) src(%dma_wait3A_218 : memref<10000x128xf32, #tpu.memory_space<hbm>>) dst(%arg10 : memref<128x128xf32, #tpu.memory_space<vmem>>)
      %run_scoped3A = arith.constant 1 : i32
      "tpu.region"() ({
        %run_scoped3A_402 = tpu.sem_alloc : memref<!tpu.dma_semaphore, #tpu.memory_space<semaphore_mem>>
        %dma_start3A_403 = arith.constant 0 : i32
        %dma_start3A_404 = tpu.memref_slice %arg6[%run_scoped3A, %dma_start3A_403] : memref<2x128xi32, #tpu.memory_space<vmem>> -> memref<1x128xi32, #tpu.memory_space<vmem>>
        %dma_start3A_405 = tpu.memref_squeeze %dma_start3A_404 : memref<1x128xi32, #tpu.memory_space<vmem>> -> memref<128xi32, #tpu.memory_space<vmem>>
        %dma_start3A_406 = arith.constant 0 : i32
        %dma_start3A_407 = arith.constant 0 : i32
        %dma_start3A_408 = tpu.memref_slice %arg12[%dma_start3A_406, %dma_start3A_407] : memref<10112x128xf32, #tpu.memory_space<vmem_shared>> -> memref<10112x128xf32, #tpu.memory_space<vmem_shared>>
        tpu.enqueue_indirect_dma source(%arg10 : memref<128x128xf32, #tpu.memory_space<vmem>>) target(%dma_start3A_408 : memref<10112x128xf32, #tpu.memory_space<vmem_shared>>) offsets(%dma_start3A_405 : memref<128xi32, #tpu.memory_space<vmem>>) semaphore(%run_scoped3A_402 : memref<!tpu.dma_semaphore, #tpu.memory_space<semaphore_mem>>) {add = true}
        %dma_wait3A_409 = arith.constant 0 : i32
        %dma_wait3A_410 = tpu.memref_slice %arg6[%run_scoped3A, %dma_wait3A_409] : memref<2x128xi32, #tpu.memory_space<vmem>> -> memref<1x128xi32, #tpu.memory_space<vmem>>
        %dma_wait3A_411 = tpu.memref_squeeze %dma_wait3A_410 : memref<1x128xi32, #tpu.memory_space<vmem>> -> memref<128xi32, #tpu.memory_space<vmem>>
        %dma_wait3A_412 = arith.constant 0 : i32
        %dma_wait3A_413 = arith.constant 0 : i32
        %dma_wait3A_414 = tpu.memref_slice %arg12[%dma_wait3A_412, %dma_wait3A_413] : memref<10112x128xf32, #tpu.memory_space<vmem_shared>> -> memref<10112x128xf32, #tpu.memory_space<vmem_shared>>
        tpu.wait_indirect_dma semaphore(%run_scoped3A_402 : memref<!tpu.dma_semaphore, #tpu.memory_space<semaphore_mem>>) src(%arg10 : memref<128x128xf32, #tpu.memory_space<vmem>>) dst(%dma_wait3A_414 : memref<10112x128xf32, #tpu.memory_space<vmem_shared>>)
        tpu.yield
      }) : () -> ()
      %dma_start3A_219 = arith.constant 0 : i32
      %dma_start3A_220 = arith.constant 0 : i32
      %dma_start3A_221 = arith.constant 0 : i32
      %dma_start3A_222 = tpu.memref_slice %arg3[%add3A, %dma_start3A_219, %dma_start3A_220, %dma_start3A_221] : memref<32x88x2x128xi32, #tpu.memory_space<hbm>> -> memref<1x88x2x128xi32, #tpu.memory_space<hbm>>
      %dma_start3A_223 = tpu.memref_squeeze %dma_start3A_222 : memref<1x88x2x128xi32, #tpu.memory_space<hbm>> -> memref<88x2x128xi32, #tpu.memory_space<hbm>>
      %dma_start3A_224 = arith.constant 0 : i32
      %dma_start3A_225 = arith.constant 0 : i32
      %dma_start3A_226 = tpu.memref_slice %dma_start3A_223[%add3A_211, %dma_start3A_224, %dma_start3A_225] : memref<88x2x128xi32, #tpu.memory_space<hbm>> -> memref<1x2x128xi32, #tpu.memory_space<hbm>>
      %dma_start3A_227 = tpu.memref_squeeze %dma_start3A_226 : memref<1x2x128xi32, #tpu.memory_space<hbm>> -> memref<2x128xi32, #tpu.memory_space<hbm>>
      %dma_start3A_228 = arith.constant 0 : i32
      %dma_start3A_229 = arith.constant 0 : i32
      %dma_start3A_230 = arith.constant 0 : i32
      %dma_start3A_231 = tpu.memref_slice %arg3[%add3A, %dma_start3A_228, %dma_start3A_229, %dma_start3A_230] : memref<32x88x2x128xi32, #tpu.memory_space<hbm>> -> memref<1x88x2x128xi32, #tpu.memory_space<hbm>>
      %dma_start3A_232 = tpu.memref_squeeze %dma_start3A_231 : memref<1x88x2x128xi32, #tpu.memory_space<hbm>> -> memref<88x2x128xi32, #tpu.memory_space<hbm>>
      %dma_start3A_233 = arith.constant 0 : i32
      %dma_start3A_234 = arith.constant 0 : i32
      %dma_start3A_235 = tpu.memref_slice %dma_start3A_232[%add3A_211, %dma_start3A_233, %dma_start3A_234] : memref<88x2x128xi32, #tpu.memory_space<hbm>> -> memref<1x2x128xi32, #tpu.memory_space<hbm>>
      %dma_start3A_236 = tpu.memref_squeeze %dma_start3A_235 : memref<1x2x128xi32, #tpu.memory_space<hbm>> -> memref<2x128xi32, #tpu.memory_space<hbm>>
      tpu.enqueue_dma source(%dma_start3A_236 : memref<2x128xi32, #tpu.memory_space<hbm>>) target(%arg6 : memref<2x128xi32, #tpu.memory_space<vmem>>) target_semaphore(%arg13 : memref<!tpu.dma_semaphore, #tpu.memory_space<semaphore_mem>>)
      %add3A_237 = arith.constant 2 : i32
      %add3A_238 = arith.addi %mul3A_182, %add3A_237 : i32
      %dma_wait3A_239 = arith.constant 0 : i32
      %dma_wait3A_240 = arith.constant 0 : i32
      %dma_wait3A_241 = arith.constant 0 : i32
      %dma_wait3A_242 = tpu.memref_slice %arg3[%add3A, %dma_wait3A_239, %dma_wait3A_240, %dma_wait3A_241] : memref<32x88x2x128xi32, #tpu.memory_space<hbm>> -> memref<1x88x2x128xi32, #tpu.memory_space<hbm>>
      %dma_wait3A_243 = tpu.memref_squeeze %dma_wait3A_242 : memref<1x88x2x128xi32, #tpu.memory_space<hbm>> -> memref<88x2x128xi32, #tpu.memory_space<hbm>>
      %dma_wait3A_244 = arith.constant 0 : i32
      %dma_wait3A_245 = arith.constant 0 : i32
      %dma_wait3A_246 = tpu.memref_slice %dma_wait3A_243[%add3A_238, %dma_wait3A_244, %dma_wait3A_245] : memref<88x2x128xi32, #tpu.memory_space<hbm>> -> memref<1x2x128xi32, #tpu.memory_space<hbm>>
      %dma_wait3A_247 = tpu.memref_squeeze %dma_wait3A_246 : memref<1x2x128xi32, #tpu.memory_space<hbm>> -> memref<2x128xi32, #tpu.memory_space<hbm>>
      %dma_wait3A_248 = arith.constant 0 : i32
      %dma_wait3A_249 = arith.constant 0 : i32
      %dma_wait3A_250 = arith.constant 0 : i32
      %dma_wait3A_251 = tpu.memref_slice %arg3[%add3A, %dma_wait3A_248, %dma_wait3A_249, %dma_wait3A_250] : memref<32x88x2x128xi32, #tpu.memory_space<hbm>> -> memref<1x88x2x128xi32, #tpu.memory_space<hbm>>
      %dma_wait3A_252 = tpu.memref_squeeze %dma_wait3A_251 : memref<1x88x2x128xi32, #tpu.memory_space<hbm>> -> memref<88x2x128xi32, #tpu.memory_space<hbm>>
      %dma_wait3A_253 = arith.constant 0 : i32
      %dma_wait3A_254 = arith.constant 0 : i32
      %dma_wait3A_255 = tpu.memref_slice %dma_wait3A_252[%add3A_238, %dma_wait3A_253, %dma_wait3A_254] : memref<88x2x128xi32, #tpu.memory_space<hbm>> -> memref<1x2x128xi32, #tpu.memory_space<hbm>>
      %dma_wait3A_256 = tpu.memref_squeeze %dma_wait3A_255 : memref<1x2x128xi32, #tpu.memory_space<hbm>> -> memref<2x128xi32, #tpu.memory_space<hbm>>
      tpu.wait_dma2 semaphore(%arg15 : memref<!tpu.dma_semaphore, #tpu.memory_space<semaphore_mem>>) src(%dma_wait3A_256 : memref<2x128xi32, #tpu.memory_space<hbm>>) dst(%arg8 : memref<2x128xi32, #tpu.memory_space<vmem>>)
      %dma_start3A_257 = arith.constant 0 : i32
      %dma_start3A_258 = arith.constant 0 : i32
      %dma_start3A_259 = tpu.memref_slice %arg8[%dma_start3A_257, %dma_start3A_258] : memref<2x128xi32, #tpu.memory_space<vmem>> -> memref<1x128xi32, #tpu.memory_space<vmem>>
      %dma_start3A_260 = tpu.memref_squeeze %dma_start3A_259 : memref<1x128xi32, #tpu.memory_space<vmem>> -> memref<128xi32, #tpu.memory_space<vmem>>
      %dma_start3A_261 = arith.constant 0 : i32
      %dma_start3A_262 = arith.constant 0 : i32
      %dma_start3A_263 = tpu.memref_slice %arg2[%dma_start3A_261, %dma_start3A_262] : memref<10000x128xf32, #tpu.memory_space<hbm>> -> memref<10000x128xf32, #tpu.memory_space<hbm>>
      tpu.enqueue_indirect_dma source(%dma_start3A_263 : memref<10000x128xf32, #tpu.memory_space<hbm>>) target(%arg10 : memref<128x128xf32, #tpu.memory_space<vmem>>) offsets(%dma_start3A_260 : memref<128xi32, #tpu.memory_space<vmem>>) semaphore(%arg17 : memref<!tpu.dma_semaphore, #tpu.memory_space<semaphore_mem>>)
      %add3A_264 = arith.constant 5 : i32
      %add3A_265 = arith.addi %mul3A_182, %add3A_264 : i32
      %dma_wait3A_266 = arith.constant 0 : i32
      %dma_wait3A_267 = arith.constant 0 : i32
      %dma_wait3A_268 = tpu.memref_slice %arg7[%dma_wait3A_266, %dma_wait3A_267] : memref<2x128xi32, #tpu.memory_space<vmem>> -> memref<1x128xi32, #tpu.memory_space<vmem>>
      %dma_wait3A_269 = tpu.memref_squeeze %dma_wait3A_268 : memref<1x128xi32, #tpu.memory_space<vmem>> -> memref<128xi32, #tpu.memory_space<vmem>>
      %dma_wait3A_270 = arith.constant 0 : i32
      %dma_wait3A_271 = arith.constant 0 : i32
      %dma_wait3A_272 = tpu.memref_slice %arg2[%dma_wait3A_270, %dma_wait3A_271] : memref<10000x128xf32, #tpu.memory_space<hbm>> -> memref<10000x128xf32, #tpu.memory_space<hbm>>
      tpu.wait_indirect_dma semaphore(%arg18 : memref<!tpu.dma_semaphore, #tpu.memory_space<semaphore_mem>>) src(%dma_wait3A_272 : memref<10000x128xf32, #tpu.memory_space<hbm>>) dst(%arg11 : memref<128x128xf32, #tpu.memory_space<vmem>>)
      %run_scoped3A_273 = arith.constant 1 : i32
      "tpu.region"() ({
        %run_scoped3A_402 = tpu.sem_alloc : memref<!tpu.dma_semaphore, #tpu.memory_space<semaphore_mem>>
        %dma_start3A_403 = arith.constant 0 : i32
        %dma_start3A_404 = tpu.memref_slice %arg7[%run_scoped3A_273, %dma_start3A_403] : memref<2x128xi32, #tpu.memory_space<vmem>> -> memref<1x128xi32, #tpu.memory_space<vmem>>
        %dma_start3A_405 = tpu.memref_squeeze %dma_start3A_404 : memref<1x128xi32, #tpu.memory_space<vmem>> -> memref<128xi32, #tpu.memory_space<vmem>>
        %dma_start3A_406 = arith.constant 0 : i32
        %dma_start3A_407 = arith.constant 0 : i32
        %dma_start3A_408 = tpu.memref_slice %arg12[%dma_start3A_406, %dma_start3A_407] : memref<10112x128xf32, #tpu.memory_space<vmem_shared>> -> memref<10112x128xf32, #tpu.memory_space<vmem_shared>>
        tpu.enqueue_indirect_dma source(%arg11 : memref<128x128xf32, #tpu.memory_space<vmem>>) target(%dma_start3A_408 : memref<10112x128xf32, #tpu.memory_space<vmem_shared>>) offsets(%dma_start3A_405 : memref<128xi32, #tpu.memory_space<vmem>>) semaphore(%run_scoped3A_402 : memref<!tpu.dma_semaphore, #tpu.memory_space<semaphore_mem>>) {add = true}
        %dma_wait3A_409 = arith.constant 0 : i32
        %dma_wait3A_410 = tpu.memref_slice %arg7[%run_scoped3A_273, %dma_wait3A_409] : memref<2x128xi32, #tpu.memory_space<vmem>> -> memref<1x128xi32, #tpu.memory_space<vmem>>
        %dma_wait3A_411 = tpu.memref_squeeze %dma_wait3A_410 : memref<1x128xi32, #tpu.memory_space<vmem>> -> memref<128xi32, #tpu.memory_space<vmem>>
        %dma_wait3A_412 = arith.constant 0 : i32
        %dma_wait3A_413 = arith.constant 0 : i32
        %dma_wait3A_414 = tpu.memref_slice %arg12[%dma_wait3A_412, %dma_wait3A_413] : memref<10112x128xf32, #tpu.memory_space<vmem_shared>> -> memref<10112x128xf32, #tpu.memory_space<vmem_shared>>
        tpu.wait_indirect_dma semaphore(%run_scoped3A_402 : memref<!tpu.dma_semaphore, #tpu.memory_space<semaphore_mem>>) src(%arg11 : memref<128x128xf32, #tpu.memory_space<vmem>>) dst(%dma_wait3A_414 : memref<10112x128xf32, #tpu.memory_space<vmem_shared>>)
        tpu.yield
      }) : () -> ()
      %dma_start3A_274 = arith.constant 0 : i32
      %dma_start3A_275 = arith.constant 0 : i32
      %dma_start3A_276 = arith.constant 0 : i32
      %dma_start3A_277 = tpu.memref_slice %arg3[%add3A, %dma_start3A_274, %dma_start3A_275, %dma_start3A_276] : memref<32x88x2x128xi32, #tpu.memory_space<hbm>> -> memref<1x88x2x128xi32, #tpu.memory_space<hbm>>
      %dma_start3A_278 = tpu.memref_squeeze %dma_start3A_277 : memref<1x88x2x128xi32, #tpu.memory_space<hbm>> -> memref<88x2x128xi32, #tpu.memory_space<hbm>>
      %dma_start3A_279 = arith.constant 0 : i32
      %dma_start3A_280 = arith.constant 0 : i32
      %dma_start3A_281 = tpu.memref_slice %dma_start3A_278[%add3A_265, %dma_start3A_279, %dma_start3A_280] : memref<88x2x128xi32, #tpu.memory_space<hbm>> -> memref<1x2x128xi32, #tpu.memory_space<hbm>>
      %dma_start3A_282 = tpu.memref_squeeze %dma_start3A_281 : memref<1x2x128xi32, #tpu.memory_space<hbm>> -> memref<2x128xi32, #tpu.memory_space<hbm>>
      %dma_start3A_283 = arith.constant 0 : i32
      %dma_start3A_284 = arith.constant 0 : i32
      %dma_start3A_285 = arith.constant 0 : i32
      %dma_start3A_286 = tpu.memref_slice %arg3[%add3A, %dma_start3A_283, %dma_start3A_284, %dma_start3A_285] : memref<32x88x2x128xi32, #tpu.memory_space<hbm>> -> memref<1x88x2x128xi32, #tpu.memory_space<hbm>>
      %dma_start3A_287 = tpu.memref_squeeze %dma_start3A_286 : memref<1x88x2x128xi32, #tpu.memory_space<hbm>> -> memref<88x2x128xi32, #tpu.memory_space<hbm>>
      %dma_start3A_288 = arith.constant 0 : i32
      %dma_start3A_289 = arith.constant 0 : i32
      %dma_start3A_290 = tpu.memref_slice %dma_start3A_287[%add3A_265, %dma_start3A_288, %dma_start3A_289] : memref<88x2x128xi32, #tpu.memory_space<hbm>> -> memref<1x2x128xi32, #tpu.memory_space<hbm>>
      %dma_start3A_291 = tpu.memref_squeeze %dma_start3A_290 : memref<1x2x128xi32, #tpu.memory_space<hbm>> -> memref<2x128xi32, #tpu.memory_space<hbm>>
      tpu.enqueue_dma source(%dma_start3A_291 : memref<2x128xi32, #tpu.memory_space<hbm>>) target(%arg7 : memref<2x128xi32, #tpu.memory_space<vmem>>) target_semaphore(%arg14 : memref<!tpu.dma_semaphore, #tpu.memory_space<semaphore_mem>>)
      %add3A_292 = arith.constant 3 : i32
      %add3A_293 = arith.addi %mul3A_182, %add3A_292 : i32
      %dma_wait3A_294 = arith.constant 0 : i32
      %dma_wait3A_295 = arith.constant 0 : i32
      %dma_wait3A_296 = arith.constant 0 : i32
      %dma_wait3A_297 = tpu.memref_slice %arg3[%add3A, %dma_wait3A_294, %dma_wait3A_295, %dma_wait3A_296] : memref<32x88x2x128xi32, #tpu.memory_space<hbm>> -> memref<1x88x2x128xi32, #tpu.memory_space<hbm>>
      %dma_wait3A_298 = tpu.memref_squeeze %dma_wait3A_297 : memref<1x88x2x128xi32, #tpu.memory_space<hbm>> -> memref<88x2x128xi32, #tpu.memory_space<hbm>>
      %dma_wait3A_299 = arith.constant 0 : i32
      %dma_wait3A_300 = arith.constant 0 : i32
      %dma_wait3A_301 = tpu.memref_slice %dma_wait3A_298[%add3A_293, %dma_wait3A_299, %dma_wait3A_300] : memref<88x2x128xi32, #tpu.memory_space<hbm>> -> memref<1x2x128xi32, #tpu.memory_space<hbm>>
      %dma_wait3A_302 = tpu.memref_squeeze %dma_wait3A_301 : memref<1x2x128xi32, #tpu.memory_space<hbm>> -> memref<2x128xi32, #tpu.memory_space<hbm>>
      %dma_wait3A_303 = arith.constant 0 : i32
      %dma_wait3A_304 = arith.constant 0 : i32
      %dma_wait3A_305 = arith.constant 0 : i32
      %dma_wait3A_306 = tpu.memref_slice %arg3[%add3A, %dma_wait3A_303, %dma_wait3A_304, %dma_wait3A_305] : memref<32x88x2x128xi32, #tpu.memory_space<hbm>> -> memref<1x88x2x128xi32, #tpu.memory_space<hbm>>
      %dma_wait3A_307 = tpu.memref_squeeze %dma_wait3A_306 : memref<1x88x2x128xi32, #tpu.memory_space<hbm>> -> memref<88x2x128xi32, #tpu.memory_space<hbm>>
      %dma_wait3A_308 = arith.constant 0 : i32
      %dma_wait3A_309 = arith.constant 0 : i32
      %dma_wait3A_310 = tpu.memref_slice %dma_wait3A_307[%add3A_293, %dma_wait3A_308, %dma_wait3A_309] : memref<88x2x128xi32, #tpu.memory_space<hbm>> -> memref<1x2x128xi32, #tpu.memory_space<hbm>>
      %dma_wait3A_311 = tpu.memref_squeeze %dma_wait3A_310 : memref<1x2x128xi32, #tpu.memory_space<hbm>> -> memref<2x128xi32, #tpu.memory_space<hbm>>
      tpu.wait_dma2 semaphore(%arg16 : memref<!tpu.dma_semaphore, #tpu.memory_space<semaphore_mem>>) src(%dma_wait3A_311 : memref<2x128xi32, #tpu.memory_space<hbm>>) dst(%arg9 : memref<2x128xi32, #tpu.memory_space<vmem>>)
      %dma_start3A_312 = arith.constant 0 : i32
      %dma_start3A_313 = arith.constant 0 : i32
      %dma_start3A_314 = tpu.memref_slice %arg9[%dma_start3A_312, %dma_start3A_313] : memref<2x128xi32, #tpu.memory_space<vmem>> -> memref<1x128xi32, #tpu.memory_space<vmem>>
      %dma_start3A_315 = tpu.memref_squeeze %dma_start3A_314 : memref<1x128xi32, #tpu.memory_space<vmem>> -> memref<128xi32, #tpu.memory_space<vmem>>
      %dma_start3A_316 = arith.constant 0 : i32
      %dma_start3A_317 = arith.constant 0 : i32
      %dma_start3A_318 = tpu.memref_slice %arg2[%dma_start3A_316, %dma_start3A_317] : memref<10000x128xf32, #tpu.memory_space<hbm>> -> memref<10000x128xf32, #tpu.memory_space<hbm>>
      tpu.enqueue_indirect_dma source(%dma_start3A_318 : memref<10000x128xf32, #tpu.memory_space<hbm>>) target(%arg11 : memref<128x128xf32, #tpu.memory_space<vmem>>) offsets(%dma_start3A_315 : memref<128xi32, #tpu.memory_space<vmem>>) semaphore(%arg18 : memref<!tpu.dma_semaphore, #tpu.memory_space<semaphore_mem>>)
      %add3A_319 = arith.constant 6 : i32
      %add3A_320 = arith.addi %mul3A_182, %add3A_319 : i32
      %dma_wait3A_321 = arith.constant 0 : i32
      %dma_wait3A_322 = arith.constant 0 : i32
      %dma_wait3A_323 = tpu.memref_slice %arg8[%dma_wait3A_321, %dma_wait3A_322] : memref<2x128xi32, #tpu.memory_space<vmem>> -> memref<1x128xi32, #tpu.memory_space<vmem>>
      %dma_wait3A_324 = tpu.memref_squeeze %dma_wait3A_323 : memref<1x128xi32, #tpu.memory_space<vmem>> -> memref<128xi32, #tpu.memory_space<vmem>>
      %dma_wait3A_325 = arith.constant 0 : i32
      %dma_wait3A_326 = arith.constant 0 : i32
      %dma_wait3A_327 = tpu.memref_slice %arg2[%dma_wait3A_325, %dma_wait3A_326] : memref<10000x128xf32, #tpu.memory_space<hbm>> -> memref<10000x128xf32, #tpu.memory_space<hbm>>
      tpu.wait_indirect_dma semaphore(%arg17 : memref<!tpu.dma_semaphore, #tpu.memory_space<semaphore_mem>>) src(%dma_wait3A_327 : memref<10000x128xf32, #tpu.memory_space<hbm>>) dst(%arg10 : memref<128x128xf32, #tpu.memory_space<vmem>>)
      %run_scoped3A_328 = arith.constant 1 : i32
      "tpu.region"() ({
        %run_scoped3A_402 = tpu.sem_alloc : memref<!tpu.dma_semaphore, #tpu.memory_space<semaphore_mem>>
        %dma_start3A_403 = arith.constant 0 : i32
        %dma_start3A_404 = tpu.memref_slice %arg8[%run_scoped3A_328, %dma_start3A_403] : memref<2x128xi32, #tpu.memory_space<vmem>> -> memref<1x128xi32, #tpu.memory_space<vmem>>
        %dma_start3A_405 = tpu.memref_squeeze %dma_start3A_404 : memref<1x128xi32, #tpu.memory_space<vmem>> -> memref<128xi32, #tpu.memory_space<vmem>>
        %dma_start3A_406 = arith.constant 0 : i32
        %dma_start3A_407 = arith.constant 0 : i32
        %dma_start3A_408 = tpu.memref_slice %arg12[%dma_start3A_406, %dma_start3A_407] : memref<10112x128xf32, #tpu.memory_space<vmem_shared>> -> memref<10112x128xf32, #tpu.memory_space<vmem_shared>>
        tpu.enqueue_indirect_dma source(%arg10 : memref<128x128xf32, #tpu.memory_space<vmem>>) target(%dma_start3A_408 : memref<10112x128xf32, #tpu.memory_space<vmem_shared>>) offsets(%dma_start3A_405 : memref<128xi32, #tpu.memory_space<vmem>>) semaphore(%run_scoped3A_402 : memref<!tpu.dma_semaphore, #tpu.memory_space<semaphore_mem>>) {add = true}
        %dma_wait3A_409 = arith.constant 0 : i32
        %dma_wait3A_410 = tpu.memref_slice %arg8[%run_scoped3A_328, %dma_wait3A_409] : memref<2x128xi32, #tpu.memory_space<vmem>> -> memref<1x128xi32, #tpu.memory_space<vmem>>
        %dma_wait3A_411 = tpu.memref_squeeze %dma_wait3A_410 : memref<1x128xi32, #tpu.memory_space<vmem>> -> memref<128xi32, #tpu.memory_space<vmem>>
        %dma_wait3A_412 = arith.constant 0 : i32
        %dma_wait3A_413 = arith.constant 0 : i32
        %dma_wait3A_414 = tpu.memref_slice %arg12[%dma_wait3A_412, %dma_wait3A_413] : memref<10112x128xf32, #tpu.memory_space<vmem_shared>> -> memref<10112x128xf32, #tpu.memory_space<vmem_shared>>
        tpu.wait_indirect_dma semaphore(%run_scoped3A_402 : memref<!tpu.dma_semaphore, #tpu.memory_space<semaphore_mem>>) src(%arg10 : memref<128x128xf32, #tpu.memory_space<vmem>>) dst(%dma_wait3A_414 : memref<10112x128xf32, #tpu.memory_space<vmem_shared>>)
        tpu.yield
      }) : () -> ()
      %dma_start3A_329 = arith.constant 0 : i32
      %dma_start3A_330 = arith.constant 0 : i32
      %dma_start3A_331 = arith.constant 0 : i32
      %dma_start3A_332 = tpu.memref_slice %arg3[%add3A, %dma_start3A_329, %dma_start3A_330, %dma_start3A_331] : memref<32x88x2x128xi32, #tpu.memory_space<hbm>> -> memref<1x88x2x128xi32, #tpu.memory_space<hbm>>
      %dma_start3A_333 = tpu.memref_squeeze %dma_start3A_332 : memref<1x88x2x128xi32, #tpu.memory_space<hbm>> -> memref<88x2x128xi32, #tpu.memory_space<hbm>>
      %dma_start3A_334 = arith.constant 0 : i32
      %dma_start3A_335 = arith.constant 0 : i32
      %dma_start3A_336 = tpu.memref_slice %dma_start3A_333[%add3A_320, %dma_start3A_334, %dma_start3A_335] : memref<88x2x128xi32, #tpu.memory_space<hbm>> -> memref<1x2x128xi32, #tpu.memory_space<hbm>>
      %dma_start3A_337 = tpu.memref_squeeze %dma_start3A_336 : memref<1x2x128xi32, #tpu.memory_space<hbm>> -> memref<2x128xi32, #tpu.memory_space<hbm>>
      %dma_start3A_338 = arith.constant 0 : i32
      %dma_start3A_339 = arith.constant 0 : i32
      %dma_start3A_340 = arith.constant 0 : i32
      %dma_start3A_341 = tpu.memref_slice %arg3[%add3A, %dma_start3A_338, %dma_start3A_339, %dma_start3A_340] : memref<32x88x2x128xi32, #tpu.memory_space<hbm>> -> memref<1x88x2x128xi32, #tpu.memory_space<hbm>>
      %dma_start3A_342 = tpu.memref_squeeze %dma_start3A_341 : memref<1x88x2x128xi32, #tpu.memory_space<hbm>> -> memref<88x2x128xi32, #tpu.memory_space<hbm>>
      %dma_start3A_343 = arith.constant 0 : i32
      %dma_start3A_344 = arith.constant 0 : i32
      %dma_start3A_345 = tpu.memref_slice %dma_start3A_342[%add3A_320, %dma_start3A_343, %dma_start3A_344] : memref<88x2x128xi32, #tpu.memory_space<hbm>> -> memref<1x2x128xi32, #tpu.memory_space<hbm>>
      %dma_start3A_346 = tpu.memref_squeeze %dma_start3A_345 : memref<1x2x128xi32, #tpu.memory_space<hbm>> -> memref<2x128xi32, #tpu.memory_space<hbm>>
      tpu.enqueue_dma source(%dma_start3A_346 : memref<2x128xi32, #tpu.memory_space<hbm>>) target(%arg8 : memref<2x128xi32, #tpu.memory_space<vmem>>) target_semaphore(%arg15 : memref<!tpu.dma_semaphore, #tpu.memory_space<semaphore_mem>>)
      %add3A_347 = arith.constant 4 : i32
      %add3A_348 = arith.addi %mul3A_182, %add3A_347 : i32
      %dma_wait3A_349 = arith.constant 0 : i32
      %dma_wait3A_350 = arith.constant 0 : i32
      %dma_wait3A_351 = arith.constant 0 : i32
      %dma_wait3A_352 = tpu.memref_slice %arg3[%add3A, %dma_wait3A_349, %dma_wait3A_350, %dma_wait3A_351] : memref<32x88x2x128xi32, #tpu.memory_space<hbm>> -> memref<1x88x2x128xi32, #tpu.memory_space<hbm>>
      %dma_wait3A_353 = tpu.memref_squeeze %dma_wait3A_352 : memref<1x88x2x128xi32, #tpu.memory_space<hbm>> -> memref<88x2x128xi32, #tpu.memory_space<hbm>>
      %dma_wait3A_354 = arith.constant 0 : i32
      %dma_wait3A_355 = arith.constant 0 : i32
      %dma_wait3A_356 = tpu.memref_slice %dma_wait3A_353[%add3A_348, %dma_wait3A_354, %dma_wait3A_355] : memref<88x2x128xi32, #tpu.memory_space<hbm>> -> memref<1x2x128xi32, #tpu.memory_space<hbm>>
      %dma_wait3A_357 = tpu.memref_squeeze %dma_wait3A_356 : memref<1x2x128xi32, #tpu.memory_space<hbm>> -> memref<2x128xi32, #tpu.memory_space<hbm>>
      %dma_wait3A_358 = arith.constant 0 : i32
      %dma_wait3A_359 = arith.constant 0 : i32
      %dma_wait3A_360 = arith.constant 0 : i32
      %dma_wait3A_361 = tpu.memref_slice %arg3[%add3A, %dma_wait3A_358, %dma_wait3A_359, %dma_wait3A_360] : memref<32x88x2x128xi32, #tpu.memory_space<hbm>> -> memref<1x88x2x128xi32, #tpu.memory_space<hbm>>
      %dma_wait3A_362 = tpu.memref_squeeze %dma_wait3A_361 : memref<1x88x2x128xi32, #tpu.memory_space<hbm>> -> memref<88x2x128xi32, #tpu.memory_space<hbm>>
      %dma_wait3A_363 = arith.constant 0 : i32
      %dma_wait3A_364 = arith.constant 0 : i32
      %dma_wait3A_365 = tpu.memref_slice %dma_wait3A_362[%add3A_348, %dma_wait3A_363, %dma_wait3A_364] : memref<88x2x128xi32, #tpu.memory_space<hbm>> -> memref<1x2x128xi32, #tpu.memory_space<hbm>>
      %dma_wait3A_366 = tpu.memref_squeeze %dma_wait3A_365 : memref<1x2x128xi32, #tpu.memory_space<hbm>> -> memref<2x128xi32, #tpu.memory_space<hbm>>
      tpu.wait_dma2 semaphore(%arg13 : memref<!tpu.dma_semaphore, #tpu.memory_space<semaphore_mem>>) src(%dma_wait3A_366 : memref<2x128xi32, #tpu.memory_space<hbm>>) dst(%arg6 : memref<2x128xi32, #tpu.memory_space<vmem>>)
      %dma_start3A_367 = arith.constant 0 : i32
      %dma_start3A_368 = arith.constant 0 : i32
      %dma_start3A_369 = tpu.memref_slice %arg6[%dma_start3A_367, %dma_start3A_368] : memref<2x128xi32, #tpu.memory_space<vmem>> -> memref<1x128xi32, #tpu.memory_space<vmem>>
      %dma_start3A_370 = tpu.memref_squeeze %dma_start3A_369 : memref<1x128xi32, #tpu.memory_space<vmem>> -> memref<128xi32, #tpu.memory_space<vmem>>
      %dma_start3A_371 = arith.constant 0 : i32
      %dma_start3A_372 = arith.constant 0 : i32
      %dma_start3A_373 = tpu.memref_slice %arg2[%dma_start3A_371, %dma_start3A_372] : memref<10000x128xf32, #tpu.memory_space<hbm>> -> memref<10000x128xf32, #tpu.memory_space<hbm>>
      tpu.enqueue_indirect_dma source(%dma_start3A_373 : memref<10000x128xf32, #tpu.memory_space<hbm>>) target(%arg10 : memref<128x128xf32, #tpu.memory_space<vmem>>) offsets(%dma_start3A_370 : memref<128xi32, #tpu.memory_space<vmem>>) semaphore(%arg17 : memref<!tpu.dma_semaphore, #tpu.memory_space<semaphore_mem>>)
      %add3A_374 = arith.constant 7 : i32
      %add3A_375 = arith.addi %mul3A_182, %add3A_374 : i32
      %dma_wait3A_376 = arith.constant 0 : i32
      %dma_wait3A_377 = arith.constant 0 : i32
      %dma_wait3A_378 = tpu.memref_slice %arg9[%dma_wait3A_376, %dma_wait3A_377] : memref<2x128xi32, #tpu.memory_space<vmem>> -> memref<1x128xi32, #tpu.memory_space<vmem>>
      %dma_wait3A_379 = tpu.memref_squeeze %dma_wait3A_378 : memref<1x128xi32, #tpu.memory_space<vmem>> -> memref<128xi32, #tpu.memory_space<vmem>>
      %dma_wait3A_380 = arith.constant 0 : i32
      %dma_wait3A_381 = arith.constant 0 : i32
      %dma_wait3A_382 = tpu.memref_slice %arg2[%dma_wait3A_380, %dma_wait3A_381] : memref<10000x128xf32, #tpu.memory_space<hbm>> -> memref<10000x128xf32, #tpu.memory_space<hbm>>
      tpu.wait_indirect_dma semaphore(%arg18 : memref<!tpu.dma_semaphore, #tpu.memory_space<semaphore_mem>>) src(%dma_wait3A_382 : memref<10000x128xf32, #tpu.memory_space<hbm>>) dst(%arg11 : memref<128x128xf32, #tpu.memory_space<vmem>>)
      %run_scoped3A_383 = arith.constant 1 : i32
      "tpu.region"() ({
        %run_scoped3A_402 = tpu.sem_alloc : memref<!tpu.dma_semaphore, #tpu.memory_space<semaphore_mem>>
        %dma_start3A_403 = arith.constant 0 : i32
        %dma_start3A_404 = tpu.memref_slice %arg9[%run_scoped3A_383, %dma_start3A_403] : memref<2x128xi32, #tpu.memory_space<vmem>> -> memref<1x128xi32, #tpu.memory_space<vmem>>
        %dma_start3A_405 = tpu.memref_squeeze %dma_start3A_404 : memref<1x128xi32, #tpu.memory_space<vmem>> -> memref<128xi32, #tpu.memory_space<vmem>>
        %dma_start3A_406 = arith.constant 0 : i32
        %dma_start3A_407 = arith.constant 0 : i32
        %dma_start3A_408 = tpu.memref_slice %arg12[%dma_start3A_406, %dma_start3A_407] : memref<10112x128xf32, #tpu.memory_space<vmem_shared>> -> memref<10112x128xf32, #tpu.memory_space<vmem_shared>>
        tpu.enqueue_indirect_dma source(%arg11 : memref<128x128xf32, #tpu.memory_space<vmem>>) target(%dma_start3A_408 : memref<10112x128xf32, #tpu.memory_space<vmem_shared>>) offsets(%dma_start3A_405 : memref<128xi32, #tpu.memory_space<vmem>>) semaphore(%run_scoped3A_402 : memref<!tpu.dma_semaphore, #tpu.memory_space<semaphore_mem>>) {add = true}
        %dma_wait3A_409 = arith.constant 0 : i32
        %dma_wait3A_410 = tpu.memref_slice %arg9[%run_scoped3A_383, %dma_wait3A_409] : memref<2x128xi32, #tpu.memory_space<vmem>> -> memref<1x128xi32, #tpu.memory_space<vmem>>
        %dma_wait3A_411 = tpu.memref_squeeze %dma_wait3A_410 : memref<1x128xi32, #tpu.memory_space<vmem>> -> memref<128xi32, #tpu.memory_space<vmem>>
        %dma_wait3A_412 = arith.constant 0 : i32
        %dma_wait3A_413 = arith.constant 0 : i32
        %dma_wait3A_414 = tpu.memref_slice %arg12[%dma_wait3A_412, %dma_wait3A_413] : memref<10112x128xf32, #tpu.memory_space<vmem_shared>> -> memref<10112x128xf32, #tpu.memory_space<vmem_shared>>
        tpu.wait_indirect_dma semaphore(%run_scoped3A_402 : memref<!tpu.dma_semaphore, #tpu.memory_space<semaphore_mem>>) src(%arg11 : memref<128x128xf32, #tpu.memory_space<vmem>>) dst(%dma_wait3A_414 : memref<10112x128xf32, #tpu.memory_space<vmem_shared>>)
        tpu.yield
      }) : () -> ()
      %dma_start3A_384 = arith.constant 0 : i32
      %dma_start3A_385 = arith.constant 0 : i32
      %dma_start3A_386 = arith.constant 0 : i32
      %dma_start3A_387 = tpu.memref_slice %arg3[%add3A, %dma_start3A_384, %dma_start3A_385, %dma_start3A_386] : memref<32x88x2x128xi32, #tpu.memory_space<hbm>> -> memref<1x88x2x128xi32, #tpu.memory_space<hbm>>
      %dma_start3A_388 = tpu.memref_squeeze %dma_start3A_387 : memref<1x88x2x128xi32, #tpu.memory_space<hbm>> -> memref<88x2x128xi32, #tpu.memory_space<hbm>>
      %dma_start3A_389 = arith.constant 0 : i32
      %dma_start3A_390 = arith.constant 0 : i32
      %dma_start3A_391 = tpu.memref_slice %dma_start3A_388[%add3A_375, %dma_start3A_389, %dma_start3A_390] : memref<88x2x128xi32, #tpu.memory_space<hbm>> -> memref<1x2x128xi32, #tpu.memory_space<hbm>>
      %dma_start3A_392 = tpu.memref_squeeze %dma_start3A_391 : memref<1x2x128xi32, #tpu.memory_space<hbm>> -> memref<2x128xi32, #tpu.memory_space<hbm>>
      %dma_start3A_393 = arith.constant 0 : i32
      %dma_start3A_394 = arith.constant 0 : i32
      %dma_start3A_395 = arith.constant 0 : i32
      %dma_start3A_396 = tpu.memref_slice %arg3[%add3A, %dma_start3A_393, %dma_start3A_394, %dma_start3A_395] : memref<32x88x2x128xi32, #tpu.memory_space<hbm>> -> memref<1x88x2x128xi32, #tpu.memory_space<hbm>>
      %dma_start3A_397 = tpu.memref_squeeze %dma_start3A_396 : memref<1x88x2x128xi32, #tpu.memory_space<hbm>> -> memref<88x2x128xi32, #tpu.memory_space<hbm>>
      %dma_start3A_398 = arith.constant 0 : i32
      %dma_start3A_399 = arith.constant 0 : i32
      %dma_start3A_400 = tpu.memref_slice %dma_start3A_397[%add3A_375, %dma_start3A_398, %dma_start3A_399] : memref<88x2x128xi32, #tpu.memory_space<hbm>> -> memref<1x2x128xi32, #tpu.memory_space<hbm>>
      %dma_start3A_401 = tpu.memref_squeeze %dma_start3A_400 : memref<1x2x128xi32, #tpu.memory_space<hbm>> -> memref<2x128xi32, #tpu.memory_space<hbm>>
      tpu.enqueue_dma source(%dma_start3A_401 : memref<2x128xi32, #tpu.memory_space<hbm>>) target(%arg9 : memref<2x128xi32, #tpu.memory_space<vmem>>) target_semaphore(%arg16 : memref<!tpu.dma_semaphore, #tpu.memory_space<semaphore_mem>>)
    }
    %scan3A_106 = arith.constant 20 : i32
    %dma_wait3A_107 = arith.constant 0 : i32
    %dma_wait3A_108 = arith.constant 0 : i32
    %dma_wait3A_109 = tpu.memref_slice %arg6[%dma_wait3A_107, %dma_wait3A_108] : memref<2x128xi32, #tpu.memory_space<vmem>> -> memref<1x128xi32, #tpu.memory_space<vmem>>
    %dma_wait3A_110 = tpu.memref_squeeze %dma_wait3A_109 : memref<1x128xi32, #tpu.memory_space<vmem>> -> memref<128xi32, #tpu.memory_space<vmem>>
    %dma_wait3A_111 = arith.constant 0 : i32
    %dma_wait3A_112 = arith.constant 0 : i32
    %dma_wait3A_113 = tpu.memref_slice %arg2[%dma_wait3A_111, %dma_wait3A_112] : memref<10000x128xf32, #tpu.memory_space<hbm>> -> memref<10000x128xf32, #tpu.memory_space<hbm>>
    tpu.wait_indirect_dma semaphore(%arg17 : memref<!tpu.dma_semaphore, #tpu.memory_space<semaphore_mem>>) src(%dma_wait3A_113 : memref<10000x128xf32, #tpu.memory_space<hbm>>) dst(%arg10 : memref<128x128xf32, #tpu.memory_space<vmem>>)
    %dma_wait3A_114 = arith.constant 81 : i32
    %dma_wait3A_115 = arith.constant 0 : i32
    %dma_wait3A_116 = arith.constant 0 : i32
    %dma_wait3A_117 = arith.constant 0 : i32
    %dma_wait3A_118 = tpu.memref_slice %arg3[%add3A, %dma_wait3A_115, %dma_wait3A_116, %dma_wait3A_117] : memref<32x88x2x128xi32, #tpu.memory_space<hbm>> -> memref<1x88x2x128xi32, #tpu.memory_space<hbm>>
    %dma_wait3A_119 = tpu.memref_squeeze %dma_wait3A_118 : memref<1x88x2x128xi32, #tpu.memory_space<hbm>> -> memref<88x2x128xi32, #tpu.memory_space<hbm>>
    %dma_wait3A_120 = arith.constant 0 : i32
    %dma_wait3A_121 = arith.constant 0 : i32
    %dma_wait3A_122 = tpu.memref_slice %dma_wait3A_119[%dma_wait3A_114, %dma_wait3A_120, %dma_wait3A_121] : memref<88x2x128xi32, #tpu.memory_space<hbm>> -> memref<1x2x128xi32, #tpu.memory_space<hbm>>
    %dma_wait3A_123 = tpu.memref_squeeze %dma_wait3A_122 : memref<1x2x128xi32, #tpu.memory_space<hbm>> -> memref<2x128xi32, #tpu.memory_space<hbm>>
    %dma_wait3A_124 = arith.constant 0 : i32
    %dma_wait3A_125 = arith.constant 0 : i32
    %dma_wait3A_126 = arith.constant 0 : i32
    %dma_wait3A_127 = tpu.memref_slice %arg3[%add3A, %dma_wait3A_124, %dma_wait3A_125, %dma_wait3A_126] : memref<32x88x2x128xi32, #tpu.memory_space<hbm>> -> memref<1x88x2x128xi32, #tpu.memory_space<hbm>>
    %dma_wait3A_128 = tpu.memref_squeeze %dma_wait3A_127 : memref<1x88x2x128xi32, #tpu.memory_space<hbm>> -> memref<88x2x128xi32, #tpu.memory_space<hbm>>
    %dma_wait3A_129 = arith.constant 0 : i32
    %dma_wait3A_130 = arith.constant 0 : i32
    %dma_wait3A_131 = tpu.memref_slice %dma_wait3A_128[%dma_wait3A_114, %dma_wait3A_129, %dma_wait3A_130] : memref<88x2x128xi32, #tpu.memory_space<hbm>> -> memref<1x2x128xi32, #tpu.memory_space<hbm>>
    %dma_wait3A_132 = tpu.memref_squeeze %dma_wait3A_131 : memref<1x2x128xi32, #tpu.memory_space<hbm>> -> memref<2x128xi32, #tpu.memory_space<hbm>>
    tpu.wait_dma2 semaphore(%arg14 : memref<!tpu.dma_semaphore, #tpu.memory_space<semaphore_mem>>) src(%dma_wait3A_132 : memref<2x128xi32, #tpu.memory_space<hbm>>) dst(%arg7 : memref<2x128xi32, #tpu.memory_space<vmem>>)
    %dma_wait3A_133 = arith.constant 82 : i32
    %dma_wait3A_134 = arith.constant 0 : i32
    %dma_wait3A_135 = arith.constant 0 : i32
    %dma_wait3A_136 = arith.constant 0 : i32
    %dma_wait3A_137 = tpu.memref_slice %arg3[%add3A, %dma_wait3A_134, %dma_wait3A_135, %dma_wait3A_136] : memref<32x88x2x128xi32, #tpu.memory_space<hbm>> -> memref<1x88x2x128xi32, #tpu.memory_space<hbm>>
    %dma_wait3A_138 = tpu.memref_squeeze %dma_wait3A_137 : memref<1x88x2x128xi32, #tpu.memory_space<hbm>> -> memref<88x2x128xi32, #tpu.memory_space<hbm>>
    %dma_wait3A_139 = arith.constant 0 : i32
    %dma_wait3A_140 = arith.constant 0 : i32
    %dma_wait3A_141 = tpu.memref_slice %dma_wait3A_138[%dma_wait3A_133, %dma_wait3A_139, %dma_wait3A_140] : memref<88x2x128xi32, #tpu.memory_space<hbm>> -> memref<1x2x128xi32, #tpu.memory_space<hbm>>
    %dma_wait3A_142 = tpu.memref_squeeze %dma_wait3A_141 : memref<1x2x128xi32, #tpu.memory_space<hbm>> -> memref<2x128xi32, #tpu.memory_space<hbm>>
    %dma_wait3A_143 = arith.constant 0 : i32
    %dma_wait3A_144 = arith.constant 0 : i32
    %dma_wait3A_145 = arith.constant 0 : i32
    %dma_wait3A_146 = tpu.memref_slice %arg3[%add3A, %dma_wait3A_143, %dma_wait3A_144, %dma_wait3A_145] : memref<32x88x2x128xi32, #tpu.memory_space<hbm>> -> memref<1x88x2x128xi32, #tpu.memory_space<hbm>>
    %dma_wait3A_147 = tpu.memref_squeeze %dma_wait3A_146 : memref<1x88x2x128xi32, #tpu.memory_space<hbm>> -> memref<88x2x128xi32, #tpu.memory_space<hbm>>
    %dma_wait3A_148 = arith.constant 0 : i32
    %dma_wait3A_149 = arith.constant 0 : i32
    %dma_wait3A_150 = tpu.memref_slice %dma_wait3A_147[%dma_wait3A_133, %dma_wait3A_148, %dma_wait3A_149] : memref<88x2x128xi32, #tpu.memory_space<hbm>> -> memref<1x2x128xi32, #tpu.memory_space<hbm>>
    %dma_wait3A_151 = tpu.memref_squeeze %dma_wait3A_150 : memref<1x2x128xi32, #tpu.memory_space<hbm>> -> memref<2x128xi32, #tpu.memory_space<hbm>>
    tpu.wait_dma2 semaphore(%arg15 : memref<!tpu.dma_semaphore, #tpu.memory_space<semaphore_mem>>) src(%dma_wait3A_151 : memref<2x128xi32, #tpu.memory_space<hbm>>) dst(%arg8 : memref<2x128xi32, #tpu.memory_space<vmem>>)
    %dma_wait3A_152 = arith.constant 83 : i32
    %dma_wait3A_153 = arith.constant 0 : i32
    %dma_wait3A_154 = arith.constant 0 : i32
    %dma_wait3A_155 = arith.constant 0 : i32
    %dma_wait3A_156 = tpu.memref_slice %arg3[%add3A, %dma_wait3A_153, %dma_wait3A_154, %dma_wait3A_155] : memref<32x88x2x128xi32, #tpu.memory_space<hbm>> -> memref<1x88x2x128xi32, #tpu.memory_space<hbm>>
    %dma_wait3A_157 = tpu.memref_squeeze %dma_wait3A_156 : memref<1x88x2x128xi32, #tpu.memory_space<hbm>> -> memref<88x2x128xi32, #tpu.memory_space<hbm>>
    %dma_wait3A_158 = arith.constant 0 : i32
    %dma_wait3A_159 = arith.constant 0 : i32
    %dma_wait3A_160 = tpu.memref_slice %dma_wait3A_157[%dma_wait3A_152, %dma_wait3A_158, %dma_wait3A_159] : memref<88x2x128xi32, #tpu.memory_space<hbm>> -> memref<1x2x128xi32, #tpu.memory_space<hbm>>
    %dma_wait3A_161 = tpu.memref_squeeze %dma_wait3A_160 : memref<1x2x128xi32, #tpu.memory_space<hbm>> -> memref<2x128xi32, #tpu.memory_space<hbm>>
    %dma_wait3A_162 = arith.constant 0 : i32
    %dma_wait3A_163 = arith.constant 0 : i32
    %dma_wait3A_164 = arith.constant 0 : i32
    %dma_wait3A_165 = tpu.memref_slice %arg3[%add3A, %dma_wait3A_162, %dma_wait3A_163, %dma_wait3A_164] : memref<32x88x2x128xi32, #tpu.memory_space<hbm>> -> memref<1x88x2x128xi32, #tpu.memory_space<hbm>>
    %dma_wait3A_166 = tpu.memref_squeeze %dma_wait3A_165 : memref<1x88x2x128xi32, #tpu.memory_space<hbm>> -> memref<88x2x128xi32, #tpu.memory_space<hbm>>
    %dma_wait3A_167 = arith.constant 0 : i32
    %dma_wait3A_168 = arith.constant 0 : i32
    %dma_wait3A_169 = tpu.memref_slice %dma_wait3A_166[%dma_wait3A_152, %dma_wait3A_167, %dma_wait3A_168] : memref<88x2x128xi32, #tpu.memory_space<hbm>> -> memref<1x2x128xi32, #tpu.memory_space<hbm>>
    %dma_wait3A_170 = tpu.memref_squeeze %dma_wait3A_169 : memref<1x2x128xi32, #tpu.memory_space<hbm>> -> memref<2x128xi32, #tpu.memory_space<hbm>>
    tpu.wait_dma2 semaphore(%arg16 : memref<!tpu.dma_semaphore, #tpu.memory_space<semaphore_mem>>) src(%dma_wait3A_170 : memref<2x128xi32, #tpu.memory_space<hbm>>) dst(%arg9 : memref<2x128xi32, #tpu.memory_space<vmem>>)
    %barrier3A_171 = arith.constant 0 : index
    tpu.barrier barrier_id(%barrier3A_171)
    %mul3A_172 = arith.constant 632 : i32
    %mul3A_173 = arith.muli %arg1, %mul3A_172 : i32
    %mul3A_174 = arith.constant 632 : i32
    %mul3A_175 = arith.muli %arg1, %mul3A_174 : i32
    "tpu.region"() ({
      %run_scoped3A = tpu.sem_alloc : memref<!tpu.dma_semaphore, #tpu.memory_space<semaphore_mem>>
      %dma_start3A_176 = arith.constant 0 : i32
      %dma_start3A_177 = tpu.memref_slice %arg5[%arg0, %mul3A_175, %dma_start3A_176] : memref<2x10112x128xf32, #tpu.memory_space<hbm>> -> memref<1x632x128xf32, #tpu.memory_space<hbm>>
      %dma_start3A_178 = tpu.memref_squeeze %dma_start3A_177 : memref<1x632x128xf32, #tpu.memory_space<hbm>> -> memref<632x128xf32, #tpu.memory_space<hbm>>
      %dma_start3A_179 = arith.constant 0 : i32
      %dma_start3A_180 = tpu.memref_slice %arg12[%mul3A_173, %dma_start3A_179] : memref<10112x128xf32, #tpu.memory_space<vmem_shared>> -> memref<632x128xf32, #tpu.memory_space<vmem_shared>>
      tpu.enqueue_dma source(%dma_start3A_180 : memref<632x128xf32, #tpu.memory_space<vmem_shared>>) target(%dma_start3A_178 : memref<632x128xf32, #tpu.memory_space<hbm>>) target_semaphore(%run_scoped3A : memref<!tpu.dma_semaphore, #tpu.memory_space<semaphore_mem>>)
      %dma_wait3A_181 = arith.constant 0 : i32
      %dma_wait3A_182 = tpu.memref_slice %arg5[%arg0, %mul3A_175, %dma_wait3A_181] : memref<2x10112x128xf32, #tpu.memory_space<hbm>> -> memref<1x632x128xf32, #tpu.memory_space<hbm>>
      %dma_wait3A_183 = tpu.memref_squeeze %dma_wait3A_182 : memref<1x632x128xf32, #tpu.memory_space<hbm>> -> memref<632x128xf32, #tpu.memory_space<hbm>>
      %dma_wait3A_184 = arith.constant 0 : i32
      %dma_wait3A_185 = tpu.memref_slice %arg12[%mul3A_173, %dma_wait3A_184] : memref<10112x128xf32, #tpu.memory_space<vmem_shared>> -> memref<632x128xf32, #tpu.memory_space<vmem_shared>>
      tpu.wait_dma2 semaphore(%run_scoped3A : memref<!tpu.dma_semaphore, #tpu.memory_space<semaphore_mem>>) src(%dma_wait3A_185 : memref<632x128xf32, #tpu.memory_space<vmem_shared>>) dst(%dma_wait3A_183 : memref<632x128xf32, #tpu.memory_space<hbm>>)
      tpu.yield
    }) : () -> ()
    return
  }
}

#map = affine_map<(d0, d1) -> (0, 0)>
#map1 = affine_map<(d0, d1) -> (0, 0, 0, 0)>
#map2 = affine_map<(d0, d1) -> (0, 0, 0)>
module attributes {stable_mosaic.version = 14 : i64} {
  func.func @k(%arg0: i32, %arg1: i32, %arg2: memref<10000x128xf32, #tpu.memory_space<hbm>>, %arg3: memref<32x88x2x128xi32, #tpu.memory_space<hbm>>, %arg4: memref<632x128xf32, #tpu.memory_space<hbm>>, %arg5: memref<2x10112x128xf32, #tpu.memory_space<hbm>>, %arg6: memref<2x128xi32, #tpu.memory_space<vmem>>, %arg7: memref<2x128xi32, #tpu.memory_space<vmem>>, %arg8: memref<2x128xi32, #tpu.memory_space<vmem>>, %arg9: memref<2x128xi32, #tpu.memory_space<vmem>>, %arg10: memref<128x128xf32, #tpu.memory_space<vmem>>, %arg11: memref<128x128xf32, #tpu.memory_space<vmem>>, %arg12: memref<10112x128xf32, #tpu.memory_space<vmem_shared>>, %arg13: memref<!tpu.dma_semaphore, #tpu.memory_space<semaphore_mem>>, %arg14: memref<!tpu.dma_semaphore, #tpu.memory_space<semaphore_mem>>, %arg15: memref<!tpu.dma_semaphore, #tpu.memory_space<semaphore_mem>>, %arg16: memref<!tpu.dma_semaphore, #tpu.memory_space<semaphore_mem>>, %arg17: memref<!tpu.dma_semaphore, #tpu.memory_space<semaphore_mem>>, %arg18: memref<!tpu.dma_semaphore, #tpu.memory_space<semaphore_mem>>) attributes {dimension_semantics = [#tpu.dimension_semantics<core_parallel>, #tpu.dimension_semantics<subcore_parallel>], iteration_bounds = array<i64: 2, 16>, scalar_prefetch = 0 : i64, scratch_operands = 13 : i64, tpu.core_type = #tpu.core_type<sc_vector_subcore>, window_params = [{transform_indices = #map}, {transform_indices = #map1}, {transform_indices = #map}, {transform_indices = #map2}]} {
    %mul3A = arith.constant 16 : i32
    %mul3A_0 = arith.muli %arg0, %mul3A : i32
    %add3A = arith.addi %mul3A_0, %arg1 : i32
    %dma_start3A = arith.constant 0 : i32
    %dma_start3A_1 = arith.constant 0 : i32
    %dma_start3A_2 = arith.constant 0 : i32
    %dma_start3A_3 = arith.constant 0 : i32
    %dma_start3A_4 = tpu.memref_slice %arg3[%add3A, %dma_start3A_1, %dma_start3A_2, %dma_start3A_3] : memref<32x88x2x128xi32, #tpu.memory_space<hbm>> -> memref<1x88x2x128xi32, #tpu.memory_space<hbm>>
    %dma_start3A_5 = tpu.memref_squeeze %dma_start3A_4 : memref<1x88x2x128xi32, #tpu.memory_space<hbm>> -> memref<88x2x128xi32, #tpu.memory_space<hbm>>
    %dma_start3A_6 = arith.constant 0 : i32
    %dma_start3A_7 = arith.constant 0 : i32
    %dma_start3A_8 = tpu.memref_slice %dma_start3A_5[%dma_start3A, %dma_start3A_6, %dma_start3A_7] : memref<88x2x128xi32, #tpu.memory_space<hbm>> -> memref<1x2x128xi32, #tpu.memory_space<hbm>>
    %dma_start3A_9 = tpu.memref_squeeze %dma_start3A_8 : memref<1x2x128xi32, #tpu.memory_space<hbm>> -> memref<2x128xi32, #tpu.memory_space<hbm>>
    %dma_start3A_10 = arith.constant 0 : i32
    %dma_start3A_11 = arith.constant 0 : i32
    %dma_start3A_12 = arith.constant 0 : i32
    %dma_start3A_13 = tpu.memref_slice %arg3[%add3A, %dma_start3A_10, %dma_start3A_11, %dma_start3A_12] : memref<32x88x2x128xi32, #tpu.memory_space<hbm>> -> memref<1x88x2x128xi32, #tpu.memory_space<hbm>>
    %dma_start3A_14 = tpu.memref_squeeze %dma_start3A_13 : memref<1x88x2x128xi32, #tpu.memory_space<hbm>> -> memref<88x2x128xi32, #tpu.memory_space<hbm>>
    %dma_start3A_15 = arith.constant 0 : i32
    %dma_start3A_16 = arith.constant 0 : i32
    %dma_start3A_17 = tpu.memref_slice %dma_start3A_14[%dma_start3A, %dma_start3A_15, %dma_start3A_16] : memref<88x2x128xi32, #tpu.memory_space<hbm>> -> memref<1x2x128xi32, #tpu.memory_space<hbm>>
    %dma_start3A_18 = tpu.memref_squeeze %dma_start3A_17 : memref<1x2x128xi32, #tpu.memory_space<hbm>> -> memref<2x128xi32, #tpu.memory_space<hbm>>
    tpu.enqueue_dma source(%dma_start3A_18 : memref<2x128xi32, #tpu.memory_space<hbm>>) target(%arg6 : memref<2x128xi32, #tpu.memory_space<vmem>>) target_semaphore(%arg13 : memref<!tpu.dma_semaphore, #tpu.memory_space<semaphore_mem>>)
    %dma_start3A_19 = arith.constant 1 : i32
    %dma_start3A_20 = arith.constant 0 : i32
    %dma_start3A_21 = arith.constant 0 : i32
    %dma_start3A_22 = arith.constant 0 : i32
    %dma_start3A_23 = tpu.memref_slice %arg3[%add3A, %dma_start3A_20, %dma_start3A_21, %dma_start3A_22] : memref<32x88x2x128xi32, #tpu.memory_space<hbm>> -> memref<1x88x2x128xi32, #tpu.memory_space<hbm>>
    %dma_start3A_24 = tpu.memref_squeeze %dma_start3A_23 : memref<1x88x2x128xi32, #tpu.memory_space<hbm>> -> memref<88x2x128xi32, #tpu.memory_space<hbm>>
    %dma_start3A_25 = arith.constant 0 : i32
    %dma_start3A_26 = arith.constant 0 : i32
    %dma_start3A_27 = tpu.memref_slice %dma_start3A_24[%dma_start3A_19, %dma_start3A_25, %dma_start3A_26] : memref<88x2x128xi32, #tpu.memory_space<hbm>> -> memref<1x2x128xi32, #tpu.memory_space<hbm>>
    %dma_start3A_28 = tpu.memref_squeeze %dma_start3A_27 : memref<1x2x128xi32, #tpu.memory_space<hbm>> -> memref<2x128xi32, #tpu.memory_space<hbm>>
    %dma_start3A_29 = arith.constant 0 : i32
    %dma_start3A_30 = arith.constant 0 : i32
    %dma_start3A_31 = arith.constant 0 : i32
    %dma_start3A_32 = tpu.memref_slice %arg3[%add3A, %dma_start3A_29, %dma_start3A_30, %dma_start3A_31] : memref<32x88x2x128xi32, #tpu.memory_space<hbm>> -> memref<1x88x2x128xi32, #tpu.memory_space<hbm>>
    %dma_start3A_33 = tpu.memref_squeeze %dma_start3A_32 : memref<1x88x2x128xi32, #tpu.memory_space<hbm>> -> memref<88x2x128xi32, #tpu.memory_space<hbm>>
    %dma_start3A_34 = arith.constant 0 : i32
    %dma_start3A_35 = arith.constant 0 : i32
    %dma_start3A_36 = tpu.memref_slice %dma_start3A_33[%dma_start3A_19, %dma_start3A_34, %dma_start3A_35] : memref<88x2x128xi32, #tpu.memory_space<hbm>> -> memref<1x2x128xi32, #tpu.memory_space<hbm>>
    %dma_start3A_37 = tpu.memref_squeeze %dma_start3A_36 : memref<1x2x128xi32, #tpu.memory_space<hbm>> -> memref<2x128xi32, #tpu.memory_space<hbm>>
    tpu.enqueue_dma source(%dma_start3A_37 : memref<2x128xi32, #tpu.memory_space<hbm>>) target(%arg7 : memref<2x128xi32, #tpu.memory_space<vmem>>) target_semaphore(%arg14 : memref<!tpu.dma_semaphore, #tpu.memory_space<semaphore_mem>>)
    %dma_start3A_38 = arith.constant 2 : i32
    %dma_start3A_39 = arith.constant 0 : i32
    %dma_start3A_40 = arith.constant 0 : i32
    %dma_start3A_41 = arith.constant 0 : i32
    %dma_start3A_42 = tpu.memref_slice %arg3[%add3A, %dma_start3A_39, %dma_start3A_40, %dma_start3A_41] : memref<32x88x2x128xi32, #tpu.memory_space<hbm>> -> memref<1x88x2x128xi32, #tpu.memory_space<hbm>>
    %dma_start3A_43 = tpu.memref_squeeze %dma_start3A_42 : memref<1x88x2x128xi32, #tpu.memory_space<hbm>> -> memref<88x2x128xi32, #tpu.memory_space<hbm>>
    %dma_start3A_44 = arith.constant 0 : i32
    %dma_start3A_45 = arith.constant 0 : i32
    %dma_start3A_46 = tpu.memref_slice %dma_start3A_43[%dma_start3A_38, %dma_start3A_44, %dma_start3A_45] : memref<88x2x128xi32, #tpu.memory_space<hbm>> -> memref<1x2x128xi32, #tpu.memory_space<hbm>>
    %dma_start3A_47 = tpu.memref_squeeze %dma_start3A_46 : memref<1x2x128xi32, #tpu.memory_space<hbm>> -> memref<2x128xi32, #tpu.memory_space<hbm>>
    %dma_start3A_48 = arith.constant 0 : i32
    %dma_start3A_49 = arith.constant 0 : i32
    %dma_start3A_50 = arith.constant 0 : i32
    %dma_start3A_51 = tpu.memref_slice %arg3[%add3A, %dma_start3A_48, %dma_start3A_49, %dma_start3A_50] : memref<32x88x2x128xi32, #tpu.memory_space<hbm>> -> memref<1x88x2x128xi32, #tpu.memory_space<hbm>>
    %dma_start3A_52 = tpu.memref_squeeze %dma_start3A_51 : memref<1x88x2x128xi32, #tpu.memory_space<hbm>> -> memref<88x2x128xi32, #tpu.memory_space<hbm>>
    %dma_start3A_53 = arith.constant 0 : i32
    %dma_start3A_54 = arith.constant 0 : i32
    %dma_start3A_55 = tpu.memref_slice %dma_start3A_52[%dma_start3A_38, %dma_start3A_53, %dma_start3A_54] : memref<88x2x128xi32, #tpu.memory_space<hbm>> -> memref<1x2x128xi32, #tpu.memory_space<hbm>>
    %dma_start3A_56 = tpu.memref_squeeze %dma_start3A_55 : memref<1x2x128xi32, #tpu.memory_space<hbm>> -> memref<2x128xi32, #tpu.memory_space<hbm>>
    tpu.enqueue_dma source(%dma_start3A_56 : memref<2x128xi32, #tpu.memory_space<hbm>>) target(%arg8 : memref<2x128xi32, #tpu.memory_space<vmem>>) target_semaphore(%arg15 : memref<!tpu.dma_semaphore, #tpu.memory_space<semaphore_mem>>)
    %dma_start3A_57 = arith.constant 3 : i32
    %dma_start3A_58 = arith.constant 0 : i32
    %dma_start3A_59 = arith.constant 0 : i32
    %dma_start3A_60 = arith.constant 0 : i32
    %dma_start3A_61 = tpu.memref_slice %arg3[%add3A, %dma_start3A_58, %dma_start3A_59, %dma_start3A_60] : memref<32x88x2x128xi32, #tpu.memory_space<hbm>> -> memref<1x88x2x128xi32, #tpu.memory_space<hbm>>
    %dma_start3A_62 = tpu.memref_squeeze %dma_start3A_61 : memref<1x88x2x128xi32, #tpu.memory_space<hbm>> -> memref<88x2x128xi32, #tpu.memory_space<hbm>>
    %dma_start3A_63 = arith.constant 0 : i32
    %dma_start3A_64 = arith.constant 0 : i32
    %dma_start3A_65 = tpu.memref_slice %dma_start3A_62[%dma_start3A_57, %dma_start3A_63, %dma_start3A_64] : memref<88x2x128xi32, #tpu.memory_space<hbm>> -> memref<1x2x128xi32, #tpu.memory_space<hbm>>
    %dma_start3A_66 = tpu.memref_squeeze %dma_start3A_65 : memref<1x2x128xi32, #tpu.memory_space<hbm>> -> memref<2x128xi32, #tpu.memory_space<hbm>>
    %dma_start3A_67 = arith.constant 0 : i32
    %dma_start3A_68 = arith.constant 0 : i32
    %dma_start3A_69 = arith.constant 0 : i32
    %dma_start3A_70 = tpu.memref_slice %arg3[%add3A, %dma_start3A_67, %dma_start3A_68, %dma_start3A_69] : memref<32x88x2x128xi32, #tpu.memory_space<hbm>> -> memref<1x88x2x128xi32, #tpu.memory_space<hbm>>
    %dma_start3A_71 = tpu.memref_squeeze %dma_start3A_70 : memref<1x88x2x128xi32, #tpu.memory_space<hbm>> -> memref<88x2x128xi32, #tpu.memory_space<hbm>>
    %dma_start3A_72 = arith.constant 0 : i32
    %dma_start3A_73 = arith.constant 0 : i32
    %dma_start3A_74 = tpu.memref_slice %dma_start3A_71[%dma_start3A_57, %dma_start3A_72, %dma_start3A_73] : memref<88x2x128xi32, #tpu.memory_space<hbm>> -> memref<1x2x128xi32, #tpu.memory_space<hbm>>
    %dma_start3A_75 = tpu.memref_squeeze %dma_start3A_74 : memref<1x2x128xi32, #tpu.memory_space<hbm>> -> memref<2x128xi32, #tpu.memory_space<hbm>>
    tpu.enqueue_dma source(%dma_start3A_75 : memref<2x128xi32, #tpu.memory_space<hbm>>) target(%arg9 : memref<2x128xi32, #tpu.memory_space<vmem>>) target_semaphore(%arg16 : memref<!tpu.dma_semaphore, #tpu.memory_space<semaphore_mem>>)
    %mul3A_76 = arith.constant 632 : i32
    %mul3A_77 = arith.muli %arg1, %mul3A_76 : i32
    "tpu.region"() ({
      %run_scoped3A = tpu.sem_alloc : memref<!tpu.dma_semaphore, #tpu.memory_space<semaphore_mem>>
      %dma_start3A_176 = arith.constant 0 : i32
      %dma_start3A_177 = tpu.memref_slice %arg12[%mul3A_77, %dma_start3A_176] : memref<10112x128xf32, #tpu.memory_space<vmem_shared>> -> memref<632x128xf32, #tpu.memory_space<vmem_shared>>
      tpu.enqueue_dma source(%arg4 : memref<632x128xf32, #tpu.memory_space<hbm>>) target(%dma_start3A_177 : memref<632x128xf32, #tpu.memory_space<vmem_shared>>) target_semaphore(%run_scoped3A : memref<!tpu.dma_semaphore, #tpu.memory_space<semaphore_mem>>)
      %dma_wait3A_178 = arith.constant 0 : i32
      %dma_wait3A_179 = tpu.memref_slice %arg12[%mul3A_77, %dma_wait3A_178] : memref<10112x128xf32, #tpu.memory_space<vmem_shared>> -> memref<632x128xf32, #tpu.memory_space<vmem_shared>>
      tpu.wait_dma2 semaphore(%run_scoped3A : memref<!tpu.dma_semaphore, #tpu.memory_space<semaphore_mem>>) src(%arg4 : memref<632x128xf32, #tpu.memory_space<hbm>>) dst(%dma_wait3A_179 : memref<632x128xf32, #tpu.memory_space<vmem_shared>>)
      tpu.yield
    }) : () -> ()
    %barrier3A = arith.constant 0 : index
    tpu.barrier barrier_id(%barrier3A)
    %dma_wait3A = arith.constant 0 : i32
    %dma_wait3A_78 = arith.constant 0 : i32
    %dma_wait3A_79 = arith.constant 0 : i32
    %dma_wait3A_80 = arith.constant 0 : i32
    %dma_wait3A_81 = tpu.memref_slice %arg3[%add3A, %dma_wait3A_78, %dma_wait3A_79, %dma_wait3A_80] : memref<32x88x2x128xi32, #tpu.memory_space<hbm>> -> memref<1x88x2x128xi32, #tpu.memory_space<hbm>>
    %dma_wait3A_82 = tpu.memref_squeeze %dma_wait3A_81 : memref<1x88x2x128xi32, #tpu.memory_space<hbm>> -> memref<88x2x128xi32, #tpu.memory_space<hbm>>
    %dma_wait3A_83 = arith.constant 0 : i32
    %dma_wait3A_84 = arith.constant 0 : i32
    %dma_wait3A_85 = tpu.memref_slice %dma_wait3A_82[%dma_wait3A, %dma_wait3A_83, %dma_wait3A_84] : memref<88x2x128xi32, #tpu.memory_space<hbm>> -> memref<1x2x128xi32, #tpu.memory_space<hbm>>
    %dma_wait3A_86 = tpu.memref_squeeze %dma_wait3A_85 : memref<1x2x128xi32, #tpu.memory_space<hbm>> -> memref<2x128xi32, #tpu.memory_space<hbm>>
    %dma_wait3A_87 = arith.constant 0 : i32
    %dma_wait3A_88 = arith.constant 0 : i32
    %dma_wait3A_89 = arith.constant 0 : i32
    %dma_wait3A_90 = tpu.memref_slice %arg3[%add3A, %dma_wait3A_87, %dma_wait3A_88, %dma_wait3A_89] : memref<32x88x2x128xi32, #tpu.memory_space<hbm>> -> memref<1x88x2x128xi32, #tpu.memory_space<hbm>>
    %dma_wait3A_91 = tpu.memref_squeeze %dma_wait3A_90 : memref<1x88x2x128xi32, #tpu.memory_space<hbm>> -> memref<88x2x128xi32, #tpu.memory_space<hbm>>
    %dma_wait3A_92 = arith.constant 0 : i32
    %dma_wait3A_93 = arith.constant 0 : i32
    %dma_wait3A_94 = tpu.memref_slice %dma_wait3A_91[%dma_wait3A, %dma_wait3A_92, %dma_wait3A_93] : memref<88x2x128xi32, #tpu.memory_space<hbm>> -> memref<1x2x128xi32, #tpu.memory_space<hbm>>
    %dma_wait3A_95 = tpu.memref_squeeze %dma_wait3A_94 : memref<1x2x128xi32, #tpu.memory_space<hbm>> -> memref<2x128xi32, #tpu.memory_space<hbm>>
    tpu.wait_dma2 semaphore(%arg13 : memref<!tpu.dma_semaphore, #tpu.memory_space<semaphore_mem>>) src(%dma_wait3A_95 : memref<2x128xi32, #tpu.memory_space<hbm>>) dst(%arg6 : memref<2x128xi32, #tpu.memory_space<vmem>>)
    %dma_start3A_96 = arith.constant 0 : i32
    %dma_start3A_97 = arith.constant 0 : i32
    %dma_start3A_98 = tpu.memref_slice %arg6[%dma_start3A_96, %dma_start3A_97] : memref<2x128xi32, #tpu.memory_space<vmem>> -> memref<1x128xi32, #tpu.memory_space<vmem>>
    %dma_start3A_99 = tpu.memref_squeeze %dma_start3A_98 : memref<1x128xi32, #tpu.memory_space<vmem>> -> memref<128xi32, #tpu.memory_space<vmem>>
    %dma_start3A_100 = arith.constant 0 : i32
    %dma_start3A_101 = arith.constant 0 : i32
    %dma_start3A_102 = tpu.memref_slice %arg2[%dma_start3A_100, %dma_start3A_101] : memref<10000x128xf32, #tpu.memory_space<hbm>> -> memref<10000x128xf32, #tpu.memory_space<hbm>>
    tpu.enqueue_indirect_dma source(%dma_start3A_102 : memref<10000x128xf32, #tpu.memory_space<hbm>>) target(%arg10 : memref<128x128xf32, #tpu.memory_space<vmem>>) offsets(%dma_start3A_99 : memref<128xi32, #tpu.memory_space<vmem>>) semaphore(%arg17 : memref<!tpu.dma_semaphore, #tpu.memory_space<semaphore_mem>>)
    %scan3A = arith.constant 0 : i32
    %scan3A_103 = arith.constant 20 : i32
    %scan3A_104 = arith.addi %scan3A, %scan3A_103 : i32
    %scan3A_105 = arith.constant 1 : i32
    scf.for %scan3A_176 = %scan3A to %scan3A_104 step %scan3A_105  : i32 {
      %mul3A_177 = arith.constant 1 : i32
      %mul3A_178 = arith.muli %scan3A_176, %mul3A_177 : i32
      %add3A_179 = arith.constant 0 : i32
      %add3A_180 = arith.addi %add3A_179, %mul3A_178 : i32
      %mul3A_181 = arith.constant 4 : i32
      %mul3A_182 = arith.muli %add3A_180, %mul3A_181 : i32
      %add3A_183 = arith.constant 1 : i32
      %add3A_184 = arith.addi %mul3A_182, %add3A_183 : i32
      %dma_wait3A_185 = arith.constant 0 : i32
      %dma_wait3A_186 = arith.constant 0 : i32
      %dma_wait3A_187 = arith.constant 0 : i32
      %dma_wait3A_188 = tpu.memref_slice %arg3[%add3A, %dma_wait3A_185, %dma_wait3A_186, %dma_wait3A_187] : memref<32x88x2x128xi32, #tpu.memory_space<hbm>> -> memref<1x88x2x128xi32, #tpu.memory_space<hbm>>
      %dma_wait3A_189 = tpu.memref_squeeze %dma_wait3A_188 : memref<1x88x2x128xi32, #tpu.memory_space<hbm>> -> memref<88x2x128xi32, #tpu.memory_space<hbm>>
      %dma_wait3A_190 = arith.constant 0 : i32
      %dma_wait3A_191 = arith.constant 0 : i32
      %dma_wait3A_192 = tpu.memref_slice %dma_wait3A_189[%add3A_184, %dma_wait3A_190, %dma_wait3A_191] : memref<88x2x128xi32, #tpu.memory_space<hbm>> -> memref<1x2x128xi32, #tpu.memory_space<hbm>>
      %dma_wait3A_193 = tpu.memref_squeeze %dma_wait3A_192 : memref<1x2x128xi32, #tpu.memory_space<hbm>> -> memref<2x128xi32, #tpu.memory_space<hbm>>
      %dma_wait3A_194 = arith.constant 0 : i32
      %dma_wait3A_195 = arith.constant 0 : i32
      %dma_wait3A_196 = arith.constant 0 : i32
      %dma_wait3A_197 = tpu.memref_slice %arg3[%add3A, %dma_wait3A_194, %dma_wait3A_195, %dma_wait3A_196] : memref<32x88x2x128xi32, #tpu.memory_space<hbm>> -> memref<1x88x2x128xi32, #tpu.memory_space<hbm>>
      %dma_wait3A_198 = tpu.memref_squeeze %dma_wait3A_197 : memref<1x88x2x128xi32, #tpu.memory_space<hbm>> -> memref<88x2x128xi32, #tpu.memory_space<hbm>>
      %dma_wait3A_199 = arith.constant 0 : i32
      %dma_wait3A_200 = arith.constant 0 : i32
      %dma_wait3A_201 = tpu.memref_slice %dma_wait3A_198[%add3A_184, %dma_wait3A_199, %dma_wait3A_200] : memref<88x2x128xi32, #tpu.memory_space<hbm>> -> memref<1x2x128xi32, #tpu.memory_space<hbm>>
      %dma_wait3A_202 = tpu.memref_squeeze %dma_wait3A_201 : memref<1x2x128xi32, #tpu.memory_space<hbm>> -> memref<2x128xi32, #tpu.memory_space<hbm>>
      tpu.wait_dma2 semaphore(%arg14 : memref<!tpu.dma_semaphore, #tpu.memory_space<semaphore_mem>>) src(%dma_wait3A_202 : memref<2x128xi32, #tpu.memory_space<hbm>>) dst(%arg7 : memref<2x128xi32, #tpu.memory_space<vmem>>)
      %dma_start3A_203 = arith.constant 0 : i32
      %dma_start3A_204 = arith.constant 0 : i32
      %dma_start3A_205 = tpu.memref_slice %arg7[%dma_start3A_203, %dma_start3A_204] : memref<2x128xi32, #tpu.memory_space<vmem>> -> memref<1x128xi32, #tpu.memory_space<vmem>>
      %dma_start3A_206 = tpu.memref_squeeze %dma_start3A_205 : memref<1x128xi32, #tpu.memory_space<vmem>> -> memref<128xi32, #tpu.memory_space<vmem>>
      %dma_start3A_207 = arith.constant 0 : i32
      %dma_start3A_208 = arith.constant 0 : i32
      %dma_start3A_209 = tpu.memref_slice %arg2[%dma_start3A_207, %dma_start3A_208] : memref<10000x128xf32, #tpu.memory_space<hbm>> -> memref<10000x128xf32, #tpu.memory_space<hbm>>
      tpu.enqueue_indirect_dma source(%dma_start3A_209 : memref<10000x128xf32, #tpu.memory_space<hbm>>) target(%arg11 : memref<128x128xf32, #tpu.memory_space<vmem>>) offsets(%dma_start3A_206 : memref<128xi32, #tpu.memory_space<vmem>>) semaphore(%arg18 : memref<!tpu.dma_semaphore, #tpu.memory_space<semaphore_mem>>)
      %add3A_210 = arith.constant 4 : i32
      %add3A_211 = arith.addi %mul3A_182, %add3A_210 : i32
      %dma_wait3A_212 = arith.constant 0 : i32
      %dma_wait3A_213 = arith.constant 0 : i32
      %dma_wait3A_214 = tpu.memref_slice %arg6[%dma_wait3A_212, %dma_wait3A_213] : memref<2x128xi32, #tpu.memory_space<vmem>> -> memref<1x128xi32, #tpu.memory_space<vmem>>
      %dma_wait3A_215 = tpu.memref_squeeze %dma_wait3A_214 : memref<1x128xi32, #tpu.memory_space<vmem>> -> memref<128xi32, #tpu.memory_space<vmem>>
      %dma_wait3A_216 = arith.constant 0 : i32
      %dma_wait3A_217 = arith.constant 0 : i32
      %dma_wait3A_218 = tpu.memref_slice %arg2[%dma_wait3A_216, %dma_wait3A_217] : memref<10000x128xf32, #tpu.memory_space<hbm>> -> memref<10000x128xf32, #tpu.memory_space<hbm>>
      tpu.wait_indirect_dma semaphore(%arg17 : memref<!tpu.dma_semaphore, #tpu.memory_space<semaphore_mem>>) src(%dma_wait3A_218 : memref<10000x128xf32, #tpu.memory_space<hbm>>) dst(%arg10 : memref<128x128xf32, #tpu.memory_space<vmem>>)
      %run_scoped3A = arith.constant 1 : i32
      "tpu.region"() ({
        %run_scoped3A_402 = tpu.sem_alloc : memref<!tpu.dma_semaphore, #tpu.memory_space<semaphore_mem>>
        %dma_start3A_403 = arith.constant 0 : i32
        %dma_start3A_404 = tpu.memref_slice %arg6[%run_scoped3A, %dma_start3A_403] : memref<2x128xi32, #tpu.memory_space<vmem>> -> memref<1x128xi32, #tpu.memory_space<vmem>>
        %dma_start3A_405 = tpu.memref_squeeze %dma_start3A_404 : memref<1x128xi32, #tpu.memory_space<vmem>> -> memref<128xi32, #tpu.memory_space<vmem>>
        %dma_start3A_406 = arith.constant 0 : i32
        %dma_start3A_407 = arith.constant 0 : i32
        %dma_start3A_408 = tpu.memref_slice %arg12[%dma_start3A_406, %dma_start3A_407] : memref<10112x128xf32, #tpu.memory_space<vmem_shared>> -> memref<10112x128xf32, #tpu.memory_space<vmem_shared>>
        tpu.enqueue_indirect_dma source(%arg10 : memref<128x128xf32, #tpu.memory_space<vmem>>) target(%dma_start3A_408 : memref<10112x128xf32, #tpu.memory_space<vmem_shared>>) offsets(%dma_start3A_405 : memref<128xi32, #tpu.memory_space<vmem>>) semaphore(%run_scoped3A_402 : memref<!tpu.dma_semaphore, #tpu.memory_space<semaphore_mem>>) {add = true}
        %dma_wait3A_409 = arith.constant 0 : i32
        %dma_wait3A_410 = tpu.memref_slice %arg6[%run_scoped3A, %dma_wait3A_409] : memref<2x128xi32, #tpu.memory_space<vmem>> -> memref<1x128xi32, #tpu.memory_space<vmem>>
        %dma_wait3A_411 = tpu.memref_squeeze %dma_wait3A_410 : memref<1x128xi32, #tpu.memory_space<vmem>> -> memref<128xi32, #tpu.memory_space<vmem>>
        %dma_wait3A_412 = arith.constant 0 : i32
        %dma_wait3A_413 = arith.constant 0 : i32
        %dma_wait3A_414 = tpu.memref_slice %arg12[%dma_wait3A_412, %dma_wait3A_413] : memref<10112x128xf32, #tpu.memory_space<vmem_shared>> -> memref<10112x128xf32, #tpu.memory_space<vmem_shared>>
        tpu.wait_indirect_dma semaphore(%run_scoped3A_402 : memref<!tpu.dma_semaphore, #tpu.memory_space<semaphore_mem>>) src(%arg10 : memref<128x128xf32, #tpu.memory_space<vmem>>) dst(%dma_wait3A_414 : memref<10112x128xf32, #tpu.memory_space<vmem_shared>>)
        tpu.yield
      }) : () -> ()
      %dma_start3A_219 = arith.constant 0 : i32
      %dma_start3A_220 = arith.constant 0 : i32
      %dma_start3A_221 = arith.constant 0 : i32
      %dma_start3A_222 = tpu.memref_slice %arg3[%add3A, %dma_start3A_219, %dma_start3A_220, %dma_start3A_221] : memref<32x88x2x128xi32, #tpu.memory_space<hbm>> -> memref<1x88x2x128xi32, #tpu.memory_space<hbm>>
      %dma_start3A_223 = tpu.memref_squeeze %dma_start3A_222 : memref<1x88x2x128xi32, #tpu.memory_space<hbm>> -> memref<88x2x128xi32, #tpu.memory_space<hbm>>
      %dma_start3A_224 = arith.constant 0 : i32
      %dma_start3A_225 = arith.constant 0 : i32
      %dma_start3A_226 = tpu.memref_slice %dma_start3A_223[%add3A_211, %dma_start3A_224, %dma_start3A_225] : memref<88x2x128xi32, #tpu.memory_space<hbm>> -> memref<1x2x128xi32, #tpu.memory_space<hbm>>
      %dma_start3A_227 = tpu.memref_squeeze %dma_start3A_226 : memref<1x2x128xi32, #tpu.memory_space<hbm>> -> memref<2x128xi32, #tpu.memory_space<hbm>>
      %dma_start3A_228 = arith.constant 0 : i32
      %dma_start3A_229 = arith.constant 0 : i32
      %dma_start3A_230 = arith.constant 0 : i32
      %dma_start3A_231 = tpu.memref_slice %arg3[%add3A, %dma_start3A_228, %dma_start3A_229, %dma_start3A_230] : memref<32x88x2x128xi32, #tpu.memory_space<hbm>> -> memref<1x88x2x128xi32, #tpu.memory_space<hbm>>
      %dma_start3A_232 = tpu.memref_squeeze %dma_start3A_231 : memref<1x88x2x128xi32, #tpu.memory_space<hbm>> -> memref<88x2x128xi32, #tpu.memory_space<hbm>>
      %dma_start3A_233 = arith.constant 0 : i32
      %dma_start3A_234 = arith.constant 0 : i32
      %dma_start3A_235 = tpu.memref_slice %dma_start3A_232[%add3A_211, %dma_start3A_233, %dma_start3A_234] : memref<88x2x128xi32, #tpu.memory_space<hbm>> -> memref<1x2x128xi32, #tpu.memory_space<hbm>>
      %dma_start3A_236 = tpu.memref_squeeze %dma_start3A_235 : memref<1x2x128xi32, #tpu.memory_space<hbm>> -> memref<2x128xi32, #tpu.memory_space<hbm>>
      tpu.enqueue_dma source(%dma_start3A_236 : memref<2x128xi32, #tpu.memory_space<hbm>>) target(%arg6 : memref<2x128xi32, #tpu.memory_space<vmem>>) target_semaphore(%arg13 : memref<!tpu.dma_semaphore, #tpu.memory_space<semaphore_mem>>)
      %add3A_237 = arith.constant 2 : i32
      %add3A_238 = arith.addi %mul3A_182, %add3A_237 : i32
      %dma_wait3A_239 = arith.constant 0 : i32
      %dma_wait3A_240 = arith.constant 0 : i32
      %dma_wait3A_241 = arith.constant 0 : i32
      %dma_wait3A_242 = tpu.memref_slice %arg3[%add3A, %dma_wait3A_239, %dma_wait3A_240, %dma_wait3A_241] : memref<32x88x2x128xi32, #tpu.memory_space<hbm>> -> memref<1x88x2x128xi32, #tpu.memory_space<hbm>>
      %dma_wait3A_243 = tpu.memref_squeeze %dma_wait3A_242 : memref<1x88x2x128xi32, #tpu.memory_space<hbm>> -> memref<88x2x128xi32, #tpu.memory_space<hbm>>
      %dma_wait3A_244 = arith.constant 0 : i32
      %dma_wait3A_245 = arith.constant 0 : i32
      %dma_wait3A_246 = tpu.memref_slice %dma_wait3A_243[%add3A_238, %dma_wait3A_244, %dma_wait3A_245] : memref<88x2x128xi32, #tpu.memory_space<hbm>> -> memref<1x2x128xi32, #tpu.memory_space<hbm>>
      %dma_wait3A_247 = tpu.memref_squeeze %dma_wait3A_246 : memref<1x2x128xi32, #tpu.memory_space<hbm>> -> memref<2x128xi32, #tpu.memory_space<hbm>>
      %dma_wait3A_248 = arith.constant 0 : i32
      %dma_wait3A_249 = arith.constant 0 : i32
      %dma_wait3A_250 = arith.constant 0 : i32
      %dma_wait3A_251 = tpu.memref_slice %arg3[%add3A, %dma_wait3A_248, %dma_wait3A_249, %dma_wait3A_250] : memref<32x88x2x128xi32, #tpu.memory_space<hbm>> -> memref<1x88x2x128xi32, #tpu.memory_space<hbm>>
      %dma_wait3A_252 = tpu.memref_squeeze %dma_wait3A_251 : memref<1x88x2x128xi32, #tpu.memory_space<hbm>> -> memref<88x2x128xi32, #tpu.memory_space<hbm>>
      %dma_wait3A_253 = arith.constant 0 : i32
      %dma_wait3A_254 = arith.constant 0 : i32
      %dma_wait3A_255 = tpu.memref_slice %dma_wait3A_252[%add3A_238, %dma_wait3A_253, %dma_wait3A_254] : memref<88x2x128xi32, #tpu.memory_space<hbm>> -> memref<1x2x128xi32, #tpu.memory_space<hbm>>
      %dma_wait3A_256 = tpu.memref_squeeze %dma_wait3A_255 : memref<1x2x128xi32, #tpu.memory_space<hbm>> -> memref<2x128xi32, #tpu.memory_space<hbm>>
      tpu.wait_dma2 semaphore(%arg15 : memref<!tpu.dma_semaphore, #tpu.memory_space<semaphore_mem>>) src(%dma_wait3A_256 : memref<2x128xi32, #tpu.memory_space<hbm>>) dst(%arg8 : memref<2x128xi32, #tpu.memory_space<vmem>>)
      %dma_start3A_257 = arith.constant 0 : i32
      %dma_start3A_258 = arith.constant 0 : i32
      %dma_start3A_259 = tpu.memref_slice %arg8[%dma_start3A_257, %dma_start3A_258] : memref<2x128xi32, #tpu.memory_space<vmem>> -> memref<1x128xi32, #tpu.memory_space<vmem>>
      %dma_start3A_260 = tpu.memref_squeeze %dma_start3A_259 : memref<1x128xi32, #tpu.memory_space<vmem>> -> memref<128xi32, #tpu.memory_space<vmem>>
      %dma_start3A_261 = arith.constant 0 : i32
      %dma_start3A_262 = arith.constant 0 : i32
      %dma_start3A_263 = tpu.memref_slice %arg2[%dma_start3A_261, %dma_start3A_262] : memref<10000x128xf32, #tpu.memory_space<hbm>> -> memref<10000x128xf32, #tpu.memory_space<hbm>>
      tpu.enqueue_indirect_dma source(%dma_start3A_263 : memref<10000x128xf32, #tpu.memory_space<hbm>>) target(%arg10 : memref<128x128xf32, #tpu.memory_space<vmem>>) offsets(%dma_start3A_260 : memref<128xi32, #tpu.memory_space<vmem>>) semaphore(%arg17 : memref<!tpu.dma_semaphore, #tpu.memory_space<semaphore_mem>>)
      %add3A_264 = arith.constant 5 : i32
      %add3A_265 = arith.addi %mul3A_182, %add3A_264 : i32
      %dma_wait3A_266 = arith.constant 0 : i32
      %dma_wait3A_267 = arith.constant 0 : i32
      %dma_wait3A_268 = tpu.memref_slice %arg7[%dma_wait3A_266, %dma_wait3A_267] : memref<2x128xi32, #tpu.memory_space<vmem>> -> memref<1x128xi32, #tpu.memory_space<vmem>>
      %dma_wait3A_269 = tpu.memref_squeeze %dma_wait3A_268 : memref<1x128xi32, #tpu.memory_space<vmem>> -> memref<128xi32, #tpu.memory_space<vmem>>
      %dma_wait3A_270 = arith.constant 0 : i32
      %dma_wait3A_271 = arith.constant 0 : i32
      %dma_wait3A_272 = tpu.memref_slice %arg2[%dma_wait3A_270, %dma_wait3A_271] : memref<10000x128xf32, #tpu.memory_space<hbm>> -> memref<10000x128xf32, #tpu.memory_space<hbm>>
      tpu.wait_indirect_dma semaphore(%arg18 : memref<!tpu.dma_semaphore, #tpu.memory_space<semaphore_mem>>) src(%dma_wait3A_272 : memref<10000x128xf32, #tpu.memory_space<hbm>>) dst(%arg11 : memref<128x128xf32, #tpu.memory_space<vmem>>)
      %run_scoped3A_273 = arith.constant 1 : i32
      "tpu.region"() ({
        %run_scoped3A_402 = tpu.sem_alloc : memref<!tpu.dma_semaphore, #tpu.memory_space<semaphore_mem>>
        %dma_start3A_403 = arith.constant 0 : i32
        %dma_start3A_404 = tpu.memref_slice %arg7[%run_scoped3A_273, %dma_start3A_403] : memref<2x128xi32, #tpu.memory_space<vmem>> -> memref<1x128xi32, #tpu.memory_space<vmem>>
        %dma_start3A_405 = tpu.memref_squeeze %dma_start3A_404 : memref<1x128xi32, #tpu.memory_space<vmem>> -> memref<128xi32, #tpu.memory_space<vmem>>
        %dma_start3A_406 = arith.constant 0 : i32
        %dma_start3A_407 = arith.constant 0 : i32
        %dma_start3A_408 = tpu.memref_slice %arg12[%dma_start3A_406, %dma_start3A_407] : memref<10112x128xf32, #tpu.memory_space<vmem_shared>> -> memref<10112x128xf32, #tpu.memory_space<vmem_shared>>
        tpu.enqueue_indirect_dma source(%arg11 : memref<128x128xf32, #tpu.memory_space<vmem>>) target(%dma_start3A_408 : memref<10112x128xf32, #tpu.memory_space<vmem_shared>>) offsets(%dma_start3A_405 : memref<128xi32, #tpu.memory_space<vmem>>) semaphore(%run_scoped3A_402 : memref<!tpu.dma_semaphore, #tpu.memory_space<semaphore_mem>>) {add = true}
        %dma_wait3A_409 = arith.constant 0 : i32
        %dma_wait3A_410 = tpu.memref_slice %arg7[%run_scoped3A_273, %dma_wait3A_409] : memref<2x128xi32, #tpu.memory_space<vmem>> -> memref<1x128xi32, #tpu.memory_space<vmem>>
        %dma_wait3A_411 = tpu.memref_squeeze %dma_wait3A_410 : memref<1x128xi32, #tpu.memory_space<vmem>> -> memref<128xi32, #tpu.memory_space<vmem>>
        %dma_wait3A_412 = arith.constant 0 : i32
        %dma_wait3A_413 = arith.constant 0 : i32
        %dma_wait3A_414 = tpu.memref_slice %arg12[%dma_wait3A_412, %dma_wait3A_413] : memref<10112x128xf32, #tpu.memory_space<vmem_shared>> -> memref<10112x128xf32, #tpu.memory_space<vmem_shared>>
        tpu.wait_indirect_dma semaphore(%run_scoped3A_402 : memref<!tpu.dma_semaphore, #tpu.memory_space<semaphore_mem>>) src(%arg11 : memref<128x128xf32, #tpu.memory_space<vmem>>) dst(%dma_wait3A_414 : memref<10112x128xf32, #tpu.memory_space<vmem_shared>>)
        tpu.yield
      }) : () -> ()
      %dma_start3A_274 = arith.constant 0 : i32
      %dma_start3A_275 = arith.constant 0 : i32
      %dma_start3A_276 = arith.constant 0 : i32
      %dma_start3A_277 = tpu.memref_slice %arg3[%add3A, %dma_start3A_274, %dma_start3A_275, %dma_start3A_276] : memref<32x88x2x128xi32, #tpu.memory_space<hbm>> -> memref<1x88x2x128xi32, #tpu.memory_space<hbm>>
      %dma_start3A_278 = tpu.memref_squeeze %dma_start3A_277 : memref<1x88x2x128xi32, #tpu.memory_space<hbm>> -> memref<88x2x128xi32, #tpu.memory_space<hbm>>
      %dma_start3A_279 = arith.constant 0 : i32
      %dma_start3A_280 = arith.constant 0 : i32
      %dma_start3A_281 = tpu.memref_slice %dma_start3A_278[%add3A_265, %dma_start3A_279, %dma_start3A_280] : memref<88x2x128xi32, #tpu.memory_space<hbm>> -> memref<1x2x128xi32, #tpu.memory_space<hbm>>
      %dma_start3A_282 = tpu.memref_squeeze %dma_start3A_281 : memref<1x2x128xi32, #tpu.memory_space<hbm>> -> memref<2x128xi32, #tpu.memory_space<hbm>>
      %dma_start3A_283 = arith.constant 0 : i32
      %dma_start3A_284 = arith.constant 0 : i32
      %dma_start3A_285 = arith.constant 0 : i32
      %dma_start3A_286 = tpu.memref_slice %arg3[%add3A, %dma_start3A_283, %dma_start3A_284, %dma_start3A_285] : memref<32x88x2x128xi32, #tpu.memory_space<hbm>> -> memref<1x88x2x128xi32, #tpu.memory_space<hbm>>
      %dma_start3A_287 = tpu.memref_squeeze %dma_start3A_286 : memref<1x88x2x128xi32, #tpu.memory_space<hbm>> -> memref<88x2x128xi32, #tpu.memory_space<hbm>>
      %dma_start3A_288 = arith.constant 0 : i32
      %dma_start3A_289 = arith.constant 0 : i32
      %dma_start3A_290 = tpu.memref_slice %dma_start3A_287[%add3A_265, %dma_start3A_288, %dma_start3A_289] : memref<88x2x128xi32, #tpu.memory_space<hbm>> -> memref<1x2x128xi32, #tpu.memory_space<hbm>>
      %dma_start3A_291 = tpu.memref_squeeze %dma_start3A_290 : memref<1x2x128xi32, #tpu.memory_space<hbm>> -> memref<2x128xi32, #tpu.memory_space<hbm>>
      tpu.enqueue_dma source(%dma_start3A_291 : memref<2x128xi32, #tpu.memory_space<hbm>>) target(%arg7 : memref<2x128xi32, #tpu.memory_space<vmem>>) target_semaphore(%arg14 : memref<!tpu.dma_semaphore, #tpu.memory_space<semaphore_mem>>)
      %add3A_292 = arith.constant 3 : i32
      %add3A_293 = arith.addi %mul3A_182, %add3A_292 : i32
      %dma_wait3A_294 = arith.constant 0 : i32
      %dma_wait3A_295 = arith.constant 0 : i32
      %dma_wait3A_296 = arith.constant 0 : i32
      %dma_wait3A_297 = tpu.memref_slice %arg3[%add3A, %dma_wait3A_294, %dma_wait3A_295, %dma_wait3A_296] : memref<32x88x2x128xi32, #tpu.memory_space<hbm>> -> memref<1x88x2x128xi32, #tpu.memory_space<hbm>>
      %dma_wait3A_298 = tpu.memref_squeeze %dma_wait3A_297 : memref<1x88x2x128xi32, #tpu.memory_space<hbm>> -> memref<88x2x128xi32, #tpu.memory_space<hbm>>
      %dma_wait3A_299 = arith.constant 0 : i32
      %dma_wait3A_300 = arith.constant 0 : i32
      %dma_wait3A_301 = tpu.memref_slice %dma_wait3A_298[%add3A_293, %dma_wait3A_299, %dma_wait3A_300] : memref<88x2x128xi32, #tpu.memory_space<hbm>> -> memref<1x2x128xi32, #tpu.memory_space<hbm>>
      %dma_wait3A_302 = tpu.memref_squeeze %dma_wait3A_301 : memref<1x2x128xi32, #tpu.memory_space<hbm>> -> memref<2x128xi32, #tpu.memory_space<hbm>>
      %dma_wait3A_303 = arith.constant 0 : i32
      %dma_wait3A_304 = arith.constant 0 : i32
      %dma_wait3A_305 = arith.constant 0 : i32
      %dma_wait3A_306 = tpu.memref_slice %arg3[%add3A, %dma_wait3A_303, %dma_wait3A_304, %dma_wait3A_305] : memref<32x88x2x128xi32, #tpu.memory_space<hbm>> -> memref<1x88x2x128xi32, #tpu.memory_space<hbm>>
      %dma_wait3A_307 = tpu.memref_squeeze %dma_wait3A_306 : memref<1x88x2x128xi32, #tpu.memory_space<hbm>> -> memref<88x2x128xi32, #tpu.memory_space<hbm>>
      %dma_wait3A_308 = arith.constant 0 : i32
      %dma_wait3A_309 = arith.constant 0 : i32
      %dma_wait3A_310 = tpu.memref_slice %dma_wait3A_307[%add3A_293, %dma_wait3A_308, %dma_wait3A_309] : memref<88x2x128xi32, #tpu.memory_space<hbm>> -> memref<1x2x128xi32, #tpu.memory_space<hbm>>
      %dma_wait3A_311 = tpu.memref_squeeze %dma_wait3A_310 : memref<1x2x128xi32, #tpu.memory_space<hbm>> -> memref<2x128xi32, #tpu.memory_space<hbm>>
      tpu.wait_dma2 semaphore(%arg16 : memref<!tpu.dma_semaphore, #tpu.memory_space<semaphore_mem>>) src(%dma_wait3A_311 : memref<2x128xi32, #tpu.memory_space<hbm>>) dst(%arg9 : memref<2x128xi32, #tpu.memory_space<vmem>>)
      %dma_start3A_312 = arith.constant 0 : i32
      %dma_start3A_313 = arith.constant 0 : i32
      %dma_start3A_314 = tpu.memref_slice %arg9[%dma_start3A_312, %dma_start3A_313] : memref<2x128xi32, #tpu.memory_space<vmem>> -> memref<1x128xi32, #tpu.memory_space<vmem>>
      %dma_start3A_315 = tpu.memref_squeeze %dma_start3A_314 : memref<1x128xi32, #tpu.memory_space<vmem>> -> memref<128xi32, #tpu.memory_space<vmem>>
      %dma_start3A_316 = arith.constant 0 : i32
      %dma_start3A_317 = arith.constant 0 : i32
      %dma_start3A_318 = tpu.memref_slice %arg2[%dma_start3A_316, %dma_start3A_317] : memref<10000x128xf32, #tpu.memory_space<hbm>> -> memref<10000x128xf32, #tpu.memory_space<hbm>>
      tpu.enqueue_indirect_dma source(%dma_start3A_318 : memref<10000x128xf32, #tpu.memory_space<hbm>>) target(%arg11 : memref<128x128xf32, #tpu.memory_space<vmem>>) offsets(%dma_start3A_315 : memref<128xi32, #tpu.memory_space<vmem>>) semaphore(%arg18 : memref<!tpu.dma_semaphore, #tpu.memory_space<semaphore_mem>>)
      %add3A_319 = arith.constant 6 : i32
      %add3A_320 = arith.addi %mul3A_182, %add3A_319 : i32
      %dma_wait3A_321 = arith.constant 0 : i32
      %dma_wait3A_322 = arith.constant 0 : i32
      %dma_wait3A_323 = tpu.memref_slice %arg8[%dma_wait3A_321, %dma_wait3A_322] : memref<2x128xi32, #tpu.memory_space<vmem>> -> memref<1x128xi32, #tpu.memory_space<vmem>>
      %dma_wait3A_324 = tpu.memref_squeeze %dma_wait3A_323 : memref<1x128xi32, #tpu.memory_space<vmem>> -> memref<128xi32, #tpu.memory_space<vmem>>
      %dma_wait3A_325 = arith.constant 0 : i32
      %dma_wait3A_326 = arith.constant 0 : i32
      %dma_wait3A_327 = tpu.memref_slice %arg2[%dma_wait3A_325, %dma_wait3A_326] : memref<10000x128xf32, #tpu.memory_space<hbm>> -> memref<10000x128xf32, #tpu.memory_space<hbm>>
      tpu.wait_indirect_dma semaphore(%arg17 : memref<!tpu.dma_semaphore, #tpu.memory_space<semaphore_mem>>) src(%dma_wait3A_327 : memref<10000x128xf32, #tpu.memory_space<hbm>>) dst(%arg10 : memref<128x128xf32, #tpu.memory_space<vmem>>)
      %run_scoped3A_328 = arith.constant 1 : i32
      "tpu.region"() ({
        %run_scoped3A_402 = tpu.sem_alloc : memref<!tpu.dma_semaphore, #tpu.memory_space<semaphore_mem>>
        %dma_start3A_403 = arith.constant 0 : i32
        %dma_start3A_404 = tpu.memref_slice %arg8[%run_scoped3A_328, %dma_start3A_403] : memref<2x128xi32, #tpu.memory_space<vmem>> -> memref<1x128xi32, #tpu.memory_space<vmem>>
        %dma_start3A_405 = tpu.memref_squeeze %dma_start3A_404 : memref<1x128xi32, #tpu.memory_space<vmem>> -> memref<128xi32, #tpu.memory_space<vmem>>
        %dma_start3A_406 = arith.constant 0 : i32
        %dma_start3A_407 = arith.constant 0 : i32
        %dma_start3A_408 = tpu.memref_slice %arg12[%dma_start3A_406, %dma_start3A_407] : memref<10112x128xf32, #tpu.memory_space<vmem_shared>> -> memref<10112x128xf32, #tpu.memory_space<vmem_shared>>
        tpu.enqueue_indirect_dma source(%arg10 : memref<128x128xf32, #tpu.memory_space<vmem>>) target(%dma_start3A_408 : memref<10112x128xf32, #tpu.memory_space<vmem_shared>>) offsets(%dma_start3A_405 : memref<128xi32, #tpu.memory_space<vmem>>) semaphore(%run_scoped3A_402 : memref<!tpu.dma_semaphore, #tpu.memory_space<semaphore_mem>>) {add = true}
        %dma_wait3A_409 = arith.constant 0 : i32
        %dma_wait3A_410 = tpu.memref_slice %arg8[%run_scoped3A_328, %dma_wait3A_409] : memref<2x128xi32, #tpu.memory_space<vmem>> -> memref<1x128xi32, #tpu.memory_space<vmem>>
        %dma_wait3A_411 = tpu.memref_squeeze %dma_wait3A_410 : memref<1x128xi32, #tpu.memory_space<vmem>> -> memref<128xi32, #tpu.memory_space<vmem>>
        %dma_wait3A_412 = arith.constant 0 : i32
        %dma_wait3A_413 = arith.constant 0 : i32
        %dma_wait3A_414 = tpu.memref_slice %arg12[%dma_wait3A_412, %dma_wait3A_413] : memref<10112x128xf32, #tpu.memory_space<vmem_shared>> -> memref<10112x128xf32, #tpu.memory_space<vmem_shared>>
        tpu.wait_indirect_dma semaphore(%run_scoped3A_402 : memref<!tpu.dma_semaphore, #tpu.memory_space<semaphore_mem>>) src(%arg10 : memref<128x128xf32, #tpu.memory_space<vmem>>) dst(%dma_wait3A_414 : memref<10112x128xf32, #tpu.memory_space<vmem_shared>>)
        tpu.yield
      }) : () -> ()
      %dma_start3A_329 = arith.constant 0 : i32
      %dma_start3A_330 = arith.constant 0 : i32
      %dma_start3A_331 = arith.constant 0 : i32
      %dma_start3A_332 = tpu.memref_slice %arg3[%add3A, %dma_start3A_329, %dma_start3A_330, %dma_start3A_331] : memref<32x88x2x128xi32, #tpu.memory_space<hbm>> -> memref<1x88x2x128xi32, #tpu.memory_space<hbm>>
      %dma_start3A_333 = tpu.memref_squeeze %dma_start3A_332 : memref<1x88x2x128xi32, #tpu.memory_space<hbm>> -> memref<88x2x128xi32, #tpu.memory_space<hbm>>
      %dma_start3A_334 = arith.constant 0 : i32
      %dma_start3A_335 = arith.constant 0 : i32
      %dma_start3A_336 = tpu.memref_slice %dma_start3A_333[%add3A_320, %dma_start3A_334, %dma_start3A_335] : memref<88x2x128xi32, #tpu.memory_space<hbm>> -> memref<1x2x128xi32, #tpu.memory_space<hbm>>
      %dma_start3A_337 = tpu.memref_squeeze %dma_start3A_336 : memref<1x2x128xi32, #tpu.memory_space<hbm>> -> memref<2x128xi32, #tpu.memory_space<hbm>>
      %dma_start3A_338 = arith.constant 0 : i32
      %dma_start3A_339 = arith.constant 0 : i32
      %dma_start3A_340 = arith.constant 0 : i32
      %dma_start3A_341 = tpu.memref_slice %arg3[%add3A, %dma_start3A_338, %dma_start3A_339, %dma_start3A_340] : memref<32x88x2x128xi32, #tpu.memory_space<hbm>> -> memref<1x88x2x128xi32, #tpu.memory_space<hbm>>
      %dma_start3A_342 = tpu.memref_squeeze %dma_start3A_341 : memref<1x88x2x128xi32, #tpu.memory_space<hbm>> -> memref<88x2x128xi32, #tpu.memory_space<hbm>>
      %dma_start3A_343 = arith.constant 0 : i32
      %dma_start3A_344 = arith.constant 0 : i32
      %dma_start3A_345 = tpu.memref_slice %dma_start3A_342[%add3A_320, %dma_start3A_343, %dma_start3A_344] : memref<88x2x128xi32, #tpu.memory_space<hbm>> -> memref<1x2x128xi32, #tpu.memory_space<hbm>>
      %dma_start3A_346 = tpu.memref_squeeze %dma_start3A_345 : memref<1x2x128xi32, #tpu.memory_space<hbm>> -> memref<2x128xi32, #tpu.memory_space<hbm>>
      tpu.enqueue_dma source(%dma_start3A_346 : memref<2x128xi32, #tpu.memory_space<hbm>>) target(%arg8 : memref<2x128xi32, #tpu.memory_space<vmem>>) target_semaphore(%arg15 : memref<!tpu.dma_semaphore, #tpu.memory_space<semaphore_mem>>)
      %add3A_347 = arith.constant 4 : i32
      %add3A_348 = arith.addi %mul3A_182, %add3A_347 : i32
      %dma_wait3A_349 = arith.constant 0 : i32
      %dma_wait3A_350 = arith.constant 0 : i32
      %dma_wait3A_351 = arith.constant 0 : i32
      %dma_wait3A_352 = tpu.memref_slice %arg3[%add3A, %dma_wait3A_349, %dma_wait3A_350, %dma_wait3A_351] : memref<32x88x2x128xi32, #tpu.memory_space<hbm>> -> memref<1x88x2x128xi32, #tpu.memory_space<hbm>>
      %dma_wait3A_353 = tpu.memref_squeeze %dma_wait3A_352 : memref<1x88x2x128xi32, #tpu.memory_space<hbm>> -> memref<88x2x128xi32, #tpu.memory_space<hbm>>
      %dma_wait3A_354 = arith.constant 0 : i32
      %dma_wait3A_355 = arith.constant 0 : i32
      %dma_wait3A_356 = tpu.memref_slice %dma_wait3A_353[%add3A_348, %dma_wait3A_354, %dma_wait3A_355] : memref<88x2x128xi32, #tpu.memory_space<hbm>> -> memref<1x2x128xi32, #tpu.memory_space<hbm>>
      %dma_wait3A_357 = tpu.memref_squeeze %dma_wait3A_356 : memref<1x2x128xi32, #tpu.memory_space<hbm>> -> memref<2x128xi32, #tpu.memory_space<hbm>>
      %dma_wait3A_358 = arith.constant 0 : i32
      %dma_wait3A_359 = arith.constant 0 : i32
      %dma_wait3A_360 = arith.constant 0 : i32
      %dma_wait3A_361 = tpu.memref_slice %arg3[%add3A, %dma_wait3A_358, %dma_wait3A_359, %dma_wait3A_360] : memref<32x88x2x128xi32, #tpu.memory_space<hbm>> -> memref<1x88x2x128xi32, #tpu.memory_space<hbm>>
      %dma_wait3A_362 = tpu.memref_squeeze %dma_wait3A_361 : memref<1x88x2x128xi32, #tpu.memory_space<hbm>> -> memref<88x2x128xi32, #tpu.memory_space<hbm>>
      %dma_wait3A_363 = arith.constant 0 : i32
      %dma_wait3A_364 = arith.constant 0 : i32
      %dma_wait3A_365 = tpu.memref_slice %dma_wait3A_362[%add3A_348, %dma_wait3A_363, %dma_wait3A_364] : memref<88x2x128xi32, #tpu.memory_space<hbm>> -> memref<1x2x128xi32, #tpu.memory_space<hbm>>
      %dma_wait3A_366 = tpu.memref_squeeze %dma_wait3A_365 : memref<1x2x128xi32, #tpu.memory_space<hbm>> -> memref<2x128xi32, #tpu.memory_space<hbm>>
      tpu.wait_dma2 semaphore(%arg13 : memref<!tpu.dma_semaphore, #tpu.memory_space<semaphore_mem>>) src(%dma_wait3A_366 : memref<2x128xi32, #tpu.memory_space<hbm>>) dst(%arg6 : memref<2x128xi32, #tpu.memory_space<vmem>>)
      %dma_start3A_367 = arith.constant 0 : i32
      %dma_start3A_368 = arith.constant 0 : i32
      %dma_start3A_369 = tpu.memref_slice %arg6[%dma_start3A_367, %dma_start3A_368] : memref<2x128xi32, #tpu.memory_space<vmem>> -> memref<1x128xi32, #tpu.memory_space<vmem>>
      %dma_start3A_370 = tpu.memref_squeeze %dma_start3A_369 : memref<1x128xi32, #tpu.memory_space<vmem>> -> memref<128xi32, #tpu.memory_space<vmem>>
      %dma_start3A_371 = arith.constant 0 : i32
      %dma_start3A_372 = arith.constant 0 : i32
      %dma_start3A_373 = tpu.memref_slice %arg2[%dma_start3A_371, %dma_start3A_372] : memref<10000x128xf32, #tpu.memory_space<hbm>> -> memref<10000x128xf32, #tpu.memory_space<hbm>>
      tpu.enqueue_indirect_dma source(%dma_start3A_373 : memref<10000x128xf32, #tpu.memory_space<hbm>>) target(%arg10 : memref<128x128xf32, #tpu.memory_space<vmem>>) offsets(%dma_start3A_370 : memref<128xi32, #tpu.memory_space<vmem>>) semaphore(%arg17 : memref<!tpu.dma_semaphore, #tpu.memory_space<semaphore_mem>>)
      %add3A_374 = arith.constant 7 : i32
      %add3A_375 = arith.addi %mul3A_182, %add3A_374 : i32
      %dma_wait3A_376 = arith.constant 0 : i32
      %dma_wait3A_377 = arith.constant 0 : i32
      %dma_wait3A_378 = tpu.memref_slice %arg9[%dma_wait3A_376, %dma_wait3A_377] : memref<2x128xi32, #tpu.memory_space<vmem>> -> memref<1x128xi32, #tpu.memory_space<vmem>>
      %dma_wait3A_379 = tpu.memref_squeeze %dma_wait3A_378 : memref<1x128xi32, #tpu.memory_space<vmem>> -> memref<128xi32, #tpu.memory_space<vmem>>
      %dma_wait3A_380 = arith.constant 0 : i32
      %dma_wait3A_381 = arith.constant 0 : i32
      %dma_wait3A_382 = tpu.memref_slice %arg2[%dma_wait3A_380, %dma_wait3A_381] : memref<10000x128xf32, #tpu.memory_space<hbm>> -> memref<10000x128xf32, #tpu.memory_space<hbm>>
      tpu.wait_indirect_dma semaphore(%arg18 : memref<!tpu.dma_semaphore, #tpu.memory_space<semaphore_mem>>) src(%dma_wait3A_382 : memref<10000x128xf32, #tpu.memory_space<hbm>>) dst(%arg11 : memref<128x128xf32, #tpu.memory_space<vmem>>)
      %run_scoped3A_383 = arith.constant 1 : i32
      "tpu.region"() ({
        %run_scoped3A_402 = tpu.sem_alloc : memref<!tpu.dma_semaphore, #tpu.memory_space<semaphore_mem>>
        %dma_start3A_403 = arith.constant 0 : i32
        %dma_start3A_404 = tpu.memref_slice %arg9[%run_scoped3A_383, %dma_start3A_403] : memref<2x128xi32, #tpu.memory_space<vmem>> -> memref<1x128xi32, #tpu.memory_space<vmem>>
        %dma_start3A_405 = tpu.memref_squeeze %dma_start3A_404 : memref<1x128xi32, #tpu.memory_space<vmem>> -> memref<128xi32, #tpu.memory_space<vmem>>
        %dma_start3A_406 = arith.constant 0 : i32
        %dma_start3A_407 = arith.constant 0 : i32
        %dma_start3A_408 = tpu.memref_slice %arg12[%dma_start3A_406, %dma_start3A_407] : memref<10112x128xf32, #tpu.memory_space<vmem_shared>> -> memref<10112x128xf32, #tpu.memory_space<vmem_shared>>
        tpu.enqueue_indirect_dma source(%arg11 : memref<128x128xf32, #tpu.memory_space<vmem>>) target(%dma_start3A_408 : memref<10112x128xf32, #tpu.memory_space<vmem_shared>>) offsets(%dma_start3A_405 : memref<128xi32, #tpu.memory_space<vmem>>) semaphore(%run_scoped3A_402 : memref<!tpu.dma_semaphore, #tpu.memory_space<semaphore_mem>>) {add = true}
        %dma_wait3A_409 = arith.constant 0 : i32
        %dma_wait3A_410 = tpu.memref_slice %arg9[%run_scoped3A_383, %dma_wait3A_409] : memref<2x128xi32, #tpu.memory_space<vmem>> -> memref<1x128xi32, #tpu.memory_space<vmem>>
        %dma_wait3A_411 = tpu.memref_squeeze %dma_wait3A_410 : memref<1x128xi32, #tpu.memory_space<vmem>> -> memref<128xi32, #tpu.memory_space<vmem>>
        %dma_wait3A_412 = arith.constant 0 : i32
        %dma_wait3A_413 = arith.constant 0 : i32
        %dma_wait3A_414 = tpu.memref_slice %arg12[%dma_wait3A_412, %dma_wait3A_413] : memref<10112x128xf32, #tpu.memory_space<vmem_shared>> -> memref<10112x128xf32, #tpu.memory_space<vmem_shared>>
        tpu.wait_indirect_dma semaphore(%run_scoped3A_402 : memref<!tpu.dma_semaphore, #tpu.memory_space<semaphore_mem>>) src(%arg11 : memref<128x128xf32, #tpu.memory_space<vmem>>) dst(%dma_wait3A_414 : memref<10112x128xf32, #tpu.memory_space<vmem_shared>>)
        tpu.yield
      }) : () -> ()
      %dma_start3A_384 = arith.constant 0 : i32
      %dma_start3A_385 = arith.constant 0 : i32
      %dma_start3A_386 = arith.constant 0 : i32
      %dma_start3A_387 = tpu.memref_slice %arg3[%add3A, %dma_start3A_384, %dma_start3A_385, %dma_start3A_386] : memref<32x88x2x128xi32, #tpu.memory_space<hbm>> -> memref<1x88x2x128xi32, #tpu.memory_space<hbm>>
      %dma_start3A_388 = tpu.memref_squeeze %dma_start3A_387 : memref<1x88x2x128xi32, #tpu.memory_space<hbm>> -> memref<88x2x128xi32, #tpu.memory_space<hbm>>
      %dma_start3A_389 = arith.constant 0 : i32
      %dma_start3A_390 = arith.constant 0 : i32
      %dma_start3A_391 = tpu.memref_slice %dma_start3A_388[%add3A_375, %dma_start3A_389, %dma_start3A_390] : memref<88x2x128xi32, #tpu.memory_space<hbm>> -> memref<1x2x128xi32, #tpu.memory_space<hbm>>
      %dma_start3A_392 = tpu.memref_squeeze %dma_start3A_391 : memref<1x2x128xi32, #tpu.memory_space<hbm>> -> memref<2x128xi32, #tpu.memory_space<hbm>>
      %dma_start3A_393 = arith.constant 0 : i32
      %dma_start3A_394 = arith.constant 0 : i32
      %dma_start3A_395 = arith.constant 0 : i32
      %dma_start3A_396 = tpu.memref_slice %arg3[%add3A, %dma_start3A_393, %dma_start3A_394, %dma_start3A_395] : memref<32x88x2x128xi32, #tpu.memory_space<hbm>> -> memref<1x88x2x128xi32, #tpu.memory_space<hbm>>
      %dma_start3A_397 = tpu.memref_squeeze %dma_start3A_396 : memref<1x88x2x128xi32, #tpu.memory_space<hbm>> -> memref<88x2x128xi32, #tpu.memory_space<hbm>>
      %dma_start3A_398 = arith.constant 0 : i32
      %dma_start3A_399 = arith.constant 0 : i32
      %dma_start3A_400 = tpu.memref_slice %dma_start3A_397[%add3A_375, %dma_start3A_398, %dma_start3A_399] : memref<88x2x128xi32, #tpu.memory_space<hbm>> -> memref<1x2x128xi32, #tpu.memory_space<hbm>>
      %dma_start3A_401 = tpu.memref_squeeze %dma_start3A_400 : memref<1x2x128xi32, #tpu.memory_space<hbm>> -> memref<2x128xi32, #tpu.memory_space<hbm>>
      tpu.enqueue_dma source(%dma_start3A_401 : memref<2x128xi32, #tpu.memory_space<hbm>>) target(%arg9 : memref<2x128xi32, #tpu.memory_space<vmem>>) target_semaphore(%arg16 : memref<!tpu.dma_semaphore, #tpu.memory_space<semaphore_mem>>)
    }
    %scan3A_106 = arith.constant 20 : i32
    %dma_wait3A_107 = arith.constant 0 : i32
    %dma_wait3A_108 = arith.constant 0 : i32
    %dma_wait3A_109 = tpu.memref_slice %arg6[%dma_wait3A_107, %dma_wait3A_108] : memref<2x128xi32, #tpu.memory_space<vmem>> -> memref<1x128xi32, #tpu.memory_space<vmem>>
    %dma_wait3A_110 = tpu.memref_squeeze %dma_wait3A_109 : memref<1x128xi32, #tpu.memory_space<vmem>> -> memref<128xi32, #tpu.memory_space<vmem>>
    %dma_wait3A_111 = arith.constant 0 : i32
    %dma_wait3A_112 = arith.constant 0 : i32
    %dma_wait3A_113 = tpu.memref_slice %arg2[%dma_wait3A_111, %dma_wait3A_112] : memref<10000x128xf32, #tpu.memory_space<hbm>> -> memref<10000x128xf32, #tpu.memory_space<hbm>>
    tpu.wait_indirect_dma semaphore(%arg17 : memref<!tpu.dma_semaphore, #tpu.memory_space<semaphore_mem>>) src(%dma_wait3A_113 : memref<10000x128xf32, #tpu.memory_space<hbm>>) dst(%arg10 : memref<128x128xf32, #tpu.memory_space<vmem>>)
    %dma_wait3A_114 = arith.constant 81 : i32
    %dma_wait3A_115 = arith.constant 0 : i32
    %dma_wait3A_116 = arith.constant 0 : i32
    %dma_wait3A_117 = arith.constant 0 : i32
    %dma_wait3A_118 = tpu.memref_slice %arg3[%add3A, %dma_wait3A_115, %dma_wait3A_116, %dma_wait3A_117] : memref<32x88x2x128xi32, #tpu.memory_space<hbm>> -> memref<1x88x2x128xi32, #tpu.memory_space<hbm>>
    %dma_wait3A_119 = tpu.memref_squeeze %dma_wait3A_118 : memref<1x88x2x128xi32, #tpu.memory_space<hbm>> -> memref<88x2x128xi32, #tpu.memory_space<hbm>>
    %dma_wait3A_120 = arith.constant 0 : i32
    %dma_wait3A_121 = arith.constant 0 : i32
    %dma_wait3A_122 = tpu.memref_slice %dma_wait3A_119[%dma_wait3A_114, %dma_wait3A_120, %dma_wait3A_121] : memref<88x2x128xi32, #tpu.memory_space<hbm>> -> memref<1x2x128xi32, #tpu.memory_space<hbm>>
    %dma_wait3A_123 = tpu.memref_squeeze %dma_wait3A_122 : memref<1x2x128xi32, #tpu.memory_space<hbm>> -> memref<2x128xi32, #tpu.memory_space<hbm>>
    %dma_wait3A_124 = arith.constant 0 : i32
    %dma_wait3A_125 = arith.constant 0 : i32
    %dma_wait3A_126 = arith.constant 0 : i32
    %dma_wait3A_127 = tpu.memref_slice %arg3[%add3A, %dma_wait3A_124, %dma_wait3A_125, %dma_wait3A_126] : memref<32x88x2x128xi32, #tpu.memory_space<hbm>> -> memref<1x88x2x128xi32, #tpu.memory_space<hbm>>
    %dma_wait3A_128 = tpu.memref_squeeze %dma_wait3A_127 : memref<1x88x2x128xi32, #tpu.memory_space<hbm>> -> memref<88x2x128xi32, #tpu.memory_space<hbm>>
    %dma_wait3A_129 = arith.constant 0 : i32
    %dma_wait3A_130 = arith.constant 0 : i32
    %dma_wait3A_131 = tpu.memref_slice %dma_wait3A_128[%dma_wait3A_114, %dma_wait3A_129, %dma_wait3A_130] : memref<88x2x128xi32, #tpu.memory_space<hbm>> -> memref<1x2x128xi32, #tpu.memory_space<hbm>>
    %dma_wait3A_132 = tpu.memref_squeeze %dma_wait3A_131 : memref<1x2x128xi32, #tpu.memory_space<hbm>> -> memref<2x128xi32, #tpu.memory_space<hbm>>
    tpu.wait_dma2 semaphore(%arg14 : memref<!tpu.dma_semaphore, #tpu.memory_space<semaphore_mem>>) src(%dma_wait3A_132 : memref<2x128xi32, #tpu.memory_space<hbm>>) dst(%arg7 : memref<2x128xi32, #tpu.memory_space<vmem>>)
    %dma_wait3A_133 = arith.constant 82 : i32
    %dma_wait3A_134 = arith.constant 0 : i32
    %dma_wait3A_135 = arith.constant 0 : i32
    %dma_wait3A_136 = arith.constant 0 : i32
    %dma_wait3A_137 = tpu.memref_slice %arg3[%add3A, %dma_wait3A_134, %dma_wait3A_135, %dma_wait3A_136] : memref<32x88x2x128xi32, #tpu.memory_space<hbm>> -> memref<1x88x2x128xi32, #tpu.memory_space<hbm>>
    %dma_wait3A_138 = tpu.memref_squeeze %dma_wait3A_137 : memref<1x88x2x128xi32, #tpu.memory_space<hbm>> -> memref<88x2x128xi32, #tpu.memory_space<hbm>>
    %dma_wait3A_139 = arith.constant 0 : i32
    %dma_wait3A_140 = arith.constant 0 : i32
    %dma_wait3A_141 = tpu.memref_slice %dma_wait3A_138[%dma_wait3A_133, %dma_wait3A_139, %dma_wait3A_140] : memref<88x2x128xi32, #tpu.memory_space<hbm>> -> memref<1x2x128xi32, #tpu.memory_space<hbm>>
    %dma_wait3A_142 = tpu.memref_squeeze %dma_wait3A_141 : memref<1x2x128xi32, #tpu.memory_space<hbm>> -> memref<2x128xi32, #tpu.memory_space<hbm>>
    %dma_wait3A_143 = arith.constant 0 : i32
    %dma_wait3A_144 = arith.constant 0 : i32
    %dma_wait3A_145 = arith.constant 0 : i32
    %dma_wait3A_146 = tpu.memref_slice %arg3[%add3A, %dma_wait3A_143, %dma_wait3A_144, %dma_wait3A_145] : memref<32x88x2x128xi32, #tpu.memory_space<hbm>> -> memref<1x88x2x128xi32, #tpu.memory_space<hbm>>
    %dma_wait3A_147 = tpu.memref_squeeze %dma_wait3A_146 : memref<1x88x2x128xi32, #tpu.memory_space<hbm>> -> memref<88x2x128xi32, #tpu.memory_space<hbm>>
    %dma_wait3A_148 = arith.constant 0 : i32
    %dma_wait3A_149 = arith.constant 0 : i32
    %dma_wait3A_150 = tpu.memref_slice %dma_wait3A_147[%dma_wait3A_133, %dma_wait3A_148, %dma_wait3A_149] : memref<88x2x128xi32, #tpu.memory_space<hbm>> -> memref<1x2x128xi32, #tpu.memory_space<hbm>>
    %dma_wait3A_151 = tpu.memref_squeeze %dma_wait3A_150 : memref<1x2x128xi32, #tpu.memory_space<hbm>> -> memref<2x128xi32, #tpu.memory_space<hbm>>
    tpu.wait_dma2 semaphore(%arg15 : memref<!tpu.dma_semaphore, #tpu.memory_space<semaphore_mem>>) src(%dma_wait3A_151 : memref<2x128xi32, #tpu.memory_space<hbm>>) dst(%arg8 : memref<2x128xi32, #tpu.memory_space<vmem>>)
    %dma_wait3A_152 = arith.constant 83 : i32
    %dma_wait3A_153 = arith.constant 0 : i32
    %dma_wait3A_154 = arith.constant 0 : i32
    %dma_wait3A_155 = arith.constant 0 : i32
    %dma_wait3A_156 = tpu.memref_slice %arg3[%add3A, %dma_wait3A_153, %dma_wait3A_154, %dma_wait3A_155] : memref<32x88x2x128xi32, #tpu.memory_space<hbm>> -> memref<1x88x2x128xi32, #tpu.memory_space<hbm>>
    %dma_wait3A_157 = tpu.memref_squeeze %dma_wait3A_156 : memref<1x88x2x128xi32, #tpu.memory_space<hbm>> -> memref<88x2x128xi32, #tpu.memory_space<hbm>>
    %dma_wait3A_158 = arith.constant 0 : i32
    %dma_wait3A_159 = arith.constant 0 : i32
    %dma_wait3A_160 = tpu.memref_slice %dma_wait3A_157[%dma_wait3A_152, %dma_wait3A_158, %dma_wait3A_159] : memref<88x2x128xi32, #tpu.memory_space<hbm>> -> memref<1x2x128xi32, #tpu.memory_space<hbm>>
    %dma_wait3A_161 = tpu.memref_squeeze %dma_wait3A_160 : memref<1x2x128xi32, #tpu.memory_space<hbm>> -> memref<2x128xi32, #tpu.memory_space<hbm>>
    %dma_wait3A_162 = arith.constant 0 : i32
    %dma_wait3A_163 = arith.constant 0 : i32
    %dma_wait3A_164 = arith.constant 0 : i32
    %dma_wait3A_165 = tpu.memref_slice %arg3[%add3A, %dma_wait3A_162, %dma_wait3A_163, %dma_wait3A_164] : memref<32x88x2x128xi32, #tpu.memory_space<hbm>> -> memref<1x88x2x128xi32, #tpu.memory_space<hbm>>
    %dma_wait3A_166 = tpu.memref_squeeze %dma_wait3A_165 : memref<1x88x2x128xi32, #tpu.memory_space<hbm>> -> memref<88x2x128xi32, #tpu.memory_space<hbm>>
    %dma_wait3A_167 = arith.constant 0 : i32
    %dma_wait3A_168 = arith.constant 0 : i32
    %dma_wait3A_169 = tpu.memref_slice %dma_wait3A_166[%dma_wait3A_152, %dma_wait3A_167, %dma_wait3A_168] : memref<88x2x128xi32, #tpu.memory_space<hbm>> -> memref<1x2x128xi32, #tpu.memory_space<hbm>>
    %dma_wait3A_170 = tpu.memref_squeeze %dma_wait3A_169 : memref<1x2x128xi32, #tpu.memory_space<hbm>> -> memref<2x128xi32, #tpu.memory_space<hbm>>
    tpu.wait_dma2 semaphore(%arg16 : memref<!tpu.dma_semaphore, #tpu.memory_space<semaphore_mem>>) src(%dma_wait3A_170 : memref<2x128xi32, #tpu.memory_space<hbm>>) dst(%arg9 : memref<2x128xi32, #tpu.memory_space<vmem>>)
    %barrier3A_171 = arith.constant 0 : index
    tpu.barrier barrier_id(%barrier3A_171)
    %mul3A_172 = arith.constant 632 : i32
    %mul3A_173 = arith.muli %arg1, %mul3A_172 : i32
    %mul3A_174 = arith.constant 632 : i32
    %mul3A_175 = arith.muli %arg1, %mul3A_174 : i32
    "tpu.region"() ({
      %run_scoped3A = tpu.sem_alloc : memref<!tpu.dma_semaphore, #tpu.memory_space<semaphore_mem>>
      %dma_start3A_176 = arith.constant 0 : i32
      %dma_start3A_177 = tpu.memref_slice %arg5[%arg0, %mul3A_175, %dma_start3A_176] : memref<2x10112x128xf32, #tpu.memory_space<hbm>> -> memref<1x632x128xf32, #tpu.memory_space<hbm>>
      %dma_start3A_178 = tpu.memref_squeeze %dma_start3A_177 : memref<1x632x128xf32, #tpu.memory_space<hbm>> -> memref<632x128xf32, #tpu.memory_space<hbm>>
      %dma_start3A_179 = arith.constant 0 : i32
      %dma_start3A_180 = tpu.memref_slice %arg12[%mul3A_173, %dma_start3A_179] : memref<10112x128xf32, #tpu.memory_space<vmem_shared>> -> memref<632x128xf32, #tpu.memory_space<vmem_shared>>
      tpu.enqueue_dma source(%dma_start3A_180 : memref<632x128xf32, #tpu.memory_space<vmem_shared>>) target(%dma_start3A_178 : memref<632x128xf32, #tpu.memory_space<hbm>>) target_semaphore(%run_scoped3A : memref<!tpu.dma_semaphore, #tpu.memory_space<semaphore_mem>>)
      %dma_wait3A_181 = arith.constant 0 : i32
      %dma_wait3A_182 = tpu.memref_slice %arg5[%arg0, %mul3A_175, %dma_wait3A_181] : memref<2x10112x128xf32, #tpu.memory_space<hbm>> -> memref<1x632x128xf32, #tpu.memory_space<hbm>>
      %dma_wait3A_183 = tpu.memref_squeeze %dma_wait3A_182 : memref<1x632x128xf32, #tpu.memory_space<hbm>> -> memref<632x128xf32, #tpu.memory_space<hbm>>
      %dma_wait3A_184 = arith.constant 0 : i32
      %dma_wait3A_185 = tpu.memref_slice %arg12[%mul3A_173, %dma_wait3A_184] : memref<10112x128xf32, #tpu.memory_space<vmem_shared>> -> memref<632x128xf32, #tpu.memory_space<vmem_shared>>
      tpu.wait_dma2 semaphore(%run_scoped3A : memref<!tpu.dma_semaphore, #tpu.memory_space<semaphore_mem>>) src(%dma_wait3A_185 : memref<632x128xf32, #tpu.memory_space<vmem_shared>>) dst(%dma_wait3A_183 : memref<632x128xf32, #tpu.memory_space<hbm>>)
      tpu.yield
    }) : () -> ()
    return
  }
}

#map = affine_map<(d0, d1) -> (0, 0, 0)>
#map1 = affine_map<(d0, d1) -> (0, 0)>
module attributes {stable_mosaic.version = 14 : i64} {
  func.func @k(%arg0: i32, %arg1: i32, %arg2: memref<32x80x128xi32, #tpu.memory_space<hbm>>, %arg3: memref<640x16xf32, #tpu.memory_space<hbm>>, %arg4: memref<32x640x16xf32, #tpu.memory_space<hbm>>, %arg5: memref<80x128xi32, #tpu.memory_space<vmem>>, %arg6: memref<640x16xf32, #tpu.memory_space<vmem>>) attributes {dimension_semantics = [#tpu.dimension_semantics<core_parallel>, #tpu.dimension_semantics<subcore_parallel>], iteration_bounds = array<i64: 2, 16>, scalar_prefetch = 0 : i64, scratch_operands = 2 : i64, tpu.core_type = #tpu.core_type<sc_vector_subcore>, window_params = [{transform_indices = #map}, {transform_indices = #map1}, {transform_indices = #map}]} {
    %mul3A = arith.constant 16 : i32
    %mul3A_0 = arith.muli %arg0, %mul3A : i32
    %add3A = arith.addi %mul3A_0, %arg1 : i32
    "tpu.region"() ({
      %run_scoped3A = tpu.sem_alloc : memref<!tpu.dma_semaphore, #tpu.memory_space<semaphore_mem>>
      %dma_start3A = arith.constant 0 : i32
      %dma_start3A_5 = arith.constant 0 : i32
      %dma_start3A_6 = tpu.memref_slice %arg2[%add3A, %dma_start3A, %dma_start3A_5] : memref<32x80x128xi32, #tpu.memory_space<hbm>> -> memref<1x80x128xi32, #tpu.memory_space<hbm>>
      %dma_start3A_7 = tpu.memref_squeeze %dma_start3A_6 : memref<1x80x128xi32, #tpu.memory_space<hbm>> -> memref<80x128xi32, #tpu.memory_space<hbm>>
      %dma_start3A_8 = arith.constant 0 : i32
      %dma_start3A_9 = arith.constant 0 : i32
      %dma_start3A_10 = tpu.memref_slice %arg2[%add3A, %dma_start3A_8, %dma_start3A_9] : memref<32x80x128xi32, #tpu.memory_space<hbm>> -> memref<1x80x128xi32, #tpu.memory_space<hbm>>
      %dma_start3A_11 = tpu.memref_squeeze %dma_start3A_10 : memref<1x80x128xi32, #tpu.memory_space<hbm>> -> memref<80x128xi32, #tpu.memory_space<hbm>>
      tpu.enqueue_dma source(%dma_start3A_11 : memref<80x128xi32, #tpu.memory_space<hbm>>) target(%arg5 : memref<80x128xi32, #tpu.memory_space<vmem>>) target_semaphore(%run_scoped3A : memref<!tpu.dma_semaphore, #tpu.memory_space<semaphore_mem>>)
      %dma_wait3A = arith.constant 0 : i32
      %dma_wait3A_12 = arith.constant 0 : i32
      %dma_wait3A_13 = tpu.memref_slice %arg2[%add3A, %dma_wait3A, %dma_wait3A_12] : memref<32x80x128xi32, #tpu.memory_space<hbm>> -> memref<1x80x128xi32, #tpu.memory_space<hbm>>
      %dma_wait3A_14 = tpu.memref_squeeze %dma_wait3A_13 : memref<1x80x128xi32, #tpu.memory_space<hbm>> -> memref<80x128xi32, #tpu.memory_space<hbm>>
      %dma_wait3A_15 = arith.constant 0 : i32
      %dma_wait3A_16 = arith.constant 0 : i32
      %dma_wait3A_17 = tpu.memref_slice %arg2[%add3A, %dma_wait3A_15, %dma_wait3A_16] : memref<32x80x128xi32, #tpu.memory_space<hbm>> -> memref<1x80x128xi32, #tpu.memory_space<hbm>>
      %dma_wait3A_18 = tpu.memref_squeeze %dma_wait3A_17 : memref<1x80x128xi32, #tpu.memory_space<hbm>> -> memref<80x128xi32, #tpu.memory_space<hbm>>
      tpu.wait_dma2 semaphore(%run_scoped3A : memref<!tpu.dma_semaphore, #tpu.memory_space<semaphore_mem>>) src(%dma_wait3A_18 : memref<80x128xi32, #tpu.memory_space<hbm>>) dst(%arg5 : memref<80x128xi32, #tpu.memory_space<vmem>>)
      tpu.yield
    }) : () -> ()
    "tpu.region"() ({
      %run_scoped3A = tpu.sem_alloc : memref<!tpu.dma_semaphore, #tpu.memory_space<semaphore_mem>>
      tpu.enqueue_dma source(%arg3 : memref<640x16xf32, #tpu.memory_space<hbm>>) target(%arg6 : memref<640x16xf32, #tpu.memory_space<vmem>>) target_semaphore(%run_scoped3A : memref<!tpu.dma_semaphore, #tpu.memory_space<semaphore_mem>>)
      tpu.wait_dma2 semaphore(%run_scoped3A : memref<!tpu.dma_semaphore, #tpu.memory_space<semaphore_mem>>) src(%arg3 : memref<640x16xf32, #tpu.memory_space<hbm>>) dst(%arg6 : memref<640x16xf32, #tpu.memory_space<vmem>>)
      tpu.yield
    }) : () -> ()
    %scan3A = arith.constant 0 : i32
    %scan3A_1 = arith.constant 80 : i32
    %scan3A_2 = arith.addi %scan3A, %scan3A_1 : i32
    %scan3A_3 = arith.constant 1 : i32
    scf.for %scan3A_5 = %scan3A to %scan3A_2 step %scan3A_3  : i32 {
      %mul3A_6 = arith.constant 1 : i32
      %mul3A_7 = arith.muli %scan3A_5, %mul3A_6 : i32
      %add3A_8 = arith.constant 0 : i32
      %add3A_9 = arith.addi %add3A_8, %mul3A_7 : i32
      %scan3A_10 = arith.constant 0 : i32
      %scan3A_11 = arith.constant 8 : i32
      %scan3A_12 = arith.addi %scan3A_10, %scan3A_11 : i32
      %scan3A_13 = arith.constant 1 : i32
      scf.for %scan3A_15 = %scan3A_10 to %scan3A_12 step %scan3A_13  : i32 {
        %mul3A_16 = arith.constant 16 : i32
        %mul3A_17 = arith.muli %scan3A_15, %mul3A_16 : i32
        %add3A_18 = arith.constant 0 : i32
        %add3A_19 = arith.addi %add3A_18, %mul3A_17 : i32
        %get3A = arith.index_cast %add3A_9 : i32 to index
        %get3A_20 = arith.index_cast %add3A_19 : i32 to index
        %get3A_21 = tpu.vector_load %arg5[%get3A, %get3A_20] {strides = array<i32>} : memref<80x128xi32, #tpu.memory_space<vmem>>, vector<16xi32>,
        %shift_right_logical3A = arith.constant 4 : i32
        %shift_right_logical3A_22 = vector.broadcast %shift_right_logical3A : i32 to vector<16xi32>
        %shift_right_logical3A_23 = arith.shrui %get3A_21, %shift_right_logical3A_22 : vector<16xi32>
        %and3A = arith.constant 15 : i32
        %and3A_24 = vector.broadcast %and3A : i32 to vector<16xi32>
        %and3A_25 = arith.andi %get3A_21, %and3A_24 : vector<16xi32>
        %broadcast_in_dim3A = arith.constant 1.000000e+00 : f32
        %broadcast_in_dim3A_26 = vector.broadcast %broadcast_in_dim3A : f32 to vector<16xf32>
        tpu.vector_store_idx %arg6[%shift_right_logical3A_23, %and3A_25], %broadcast_in_dim3A_26 {add = true} : memref<640x16xf32, #tpu.memory_space<vmem>>[vector<16xi32>, vector<16xi32>], vector<16xf32>,
      }
      %scan3A_14 = arith.constant 8 : i32
    }
    %scan3A_4 = arith.constant 80 : i32
    "tpu.region"() ({
      %run_scoped3A = tpu.sem_alloc : memref<!tpu.dma_semaphore, #tpu.memory_space<semaphore_mem>>
      %dma_start3A = arith.constant 0 : i32
      %dma_start3A_5 = arith.constant 0 : i32
      %dma_start3A_6 = tpu.memref_slice %arg4[%add3A, %dma_start3A, %dma_start3A_5] : memref<32x640x16xf32, #tpu.memory_space<hbm>> -> memref<1x640x16xf32, #tpu.memory_space<hbm>>
      %dma_start3A_7 = tpu.memref_squeeze %dma_start3A_6 : memref<1x640x16xf32, #tpu.memory_space<hbm>> -> memref<640x16xf32, #tpu.memory_space<hbm>>
      %dma_start3A_8 = arith.constant 0 : i32
      %dma_start3A_9 = arith.constant 0 : i32
      %dma_start3A_10 = tpu.memref_slice %arg4[%add3A, %dma_start3A_8, %dma_start3A_9] : memref<32x640x16xf32, #tpu.memory_space<hbm>> -> memref<1x640x16xf32, #tpu.memory_space<hbm>>
      %dma_start3A_11 = tpu.memref_squeeze %dma_start3A_10 : memref<1x640x16xf32, #tpu.memory_space<hbm>> -> memref<640x16xf32, #tpu.memory_space<hbm>>
      tpu.enqueue_dma source(%arg6 : memref<640x16xf32, #tpu.memory_space<vmem>>) target(%dma_start3A_11 : memref<640x16xf32, #tpu.memory_space<hbm>>) target_semaphore(%run_scoped3A : memref<!tpu.dma_semaphore, #tpu.memory_space<semaphore_mem>>)
      %dma_wait3A = arith.constant 0 : i32
      %dma_wait3A_12 = arith.constant 0 : i32
      %dma_wait3A_13 = tpu.memref_slice %arg4[%add3A, %dma_wait3A, %dma_wait3A_12] : memref<32x640x16xf32, #tpu.memory_space<hbm>> -> memref<1x640x16xf32, #tpu.memory_space<hbm>>
      %dma_wait3A_14 = tpu.memref_squeeze %dma_wait3A_13 : memref<1x640x16xf32, #tpu.memory_space<hbm>> -> memref<640x16xf32, #tpu.memory_space<hbm>>
      %dma_wait3A_15 = arith.constant 0 : i32
      %dma_wait3A_16 = arith.constant 0 : i32
      %dma_wait3A_17 = tpu.memref_slice %arg4[%add3A, %dma_wait3A_15, %dma_wait3A_16] : memref<32x640x16xf32, #tpu.memory_space<hbm>> -> memref<1x640x16xf32, #tpu.memory_space<hbm>>
      %dma_wait3A_18 = tpu.memref_squeeze %dma_wait3A_17 : memref<1x640x16xf32, #tpu.memory_space<hbm>> -> memref<640x16xf32, #tpu.memory_space<hbm>>
      tpu.wait_dma2 semaphore(%run_scoped3A : memref<!tpu.dma_semaphore, #tpu.memory_space<semaphore_mem>>) src(%arg6 : memref<640x16xf32, #tpu.memory_space<vmem>>) dst(%dma_wait3A_18 : memref<640x16xf32, #tpu.memory_space<hbm>>)
      tpu.yield
    }) : () -> ()
    return
  }
}

#map = affine_map<(d0, d1) -> (0, 0)>
#map1 = affine_map<(d0, d1) -> (0, 0, 0, 0)>
#map2 = affine_map<(d0, d1) -> (0, 0, 0)>
module attributes {stable_mosaic.version = 14 : i64} {
  func.func @k(%arg0: i32, %arg1: i32, %arg2: memref<10000x128xf32, #tpu.memory_space<hbm>>, %arg3: memref<32x88x2x128xi32, #tpu.memory_space<hbm>>, %arg4: memref<632x128xf32, #tpu.memory_space<hbm>>, %arg5: memref<2x10112x128xf32, #tpu.memory_space<hbm>>, %arg6: memref<2x128xi32, #tpu.memory_space<vmem>>, %arg7: memref<2x128xi32, #tpu.memory_space<vmem>>, %arg8: memref<2x128xi32, #tpu.memory_space<vmem>>, %arg9: memref<2x128xi32, #tpu.memory_space<vmem>>, %arg10: memref<128x128xf32, #tpu.memory_space<vmem>>, %arg11: memref<128x128xf32, #tpu.memory_space<vmem>>, %arg12: memref<10112x128xf32, #tpu.memory_space<vmem_shared>>, %arg13: memref<!tpu.dma_semaphore, #tpu.memory_space<semaphore_mem>>, %arg14: memref<!tpu.dma_semaphore, #tpu.memory_space<semaphore_mem>>, %arg15: memref<!tpu.dma_semaphore, #tpu.memory_space<semaphore_mem>>, %arg16: memref<!tpu.dma_semaphore, #tpu.memory_space<semaphore_mem>>, %arg17: memref<!tpu.dma_semaphore, #tpu.memory_space<semaphore_mem>>, %arg18: memref<!tpu.dma_semaphore, #tpu.memory_space<semaphore_mem>>) attributes {dimension_semantics = [#tpu.dimension_semantics<core_parallel>, #tpu.dimension_semantics<subcore_parallel>], iteration_bounds = array<i64: 2, 16>, scalar_prefetch = 0 : i64, scratch_operands = 13 : i64, tpu.core_type = #tpu.core_type<sc_vector_subcore>, window_params = [{transform_indices = #map}, {transform_indices = #map1}, {transform_indices = #map}, {transform_indices = #map2}]} {
    %mul3A = arith.constant 16 : i32
    %mul3A_0 = arith.muli %arg0, %mul3A : i32
    %add3A = arith.addi %mul3A_0, %arg1 : i32
    %dma_start3A = arith.constant 0 : i32
    %dma_start3A_1 = arith.constant 0 : i32
    %dma_start3A_2 = arith.constant 0 : i32
    %dma_start3A_3 = arith.constant 0 : i32
    %dma_start3A_4 = tpu.memref_slice %arg3[%add3A, %dma_start3A_1, %dma_start3A_2, %dma_start3A_3] : memref<32x88x2x128xi32, #tpu.memory_space<hbm>> -> memref<1x88x2x128xi32, #tpu.memory_space<hbm>>
    %dma_start3A_5 = tpu.memref_squeeze %dma_start3A_4 : memref<1x88x2x128xi32, #tpu.memory_space<hbm>> -> memref<88x2x128xi32, #tpu.memory_space<hbm>>
    %dma_start3A_6 = arith.constant 0 : i32
    %dma_start3A_7 = arith.constant 0 : i32
    %dma_start3A_8 = tpu.memref_slice %dma_start3A_5[%dma_start3A, %dma_start3A_6, %dma_start3A_7] : memref<88x2x128xi32, #tpu.memory_space<hbm>> -> memref<1x2x128xi32, #tpu.memory_space<hbm>>
    %dma_start3A_9 = tpu.memref_squeeze %dma_start3A_8 : memref<1x2x128xi32, #tpu.memory_space<hbm>> -> memref<2x128xi32, #tpu.memory_space<hbm>>
    %dma_start3A_10 = arith.constant 0 : i32
    %dma_start3A_11 = arith.constant 0 : i32
    %dma_start3A_12 = arith.constant 0 : i32
    %dma_start3A_13 = tpu.memref_slice %arg3[%add3A, %dma_start3A_10, %dma_start3A_11, %dma_start3A_12] : memref<32x88x2x128xi32, #tpu.memory_space<hbm>> -> memref<1x88x2x128xi32, #tpu.memory_space<hbm>>
    %dma_start3A_14 = tpu.memref_squeeze %dma_start3A_13 : memref<1x88x2x128xi32, #tpu.memory_space<hbm>> -> memref<88x2x128xi32, #tpu.memory_space<hbm>>
    %dma_start3A_15 = arith.constant 0 : i32
    %dma_start3A_16 = arith.constant 0 : i32
    %dma_start3A_17 = tpu.memref_slice %dma_start3A_14[%dma_start3A, %dma_start3A_15, %dma_start3A_16] : memref<88x2x128xi32, #tpu.memory_space<hbm>> -> memref<1x2x128xi32, #tpu.memory_space<hbm>>
    %dma_start3A_18 = tpu.memref_squeeze %dma_start3A_17 : memref<1x2x128xi32, #tpu.memory_space<hbm>> -> memref<2x128xi32, #tpu.memory_space<hbm>>
    tpu.enqueue_dma source(%dma_start3A_18 : memref<2x128xi32, #tpu.memory_space<hbm>>) target(%arg6 : memref<2x128xi32, #tpu.memory_space<vmem>>) target_semaphore(%arg13 : memref<!tpu.dma_semaphore, #tpu.memory_space<semaphore_mem>>)
    %dma_start3A_19 = arith.constant 1 : i32
    %dma_start3A_20 = arith.constant 0 : i32
    %dma_start3A_21 = arith.constant 0 : i32
    %dma_start3A_22 = arith.constant 0 : i32
    %dma_start3A_23 = tpu.memref_slice %arg3[%add3A, %dma_start3A_20, %dma_start3A_21, %dma_start3A_22] : memref<32x88x2x128xi32, #tpu.memory_space<hbm>> -> memref<1x88x2x128xi32, #tpu.memory_space<hbm>>
    %dma_start3A_24 = tpu.memref_squeeze %dma_start3A_23 : memref<1x88x2x128xi32, #tpu.memory_space<hbm>> -> memref<88x2x128xi32, #tpu.memory_space<hbm>>
    %dma_start3A_25 = arith.constant 0 : i32
    %dma_start3A_26 = arith.constant 0 : i32
    %dma_start3A_27 = tpu.memref_slice %dma_start3A_24[%dma_start3A_19, %dma_start3A_25, %dma_start3A_26] : memref<88x2x128xi32, #tpu.memory_space<hbm>> -> memref<1x2x128xi32, #tpu.memory_space<hbm>>
    %dma_start3A_28 = tpu.memref_squeeze %dma_start3A_27 : memref<1x2x128xi32, #tpu.memory_space<hbm>> -> memref<2x128xi32, #tpu.memory_space<hbm>>
    %dma_start3A_29 = arith.constant 0 : i32
    %dma_start3A_30 = arith.constant 0 : i32
    %dma_start3A_31 = arith.constant 0 : i32
    %dma_start3A_32 = tpu.memref_slice %arg3[%add3A, %dma_start3A_29, %dma_start3A_30, %dma_start3A_31] : memref<32x88x2x128xi32, #tpu.memory_space<hbm>> -> memref<1x88x2x128xi32, #tpu.memory_space<hbm>>
    %dma_start3A_33 = tpu.memref_squeeze %dma_start3A_32 : memref<1x88x2x128xi32, #tpu.memory_space<hbm>> -> memref<88x2x128xi32, #tpu.memory_space<hbm>>
    %dma_start3A_34 = arith.constant 0 : i32
    %dma_start3A_35 = arith.constant 0 : i32
    %dma_start3A_36 = tpu.memref_slice %dma_start3A_33[%dma_start3A_19, %dma_start3A_34, %dma_start3A_35] : memref<88x2x128xi32, #tpu.memory_space<hbm>> -> memref<1x2x128xi32, #tpu.memory_space<hbm>>
    %dma_start3A_37 = tpu.memref_squeeze %dma_start3A_36 : memref<1x2x128xi32, #tpu.memory_space<hbm>> -> memref<2x128xi32, #tpu.memory_space<hbm>>
    tpu.enqueue_dma source(%dma_start3A_37 : memref<2x128xi32, #tpu.memory_space<hbm>>) target(%arg7 : memref<2x128xi32, #tpu.memory_space<vmem>>) target_semaphore(%arg14 : memref<!tpu.dma_semaphore, #tpu.memory_space<semaphore_mem>>)
    %dma_start3A_38 = arith.constant 2 : i32
    %dma_start3A_39 = arith.constant 0 : i32
    %dma_start3A_40 = arith.constant 0 : i32
    %dma_start3A_41 = arith.constant 0 : i32
    %dma_start3A_42 = tpu.memref_slice %arg3[%add3A, %dma_start3A_39, %dma_start3A_40, %dma_start3A_41] : memref<32x88x2x128xi32, #tpu.memory_space<hbm>> -> memref<1x88x2x128xi32, #tpu.memory_space<hbm>>
    %dma_start3A_43 = tpu.memref_squeeze %dma_start3A_42 : memref<1x88x2x128xi32, #tpu.memory_space<hbm>> -> memref<88x2x128xi32, #tpu.memory_space<hbm>>
    %dma_start3A_44 = arith.constant 0 : i32
    %dma_start3A_45 = arith.constant 0 : i32
    %dma_start3A_46 = tpu.memref_slice %dma_start3A_43[%dma_start3A_38, %dma_start3A_44, %dma_start3A_45] : memref<88x2x128xi32, #tpu.memory_space<hbm>> -> memref<1x2x128xi32, #tpu.memory_space<hbm>>
    %dma_start3A_47 = tpu.memref_squeeze %dma_start3A_46 : memref<1x2x128xi32, #tpu.memory_space<hbm>> -> memref<2x128xi32, #tpu.memory_space<hbm>>
    %dma_start3A_48 = arith.constant 0 : i32
    %dma_start3A_49 = arith.constant 0 : i32
    %dma_start3A_50 = arith.constant 0 : i32
    %dma_start3A_51 = tpu.memref_slice %arg3[%add3A, %dma_start3A_48, %dma_start3A_49, %dma_start3A_50] : memref<32x88x2x128xi32, #tpu.memory_space<hbm>> -> memref<1x88x2x128xi32, #tpu.memory_space<hbm>>
    %dma_start3A_52 = tpu.memref_squeeze %dma_start3A_51 : memref<1x88x2x128xi32, #tpu.memory_space<hbm>> -> memref<88x2x128xi32, #tpu.memory_space<hbm>>
    %dma_start3A_53 = arith.constant 0 : i32
    %dma_start3A_54 = arith.constant 0 : i32
    %dma_start3A_55 = tpu.memref_slice %dma_start3A_52[%dma_start3A_38, %dma_start3A_53, %dma_start3A_54] : memref<88x2x128xi32, #tpu.memory_space<hbm>> -> memref<1x2x128xi32, #tpu.memory_space<hbm>>
    %dma_start3A_56 = tpu.memref_squeeze %dma_start3A_55 : memref<1x2x128xi32, #tpu.memory_space<hbm>> -> memref<2x128xi32, #tpu.memory_space<hbm>>
    tpu.enqueue_dma source(%dma_start3A_56 : memref<2x128xi32, #tpu.memory_space<hbm>>) target(%arg8 : memref<2x128xi32, #tpu.memory_space<vmem>>) target_semaphore(%arg15 : memref<!tpu.dma_semaphore, #tpu.memory_space<semaphore_mem>>)
    %dma_start3A_57 = arith.constant 3 : i32
    %dma_start3A_58 = arith.constant 0 : i32
    %dma_start3A_59 = arith.constant 0 : i32
    %dma_start3A_60 = arith.constant 0 : i32
    %dma_start3A_61 = tpu.memref_slice %arg3[%add3A, %dma_start3A_58, %dma_start3A_59, %dma_start3A_60] : memref<32x88x2x128xi32, #tpu.memory_space<hbm>> -> memref<1x88x2x128xi32, #tpu.memory_space<hbm>>
    %dma_start3A_62 = tpu.memref_squeeze %dma_start3A_61 : memref<1x88x2x128xi32, #tpu.memory_space<hbm>> -> memref<88x2x128xi32, #tpu.memory_space<hbm>>
    %dma_start3A_63 = arith.constant 0 : i32
    %dma_start3A_64 = arith.constant 0 : i32
    %dma_start3A_65 = tpu.memref_slice %dma_start3A_62[%dma_start3A_57, %dma_start3A_63, %dma_start3A_64] : memref<88x2x128xi32, #tpu.memory_space<hbm>> -> memref<1x2x128xi32, #tpu.memory_space<hbm>>
    %dma_start3A_66 = tpu.memref_squeeze %dma_start3A_65 : memref<1x2x128xi32, #tpu.memory_space<hbm>> -> memref<2x128xi32, #tpu.memory_space<hbm>>
    %dma_start3A_67 = arith.constant 0 : i32
    %dma_start3A_68 = arith.constant 0 : i32
    %dma_start3A_69 = arith.constant 0 : i32
    %dma_start3A_70 = tpu.memref_slice %arg3[%add3A, %dma_start3A_67, %dma_start3A_68, %dma_start3A_69] : memref<32x88x2x128xi32, #tpu.memory_space<hbm>> -> memref<1x88x2x128xi32, #tpu.memory_space<hbm>>
    %dma_start3A_71 = tpu.memref_squeeze %dma_start3A_70 : memref<1x88x2x128xi32, #tpu.memory_space<hbm>> -> memref<88x2x128xi32, #tpu.memory_space<hbm>>
    %dma_start3A_72 = arith.constant 0 : i32
    %dma_start3A_73 = arith.constant 0 : i32
    %dma_start3A_74 = tpu.memref_slice %dma_start3A_71[%dma_start3A_57, %dma_start3A_72, %dma_start3A_73] : memref<88x2x128xi32, #tpu.memory_space<hbm>> -> memref<1x2x128xi32, #tpu.memory_space<hbm>>
    %dma_start3A_75 = tpu.memref_squeeze %dma_start3A_74 : memref<1x2x128xi32, #tpu.memory_space<hbm>> -> memref<2x128xi32, #tpu.memory_space<hbm>>
    tpu.enqueue_dma source(%dma_start3A_75 : memref<2x128xi32, #tpu.memory_space<hbm>>) target(%arg9 : memref<2x128xi32, #tpu.memory_space<vmem>>) target_semaphore(%arg16 : memref<!tpu.dma_semaphore, #tpu.memory_space<semaphore_mem>>)
    %mul3A_76 = arith.constant 632 : i32
    %mul3A_77 = arith.muli %arg1, %mul3A_76 : i32
    "tpu.region"() ({
      %run_scoped3A = tpu.sem_alloc : memref<!tpu.dma_semaphore, #tpu.memory_space<semaphore_mem>>
      %dma_start3A_176 = arith.constant 0 : i32
      %dma_start3A_177 = tpu.memref_slice %arg12[%mul3A_77, %dma_start3A_176] : memref<10112x128xf32, #tpu.memory_space<vmem_shared>> -> memref<632x128xf32, #tpu.memory_space<vmem_shared>>
      tpu.enqueue_dma source(%arg4 : memref<632x128xf32, #tpu.memory_space<hbm>>) target(%dma_start3A_177 : memref<632x128xf32, #tpu.memory_space<vmem_shared>>) target_semaphore(%run_scoped3A : memref<!tpu.dma_semaphore, #tpu.memory_space<semaphore_mem>>)
      %dma_wait3A_178 = arith.constant 0 : i32
      %dma_wait3A_179 = tpu.memref_slice %arg12[%mul3A_77, %dma_wait3A_178] : memref<10112x128xf32, #tpu.memory_space<vmem_shared>> -> memref<632x128xf32, #tpu.memory_space<vmem_shared>>
      tpu.wait_dma2 semaphore(%run_scoped3A : memref<!tpu.dma_semaphore, #tpu.memory_space<semaphore_mem>>) src(%arg4 : memref<632x128xf32, #tpu.memory_space<hbm>>) dst(%dma_wait3A_179 : memref<632x128xf32, #tpu.memory_space<vmem_shared>>)
      tpu.yield
    }) : () -> ()
    %barrier3A = arith.constant 0 : index
    tpu.barrier barrier_id(%barrier3A)
    %dma_wait3A = arith.constant 0 : i32
    %dma_wait3A_78 = arith.constant 0 : i32
    %dma_wait3A_79 = arith.constant 0 : i32
    %dma_wait3A_80 = arith.constant 0 : i32
    %dma_wait3A_81 = tpu.memref_slice %arg3[%add3A, %dma_wait3A_78, %dma_wait3A_79, %dma_wait3A_80] : memref<32x88x2x128xi32, #tpu.memory_space<hbm>> -> memref<1x88x2x128xi32, #tpu.memory_space<hbm>>
    %dma_wait3A_82 = tpu.memref_squeeze %dma_wait3A_81 : memref<1x88x2x128xi32, #tpu.memory_space<hbm>> -> memref<88x2x128xi32, #tpu.memory_space<hbm>>
    %dma_wait3A_83 = arith.constant 0 : i32
    %dma_wait3A_84 = arith.constant 0 : i32
    %dma_wait3A_85 = tpu.memref_slice %dma_wait3A_82[%dma_wait3A, %dma_wait3A_83, %dma_wait3A_84] : memref<88x2x128xi32, #tpu.memory_space<hbm>> -> memref<1x2x128xi32, #tpu.memory_space<hbm>>
    %dma_wait3A_86 = tpu.memref_squeeze %dma_wait3A_85 : memref<1x2x128xi32, #tpu.memory_space<hbm>> -> memref<2x128xi32, #tpu.memory_space<hbm>>
    %dma_wait3A_87 = arith.constant 0 : i32
    %dma_wait3A_88 = arith.constant 0 : i32
    %dma_wait3A_89 = arith.constant 0 : i32
    %dma_wait3A_90 = tpu.memref_slice %arg3[%add3A, %dma_wait3A_87, %dma_wait3A_88, %dma_wait3A_89] : memref<32x88x2x128xi32, #tpu.memory_space<hbm>> -> memref<1x88x2x128xi32, #tpu.memory_space<hbm>>
    %dma_wait3A_91 = tpu.memref_squeeze %dma_wait3A_90 : memref<1x88x2x128xi32, #tpu.memory_space<hbm>> -> memref<88x2x128xi32, #tpu.memory_space<hbm>>
    %dma_wait3A_92 = arith.constant 0 : i32
    %dma_wait3A_93 = arith.constant 0 : i32
    %dma_wait3A_94 = tpu.memref_slice %dma_wait3A_91[%dma_wait3A, %dma_wait3A_92, %dma_wait3A_93] : memref<88x2x128xi32, #tpu.memory_space<hbm>> -> memref<1x2x128xi32, #tpu.memory_space<hbm>>
    %dma_wait3A_95 = tpu.memref_squeeze %dma_wait3A_94 : memref<1x2x128xi32, #tpu.memory_space<hbm>> -> memref<2x128xi32, #tpu.memory_space<hbm>>
    tpu.wait_dma2 semaphore(%arg13 : memref<!tpu.dma_semaphore, #tpu.memory_space<semaphore_mem>>) src(%dma_wait3A_95 : memref<2x128xi32, #tpu.memory_space<hbm>>) dst(%arg6 : memref<2x128xi32, #tpu.memory_space<vmem>>)
    %dma_start3A_96 = arith.constant 0 : i32
    %dma_start3A_97 = arith.constant 0 : i32
    %dma_start3A_98 = tpu.memref_slice %arg6[%dma_start3A_96, %dma_start3A_97] : memref<2x128xi32, #tpu.memory_space<vmem>> -> memref<1x128xi32, #tpu.memory_space<vmem>>
    %dma_start3A_99 = tpu.memref_squeeze %dma_start3A_98 : memref<1x128xi32, #tpu.memory_space<vmem>> -> memref<128xi32, #tpu.memory_space<vmem>>
    %dma_start3A_100 = arith.constant 0 : i32
    %dma_start3A_101 = arith.constant 0 : i32
    %dma_start3A_102 = tpu.memref_slice %arg2[%dma_start3A_100, %dma_start3A_101] : memref<10000x128xf32, #tpu.memory_space<hbm>> -> memref<10000x128xf32, #tpu.memory_space<hbm>>
    tpu.enqueue_indirect_dma source(%dma_start3A_102 : memref<10000x128xf32, #tpu.memory_space<hbm>>) target(%arg10 : memref<128x128xf32, #tpu.memory_space<vmem>>) offsets(%dma_start3A_99 : memref<128xi32, #tpu.memory_space<vmem>>) semaphore(%arg17 : memref<!tpu.dma_semaphore, #tpu.memory_space<semaphore_mem>>)
    %scan3A = arith.constant 0 : i32
    %scan3A_103 = arith.constant 20 : i32
    %scan3A_104 = arith.addi %scan3A, %scan3A_103 : i32
    %scan3A_105 = arith.constant 1 : i32
    scf.for %scan3A_176 = %scan3A to %scan3A_104 step %scan3A_105  : i32 {
      %mul3A_177 = arith.constant 1 : i32
      %mul3A_178 = arith.muli %scan3A_176, %mul3A_177 : i32
      %add3A_179 = arith.constant 0 : i32
      %add3A_180 = arith.addi %add3A_179, %mul3A_178 : i32
      %mul3A_181 = arith.constant 4 : i32
      %mul3A_182 = arith.muli %add3A_180, %mul3A_181 : i32
      %add3A_183 = arith.constant 1 : i32
      %add3A_184 = arith.addi %mul3A_182, %add3A_183 : i32
      %dma_wait3A_185 = arith.constant 0 : i32
      %dma_wait3A_186 = arith.constant 0 : i32
      %dma_wait3A_187 = arith.constant 0 : i32
      %dma_wait3A_188 = tpu.memref_slice %arg3[%add3A, %dma_wait3A_185, %dma_wait3A_186, %dma_wait3A_187] : memref<32x88x2x128xi32, #tpu.memory_space<hbm>> -> memref<1x88x2x128xi32, #tpu.memory_space<hbm>>
      %dma_wait3A_189 = tpu.memref_squeeze %dma_wait3A_188 : memref<1x88x2x128xi32, #tpu.memory_space<hbm>> -> memref<88x2x128xi32, #tpu.memory_space<hbm>>
      %dma_wait3A_190 = arith.constant 0 : i32
      %dma_wait3A_191 = arith.constant 0 : i32
      %dma_wait3A_192 = tpu.memref_slice %dma_wait3A_189[%add3A_184, %dma_wait3A_190, %dma_wait3A_191] : memref<88x2x128xi32, #tpu.memory_space<hbm>> -> memref<1x2x128xi32, #tpu.memory_space<hbm>>
      %dma_wait3A_193 = tpu.memref_squeeze %dma_wait3A_192 : memref<1x2x128xi32, #tpu.memory_space<hbm>> -> memref<2x128xi32, #tpu.memory_space<hbm>>
      %dma_wait3A_194 = arith.constant 0 : i32
      %dma_wait3A_195 = arith.constant 0 : i32
      %dma_wait3A_196 = arith.constant 0 : i32
      %dma_wait3A_197 = tpu.memref_slice %arg3[%add3A, %dma_wait3A_194, %dma_wait3A_195, %dma_wait3A_196] : memref<32x88x2x128xi32, #tpu.memory_space<hbm>> -> memref<1x88x2x128xi32, #tpu.memory_space<hbm>>
      %dma_wait3A_198 = tpu.memref_squeeze %dma_wait3A_197 : memref<1x88x2x128xi32, #tpu.memory_space<hbm>> -> memref<88x2x128xi32, #tpu.memory_space<hbm>>
      %dma_wait3A_199 = arith.constant 0 : i32
      %dma_wait3A_200 = arith.constant 0 : i32
      %dma_wait3A_201 = tpu.memref_slice %dma_wait3A_198[%add3A_184, %dma_wait3A_199, %dma_wait3A_200] : memref<88x2x128xi32, #tpu.memory_space<hbm>> -> memref<1x2x128xi32, #tpu.memory_space<hbm>>
      %dma_wait3A_202 = tpu.memref_squeeze %dma_wait3A_201 : memref<1x2x128xi32, #tpu.memory_space<hbm>> -> memref<2x128xi32, #tpu.memory_space<hbm>>
      tpu.wait_dma2 semaphore(%arg14 : memref<!tpu.dma_semaphore, #tpu.memory_space<semaphore_mem>>) src(%dma_wait3A_202 : memref<2x128xi32, #tpu.memory_space<hbm>>) dst(%arg7 : memref<2x128xi32, #tpu.memory_space<vmem>>)
      %dma_start3A_203 = arith.constant 0 : i32
      %dma_start3A_204 = arith.constant 0 : i32
      %dma_start3A_205 = tpu.memref_slice %arg7[%dma_start3A_203, %dma_start3A_204] : memref<2x128xi32, #tpu.memory_space<vmem>> -> memref<1x128xi32, #tpu.memory_space<vmem>>
      %dma_start3A_206 = tpu.memref_squeeze %dma_start3A_205 : memref<1x128xi32, #tpu.memory_space<vmem>> -> memref<128xi32, #tpu.memory_space<vmem>>
      %dma_start3A_207 = arith.constant 0 : i32
      %dma_start3A_208 = arith.constant 0 : i32
      %dma_start3A_209 = tpu.memref_slice %arg2[%dma_start3A_207, %dma_start3A_208] : memref<10000x128xf32, #tpu.memory_space<hbm>> -> memref<10000x128xf32, #tpu.memory_space<hbm>>
      tpu.enqueue_indirect_dma source(%dma_start3A_209 : memref<10000x128xf32, #tpu.memory_space<hbm>>) target(%arg11 : memref<128x128xf32, #tpu.memory_space<vmem>>) offsets(%dma_start3A_206 : memref<128xi32, #tpu.memory_space<vmem>>) semaphore(%arg18 : memref<!tpu.dma_semaphore, #tpu.memory_space<semaphore_mem>>)
      %add3A_210 = arith.constant 4 : i32
      %add3A_211 = arith.addi %mul3A_182, %add3A_210 : i32
      %dma_wait3A_212 = arith.constant 0 : i32
      %dma_wait3A_213 = arith.constant 0 : i32
      %dma_wait3A_214 = tpu.memref_slice %arg6[%dma_wait3A_212, %dma_wait3A_213] : memref<2x128xi32, #tpu.memory_space<vmem>> -> memref<1x128xi32, #tpu.memory_space<vmem>>
      %dma_wait3A_215 = tpu.memref_squeeze %dma_wait3A_214 : memref<1x128xi32, #tpu.memory_space<vmem>> -> memref<128xi32, #tpu.memory_space<vmem>>
      %dma_wait3A_216 = arith.constant 0 : i32
      %dma_wait3A_217 = arith.constant 0 : i32
      %dma_wait3A_218 = tpu.memref_slice %arg2[%dma_wait3A_216, %dma_wait3A_217] : memref<10000x128xf32, #tpu.memory_space<hbm>> -> memref<10000x128xf32, #tpu.memory_space<hbm>>
      tpu.wait_indirect_dma semaphore(%arg17 : memref<!tpu.dma_semaphore, #tpu.memory_space<semaphore_mem>>) src(%dma_wait3A_218 : memref<10000x128xf32, #tpu.memory_space<hbm>>) dst(%arg10 : memref<128x128xf32, #tpu.memory_space<vmem>>)
      %run_scoped3A = arith.constant 1 : i32
      "tpu.region"() ({
        %run_scoped3A_402 = tpu.sem_alloc : memref<!tpu.dma_semaphore, #tpu.memory_space<semaphore_mem>>
        %dma_start3A_403 = arith.constant 0 : i32
        %dma_start3A_404 = tpu.memref_slice %arg6[%run_scoped3A, %dma_start3A_403] : memref<2x128xi32, #tpu.memory_space<vmem>> -> memref<1x128xi32, #tpu.memory_space<vmem>>
        %dma_start3A_405 = tpu.memref_squeeze %dma_start3A_404 : memref<1x128xi32, #tpu.memory_space<vmem>> -> memref<128xi32, #tpu.memory_space<vmem>>
        %dma_start3A_406 = arith.constant 0 : i32
        %dma_start3A_407 = arith.constant 0 : i32
        %dma_start3A_408 = tpu.memref_slice %arg12[%dma_start3A_406, %dma_start3A_407] : memref<10112x128xf32, #tpu.memory_space<vmem_shared>> -> memref<10112x128xf32, #tpu.memory_space<vmem_shared>>
        tpu.enqueue_indirect_dma source(%arg10 : memref<128x128xf32, #tpu.memory_space<vmem>>) target(%dma_start3A_408 : memref<10112x128xf32, #tpu.memory_space<vmem_shared>>) offsets(%dma_start3A_405 : memref<128xi32, #tpu.memory_space<vmem>>) semaphore(%run_scoped3A_402 : memref<!tpu.dma_semaphore, #tpu.memory_space<semaphore_mem>>) {add = true}
        %dma_wait3A_409 = arith.constant 0 : i32
        %dma_wait3A_410 = tpu.memref_slice %arg6[%run_scoped3A, %dma_wait3A_409] : memref<2x128xi32, #tpu.memory_space<vmem>> -> memref<1x128xi32, #tpu.memory_space<vmem>>
        %dma_wait3A_411 = tpu.memref_squeeze %dma_wait3A_410 : memref<1x128xi32, #tpu.memory_space<vmem>> -> memref<128xi32, #tpu.memory_space<vmem>>
        %dma_wait3A_412 = arith.constant 0 : i32
        %dma_wait3A_413 = arith.constant 0 : i32
        %dma_wait3A_414 = tpu.memref_slice %arg12[%dma_wait3A_412, %dma_wait3A_413] : memref<10112x128xf32, #tpu.memory_space<vmem_shared>> -> memref<10112x128xf32, #tpu.memory_space<vmem_shared>>
        tpu.wait_indirect_dma semaphore(%run_scoped3A_402 : memref<!tpu.dma_semaphore, #tpu.memory_space<semaphore_mem>>) src(%arg10 : memref<128x128xf32, #tpu.memory_space<vmem>>) dst(%dma_wait3A_414 : memref<10112x128xf32, #tpu.memory_space<vmem_shared>>)
        tpu.yield
      }) : () -> ()
      %dma_start3A_219 = arith.constant 0 : i32
      %dma_start3A_220 = arith.constant 0 : i32
      %dma_start3A_221 = arith.constant 0 : i32
      %dma_start3A_222 = tpu.memref_slice %arg3[%add3A, %dma_start3A_219, %dma_start3A_220, %dma_start3A_221] : memref<32x88x2x128xi32, #tpu.memory_space<hbm>> -> memref<1x88x2x128xi32, #tpu.memory_space<hbm>>
      %dma_start3A_223 = tpu.memref_squeeze %dma_start3A_222 : memref<1x88x2x128xi32, #tpu.memory_space<hbm>> -> memref<88x2x128xi32, #tpu.memory_space<hbm>>
      %dma_start3A_224 = arith.constant 0 : i32
      %dma_start3A_225 = arith.constant 0 : i32
      %dma_start3A_226 = tpu.memref_slice %dma_start3A_223[%add3A_211, %dma_start3A_224, %dma_start3A_225] : memref<88x2x128xi32, #tpu.memory_space<hbm>> -> memref<1x2x128xi32, #tpu.memory_space<hbm>>
      %dma_start3A_227 = tpu.memref_squeeze %dma_start3A_226 : memref<1x2x128xi32, #tpu.memory_space<hbm>> -> memref<2x128xi32, #tpu.memory_space<hbm>>
      %dma_start3A_228 = arith.constant 0 : i32
      %dma_start3A_229 = arith.constant 0 : i32
      %dma_start3A_230 = arith.constant 0 : i32
      %dma_start3A_231 = tpu.memref_slice %arg3[%add3A, %dma_start3A_228, %dma_start3A_229, %dma_start3A_230] : memref<32x88x2x128xi32, #tpu.memory_space<hbm>> -> memref<1x88x2x128xi32, #tpu.memory_space<hbm>>
      %dma_start3A_232 = tpu.memref_squeeze %dma_start3A_231 : memref<1x88x2x128xi32, #tpu.memory_space<hbm>> -> memref<88x2x128xi32, #tpu.memory_space<hbm>>
      %dma_start3A_233 = arith.constant 0 : i32
      %dma_start3A_234 = arith.constant 0 : i32
      %dma_start3A_235 = tpu.memref_slice %dma_start3A_232[%add3A_211, %dma_start3A_233, %dma_start3A_234] : memref<88x2x128xi32, #tpu.memory_space<hbm>> -> memref<1x2x128xi32, #tpu.memory_space<hbm>>
      %dma_start3A_236 = tpu.memref_squeeze %dma_start3A_235 : memref<1x2x128xi32, #tpu.memory_space<hbm>> -> memref<2x128xi32, #tpu.memory_space<hbm>>
      tpu.enqueue_dma source(%dma_start3A_236 : memref<2x128xi32, #tpu.memory_space<hbm>>) target(%arg6 : memref<2x128xi32, #tpu.memory_space<vmem>>) target_semaphore(%arg13 : memref<!tpu.dma_semaphore, #tpu.memory_space<semaphore_mem>>)
      %add3A_237 = arith.constant 2 : i32
      %add3A_238 = arith.addi %mul3A_182, %add3A_237 : i32
      %dma_wait3A_239 = arith.constant 0 : i32
      %dma_wait3A_240 = arith.constant 0 : i32
      %dma_wait3A_241 = arith.constant 0 : i32
      %dma_wait3A_242 = tpu.memref_slice %arg3[%add3A, %dma_wait3A_239, %dma_wait3A_240, %dma_wait3A_241] : memref<32x88x2x128xi32, #tpu.memory_space<hbm>> -> memref<1x88x2x128xi32, #tpu.memory_space<hbm>>
      %dma_wait3A_243 = tpu.memref_squeeze %dma_wait3A_242 : memref<1x88x2x128xi32, #tpu.memory_space<hbm>> -> memref<88x2x128xi32, #tpu.memory_space<hbm>>
      %dma_wait3A_244 = arith.constant 0 : i32
      %dma_wait3A_245 = arith.constant 0 : i32
      %dma_wait3A_246 = tpu.memref_slice %dma_wait3A_243[%add3A_238, %dma_wait3A_244, %dma_wait3A_245] : memref<88x2x128xi32, #tpu.memory_space<hbm>> -> memref<1x2x128xi32, #tpu.memory_space<hbm>>
      %dma_wait3A_247 = tpu.memref_squeeze %dma_wait3A_246 : memref<1x2x128xi32, #tpu.memory_space<hbm>> -> memref<2x128xi32, #tpu.memory_space<hbm>>
      %dma_wait3A_248 = arith.constant 0 : i32
      %dma_wait3A_249 = arith.constant 0 : i32
      %dma_wait3A_250 = arith.constant 0 : i32
      %dma_wait3A_251 = tpu.memref_slice %arg3[%add3A, %dma_wait3A_248, %dma_wait3A_249, %dma_wait3A_250] : memref<32x88x2x128xi32, #tpu.memory_space<hbm>> -> memref<1x88x2x128xi32, #tpu.memory_space<hbm>>
      %dma_wait3A_252 = tpu.memref_squeeze %dma_wait3A_251 : memref<1x88x2x128xi32, #tpu.memory_space<hbm>> -> memref<88x2x128xi32, #tpu.memory_space<hbm>>
      %dma_wait3A_253 = arith.constant 0 : i32
      %dma_wait3A_254 = arith.constant 0 : i32
      %dma_wait3A_255 = tpu.memref_slice %dma_wait3A_252[%add3A_238, %dma_wait3A_253, %dma_wait3A_254] : memref<88x2x128xi32, #tpu.memory_space<hbm>> -> memref<1x2x128xi32, #tpu.memory_space<hbm>>
      %dma_wait3A_256 = tpu.memref_squeeze %dma_wait3A_255 : memref<1x2x128xi32, #tpu.memory_space<hbm>> -> memref<2x128xi32, #tpu.memory_space<hbm>>
      tpu.wait_dma2 semaphore(%arg15 : memref<!tpu.dma_semaphore, #tpu.memory_space<semaphore_mem>>) src(%dma_wait3A_256 : memref<2x128xi32, #tpu.memory_space<hbm>>) dst(%arg8 : memref<2x128xi32, #tpu.memory_space<vmem>>)
      %dma_start3A_257 = arith.constant 0 : i32
      %dma_start3A_258 = arith.constant 0 : i32
      %dma_start3A_259 = tpu.memref_slice %arg8[%dma_start3A_257, %dma_start3A_258] : memref<2x128xi32, #tpu.memory_space<vmem>> -> memref<1x128xi32, #tpu.memory_space<vmem>>
      %dma_start3A_260 = tpu.memref_squeeze %dma_start3A_259 : memref<1x128xi32, #tpu.memory_space<vmem>> -> memref<128xi32, #tpu.memory_space<vmem>>
      %dma_start3A_261 = arith.constant 0 : i32
      %dma_start3A_262 = arith.constant 0 : i32
      %dma_start3A_263 = tpu.memref_slice %arg2[%dma_start3A_261, %dma_start3A_262] : memref<10000x128xf32, #tpu.memory_space<hbm>> -> memref<10000x128xf32, #tpu.memory_space<hbm>>
      tpu.enqueue_indirect_dma source(%dma_start3A_263 : memref<10000x128xf32, #tpu.memory_space<hbm>>) target(%arg10 : memref<128x128xf32, #tpu.memory_space<vmem>>) offsets(%dma_start3A_260 : memref<128xi32, #tpu.memory_space<vmem>>) semaphore(%arg17 : memref<!tpu.dma_semaphore, #tpu.memory_space<semaphore_mem>>)
      %add3A_264 = arith.constant 5 : i32
      %add3A_265 = arith.addi %mul3A_182, %add3A_264 : i32
      %dma_wait3A_266 = arith.constant 0 : i32
      %dma_wait3A_267 = arith.constant 0 : i32
      %dma_wait3A_268 = tpu.memref_slice %arg7[%dma_wait3A_266, %dma_wait3A_267] : memref<2x128xi32, #tpu.memory_space<vmem>> -> memref<1x128xi32, #tpu.memory_space<vmem>>
      %dma_wait3A_269 = tpu.memref_squeeze %dma_wait3A_268 : memref<1x128xi32, #tpu.memory_space<vmem>> -> memref<128xi32, #tpu.memory_space<vmem>>
      %dma_wait3A_270 = arith.constant 0 : i32
      %dma_wait3A_271 = arith.constant 0 : i32
      %dma_wait3A_272 = tpu.memref_slice %arg2[%dma_wait3A_270, %dma_wait3A_271] : memref<10000x128xf32, #tpu.memory_space<hbm>> -> memref<10000x128xf32, #tpu.memory_space<hbm>>
      tpu.wait_indirect_dma semaphore(%arg18 : memref<!tpu.dma_semaphore, #tpu.memory_space<semaphore_mem>>) src(%dma_wait3A_272 : memref<10000x128xf32, #tpu.memory_space<hbm>>) dst(%arg11 : memref<128x128xf32, #tpu.memory_space<vmem>>)
      %run_scoped3A_273 = arith.constant 1 : i32
      "tpu.region"() ({
        %run_scoped3A_402 = tpu.sem_alloc : memref<!tpu.dma_semaphore, #tpu.memory_space<semaphore_mem>>
        %dma_start3A_403 = arith.constant 0 : i32
        %dma_start3A_404 = tpu.memref_slice %arg7[%run_scoped3A_273, %dma_start3A_403] : memref<2x128xi32, #tpu.memory_space<vmem>> -> memref<1x128xi32, #tpu.memory_space<vmem>>
        %dma_start3A_405 = tpu.memref_squeeze %dma_start3A_404 : memref<1x128xi32, #tpu.memory_space<vmem>> -> memref<128xi32, #tpu.memory_space<vmem>>
        %dma_start3A_406 = arith.constant 0 : i32
        %dma_start3A_407 = arith.constant 0 : i32
        %dma_start3A_408 = tpu.memref_slice %arg12[%dma_start3A_406, %dma_start3A_407] : memref<10112x128xf32, #tpu.memory_space<vmem_shared>> -> memref<10112x128xf32, #tpu.memory_space<vmem_shared>>
        tpu.enqueue_indirect_dma source(%arg11 : memref<128x128xf32, #tpu.memory_space<vmem>>) target(%dma_start3A_408 : memref<10112x128xf32, #tpu.memory_space<vmem_shared>>) offsets(%dma_start3A_405 : memref<128xi32, #tpu.memory_space<vmem>>) semaphore(%run_scoped3A_402 : memref<!tpu.dma_semaphore, #tpu.memory_space<semaphore_mem>>) {add = true}
        %dma_wait3A_409 = arith.constant 0 : i32
        %dma_wait3A_410 = tpu.memref_slice %arg7[%run_scoped3A_273, %dma_wait3A_409] : memref<2x128xi32, #tpu.memory_space<vmem>> -> memref<1x128xi32, #tpu.memory_space<vmem>>
        %dma_wait3A_411 = tpu.memref_squeeze %dma_wait3A_410 : memref<1x128xi32, #tpu.memory_space<vmem>> -> memref<128xi32, #tpu.memory_space<vmem>>
        %dma_wait3A_412 = arith.constant 0 : i32
        %dma_wait3A_413 = arith.constant 0 : i32
        %dma_wait3A_414 = tpu.memref_slice %arg12[%dma_wait3A_412, %dma_wait3A_413] : memref<10112x128xf32, #tpu.memory_space<vmem_shared>> -> memref<10112x128xf32, #tpu.memory_space<vmem_shared>>
        tpu.wait_indirect_dma semaphore(%run_scoped3A_402 : memref<!tpu.dma_semaphore, #tpu.memory_space<semaphore_mem>>) src(%arg11 : memref<128x128xf32, #tpu.memory_space<vmem>>) dst(%dma_wait3A_414 : memref<10112x128xf32, #tpu.memory_space<vmem_shared>>)
        tpu.yield
      }) : () -> ()
      %dma_start3A_274 = arith.constant 0 : i32
      %dma_start3A_275 = arith.constant 0 : i32
      %dma_start3A_276 = arith.constant 0 : i32
      %dma_start3A_277 = tpu.memref_slice %arg3[%add3A, %dma_start3A_274, %dma_start3A_275, %dma_start3A_276] : memref<32x88x2x128xi32, #tpu.memory_space<hbm>> -> memref<1x88x2x128xi32, #tpu.memory_space<hbm>>
      %dma_start3A_278 = tpu.memref_squeeze %dma_start3A_277 : memref<1x88x2x128xi32, #tpu.memory_space<hbm>> -> memref<88x2x128xi32, #tpu.memory_space<hbm>>
      %dma_start3A_279 = arith.constant 0 : i32
      %dma_start3A_280 = arith.constant 0 : i32
      %dma_start3A_281 = tpu.memref_slice %dma_start3A_278[%add3A_265, %dma_start3A_279, %dma_start3A_280] : memref<88x2x128xi32, #tpu.memory_space<hbm>> -> memref<1x2x128xi32, #tpu.memory_space<hbm>>
      %dma_start3A_282 = tpu.memref_squeeze %dma_start3A_281 : memref<1x2x128xi32, #tpu.memory_space<hbm>> -> memref<2x128xi32, #tpu.memory_space<hbm>>
      %dma_start3A_283 = arith.constant 0 : i32
      %dma_start3A_284 = arith.constant 0 : i32
      %dma_start3A_285 = arith.constant 0 : i32
      %dma_start3A_286 = tpu.memref_slice %arg3[%add3A, %dma_start3A_283, %dma_start3A_284, %dma_start3A_285] : memref<32x88x2x128xi32, #tpu.memory_space<hbm>> -> memref<1x88x2x128xi32, #tpu.memory_space<hbm>>
      %dma_start3A_287 = tpu.memref_squeeze %dma_start3A_286 : memref<1x88x2x128xi32, #tpu.memory_space<hbm>> -> memref<88x2x128xi32, #tpu.memory_space<hbm>>
      %dma_start3A_288 = arith.constant 0 : i32
      %dma_start3A_289 = arith.constant 0 : i32
      %dma_start3A_290 = tpu.memref_slice %dma_start3A_287[%add3A_265, %dma_start3A_288, %dma_start3A_289] : memref<88x2x128xi32, #tpu.memory_space<hbm>> -> memref<1x2x128xi32, #tpu.memory_space<hbm>>
      %dma_start3A_291 = tpu.memref_squeeze %dma_start3A_290 : memref<1x2x128xi32, #tpu.memory_space<hbm>> -> memref<2x128xi32, #tpu.memory_space<hbm>>
      tpu.enqueue_dma source(%dma_start3A_291 : memref<2x128xi32, #tpu.memory_space<hbm>>) target(%arg7 : memref<2x128xi32, #tpu.memory_space<vmem>>) target_semaphore(%arg14 : memref<!tpu.dma_semaphore, #tpu.memory_space<semaphore_mem>>)
      %add3A_292 = arith.constant 3 : i32
      %add3A_293 = arith.addi %mul3A_182, %add3A_292 : i32
      %dma_wait3A_294 = arith.constant 0 : i32
      %dma_wait3A_295 = arith.constant 0 : i32
      %dma_wait3A_296 = arith.constant 0 : i32
      %dma_wait3A_297 = tpu.memref_slice %arg3[%add3A, %dma_wait3A_294, %dma_wait3A_295, %dma_wait3A_296] : memref<32x88x2x128xi32, #tpu.memory_space<hbm>> -> memref<1x88x2x128xi32, #tpu.memory_space<hbm>>
      %dma_wait3A_298 = tpu.memref_squeeze %dma_wait3A_297 : memref<1x88x2x128xi32, #tpu.memory_space<hbm>> -> memref<88x2x128xi32, #tpu.memory_space<hbm>>
      %dma_wait3A_299 = arith.constant 0 : i32
      %dma_wait3A_300 = arith.constant 0 : i32
      %dma_wait3A_301 = tpu.memref_slice %dma_wait3A_298[%add3A_293, %dma_wait3A_299, %dma_wait3A_300] : memref<88x2x128xi32, #tpu.memory_space<hbm>> -> memref<1x2x128xi32, #tpu.memory_space<hbm>>
      %dma_wait3A_302 = tpu.memref_squeeze %dma_wait3A_301 : memref<1x2x128xi32, #tpu.memory_space<hbm>> -> memref<2x128xi32, #tpu.memory_space<hbm>>
      %dma_wait3A_303 = arith.constant 0 : i32
      %dma_wait3A_304 = arith.constant 0 : i32
      %dma_wait3A_305 = arith.constant 0 : i32
      %dma_wait3A_306 = tpu.memref_slice %arg3[%add3A, %dma_wait3A_303, %dma_wait3A_304, %dma_wait3A_305] : memref<32x88x2x128xi32, #tpu.memory_space<hbm>> -> memref<1x88x2x128xi32, #tpu.memory_space<hbm>>
      %dma_wait3A_307 = tpu.memref_squeeze %dma_wait3A_306 : memref<1x88x2x128xi32, #tpu.memory_space<hbm>> -> memref<88x2x128xi32, #tpu.memory_space<hbm>>
      %dma_wait3A_308 = arith.constant 0 : i32
      %dma_wait3A_309 = arith.constant 0 : i32
      %dma_wait3A_310 = tpu.memref_slice %dma_wait3A_307[%add3A_293, %dma_wait3A_308, %dma_wait3A_309] : memref<88x2x128xi32, #tpu.memory_space<hbm>> -> memref<1x2x128xi32, #tpu.memory_space<hbm>>
      %dma_wait3A_311 = tpu.memref_squeeze %dma_wait3A_310 : memref<1x2x128xi32, #tpu.memory_space<hbm>> -> memref<2x128xi32, #tpu.memory_space<hbm>>
      tpu.wait_dma2 semaphore(%arg16 : memref<!tpu.dma_semaphore, #tpu.memory_space<semaphore_mem>>) src(%dma_wait3A_311 : memref<2x128xi32, #tpu.memory_space<hbm>>) dst(%arg9 : memref<2x128xi32, #tpu.memory_space<vmem>>)
      %dma_start3A_312 = arith.constant 0 : i32
      %dma_start3A_313 = arith.constant 0 : i32
      %dma_start3A_314 = tpu.memref_slice %arg9[%dma_start3A_312, %dma_start3A_313] : memref<2x128xi32, #tpu.memory_space<vmem>> -> memref<1x128xi32, #tpu.memory_space<vmem>>
      %dma_start3A_315 = tpu.memref_squeeze %dma_start3A_314 : memref<1x128xi32, #tpu.memory_space<vmem>> -> memref<128xi32, #tpu.memory_space<vmem>>
      %dma_start3A_316 = arith.constant 0 : i32
      %dma_start3A_317 = arith.constant 0 : i32
      %dma_start3A_318 = tpu.memref_slice %arg2[%dma_start3A_316, %dma_start3A_317] : memref<10000x128xf32, #tpu.memory_space<hbm>> -> memref<10000x128xf32, #tpu.memory_space<hbm>>
      tpu.enqueue_indirect_dma source(%dma_start3A_318 : memref<10000x128xf32, #tpu.memory_space<hbm>>) target(%arg11 : memref<128x128xf32, #tpu.memory_space<vmem>>) offsets(%dma_start3A_315 : memref<128xi32, #tpu.memory_space<vmem>>) semaphore(%arg18 : memref<!tpu.dma_semaphore, #tpu.memory_space<semaphore_mem>>)
      %add3A_319 = arith.constant 6 : i32
      %add3A_320 = arith.addi %mul3A_182, %add3A_319 : i32
      %dma_wait3A_321 = arith.constant 0 : i32
      %dma_wait3A_322 = arith.constant 0 : i32
      %dma_wait3A_323 = tpu.memref_slice %arg8[%dma_wait3A_321, %dma_wait3A_322] : memref<2x128xi32, #tpu.memory_space<vmem>> -> memref<1x128xi32, #tpu.memory_space<vmem>>
      %dma_wait3A_324 = tpu.memref_squeeze %dma_wait3A_323 : memref<1x128xi32, #tpu.memory_space<vmem>> -> memref<128xi32, #tpu.memory_space<vmem>>
      %dma_wait3A_325 = arith.constant 0 : i32
      %dma_wait3A_326 = arith.constant 0 : i32
      %dma_wait3A_327 = tpu.memref_slice %arg2[%dma_wait3A_325, %dma_wait3A_326] : memref<10000x128xf32, #tpu.memory_space<hbm>> -> memref<10000x128xf32, #tpu.memory_space<hbm>>
      tpu.wait_indirect_dma semaphore(%arg17 : memref<!tpu.dma_semaphore, #tpu.memory_space<semaphore_mem>>) src(%dma_wait3A_327 : memref<10000x128xf32, #tpu.memory_space<hbm>>) dst(%arg10 : memref<128x128xf32, #tpu.memory_space<vmem>>)
      %run_scoped3A_328 = arith.constant 1 : i32
      "tpu.region"() ({
        %run_scoped3A_402 = tpu.sem_alloc : memref<!tpu.dma_semaphore, #tpu.memory_space<semaphore_mem>>
        %dma_start3A_403 = arith.constant 0 : i32
        %dma_start3A_404 = tpu.memref_slice %arg8[%run_scoped3A_328, %dma_start3A_403] : memref<2x128xi32, #tpu.memory_space<vmem>> -> memref<1x128xi32, #tpu.memory_space<vmem>>
        %dma_start3A_405 = tpu.memref_squeeze %dma_start3A_404 : memref<1x128xi32, #tpu.memory_space<vmem>> -> memref<128xi32, #tpu.memory_space<vmem>>
        %dma_start3A_406 = arith.constant 0 : i32
        %dma_start3A_407 = arith.constant 0 : i32
        %dma_start3A_408 = tpu.memref_slice %arg12[%dma_start3A_406, %dma_start3A_407] : memref<10112x128xf32, #tpu.memory_space<vmem_shared>> -> memref<10112x128xf32, #tpu.memory_space<vmem_shared>>
        tpu.enqueue_indirect_dma source(%arg10 : memref<128x128xf32, #tpu.memory_space<vmem>>) target(%dma_start3A_408 : memref<10112x128xf32, #tpu.memory_space<vmem_shared>>) offsets(%dma_start3A_405 : memref<128xi32, #tpu.memory_space<vmem>>) semaphore(%run_scoped3A_402 : memref<!tpu.dma_semaphore, #tpu.memory_space<semaphore_mem>>) {add = true}
        %dma_wait3A_409 = arith.constant 0 : i32
        %dma_wait3A_410 = tpu.memref_slice %arg8[%run_scoped3A_328, %dma_wait3A_409] : memref<2x128xi32, #tpu.memory_space<vmem>> -> memref<1x128xi32, #tpu.memory_space<vmem>>
        %dma_wait3A_411 = tpu.memref_squeeze %dma_wait3A_410 : memref<1x128xi32, #tpu.memory_space<vmem>> -> memref<128xi32, #tpu.memory_space<vmem>>
        %dma_wait3A_412 = arith.constant 0 : i32
        %dma_wait3A_413 = arith.constant 0 : i32
        %dma_wait3A_414 = tpu.memref_slice %arg12[%dma_wait3A_412, %dma_wait3A_413] : memref<10112x128xf32, #tpu.memory_space<vmem_shared>> -> memref<10112x128xf32, #tpu.memory_space<vmem_shared>>
        tpu.wait_indirect_dma semaphore(%run_scoped3A_402 : memref<!tpu.dma_semaphore, #tpu.memory_space<semaphore_mem>>) src(%arg10 : memref<128x128xf32, #tpu.memory_space<vmem>>) dst(%dma_wait3A_414 : memref<10112x128xf32, #tpu.memory_space<vmem_shared>>)
        tpu.yield
      }) : () -> ()
      %dma_start3A_329 = arith.constant 0 : i32
      %dma_start3A_330 = arith.constant 0 : i32
      %dma_start3A_331 = arith.constant 0 : i32
      %dma_start3A_332 = tpu.memref_slice %arg3[%add3A, %dma_start3A_329, %dma_start3A_330, %dma_start3A_331] : memref<32x88x2x128xi32, #tpu.memory_space<hbm>> -> memref<1x88x2x128xi32, #tpu.memory_space<hbm>>
      %dma_start3A_333 = tpu.memref_squeeze %dma_start3A_332 : memref<1x88x2x128xi32, #tpu.memory_space<hbm>> -> memref<88x2x128xi32, #tpu.memory_space<hbm>>
      %dma_start3A_334 = arith.constant 0 : i32
      %dma_start3A_335 = arith.constant 0 : i32
      %dma_start3A_336 = tpu.memref_slice %dma_start3A_333[%add3A_320, %dma_start3A_334, %dma_start3A_335] : memref<88x2x128xi32, #tpu.memory_space<hbm>> -> memref<1x2x128xi32, #tpu.memory_space<hbm>>
      %dma_start3A_337 = tpu.memref_squeeze %dma_start3A_336 : memref<1x2x128xi32, #tpu.memory_space<hbm>> -> memref<2x128xi32, #tpu.memory_space<hbm>>
      %dma_start3A_338 = arith.constant 0 : i32
      %dma_start3A_339 = arith.constant 0 : i32
      %dma_start3A_340 = arith.constant 0 : i32
      %dma_start3A_341 = tpu.memref_slice %arg3[%add3A, %dma_start3A_338, %dma_start3A_339, %dma_start3A_340] : memref<32x88x2x128xi32, #tpu.memory_space<hbm>> -> memref<1x88x2x128xi32, #tpu.memory_space<hbm>>
      %dma_start3A_342 = tpu.memref_squeeze %dma_start3A_341 : memref<1x88x2x128xi32, #tpu.memory_space<hbm>> -> memref<88x2x128xi32, #tpu.memory_space<hbm>>
      %dma_start3A_343 = arith.constant 0 : i32
      %dma_start3A_344 = arith.constant 0 : i32
      %dma_start3A_345 = tpu.memref_slice %dma_start3A_342[%add3A_320, %dma_start3A_343, %dma_start3A_344] : memref<88x2x128xi32, #tpu.memory_space<hbm>> -> memref<1x2x128xi32, #tpu.memory_space<hbm>>
      %dma_start3A_346 = tpu.memref_squeeze %dma_start3A_345 : memref<1x2x128xi32, #tpu.memory_space<hbm>> -> memref<2x128xi32, #tpu.memory_space<hbm>>
      tpu.enqueue_dma source(%dma_start3A_346 : memref<2x128xi32, #tpu.memory_space<hbm>>) target(%arg8 : memref<2x128xi32, #tpu.memory_space<vmem>>) target_semaphore(%arg15 : memref<!tpu.dma_semaphore, #tpu.memory_space<semaphore_mem>>)
      %add3A_347 = arith.constant 4 : i32
      %add3A_348 = arith.addi %mul3A_182, %add3A_347 : i32
      %dma_wait3A_349 = arith.constant 0 : i32
      %dma_wait3A_350 = arith.constant 0 : i32
      %dma_wait3A_351 = arith.constant 0 : i32
      %dma_wait3A_352 = tpu.memref_slice %arg3[%add3A, %dma_wait3A_349, %dma_wait3A_350, %dma_wait3A_351] : memref<32x88x2x128xi32, #tpu.memory_space<hbm>> -> memref<1x88x2x128xi32, #tpu.memory_space<hbm>>
      %dma_wait3A_353 = tpu.memref_squeeze %dma_wait3A_352 : memref<1x88x2x128xi32, #tpu.memory_space<hbm>> -> memref<88x2x128xi32, #tpu.memory_space<hbm>>
      %dma_wait3A_354 = arith.constant 0 : i32
      %dma_wait3A_355 = arith.constant 0 : i32
      %dma_wait3A_356 = tpu.memref_slice %dma_wait3A_353[%add3A_348, %dma_wait3A_354, %dma_wait3A_355] : memref<88x2x128xi32, #tpu.memory_space<hbm>> -> memref<1x2x128xi32, #tpu.memory_space<hbm>>
      %dma_wait3A_357 = tpu.memref_squeeze %dma_wait3A_356 : memref<1x2x128xi32, #tpu.memory_space<hbm>> -> memref<2x128xi32, #tpu.memory_space<hbm>>
      %dma_wait3A_358 = arith.constant 0 : i32
      %dma_wait3A_359 = arith.constant 0 : i32
      %dma_wait3A_360 = arith.constant 0 : i32
      %dma_wait3A_361 = tpu.memref_slice %arg3[%add3A, %dma_wait3A_358, %dma_wait3A_359, %dma_wait3A_360] : memref<32x88x2x128xi32, #tpu.memory_space<hbm>> -> memref<1x88x2x128xi32, #tpu.memory_space<hbm>>
      %dma_wait3A_362 = tpu.memref_squeeze %dma_wait3A_361 : memref<1x88x2x128xi32, #tpu.memory_space<hbm>> -> memref<88x2x128xi32, #tpu.memory_space<hbm>>
      %dma_wait3A_363 = arith.constant 0 : i32
      %dma_wait3A_364 = arith.constant 0 : i32
      %dma_wait3A_365 = tpu.memref_slice %dma_wait3A_362[%add3A_348, %dma_wait3A_363, %dma_wait3A_364] : memref<88x2x128xi32, #tpu.memory_space<hbm>> -> memref<1x2x128xi32, #tpu.memory_space<hbm>>
      %dma_wait3A_366 = tpu.memref_squeeze %dma_wait3A_365 : memref<1x2x128xi32, #tpu.memory_space<hbm>> -> memref<2x128xi32, #tpu.memory_space<hbm>>
      tpu.wait_dma2 semaphore(%arg13 : memref<!tpu.dma_semaphore, #tpu.memory_space<semaphore_mem>>) src(%dma_wait3A_366 : memref<2x128xi32, #tpu.memory_space<hbm>>) dst(%arg6 : memref<2x128xi32, #tpu.memory_space<vmem>>)
      %dma_start3A_367 = arith.constant 0 : i32
      %dma_start3A_368 = arith.constant 0 : i32
      %dma_start3A_369 = tpu.memref_slice %arg6[%dma_start3A_367, %dma_start3A_368] : memref<2x128xi32, #tpu.memory_space<vmem>> -> memref<1x128xi32, #tpu.memory_space<vmem>>
      %dma_start3A_370 = tpu.memref_squeeze %dma_start3A_369 : memref<1x128xi32, #tpu.memory_space<vmem>> -> memref<128xi32, #tpu.memory_space<vmem>>
      %dma_start3A_371 = arith.constant 0 : i32
      %dma_start3A_372 = arith.constant 0 : i32
      %dma_start3A_373 = tpu.memref_slice %arg2[%dma_start3A_371, %dma_start3A_372] : memref<10000x128xf32, #tpu.memory_space<hbm>> -> memref<10000x128xf32, #tpu.memory_space<hbm>>
      tpu.enqueue_indirect_dma source(%dma_start3A_373 : memref<10000x128xf32, #tpu.memory_space<hbm>>) target(%arg10 : memref<128x128xf32, #tpu.memory_space<vmem>>) offsets(%dma_start3A_370 : memref<128xi32, #tpu.memory_space<vmem>>) semaphore(%arg17 : memref<!tpu.dma_semaphore, #tpu.memory_space<semaphore_mem>>)
      %add3A_374 = arith.constant 7 : i32
      %add3A_375 = arith.addi %mul3A_182, %add3A_374 : i32
      %dma_wait3A_376 = arith.constant 0 : i32
      %dma_wait3A_377 = arith.constant 0 : i32
      %dma_wait3A_378 = tpu.memref_slice %arg9[%dma_wait3A_376, %dma_wait3A_377] : memref<2x128xi32, #tpu.memory_space<vmem>> -> memref<1x128xi32, #tpu.memory_space<vmem>>
      %dma_wait3A_379 = tpu.memref_squeeze %dma_wait3A_378 : memref<1x128xi32, #tpu.memory_space<vmem>> -> memref<128xi32, #tpu.memory_space<vmem>>
      %dma_wait3A_380 = arith.constant 0 : i32
      %dma_wait3A_381 = arith.constant 0 : i32
      %dma_wait3A_382 = tpu.memref_slice %arg2[%dma_wait3A_380, %dma_wait3A_381] : memref<10000x128xf32, #tpu.memory_space<hbm>> -> memref<10000x128xf32, #tpu.memory_space<hbm>>
      tpu.wait_indirect_dma semaphore(%arg18 : memref<!tpu.dma_semaphore, #tpu.memory_space<semaphore_mem>>) src(%dma_wait3A_382 : memref<10000x128xf32, #tpu.memory_space<hbm>>) dst(%arg11 : memref<128x128xf32, #tpu.memory_space<vmem>>)
      %run_scoped3A_383 = arith.constant 1 : i32
      "tpu.region"() ({
        %run_scoped3A_402 = tpu.sem_alloc : memref<!tpu.dma_semaphore, #tpu.memory_space<semaphore_mem>>
        %dma_start3A_403 = arith.constant 0 : i32
        %dma_start3A_404 = tpu.memref_slice %arg9[%run_scoped3A_383, %dma_start3A_403] : memref<2x128xi32, #tpu.memory_space<vmem>> -> memref<1x128xi32, #tpu.memory_space<vmem>>
        %dma_start3A_405 = tpu.memref_squeeze %dma_start3A_404 : memref<1x128xi32, #tpu.memory_space<vmem>> -> memref<128xi32, #tpu.memory_space<vmem>>
        %dma_start3A_406 = arith.constant 0 : i32
        %dma_start3A_407 = arith.constant 0 : i32
        %dma_start3A_408 = tpu.memref_slice %arg12[%dma_start3A_406, %dma_start3A_407] : memref<10112x128xf32, #tpu.memory_space<vmem_shared>> -> memref<10112x128xf32, #tpu.memory_space<vmem_shared>>
        tpu.enqueue_indirect_dma source(%arg11 : memref<128x128xf32, #tpu.memory_space<vmem>>) target(%dma_start3A_408 : memref<10112x128xf32, #tpu.memory_space<vmem_shared>>) offsets(%dma_start3A_405 : memref<128xi32, #tpu.memory_space<vmem>>) semaphore(%run_scoped3A_402 : memref<!tpu.dma_semaphore, #tpu.memory_space<semaphore_mem>>) {add = true}
        %dma_wait3A_409 = arith.constant 0 : i32
        %dma_wait3A_410 = tpu.memref_slice %arg9[%run_scoped3A_383, %dma_wait3A_409] : memref<2x128xi32, #tpu.memory_space<vmem>> -> memref<1x128xi32, #tpu.memory_space<vmem>>
        %dma_wait3A_411 = tpu.memref_squeeze %dma_wait3A_410 : memref<1x128xi32, #tpu.memory_space<vmem>> -> memref<128xi32, #tpu.memory_space<vmem>>
        %dma_wait3A_412 = arith.constant 0 : i32
        %dma_wait3A_413 = arith.constant 0 : i32
        %dma_wait3A_414 = tpu.memref_slice %arg12[%dma_wait3A_412, %dma_wait3A_413] : memref<10112x128xf32, #tpu.memory_space<vmem_shared>> -> memref<10112x128xf32, #tpu.memory_space<vmem_shared>>
        tpu.wait_indirect_dma semaphore(%run_scoped3A_402 : memref<!tpu.dma_semaphore, #tpu.memory_space<semaphore_mem>>) src(%arg11 : memref<128x128xf32, #tpu.memory_space<vmem>>) dst(%dma_wait3A_414 : memref<10112x128xf32, #tpu.memory_space<vmem_shared>>)
        tpu.yield
      }) : () -> ()
      %dma_start3A_384 = arith.constant 0 : i32
      %dma_start3A_385 = arith.constant 0 : i32
      %dma_start3A_386 = arith.constant 0 : i32
      %dma_start3A_387 = tpu.memref_slice %arg3[%add3A, %dma_start3A_384, %dma_start3A_385, %dma_start3A_386] : memref<32x88x2x128xi32, #tpu.memory_space<hbm>> -> memref<1x88x2x128xi32, #tpu.memory_space<hbm>>
      %dma_start3A_388 = tpu.memref_squeeze %dma_start3A_387 : memref<1x88x2x128xi32, #tpu.memory_space<hbm>> -> memref<88x2x128xi32, #tpu.memory_space<hbm>>
      %dma_start3A_389 = arith.constant 0 : i32
      %dma_start3A_390 = arith.constant 0 : i32
      %dma_start3A_391 = tpu.memref_slice %dma_start3A_388[%add3A_375, %dma_start3A_389, %dma_start3A_390] : memref<88x2x128xi32, #tpu.memory_space<hbm>> -> memref<1x2x128xi32, #tpu.memory_space<hbm>>
      %dma_start3A_392 = tpu.memref_squeeze %dma_start3A_391 : memref<1x2x128xi32, #tpu.memory_space<hbm>> -> memref<2x128xi32, #tpu.memory_space<hbm>>
      %dma_start3A_393 = arith.constant 0 : i32
      %dma_start3A_394 = arith.constant 0 : i32
      %dma_start3A_395 = arith.constant 0 : i32
      %dma_start3A_396 = tpu.memref_slice %arg3[%add3A, %dma_start3A_393, %dma_start3A_394, %dma_start3A_395] : memref<32x88x2x128xi32, #tpu.memory_space<hbm>> -> memref<1x88x2x128xi32, #tpu.memory_space<hbm>>
      %dma_start3A_397 = tpu.memref_squeeze %dma_start3A_396 : memref<1x88x2x128xi32, #tpu.memory_space<hbm>> -> memref<88x2x128xi32, #tpu.memory_space<hbm>>
      %dma_start3A_398 = arith.constant 0 : i32
      %dma_start3A_399 = arith.constant 0 : i32
      %dma_start3A_400 = tpu.memref_slice %dma_start3A_397[%add3A_375, %dma_start3A_398, %dma_start3A_399] : memref<88x2x128xi32, #tpu.memory_space<hbm>> -> memref<1x2x128xi32, #tpu.memory_space<hbm>>
      %dma_start3A_401 = tpu.memref_squeeze %dma_start3A_400 : memref<1x2x128xi32, #tpu.memory_space<hbm>> -> memref<2x128xi32, #tpu.memory_space<hbm>>
      tpu.enqueue_dma source(%dma_start3A_401 : memref<2x128xi32, #tpu.memory_space<hbm>>) target(%arg9 : memref<2x128xi32, #tpu.memory_space<vmem>>) target_semaphore(%arg16 : memref<!tpu.dma_semaphore, #tpu.memory_space<semaphore_mem>>)
    }
    %scan3A_106 = arith.constant 20 : i32
    %dma_wait3A_107 = arith.constant 0 : i32
    %dma_wait3A_108 = arith.constant 0 : i32
    %dma_wait3A_109 = tpu.memref_slice %arg6[%dma_wait3A_107, %dma_wait3A_108] : memref<2x128xi32, #tpu.memory_space<vmem>> -> memref<1x128xi32, #tpu.memory_space<vmem>>
    %dma_wait3A_110 = tpu.memref_squeeze %dma_wait3A_109 : memref<1x128xi32, #tpu.memory_space<vmem>> -> memref<128xi32, #tpu.memory_space<vmem>>
    %dma_wait3A_111 = arith.constant 0 : i32
    %dma_wait3A_112 = arith.constant 0 : i32
    %dma_wait3A_113 = tpu.memref_slice %arg2[%dma_wait3A_111, %dma_wait3A_112] : memref<10000x128xf32, #tpu.memory_space<hbm>> -> memref<10000x128xf32, #tpu.memory_space<hbm>>
    tpu.wait_indirect_dma semaphore(%arg17 : memref<!tpu.dma_semaphore, #tpu.memory_space<semaphore_mem>>) src(%dma_wait3A_113 : memref<10000x128xf32, #tpu.memory_space<hbm>>) dst(%arg10 : memref<128x128xf32, #tpu.memory_space<vmem>>)
    %dma_wait3A_114 = arith.constant 81 : i32
    %dma_wait3A_115 = arith.constant 0 : i32
    %dma_wait3A_116 = arith.constant 0 : i32
    %dma_wait3A_117 = arith.constant 0 : i32
    %dma_wait3A_118 = tpu.memref_slice %arg3[%add3A, %dma_wait3A_115, %dma_wait3A_116, %dma_wait3A_117] : memref<32x88x2x128xi32, #tpu.memory_space<hbm>> -> memref<1x88x2x128xi32, #tpu.memory_space<hbm>>
    %dma_wait3A_119 = tpu.memref_squeeze %dma_wait3A_118 : memref<1x88x2x128xi32, #tpu.memory_space<hbm>> -> memref<88x2x128xi32, #tpu.memory_space<hbm>>
    %dma_wait3A_120 = arith.constant 0 : i32
    %dma_wait3A_121 = arith.constant 0 : i32
    %dma_wait3A_122 = tpu.memref_slice %dma_wait3A_119[%dma_wait3A_114, %dma_wait3A_120, %dma_wait3A_121] : memref<88x2x128xi32, #tpu.memory_space<hbm>> -> memref<1x2x128xi32, #tpu.memory_space<hbm>>
    %dma_wait3A_123 = tpu.memref_squeeze %dma_wait3A_122 : memref<1x2x128xi32, #tpu.memory_space<hbm>> -> memref<2x128xi32, #tpu.memory_space<hbm>>
    %dma_wait3A_124 = arith.constant 0 : i32
    %dma_wait3A_125 = arith.constant 0 : i32
    %dma_wait3A_126 = arith.constant 0 : i32
    %dma_wait3A_127 = tpu.memref_slice %arg3[%add3A, %dma_wait3A_124, %dma_wait3A_125, %dma_wait3A_126] : memref<32x88x2x128xi32, #tpu.memory_space<hbm>> -> memref<1x88x2x128xi32, #tpu.memory_space<hbm>>
    %dma_wait3A_128 = tpu.memref_squeeze %dma_wait3A_127 : memref<1x88x2x128xi32, #tpu.memory_space<hbm>> -> memref<88x2x128xi32, #tpu.memory_space<hbm>>
    %dma_wait3A_129 = arith.constant 0 : i32
    %dma_wait3A_130 = arith.constant 0 : i32
    %dma_wait3A_131 = tpu.memref_slice %dma_wait3A_128[%dma_wait3A_114, %dma_wait3A_129, %dma_wait3A_130] : memref<88x2x128xi32, #tpu.memory_space<hbm>> -> memref<1x2x128xi32, #tpu.memory_space<hbm>>
    %dma_wait3A_132 = tpu.memref_squeeze %dma_wait3A_131 : memref<1x2x128xi32, #tpu.memory_space<hbm>> -> memref<2x128xi32, #tpu.memory_space<hbm>>
    tpu.wait_dma2 semaphore(%arg14 : memref<!tpu.dma_semaphore, #tpu.memory_space<semaphore_mem>>) src(%dma_wait3A_132 : memref<2x128xi32, #tpu.memory_space<hbm>>) dst(%arg7 : memref<2x128xi32, #tpu.memory_space<vmem>>)
    %dma_wait3A_133 = arith.constant 82 : i32
    %dma_wait3A_134 = arith.constant 0 : i32
    %dma_wait3A_135 = arith.constant 0 : i32
    %dma_wait3A_136 = arith.constant 0 : i32
    %dma_wait3A_137 = tpu.memref_slice %arg3[%add3A, %dma_wait3A_134, %dma_wait3A_135, %dma_wait3A_136] : memref<32x88x2x128xi32, #tpu.memory_space<hbm>> -> memref<1x88x2x128xi32, #tpu.memory_space<hbm>>
    %dma_wait3A_138 = tpu.memref_squeeze %dma_wait3A_137 : memref<1x88x2x128xi32, #tpu.memory_space<hbm>> -> memref<88x2x128xi32, #tpu.memory_space<hbm>>
    %dma_wait3A_139 = arith.constant 0 : i32
    %dma_wait3A_140 = arith.constant 0 : i32
    %dma_wait3A_141 = tpu.memref_slice %dma_wait3A_138[%dma_wait3A_133, %dma_wait3A_139, %dma_wait3A_140] : memref<88x2x128xi32, #tpu.memory_space<hbm>> -> memref<1x2x128xi32, #tpu.memory_space<hbm>>
    %dma_wait3A_142 = tpu.memref_squeeze %dma_wait3A_141 : memref<1x2x128xi32, #tpu.memory_space<hbm>> -> memref<2x128xi32, #tpu.memory_space<hbm>>
    %dma_wait3A_143 = arith.constant 0 : i32
    %dma_wait3A_144 = arith.constant 0 : i32
    %dma_wait3A_145 = arith.constant 0 : i32
    %dma_wait3A_146 = tpu.memref_slice %arg3[%add3A, %dma_wait3A_143, %dma_wait3A_144, %dma_wait3A_145] : memref<32x88x2x128xi32, #tpu.memory_space<hbm>> -> memref<1x88x2x128xi32, #tpu.memory_space<hbm>>
    %dma_wait3A_147 = tpu.memref_squeeze %dma_wait3A_146 : memref<1x88x2x128xi32, #tpu.memory_space<hbm>> -> memref<88x2x128xi32, #tpu.memory_space<hbm>>
    %dma_wait3A_148 = arith.constant 0 : i32
    %dma_wait3A_149 = arith.constant 0 : i32
    %dma_wait3A_150 = tpu.memref_slice %dma_wait3A_147[%dma_wait3A_133, %dma_wait3A_148, %dma_wait3A_149] : memref<88x2x128xi32, #tpu.memory_space<hbm>> -> memref<1x2x128xi32, #tpu.memory_space<hbm>>
    %dma_wait3A_151 = tpu.memref_squeeze %dma_wait3A_150 : memref<1x2x128xi32, #tpu.memory_space<hbm>> -> memref<2x128xi32, #tpu.memory_space<hbm>>
    tpu.wait_dma2 semaphore(%arg15 : memref<!tpu.dma_semaphore, #tpu.memory_space<semaphore_mem>>) src(%dma_wait3A_151 : memref<2x128xi32, #tpu.memory_space<hbm>>) dst(%arg8 : memref<2x128xi32, #tpu.memory_space<vmem>>)
    %dma_wait3A_152 = arith.constant 83 : i32
    %dma_wait3A_153 = arith.constant 0 : i32
    %dma_wait3A_154 = arith.constant 0 : i32
    %dma_wait3A_155 = arith.constant 0 : i32
    %dma_wait3A_156 = tpu.memref_slice %arg3[%add3A, %dma_wait3A_153, %dma_wait3A_154, %dma_wait3A_155] : memref<32x88x2x128xi32, #tpu.memory_space<hbm>> -> memref<1x88x2x128xi32, #tpu.memory_space<hbm>>
    %dma_wait3A_157 = tpu.memref_squeeze %dma_wait3A_156 : memref<1x88x2x128xi32, #tpu.memory_space<hbm>> -> memref<88x2x128xi32, #tpu.memory_space<hbm>>
    %dma_wait3A_158 = arith.constant 0 : i32
    %dma_wait3A_159 = arith.constant 0 : i32
    %dma_wait3A_160 = tpu.memref_slice %dma_wait3A_157[%dma_wait3A_152, %dma_wait3A_158, %dma_wait3A_159] : memref<88x2x128xi32, #tpu.memory_space<hbm>> -> memref<1x2x128xi32, #tpu.memory_space<hbm>>
    %dma_wait3A_161 = tpu.memref_squeeze %dma_wait3A_160 : memref<1x2x128xi32, #tpu.memory_space<hbm>> -> memref<2x128xi32, #tpu.memory_space<hbm>>
    %dma_wait3A_162 = arith.constant 0 : i32
    %dma_wait3A_163 = arith.constant 0 : i32
    %dma_wait3A_164 = arith.constant 0 : i32
    %dma_wait3A_165 = tpu.memref_slice %arg3[%add3A, %dma_wait3A_162, %dma_wait3A_163, %dma_wait3A_164] : memref<32x88x2x128xi32, #tpu.memory_space<hbm>> -> memref<1x88x2x128xi32, #tpu.memory_space<hbm>>
    %dma_wait3A_166 = tpu.memref_squeeze %dma_wait3A_165 : memref<1x88x2x128xi32, #tpu.memory_space<hbm>> -> memref<88x2x128xi32, #tpu.memory_space<hbm>>
    %dma_wait3A_167 = arith.constant 0 : i32
    %dma_wait3A_168 = arith.constant 0 : i32
    %dma_wait3A_169 = tpu.memref_slice %dma_wait3A_166[%dma_wait3A_152, %dma_wait3A_167, %dma_wait3A_168] : memref<88x2x128xi32, #tpu.memory_space<hbm>> -> memref<1x2x128xi32, #tpu.memory_space<hbm>>
    %dma_wait3A_170 = tpu.memref_squeeze %dma_wait3A_169 : memref<1x2x128xi32, #tpu.memory_space<hbm>> -> memref<2x128xi32, #tpu.memory_space<hbm>>
    tpu.wait_dma2 semaphore(%arg16 : memref<!tpu.dma_semaphore, #tpu.memory_space<semaphore_mem>>) src(%dma_wait3A_170 : memref<2x128xi32, #tpu.memory_space<hbm>>) dst(%arg9 : memref<2x128xi32, #tpu.memory_space<vmem>>)
    %barrier3A_171 = arith.constant 0 : index
    tpu.barrier barrier_id(%barrier3A_171)
    %mul3A_172 = arith.constant 632 : i32
    %mul3A_173 = arith.muli %arg1, %mul3A_172 : i32
    %mul3A_174 = arith.constant 632 : i32
    %mul3A_175 = arith.muli %arg1, %mul3A_174 : i32
    "tpu.region"() ({
      %run_scoped3A = tpu.sem_alloc : memref<!tpu.dma_semaphore, #tpu.memory_space<semaphore_mem>>
      %dma_start3A_176 = arith.constant 0 : i32
      %dma_start3A_177 = tpu.memref_slice %arg5[%arg0, %mul3A_175, %dma_start3A_176] : memref<2x10112x128xf32, #tpu.memory_space<hbm>> -> memref<1x632x128xf32, #tpu.memory_space<hbm>>
      %dma_start3A_178 = tpu.memref_squeeze %dma_start3A_177 : memref<1x632x128xf32, #tpu.memory_space<hbm>> -> memref<632x128xf32, #tpu.memory_space<hbm>>
      %dma_start3A_179 = arith.constant 0 : i32
      %dma_start3A_180 = tpu.memref_slice %arg12[%mul3A_173, %dma_start3A_179] : memref<10112x128xf32, #tpu.memory_space<vmem_shared>> -> memref<632x128xf32, #tpu.memory_space<vmem_shared>>
      tpu.enqueue_dma source(%dma_start3A_180 : memref<632x128xf32, #tpu.memory_space<vmem_shared>>) target(%dma_start3A_178 : memref<632x128xf32, #tpu.memory_space<hbm>>) target_semaphore(%run_scoped3A : memref<!tpu.dma_semaphore, #tpu.memory_space<semaphore_mem>>)
      %dma_wait3A_181 = arith.constant 0 : i32
      %dma_wait3A_182 = tpu.memref_slice %arg5[%arg0, %mul3A_175, %dma_wait3A_181] : memref<2x10112x128xf32, #tpu.memory_space<hbm>> -> memref<1x632x128xf32, #tpu.memory_space<hbm>>
      %dma_wait3A_183 = tpu.memref_squeeze %dma_wait3A_182 : memref<1x632x128xf32, #tpu.memory_space<hbm>> -> memref<632x128xf32, #tpu.memory_space<hbm>>
      %dma_wait3A_184 = arith.constant 0 : i32
      %dma_wait3A_185 = tpu.memref_slice %arg12[%mul3A_173, %dma_wait3A_184] : memref<10112x128xf32, #tpu.memory_space<vmem_shared>> -> memref<632x128xf32, #tpu.memory_space<vmem_shared>>
      tpu.wait_dma2 semaphore(%run_scoped3A : memref<!tpu.dma_semaphore, #tpu.memory_space<semaphore_mem>>) src(%dma_wait3A_185 : memref<632x128xf32, #tpu.memory_space<vmem_shared>>) dst(%dma_wait3A_183 : memref<632x128xf32, #tpu.memory_space<hbm>>)
      tpu.yield
    }) : () -> ()
    return
  }
}

#map = affine_map<(d0, d1) -> (0, 0)>
#map1 = affine_map<(d0, d1) -> (0, 0, 0, 0)>
#map2 = affine_map<(d0, d1) -> (0, 0, 0)>
module attributes {stable_mosaic.version = 14 : i64} {
  func.func @k(%arg0: i32, %arg1: i32, %arg2: memref<10000x128xf32, #tpu.memory_space<hbm>>, %arg3: memref<32x88x2x128xi32, #tpu.memory_space<hbm>>, %arg4: memref<632x128xf32, #tpu.memory_space<hbm>>, %arg5: memref<2x10112x128xf32, #tpu.memory_space<hbm>>, %arg6: memref<2x128xi32, #tpu.memory_space<vmem>>, %arg7: memref<2x128xi32, #tpu.memory_space<vmem>>, %arg8: memref<2x128xi32, #tpu.memory_space<vmem>>, %arg9: memref<2x128xi32, #tpu.memory_space<vmem>>, %arg10: memref<128x128xf32, #tpu.memory_space<vmem>>, %arg11: memref<128x128xf32, #tpu.memory_space<vmem>>, %arg12: memref<10112x128xf32, #tpu.memory_space<vmem_shared>>, %arg13: memref<!tpu.dma_semaphore, #tpu.memory_space<semaphore_mem>>, %arg14: memref<!tpu.dma_semaphore, #tpu.memory_space<semaphore_mem>>, %arg15: memref<!tpu.dma_semaphore, #tpu.memory_space<semaphore_mem>>, %arg16: memref<!tpu.dma_semaphore, #tpu.memory_space<semaphore_mem>>, %arg17: memref<!tpu.dma_semaphore, #tpu.memory_space<semaphore_mem>>, %arg18: memref<!tpu.dma_semaphore, #tpu.memory_space<semaphore_mem>>) attributes {dimension_semantics = [#tpu.dimension_semantics<core_parallel>, #tpu.dimension_semantics<subcore_parallel>], iteration_bounds = array<i64: 2, 16>, scalar_prefetch = 0 : i64, scratch_operands = 13 : i64, tpu.core_type = #tpu.core_type<sc_vector_subcore>, window_params = [{transform_indices = #map}, {transform_indices = #map1}, {transform_indices = #map}, {transform_indices = #map2}]} {
    %mul3A = arith.constant 16 : i32
    %mul3A_0 = arith.muli %arg0, %mul3A : i32
    %add3A = arith.addi %mul3A_0, %arg1 : i32
    %dma_start3A = arith.constant 0 : i32
    %dma_start3A_1 = arith.constant 0 : i32
    %dma_start3A_2 = arith.constant 0 : i32
    %dma_start3A_3 = arith.constant 0 : i32
    %dma_start3A_4 = tpu.memref_slice %arg3[%add3A, %dma_start3A_1, %dma_start3A_2, %dma_start3A_3] : memref<32x88x2x128xi32, #tpu.memory_space<hbm>> -> memref<1x88x2x128xi32, #tpu.memory_space<hbm>>
    %dma_start3A_5 = tpu.memref_squeeze %dma_start3A_4 : memref<1x88x2x128xi32, #tpu.memory_space<hbm>> -> memref<88x2x128xi32, #tpu.memory_space<hbm>>
    %dma_start3A_6 = arith.constant 0 : i32
    %dma_start3A_7 = arith.constant 0 : i32
    %dma_start3A_8 = tpu.memref_slice %dma_start3A_5[%dma_start3A, %dma_start3A_6, %dma_start3A_7] : memref<88x2x128xi32, #tpu.memory_space<hbm>> -> memref<1x2x128xi32, #tpu.memory_space<hbm>>
    %dma_start3A_9 = tpu.memref_squeeze %dma_start3A_8 : memref<1x2x128xi32, #tpu.memory_space<hbm>> -> memref<2x128xi32, #tpu.memory_space<hbm>>
    %dma_start3A_10 = arith.constant 0 : i32
    %dma_start3A_11 = arith.constant 0 : i32
    %dma_start3A_12 = arith.constant 0 : i32
    %dma_start3A_13 = tpu.memref_slice %arg3[%add3A, %dma_start3A_10, %dma_start3A_11, %dma_start3A_12] : memref<32x88x2x128xi32, #tpu.memory_space<hbm>> -> memref<1x88x2x128xi32, #tpu.memory_space<hbm>>
    %dma_start3A_14 = tpu.memref_squeeze %dma_start3A_13 : memref<1x88x2x128xi32, #tpu.memory_space<hbm>> -> memref<88x2x128xi32, #tpu.memory_space<hbm>>
    %dma_start3A_15 = arith.constant 0 : i32
    %dma_start3A_16 = arith.constant 0 : i32
    %dma_start3A_17 = tpu.memref_slice %dma_start3A_14[%dma_start3A, %dma_start3A_15, %dma_start3A_16] : memref<88x2x128xi32, #tpu.memory_space<hbm>> -> memref<1x2x128xi32, #tpu.memory_space<hbm>>
    %dma_start3A_18 = tpu.memref_squeeze %dma_start3A_17 : memref<1x2x128xi32, #tpu.memory_space<hbm>> -> memref<2x128xi32, #tpu.memory_space<hbm>>
    tpu.enqueue_dma source(%dma_start3A_18 : memref<2x128xi32, #tpu.memory_space<hbm>>) target(%arg6 : memref<2x128xi32, #tpu.memory_space<vmem>>) target_semaphore(%arg13 : memref<!tpu.dma_semaphore, #tpu.memory_space<semaphore_mem>>)
    %dma_start3A_19 = arith.constant 1 : i32
    %dma_start3A_20 = arith.constant 0 : i32
    %dma_start3A_21 = arith.constant 0 : i32
    %dma_start3A_22 = arith.constant 0 : i32
    %dma_start3A_23 = tpu.memref_slice %arg3[%add3A, %dma_start3A_20, %dma_start3A_21, %dma_start3A_22] : memref<32x88x2x128xi32, #tpu.memory_space<hbm>> -> memref<1x88x2x128xi32, #tpu.memory_space<hbm>>
    %dma_start3A_24 = tpu.memref_squeeze %dma_start3A_23 : memref<1x88x2x128xi32, #tpu.memory_space<hbm>> -> memref<88x2x128xi32, #tpu.memory_space<hbm>>
    %dma_start3A_25 = arith.constant 0 : i32
    %dma_start3A_26 = arith.constant 0 : i32
    %dma_start3A_27 = tpu.memref_slice %dma_start3A_24[%dma_start3A_19, %dma_start3A_25, %dma_start3A_26] : memref<88x2x128xi32, #tpu.memory_space<hbm>> -> memref<1x2x128xi32, #tpu.memory_space<hbm>>
    %dma_start3A_28 = tpu.memref_squeeze %dma_start3A_27 : memref<1x2x128xi32, #tpu.memory_space<hbm>> -> memref<2x128xi32, #tpu.memory_space<hbm>>
    %dma_start3A_29 = arith.constant 0 : i32
    %dma_start3A_30 = arith.constant 0 : i32
    %dma_start3A_31 = arith.constant 0 : i32
    %dma_start3A_32 = tpu.memref_slice %arg3[%add3A, %dma_start3A_29, %dma_start3A_30, %dma_start3A_31] : memref<32x88x2x128xi32, #tpu.memory_space<hbm>> -> memref<1x88x2x128xi32, #tpu.memory_space<hbm>>
    %dma_start3A_33 = tpu.memref_squeeze %dma_start3A_32 : memref<1x88x2x128xi32, #tpu.memory_space<hbm>> -> memref<88x2x128xi32, #tpu.memory_space<hbm>>
    %dma_start3A_34 = arith.constant 0 : i32
    %dma_start3A_35 = arith.constant 0 : i32
    %dma_start3A_36 = tpu.memref_slice %dma_start3A_33[%dma_start3A_19, %dma_start3A_34, %dma_start3A_35] : memref<88x2x128xi32, #tpu.memory_space<hbm>> -> memref<1x2x128xi32, #tpu.memory_space<hbm>>
    %dma_start3A_37 = tpu.memref_squeeze %dma_start3A_36 : memref<1x2x128xi32, #tpu.memory_space<hbm>> -> memref<2x128xi32, #tpu.memory_space<hbm>>
    tpu.enqueue_dma source(%dma_start3A_37 : memref<2x128xi32, #tpu.memory_space<hbm>>) target(%arg7 : memref<2x128xi32, #tpu.memory_space<vmem>>) target_semaphore(%arg14 : memref<!tpu.dma_semaphore, #tpu.memory_space<semaphore_mem>>)
    %dma_start3A_38 = arith.constant 2 : i32
    %dma_start3A_39 = arith.constant 0 : i32
    %dma_start3A_40 = arith.constant 0 : i32
    %dma_start3A_41 = arith.constant 0 : i32
    %dma_start3A_42 = tpu.memref_slice %arg3[%add3A, %dma_start3A_39, %dma_start3A_40, %dma_start3A_41] : memref<32x88x2x128xi32, #tpu.memory_space<hbm>> -> memref<1x88x2x128xi32, #tpu.memory_space<hbm>>
    %dma_start3A_43 = tpu.memref_squeeze %dma_start3A_42 : memref<1x88x2x128xi32, #tpu.memory_space<hbm>> -> memref<88x2x128xi32, #tpu.memory_space<hbm>>
    %dma_start3A_44 = arith.constant 0 : i32
    %dma_start3A_45 = arith.constant 0 : i32
    %dma_start3A_46 = tpu.memref_slice %dma_start3A_43[%dma_start3A_38, %dma_start3A_44, %dma_start3A_45] : memref<88x2x128xi32, #tpu.memory_space<hbm>> -> memref<1x2x128xi32, #tpu.memory_space<hbm>>
    %dma_start3A_47 = tpu.memref_squeeze %dma_start3A_46 : memref<1x2x128xi32, #tpu.memory_space<hbm>> -> memref<2x128xi32, #tpu.memory_space<hbm>>
    %dma_start3A_48 = arith.constant 0 : i32
    %dma_start3A_49 = arith.constant 0 : i32
    %dma_start3A_50 = arith.constant 0 : i32
    %dma_start3A_51 = tpu.memref_slice %arg3[%add3A, %dma_start3A_48, %dma_start3A_49, %dma_start3A_50] : memref<32x88x2x128xi32, #tpu.memory_space<hbm>> -> memref<1x88x2x128xi32, #tpu.memory_space<hbm>>
    %dma_start3A_52 = tpu.memref_squeeze %dma_start3A_51 : memref<1x88x2x128xi32, #tpu.memory_space<hbm>> -> memref<88x2x128xi32, #tpu.memory_space<hbm>>
    %dma_start3A_53 = arith.constant 0 : i32
    %dma_start3A_54 = arith.constant 0 : i32
    %dma_start3A_55 = tpu.memref_slice %dma_start3A_52[%dma_start3A_38, %dma_start3A_53, %dma_start3A_54] : memref<88x2x128xi32, #tpu.memory_space<hbm>> -> memref<1x2x128xi32, #tpu.memory_space<hbm>>
    %dma_start3A_56 = tpu.memref_squeeze %dma_start3A_55 : memref<1x2x128xi32, #tpu.memory_space<hbm>> -> memref<2x128xi32, #tpu.memory_space<hbm>>
    tpu.enqueue_dma source(%dma_start3A_56 : memref<2x128xi32, #tpu.memory_space<hbm>>) target(%arg8 : memref<2x128xi32, #tpu.memory_space<vmem>>) target_semaphore(%arg15 : memref<!tpu.dma_semaphore, #tpu.memory_space<semaphore_mem>>)
    %dma_start3A_57 = arith.constant 3 : i32
    %dma_start3A_58 = arith.constant 0 : i32
    %dma_start3A_59 = arith.constant 0 : i32
    %dma_start3A_60 = arith.constant 0 : i32
    %dma_start3A_61 = tpu.memref_slice %arg3[%add3A, %dma_start3A_58, %dma_start3A_59, %dma_start3A_60] : memref<32x88x2x128xi32, #tpu.memory_space<hbm>> -> memref<1x88x2x128xi32, #tpu.memory_space<hbm>>
    %dma_start3A_62 = tpu.memref_squeeze %dma_start3A_61 : memref<1x88x2x128xi32, #tpu.memory_space<hbm>> -> memref<88x2x128xi32, #tpu.memory_space<hbm>>
    %dma_start3A_63 = arith.constant 0 : i32
    %dma_start3A_64 = arith.constant 0 : i32
    %dma_start3A_65 = tpu.memref_slice %dma_start3A_62[%dma_start3A_57, %dma_start3A_63, %dma_start3A_64] : memref<88x2x128xi32, #tpu.memory_space<hbm>> -> memref<1x2x128xi32, #tpu.memory_space<hbm>>
    %dma_start3A_66 = tpu.memref_squeeze %dma_start3A_65 : memref<1x2x128xi32, #tpu.memory_space<hbm>> -> memref<2x128xi32, #tpu.memory_space<hbm>>
    %dma_start3A_67 = arith.constant 0 : i32
    %dma_start3A_68 = arith.constant 0 : i32
    %dma_start3A_69 = arith.constant 0 : i32
    %dma_start3A_70 = tpu.memref_slice %arg3[%add3A, %dma_start3A_67, %dma_start3A_68, %dma_start3A_69] : memref<32x88x2x128xi32, #tpu.memory_space<hbm>> -> memref<1x88x2x128xi32, #tpu.memory_space<hbm>>
    %dma_start3A_71 = tpu.memref_squeeze %dma_start3A_70 : memref<1x88x2x128xi32, #tpu.memory_space<hbm>> -> memref<88x2x128xi32, #tpu.memory_space<hbm>>
    %dma_start3A_72 = arith.constant 0 : i32
    %dma_start3A_73 = arith.constant 0 : i32
    %dma_start3A_74 = tpu.memref_slice %dma_start3A_71[%dma_start3A_57, %dma_start3A_72, %dma_start3A_73] : memref<88x2x128xi32, #tpu.memory_space<hbm>> -> memref<1x2x128xi32, #tpu.memory_space<hbm>>
    %dma_start3A_75 = tpu.memref_squeeze %dma_start3A_74 : memref<1x2x128xi32, #tpu.memory_space<hbm>> -> memref<2x128xi32, #tpu.memory_space<hbm>>
    tpu.enqueue_dma source(%dma_start3A_75 : memref<2x128xi32, #tpu.memory_space<hbm>>) target(%arg9 : memref<2x128xi32, #tpu.memory_space<vmem>>) target_semaphore(%arg16 : memref<!tpu.dma_semaphore, #tpu.memory_space<semaphore_mem>>)
    %mul3A_76 = arith.constant 632 : i32
    %mul3A_77 = arith.muli %arg1, %mul3A_76 : i32
    "tpu.region"() ({
      %run_scoped3A = tpu.sem_alloc : memref<!tpu.dma_semaphore, #tpu.memory_space<semaphore_mem>>
      %dma_start3A_176 = arith.constant 0 : i32
      %dma_start3A_177 = tpu.memref_slice %arg12[%mul3A_77, %dma_start3A_176] : memref<10112x128xf32, #tpu.memory_space<vmem_shared>> -> memref<632x128xf32, #tpu.memory_space<vmem_shared>>
      tpu.enqueue_dma source(%arg4 : memref<632x128xf32, #tpu.memory_space<hbm>>) target(%dma_start3A_177 : memref<632x128xf32, #tpu.memory_space<vmem_shared>>) target_semaphore(%run_scoped3A : memref<!tpu.dma_semaphore, #tpu.memory_space<semaphore_mem>>)
      %dma_wait3A_178 = arith.constant 0 : i32
      %dma_wait3A_179 = tpu.memref_slice %arg12[%mul3A_77, %dma_wait3A_178] : memref<10112x128xf32, #tpu.memory_space<vmem_shared>> -> memref<632x128xf32, #tpu.memory_space<vmem_shared>>
      tpu.wait_dma2 semaphore(%run_scoped3A : memref<!tpu.dma_semaphore, #tpu.memory_space<semaphore_mem>>) src(%arg4 : memref<632x128xf32, #tpu.memory_space<hbm>>) dst(%dma_wait3A_179 : memref<632x128xf32, #tpu.memory_space<vmem_shared>>)
      tpu.yield
    }) : () -> ()
    %barrier3A = arith.constant 0 : index
    tpu.barrier barrier_id(%barrier3A)
    %dma_wait3A = arith.constant 0 : i32
    %dma_wait3A_78 = arith.constant 0 : i32
    %dma_wait3A_79 = arith.constant 0 : i32
    %dma_wait3A_80 = arith.constant 0 : i32
    %dma_wait3A_81 = tpu.memref_slice %arg3[%add3A, %dma_wait3A_78, %dma_wait3A_79, %dma_wait3A_80] : memref<32x88x2x128xi32, #tpu.memory_space<hbm>> -> memref<1x88x2x128xi32, #tpu.memory_space<hbm>>
    %dma_wait3A_82 = tpu.memref_squeeze %dma_wait3A_81 : memref<1x88x2x128xi32, #tpu.memory_space<hbm>> -> memref<88x2x128xi32, #tpu.memory_space<hbm>>
    %dma_wait3A_83 = arith.constant 0 : i32
    %dma_wait3A_84 = arith.constant 0 : i32
    %dma_wait3A_85 = tpu.memref_slice %dma_wait3A_82[%dma_wait3A, %dma_wait3A_83, %dma_wait3A_84] : memref<88x2x128xi32, #tpu.memory_space<hbm>> -> memref<1x2x128xi32, #tpu.memory_space<hbm>>
    %dma_wait3A_86 = tpu.memref_squeeze %dma_wait3A_85 : memref<1x2x128xi32, #tpu.memory_space<hbm>> -> memref<2x128xi32, #tpu.memory_space<hbm>>
    %dma_wait3A_87 = arith.constant 0 : i32
    %dma_wait3A_88 = arith.constant 0 : i32
    %dma_wait3A_89 = arith.constant 0 : i32
    %dma_wait3A_90 = tpu.memref_slice %arg3[%add3A, %dma_wait3A_87, %dma_wait3A_88, %dma_wait3A_89] : memref<32x88x2x128xi32, #tpu.memory_space<hbm>> -> memref<1x88x2x128xi32, #tpu.memory_space<hbm>>
    %dma_wait3A_91 = tpu.memref_squeeze %dma_wait3A_90 : memref<1x88x2x128xi32, #tpu.memory_space<hbm>> -> memref<88x2x128xi32, #tpu.memory_space<hbm>>
    %dma_wait3A_92 = arith.constant 0 : i32
    %dma_wait3A_93 = arith.constant 0 : i32
    %dma_wait3A_94 = tpu.memref_slice %dma_wait3A_91[%dma_wait3A, %dma_wait3A_92, %dma_wait3A_93] : memref<88x2x128xi32, #tpu.memory_space<hbm>> -> memref<1x2x128xi32, #tpu.memory_space<hbm>>
    %dma_wait3A_95 = tpu.memref_squeeze %dma_wait3A_94 : memref<1x2x128xi32, #tpu.memory_space<hbm>> -> memref<2x128xi32, #tpu.memory_space<hbm>>
    tpu.wait_dma2 semaphore(%arg13 : memref<!tpu.dma_semaphore, #tpu.memory_space<semaphore_mem>>) src(%dma_wait3A_95 : memref<2x128xi32, #tpu.memory_space<hbm>>) dst(%arg6 : memref<2x128xi32, #tpu.memory_space<vmem>>)
    %dma_start3A_96 = arith.constant 0 : i32
    %dma_start3A_97 = arith.constant 0 : i32
    %dma_start3A_98 = tpu.memref_slice %arg6[%dma_start3A_96, %dma_start3A_97] : memref<2x128xi32, #tpu.memory_space<vmem>> -> memref<1x128xi32, #tpu.memory_space<vmem>>
    %dma_start3A_99 = tpu.memref_squeeze %dma_start3A_98 : memref<1x128xi32, #tpu.memory_space<vmem>> -> memref<128xi32, #tpu.memory_space<vmem>>
    %dma_start3A_100 = arith.constant 0 : i32
    %dma_start3A_101 = arith.constant 0 : i32
    %dma_start3A_102 = tpu.memref_slice %arg2[%dma_start3A_100, %dma_start3A_101] : memref<10000x128xf32, #tpu.memory_space<hbm>> -> memref<10000x128xf32, #tpu.memory_space<hbm>>
    tpu.enqueue_indirect_dma source(%dma_start3A_102 : memref<10000x128xf32, #tpu.memory_space<hbm>>) target(%arg10 : memref<128x128xf32, #tpu.memory_space<vmem>>) offsets(%dma_start3A_99 : memref<128xi32, #tpu.memory_space<vmem>>) semaphore(%arg17 : memref<!tpu.dma_semaphore, #tpu.memory_space<semaphore_mem>>)
    %scan3A = arith.constant 0 : i32
    %scan3A_103 = arith.constant 20 : i32
    %scan3A_104 = arith.addi %scan3A, %scan3A_103 : i32
    %scan3A_105 = arith.constant 1 : i32
    scf.for %scan3A_176 = %scan3A to %scan3A_104 step %scan3A_105  : i32 {
      %mul3A_177 = arith.constant 1 : i32
      %mul3A_178 = arith.muli %scan3A_176, %mul3A_177 : i32
      %add3A_179 = arith.constant 0 : i32
      %add3A_180 = arith.addi %add3A_179, %mul3A_178 : i32
      %mul3A_181 = arith.constant 4 : i32
      %mul3A_182 = arith.muli %add3A_180, %mul3A_181 : i32
      %add3A_183 = arith.constant 1 : i32
      %add3A_184 = arith.addi %mul3A_182, %add3A_183 : i32
      %dma_wait3A_185 = arith.constant 0 : i32
      %dma_wait3A_186 = arith.constant 0 : i32
      %dma_wait3A_187 = arith.constant 0 : i32
      %dma_wait3A_188 = tpu.memref_slice %arg3[%add3A, %dma_wait3A_185, %dma_wait3A_186, %dma_wait3A_187] : memref<32x88x2x128xi32, #tpu.memory_space<hbm>> -> memref<1x88x2x128xi32, #tpu.memory_space<hbm>>
      %dma_wait3A_189 = tpu.memref_squeeze %dma_wait3A_188 : memref<1x88x2x128xi32, #tpu.memory_space<hbm>> -> memref<88x2x128xi32, #tpu.memory_space<hbm>>
      %dma_wait3A_190 = arith.constant 0 : i32
      %dma_wait3A_191 = arith.constant 0 : i32
      %dma_wait3A_192 = tpu.memref_slice %dma_wait3A_189[%add3A_184, %dma_wait3A_190, %dma_wait3A_191] : memref<88x2x128xi32, #tpu.memory_space<hbm>> -> memref<1x2x128xi32, #tpu.memory_space<hbm>>
      %dma_wait3A_193 = tpu.memref_squeeze %dma_wait3A_192 : memref<1x2x128xi32, #tpu.memory_space<hbm>> -> memref<2x128xi32, #tpu.memory_space<hbm>>
      %dma_wait3A_194 = arith.constant 0 : i32
      %dma_wait3A_195 = arith.constant 0 : i32
      %dma_wait3A_196 = arith.constant 0 : i32
      %dma_wait3A_197 = tpu.memref_slice %arg3[%add3A, %dma_wait3A_194, %dma_wait3A_195, %dma_wait3A_196] : memref<32x88x2x128xi32, #tpu.memory_space<hbm>> -> memref<1x88x2x128xi32, #tpu.memory_space<hbm>>
      %dma_wait3A_198 = tpu.memref_squeeze %dma_wait3A_197 : memref<1x88x2x128xi32, #tpu.memory_space<hbm>> -> memref<88x2x128xi32, #tpu.memory_space<hbm>>
      %dma_wait3A_199 = arith.constant 0 : i32
      %dma_wait3A_200 = arith.constant 0 : i32
      %dma_wait3A_201 = tpu.memref_slice %dma_wait3A_198[%add3A_184, %dma_wait3A_199, %dma_wait3A_200] : memref<88x2x128xi32, #tpu.memory_space<hbm>> -> memref<1x2x128xi32, #tpu.memory_space<hbm>>
      %dma_wait3A_202 = tpu.memref_squeeze %dma_wait3A_201 : memref<1x2x128xi32, #tpu.memory_space<hbm>> -> memref<2x128xi32, #tpu.memory_space<hbm>>
      tpu.wait_dma2 semaphore(%arg14 : memref<!tpu.dma_semaphore, #tpu.memory_space<semaphore_mem>>) src(%dma_wait3A_202 : memref<2x128xi32, #tpu.memory_space<hbm>>) dst(%arg7 : memref<2x128xi32, #tpu.memory_space<vmem>>)
      %dma_start3A_203 = arith.constant 0 : i32
      %dma_start3A_204 = arith.constant 0 : i32
      %dma_start3A_205 = tpu.memref_slice %arg7[%dma_start3A_203, %dma_start3A_204] : memref<2x128xi32, #tpu.memory_space<vmem>> -> memref<1x128xi32, #tpu.memory_space<vmem>>
      %dma_start3A_206 = tpu.memref_squeeze %dma_start3A_205 : memref<1x128xi32, #tpu.memory_space<vmem>> -> memref<128xi32, #tpu.memory_space<vmem>>
      %dma_start3A_207 = arith.constant 0 : i32
      %dma_start3A_208 = arith.constant 0 : i32
      %dma_start3A_209 = tpu.memref_slice %arg2[%dma_start3A_207, %dma_start3A_208] : memref<10000x128xf32, #tpu.memory_space<hbm>> -> memref<10000x128xf32, #tpu.memory_space<hbm>>
      tpu.enqueue_indirect_dma source(%dma_start3A_209 : memref<10000x128xf32, #tpu.memory_space<hbm>>) target(%arg11 : memref<128x128xf32, #tpu.memory_space<vmem>>) offsets(%dma_start3A_206 : memref<128xi32, #tpu.memory_space<vmem>>) semaphore(%arg18 : memref<!tpu.dma_semaphore, #tpu.memory_space<semaphore_mem>>)
      %add3A_210 = arith.constant 4 : i32
      %add3A_211 = arith.addi %mul3A_182, %add3A_210 : i32
      %dma_wait3A_212 = arith.constant 0 : i32
      %dma_wait3A_213 = arith.constant 0 : i32
      %dma_wait3A_214 = tpu.memref_slice %arg6[%dma_wait3A_212, %dma_wait3A_213] : memref<2x128xi32, #tpu.memory_space<vmem>> -> memref<1x128xi32, #tpu.memory_space<vmem>>
      %dma_wait3A_215 = tpu.memref_squeeze %dma_wait3A_214 : memref<1x128xi32, #tpu.memory_space<vmem>> -> memref<128xi32, #tpu.memory_space<vmem>>
      %dma_wait3A_216 = arith.constant 0 : i32
      %dma_wait3A_217 = arith.constant 0 : i32
      %dma_wait3A_218 = tpu.memref_slice %arg2[%dma_wait3A_216, %dma_wait3A_217] : memref<10000x128xf32, #tpu.memory_space<hbm>> -> memref<10000x128xf32, #tpu.memory_space<hbm>>
      tpu.wait_indirect_dma semaphore(%arg17 : memref<!tpu.dma_semaphore, #tpu.memory_space<semaphore_mem>>) src(%dma_wait3A_218 : memref<10000x128xf32, #tpu.memory_space<hbm>>) dst(%arg10 : memref<128x128xf32, #tpu.memory_space<vmem>>)
      %run_scoped3A = arith.constant 1 : i32
      "tpu.region"() ({
        %run_scoped3A_402 = tpu.sem_alloc : memref<!tpu.dma_semaphore, #tpu.memory_space<semaphore_mem>>
        %dma_start3A_403 = arith.constant 0 : i32
        %dma_start3A_404 = tpu.memref_slice %arg6[%run_scoped3A, %dma_start3A_403] : memref<2x128xi32, #tpu.memory_space<vmem>> -> memref<1x128xi32, #tpu.memory_space<vmem>>
        %dma_start3A_405 = tpu.memref_squeeze %dma_start3A_404 : memref<1x128xi32, #tpu.memory_space<vmem>> -> memref<128xi32, #tpu.memory_space<vmem>>
        %dma_start3A_406 = arith.constant 0 : i32
        %dma_start3A_407 = arith.constant 0 : i32
        %dma_start3A_408 = tpu.memref_slice %arg12[%dma_start3A_406, %dma_start3A_407] : memref<10112x128xf32, #tpu.memory_space<vmem_shared>> -> memref<10112x128xf32, #tpu.memory_space<vmem_shared>>
        tpu.enqueue_indirect_dma source(%arg10 : memref<128x128xf32, #tpu.memory_space<vmem>>) target(%dma_start3A_408 : memref<10112x128xf32, #tpu.memory_space<vmem_shared>>) offsets(%dma_start3A_405 : memref<128xi32, #tpu.memory_space<vmem>>) semaphore(%run_scoped3A_402 : memref<!tpu.dma_semaphore, #tpu.memory_space<semaphore_mem>>) {add = true}
        %dma_wait3A_409 = arith.constant 0 : i32
        %dma_wait3A_410 = tpu.memref_slice %arg6[%run_scoped3A, %dma_wait3A_409] : memref<2x128xi32, #tpu.memory_space<vmem>> -> memref<1x128xi32, #tpu.memory_space<vmem>>
        %dma_wait3A_411 = tpu.memref_squeeze %dma_wait3A_410 : memref<1x128xi32, #tpu.memory_space<vmem>> -> memref<128xi32, #tpu.memory_space<vmem>>
        %dma_wait3A_412 = arith.constant 0 : i32
        %dma_wait3A_413 = arith.constant 0 : i32
        %dma_wait3A_414 = tpu.memref_slice %arg12[%dma_wait3A_412, %dma_wait3A_413] : memref<10112x128xf32, #tpu.memory_space<vmem_shared>> -> memref<10112x128xf32, #tpu.memory_space<vmem_shared>>
        tpu.wait_indirect_dma semaphore(%run_scoped3A_402 : memref<!tpu.dma_semaphore, #tpu.memory_space<semaphore_mem>>) src(%arg10 : memref<128x128xf32, #tpu.memory_space<vmem>>) dst(%dma_wait3A_414 : memref<10112x128xf32, #tpu.memory_space<vmem_shared>>)
        tpu.yield
      }) : () -> ()
      %dma_start3A_219 = arith.constant 0 : i32
      %dma_start3A_220 = arith.constant 0 : i32
      %dma_start3A_221 = arith.constant 0 : i32
      %dma_start3A_222 = tpu.memref_slice %arg3[%add3A, %dma_start3A_219, %dma_start3A_220, %dma_start3A_221] : memref<32x88x2x128xi32, #tpu.memory_space<hbm>> -> memref<1x88x2x128xi32, #tpu.memory_space<hbm>>
      %dma_start3A_223 = tpu.memref_squeeze %dma_start3A_222 : memref<1x88x2x128xi32, #tpu.memory_space<hbm>> -> memref<88x2x128xi32, #tpu.memory_space<hbm>>
      %dma_start3A_224 = arith.constant 0 : i32
      %dma_start3A_225 = arith.constant 0 : i32
      %dma_start3A_226 = tpu.memref_slice %dma_start3A_223[%add3A_211, %dma_start3A_224, %dma_start3A_225] : memref<88x2x128xi32, #tpu.memory_space<hbm>> -> memref<1x2x128xi32, #tpu.memory_space<hbm>>
      %dma_start3A_227 = tpu.memref_squeeze %dma_start3A_226 : memref<1x2x128xi32, #tpu.memory_space<hbm>> -> memref<2x128xi32, #tpu.memory_space<hbm>>
      %dma_start3A_228 = arith.constant 0 : i32
      %dma_start3A_229 = arith.constant 0 : i32
      %dma_start3A_230 = arith.constant 0 : i32
      %dma_start3A_231 = tpu.memref_slice %arg3[%add3A, %dma_start3A_228, %dma_start3A_229, %dma_start3A_230] : memref<32x88x2x128xi32, #tpu.memory_space<hbm>> -> memref<1x88x2x128xi32, #tpu.memory_space<hbm>>
      %dma_start3A_232 = tpu.memref_squeeze %dma_start3A_231 : memref<1x88x2x128xi32, #tpu.memory_space<hbm>> -> memref<88x2x128xi32, #tpu.memory_space<hbm>>
      %dma_start3A_233 = arith.constant 0 : i32
      %dma_start3A_234 = arith.constant 0 : i32
      %dma_start3A_235 = tpu.memref_slice %dma_start3A_232[%add3A_211, %dma_start3A_233, %dma_start3A_234] : memref<88x2x128xi32, #tpu.memory_space<hbm>> -> memref<1x2x128xi32, #tpu.memory_space<hbm>>
      %dma_start3A_236 = tpu.memref_squeeze %dma_start3A_235 : memref<1x2x128xi32, #tpu.memory_space<hbm>> -> memref<2x128xi32, #tpu.memory_space<hbm>>
      tpu.enqueue_dma source(%dma_start3A_236 : memref<2x128xi32, #tpu.memory_space<hbm>>) target(%arg6 : memref<2x128xi32, #tpu.memory_space<vmem>>) target_semaphore(%arg13 : memref<!tpu.dma_semaphore, #tpu.memory_space<semaphore_mem>>)
      %add3A_237 = arith.constant 2 : i32
      %add3A_238 = arith.addi %mul3A_182, %add3A_237 : i32
      %dma_wait3A_239 = arith.constant 0 : i32
      %dma_wait3A_240 = arith.constant 0 : i32
      %dma_wait3A_241 = arith.constant 0 : i32
      %dma_wait3A_242 = tpu.memref_slice %arg3[%add3A, %dma_wait3A_239, %dma_wait3A_240, %dma_wait3A_241] : memref<32x88x2x128xi32, #tpu.memory_space<hbm>> -> memref<1x88x2x128xi32, #tpu.memory_space<hbm>>
      %dma_wait3A_243 = tpu.memref_squeeze %dma_wait3A_242 : memref<1x88x2x128xi32, #tpu.memory_space<hbm>> -> memref<88x2x128xi32, #tpu.memory_space<hbm>>
      %dma_wait3A_244 = arith.constant 0 : i32
      %dma_wait3A_245 = arith.constant 0 : i32
      %dma_wait3A_246 = tpu.memref_slice %dma_wait3A_243[%add3A_238, %dma_wait3A_244, %dma_wait3A_245] : memref<88x2x128xi32, #tpu.memory_space<hbm>> -> memref<1x2x128xi32, #tpu.memory_space<hbm>>
      %dma_wait3A_247 = tpu.memref_squeeze %dma_wait3A_246 : memref<1x2x128xi32, #tpu.memory_space<hbm>> -> memref<2x128xi32, #tpu.memory_space<hbm>>
      %dma_wait3A_248 = arith.constant 0 : i32
      %dma_wait3A_249 = arith.constant 0 : i32
      %dma_wait3A_250 = arith.constant 0 : i32
      %dma_wait3A_251 = tpu.memref_slice %arg3[%add3A, %dma_wait3A_248, %dma_wait3A_249, %dma_wait3A_250] : memref<32x88x2x128xi32, #tpu.memory_space<hbm>> -> memref<1x88x2x128xi32, #tpu.memory_space<hbm>>
      %dma_wait3A_252 = tpu.memref_squeeze %dma_wait3A_251 : memref<1x88x2x128xi32, #tpu.memory_space<hbm>> -> memref<88x2x128xi32, #tpu.memory_space<hbm>>
      %dma_wait3A_253 = arith.constant 0 : i32
      %dma_wait3A_254 = arith.constant 0 : i32
      %dma_wait3A_255 = tpu.memref_slice %dma_wait3A_252[%add3A_238, %dma_wait3A_253, %dma_wait3A_254] : memref<88x2x128xi32, #tpu.memory_space<hbm>> -> memref<1x2x128xi32, #tpu.memory_space<hbm>>
      %dma_wait3A_256 = tpu.memref_squeeze %dma_wait3A_255 : memref<1x2x128xi32, #tpu.memory_space<hbm>> -> memref<2x128xi32, #tpu.memory_space<hbm>>
      tpu.wait_dma2 semaphore(%arg15 : memref<!tpu.dma_semaphore, #tpu.memory_space<semaphore_mem>>) src(%dma_wait3A_256 : memref<2x128xi32, #tpu.memory_space<hbm>>) dst(%arg8 : memref<2x128xi32, #tpu.memory_space<vmem>>)
      %dma_start3A_257 = arith.constant 0 : i32
      %dma_start3A_258 = arith.constant 0 : i32
      %dma_start3A_259 = tpu.memref_slice %arg8[%dma_start3A_257, %dma_start3A_258] : memref<2x128xi32, #tpu.memory_space<vmem>> -> memref<1x128xi32, #tpu.memory_space<vmem>>
      %dma_start3A_260 = tpu.memref_squeeze %dma_start3A_259 : memref<1x128xi32, #tpu.memory_space<vmem>> -> memref<128xi32, #tpu.memory_space<vmem>>
      %dma_start3A_261 = arith.constant 0 : i32
      %dma_start3A_262 = arith.constant 0 : i32
      %dma_start3A_263 = tpu.memref_slice %arg2[%dma_start3A_261, %dma_start3A_262] : memref<10000x128xf32, #tpu.memory_space<hbm>> -> memref<10000x128xf32, #tpu.memory_space<hbm>>
      tpu.enqueue_indirect_dma source(%dma_start3A_263 : memref<10000x128xf32, #tpu.memory_space<hbm>>) target(%arg10 : memref<128x128xf32, #tpu.memory_space<vmem>>) offsets(%dma_start3A_260 : memref<128xi32, #tpu.memory_space<vmem>>) semaphore(%arg17 : memref<!tpu.dma_semaphore, #tpu.memory_space<semaphore_mem>>)
      %add3A_264 = arith.constant 5 : i32
      %add3A_265 = arith.addi %mul3A_182, %add3A_264 : i32
      %dma_wait3A_266 = arith.constant 0 : i32
      %dma_wait3A_267 = arith.constant 0 : i32
      %dma_wait3A_268 = tpu.memref_slice %arg7[%dma_wait3A_266, %dma_wait3A_267] : memref<2x128xi32, #tpu.memory_space<vmem>> -> memref<1x128xi32, #tpu.memory_space<vmem>>
      %dma_wait3A_269 = tpu.memref_squeeze %dma_wait3A_268 : memref<1x128xi32, #tpu.memory_space<vmem>> -> memref<128xi32, #tpu.memory_space<vmem>>
      %dma_wait3A_270 = arith.constant 0 : i32
      %dma_wait3A_271 = arith.constant 0 : i32
      %dma_wait3A_272 = tpu.memref_slice %arg2[%dma_wait3A_270, %dma_wait3A_271] : memref<10000x128xf32, #tpu.memory_space<hbm>> -> memref<10000x128xf32, #tpu.memory_space<hbm>>
      tpu.wait_indirect_dma semaphore(%arg18 : memref<!tpu.dma_semaphore, #tpu.memory_space<semaphore_mem>>) src(%dma_wait3A_272 : memref<10000x128xf32, #tpu.memory_space<hbm>>) dst(%arg11 : memref<128x128xf32, #tpu.memory_space<vmem>>)
      %run_scoped3A_273 = arith.constant 1 : i32
      "tpu.region"() ({
        %run_scoped3A_402 = tpu.sem_alloc : memref<!tpu.dma_semaphore, #tpu.memory_space<semaphore_mem>>
        %dma_start3A_403 = arith.constant 0 : i32
        %dma_start3A_404 = tpu.memref_slice %arg7[%run_scoped3A_273, %dma_start3A_403] : memref<2x128xi32, #tpu.memory_space<vmem>> -> memref<1x128xi32, #tpu.memory_space<vmem>>
        %dma_start3A_405 = tpu.memref_squeeze %dma_start3A_404 : memref<1x128xi32, #tpu.memory_space<vmem>> -> memref<128xi32, #tpu.memory_space<vmem>>
        %dma_start3A_406 = arith.constant 0 : i32
        %dma_start3A_407 = arith.constant 0 : i32
        %dma_start3A_408 = tpu.memref_slice %arg12[%dma_start3A_406, %dma_start3A_407] : memref<10112x128xf32, #tpu.memory_space<vmem_shared>> -> memref<10112x128xf32, #tpu.memory_space<vmem_shared>>
        tpu.enqueue_indirect_dma source(%arg11 : memref<128x128xf32, #tpu.memory_space<vmem>>) target(%dma_start3A_408 : memref<10112x128xf32, #tpu.memory_space<vmem_shared>>) offsets(%dma_start3A_405 : memref<128xi32, #tpu.memory_space<vmem>>) semaphore(%run_scoped3A_402 : memref<!tpu.dma_semaphore, #tpu.memory_space<semaphore_mem>>) {add = true}
        %dma_wait3A_409 = arith.constant 0 : i32
        %dma_wait3A_410 = tpu.memref_slice %arg7[%run_scoped3A_273, %dma_wait3A_409] : memref<2x128xi32, #tpu.memory_space<vmem>> -> memref<1x128xi32, #tpu.memory_space<vmem>>
        %dma_wait3A_411 = tpu.memref_squeeze %dma_wait3A_410 : memref<1x128xi32, #tpu.memory_space<vmem>> -> memref<128xi32, #tpu.memory_space<vmem>>
        %dma_wait3A_412 = arith.constant 0 : i32
        %dma_wait3A_413 = arith.constant 0 : i32
        %dma_wait3A_414 = tpu.memref_slice %arg12[%dma_wait3A_412, %dma_wait3A_413] : memref<10112x128xf32, #tpu.memory_space<vmem_shared>> -> memref<10112x128xf32, #tpu.memory_space<vmem_shared>>
        tpu.wait_indirect_dma semaphore(%run_scoped3A_402 : memref<!tpu.dma_semaphore, #tpu.memory_space<semaphore_mem>>) src(%arg11 : memref<128x128xf32, #tpu.memory_space<vmem>>) dst(%dma_wait3A_414 : memref<10112x128xf32, #tpu.memory_space<vmem_shared>>)
        tpu.yield
      }) : () -> ()
      %dma_start3A_274 = arith.constant 0 : i32
      %dma_start3A_275 = arith.constant 0 : i32
      %dma_start3A_276 = arith.constant 0 : i32
      %dma_start3A_277 = tpu.memref_slice %arg3[%add3A, %dma_start3A_274, %dma_start3A_275, %dma_start3A_276] : memref<32x88x2x128xi32, #tpu.memory_space<hbm>> -> memref<1x88x2x128xi32, #tpu.memory_space<hbm>>
      %dma_start3A_278 = tpu.memref_squeeze %dma_start3A_277 : memref<1x88x2x128xi32, #tpu.memory_space<hbm>> -> memref<88x2x128xi32, #tpu.memory_space<hbm>>
      %dma_start3A_279 = arith.constant 0 : i32
      %dma_start3A_280 = arith.constant 0 : i32
      %dma_start3A_281 = tpu.memref_slice %dma_start3A_278[%add3A_265, %dma_start3A_279, %dma_start3A_280] : memref<88x2x128xi32, #tpu.memory_space<hbm>> -> memref<1x2x128xi32, #tpu.memory_space<hbm>>
      %dma_start3A_282 = tpu.memref_squeeze %dma_start3A_281 : memref<1x2x128xi32, #tpu.memory_space<hbm>> -> memref<2x128xi32, #tpu.memory_space<hbm>>
      %dma_start3A_283 = arith.constant 0 : i32
      %dma_start3A_284 = arith.constant 0 : i32
      %dma_start3A_285 = arith.constant 0 : i32
      %dma_start3A_286 = tpu.memref_slice %arg3[%add3A, %dma_start3A_283, %dma_start3A_284, %dma_start3A_285] : memref<32x88x2x128xi32, #tpu.memory_space<hbm>> -> memref<1x88x2x128xi32, #tpu.memory_space<hbm>>
      %dma_start3A_287 = tpu.memref_squeeze %dma_start3A_286 : memref<1x88x2x128xi32, #tpu.memory_space<hbm>> -> memref<88x2x128xi32, #tpu.memory_space<hbm>>
      %dma_start3A_288 = arith.constant 0 : i32
      %dma_start3A_289 = arith.constant 0 : i32
      %dma_start3A_290 = tpu.memref_slice %dma_start3A_287[%add3A_265, %dma_start3A_288, %dma_start3A_289] : memref<88x2x128xi32, #tpu.memory_space<hbm>> -> memref<1x2x128xi32, #tpu.memory_space<hbm>>
      %dma_start3A_291 = tpu.memref_squeeze %dma_start3A_290 : memref<1x2x128xi32, #tpu.memory_space<hbm>> -> memref<2x128xi32, #tpu.memory_space<hbm>>
      tpu.enqueue_dma source(%dma_start3A_291 : memref<2x128xi32, #tpu.memory_space<hbm>>) target(%arg7 : memref<2x128xi32, #tpu.memory_space<vmem>>) target_semaphore(%arg14 : memref<!tpu.dma_semaphore, #tpu.memory_space<semaphore_mem>>)
      %add3A_292 = arith.constant 3 : i32
      %add3A_293 = arith.addi %mul3A_182, %add3A_292 : i32
      %dma_wait3A_294 = arith.constant 0 : i32
      %dma_wait3A_295 = arith.constant 0 : i32
      %dma_wait3A_296 = arith.constant 0 : i32
      %dma_wait3A_297 = tpu.memref_slice %arg3[%add3A, %dma_wait3A_294, %dma_wait3A_295, %dma_wait3A_296] : memref<32x88x2x128xi32, #tpu.memory_space<hbm>> -> memref<1x88x2x128xi32, #tpu.memory_space<hbm>>
      %dma_wait3A_298 = tpu.memref_squeeze %dma_wait3A_297 : memref<1x88x2x128xi32, #tpu.memory_space<hbm>> -> memref<88x2x128xi32, #tpu.memory_space<hbm>>
      %dma_wait3A_299 = arith.constant 0 : i32
      %dma_wait3A_300 = arith.constant 0 : i32
      %dma_wait3A_301 = tpu.memref_slice %dma_wait3A_298[%add3A_293, %dma_wait3A_299, %dma_wait3A_300] : memref<88x2x128xi32, #tpu.memory_space<hbm>> -> memref<1x2x128xi32, #tpu.memory_space<hbm>>
      %dma_wait3A_302 = tpu.memref_squeeze %dma_wait3A_301 : memref<1x2x128xi32, #tpu.memory_space<hbm>> -> memref<2x128xi32, #tpu.memory_space<hbm>>
      %dma_wait3A_303 = arith.constant 0 : i32
      %dma_wait3A_304 = arith.constant 0 : i32
      %dma_wait3A_305 = arith.constant 0 : i32
      %dma_wait3A_306 = tpu.memref_slice %arg3[%add3A, %dma_wait3A_303, %dma_wait3A_304, %dma_wait3A_305] : memref<32x88x2x128xi32, #tpu.memory_space<hbm>> -> memref<1x88x2x128xi32, #tpu.memory_space<hbm>>
      %dma_wait3A_307 = tpu.memref_squeeze %dma_wait3A_306 : memref<1x88x2x128xi32, #tpu.memory_space<hbm>> -> memref<88x2x128xi32, #tpu.memory_space<hbm>>
      %dma_wait3A_308 = arith.constant 0 : i32
      %dma_wait3A_309 = arith.constant 0 : i32
      %dma_wait3A_310 = tpu.memref_slice %dma_wait3A_307[%add3A_293, %dma_wait3A_308, %dma_wait3A_309] : memref<88x2x128xi32, #tpu.memory_space<hbm>> -> memref<1x2x128xi32, #tpu.memory_space<hbm>>
      %dma_wait3A_311 = tpu.memref_squeeze %dma_wait3A_310 : memref<1x2x128xi32, #tpu.memory_space<hbm>> -> memref<2x128xi32, #tpu.memory_space<hbm>>
      tpu.wait_dma2 semaphore(%arg16 : memref<!tpu.dma_semaphore, #tpu.memory_space<semaphore_mem>>) src(%dma_wait3A_311 : memref<2x128xi32, #tpu.memory_space<hbm>>) dst(%arg9 : memref<2x128xi32, #tpu.memory_space<vmem>>)
      %dma_start3A_312 = arith.constant 0 : i32
      %dma_start3A_313 = arith.constant 0 : i32
      %dma_start3A_314 = tpu.memref_slice %arg9[%dma_start3A_312, %dma_start3A_313] : memref<2x128xi32, #tpu.memory_space<vmem>> -> memref<1x128xi32, #tpu.memory_space<vmem>>
      %dma_start3A_315 = tpu.memref_squeeze %dma_start3A_314 : memref<1x128xi32, #tpu.memory_space<vmem>> -> memref<128xi32, #tpu.memory_space<vmem>>
      %dma_start3A_316 = arith.constant 0 : i32
      %dma_start3A_317 = arith.constant 0 : i32
      %dma_start3A_318 = tpu.memref_slice %arg2[%dma_start3A_316, %dma_start3A_317] : memref<10000x128xf32, #tpu.memory_space<hbm>> -> memref<10000x128xf32, #tpu.memory_space<hbm>>
      tpu.enqueue_indirect_dma source(%dma_start3A_318 : memref<10000x128xf32, #tpu.memory_space<hbm>>) target(%arg11 : memref<128x128xf32, #tpu.memory_space<vmem>>) offsets(%dma_start3A_315 : memref<128xi32, #tpu.memory_space<vmem>>) semaphore(%arg18 : memref<!tpu.dma_semaphore, #tpu.memory_space<semaphore_mem>>)
      %add3A_319 = arith.constant 6 : i32
      %add3A_320 = arith.addi %mul3A_182, %add3A_319 : i32
      %dma_wait3A_321 = arith.constant 0 : i32
      %dma_wait3A_322 = arith.constant 0 : i32
      %dma_wait3A_323 = tpu.memref_slice %arg8[%dma_wait3A_321, %dma_wait3A_322] : memref<2x128xi32, #tpu.memory_space<vmem>> -> memref<1x128xi32, #tpu.memory_space<vmem>>
      %dma_wait3A_324 = tpu.memref_squeeze %dma_wait3A_323 : memref<1x128xi32, #tpu.memory_space<vmem>> -> memref<128xi32, #tpu.memory_space<vmem>>
      %dma_wait3A_325 = arith.constant 0 : i32
      %dma_wait3A_326 = arith.constant 0 : i32
      %dma_wait3A_327 = tpu.memref_slice %arg2[%dma_wait3A_325, %dma_wait3A_326] : memref<10000x128xf32, #tpu.memory_space<hbm>> -> memref<10000x128xf32, #tpu.memory_space<hbm>>
      tpu.wait_indirect_dma semaphore(%arg17 : memref<!tpu.dma_semaphore, #tpu.memory_space<semaphore_mem>>) src(%dma_wait3A_327 : memref<10000x128xf32, #tpu.memory_space<hbm>>) dst(%arg10 : memref<128x128xf32, #tpu.memory_space<vmem>>)
      %run_scoped3A_328 = arith.constant 1 : i32
      "tpu.region"() ({
        %run_scoped3A_402 = tpu.sem_alloc : memref<!tpu.dma_semaphore, #tpu.memory_space<semaphore_mem>>
        %dma_start3A_403 = arith.constant 0 : i32
        %dma_start3A_404 = tpu.memref_slice %arg8[%run_scoped3A_328, %dma_start3A_403] : memref<2x128xi32, #tpu.memory_space<vmem>> -> memref<1x128xi32, #tpu.memory_space<vmem>>
        %dma_start3A_405 = tpu.memref_squeeze %dma_start3A_404 : memref<1x128xi32, #tpu.memory_space<vmem>> -> memref<128xi32, #tpu.memory_space<vmem>>
        %dma_start3A_406 = arith.constant 0 : i32
        %dma_start3A_407 = arith.constant 0 : i32
        %dma_start3A_408 = tpu.memref_slice %arg12[%dma_start3A_406, %dma_start3A_407] : memref<10112x128xf32, #tpu.memory_space<vmem_shared>> -> memref<10112x128xf32, #tpu.memory_space<vmem_shared>>
        tpu.enqueue_indirect_dma source(%arg10 : memref<128x128xf32, #tpu.memory_space<vmem>>) target(%dma_start3A_408 : memref<10112x128xf32, #tpu.memory_space<vmem_shared>>) offsets(%dma_start3A_405 : memref<128xi32, #tpu.memory_space<vmem>>) semaphore(%run_scoped3A_402 : memref<!tpu.dma_semaphore, #tpu.memory_space<semaphore_mem>>) {add = true}
        %dma_wait3A_409 = arith.constant 0 : i32
        %dma_wait3A_410 = tpu.memref_slice %arg8[%run_scoped3A_328, %dma_wait3A_409] : memref<2x128xi32, #tpu.memory_space<vmem>> -> memref<1x128xi32, #tpu.memory_space<vmem>>
        %dma_wait3A_411 = tpu.memref_squeeze %dma_wait3A_410 : memref<1x128xi32, #tpu.memory_space<vmem>> -> memref<128xi32, #tpu.memory_space<vmem>>
        %dma_wait3A_412 = arith.constant 0 : i32
        %dma_wait3A_413 = arith.constant 0 : i32
        %dma_wait3A_414 = tpu.memref_slice %arg12[%dma_wait3A_412, %dma_wait3A_413] : memref<10112x128xf32, #tpu.memory_space<vmem_shared>> -> memref<10112x128xf32, #tpu.memory_space<vmem_shared>>
        tpu.wait_indirect_dma semaphore(%run_scoped3A_402 : memref<!tpu.dma_semaphore, #tpu.memory_space<semaphore_mem>>) src(%arg10 : memref<128x128xf32, #tpu.memory_space<vmem>>) dst(%dma_wait3A_414 : memref<10112x128xf32, #tpu.memory_space<vmem_shared>>)
        tpu.yield
      }) : () -> ()
      %dma_start3A_329 = arith.constant 0 : i32
      %dma_start3A_330 = arith.constant 0 : i32
      %dma_start3A_331 = arith.constant 0 : i32
      %dma_start3A_332 = tpu.memref_slice %arg3[%add3A, %dma_start3A_329, %dma_start3A_330, %dma_start3A_331] : memref<32x88x2x128xi32, #tpu.memory_space<hbm>> -> memref<1x88x2x128xi32, #tpu.memory_space<hbm>>
      %dma_start3A_333 = tpu.memref_squeeze %dma_start3A_332 : memref<1x88x2x128xi32, #tpu.memory_space<hbm>> -> memref<88x2x128xi32, #tpu.memory_space<hbm>>
      %dma_start3A_334 = arith.constant 0 : i32
      %dma_start3A_335 = arith.constant 0 : i32
      %dma_start3A_336 = tpu.memref_slice %dma_start3A_333[%add3A_320, %dma_start3A_334, %dma_start3A_335] : memref<88x2x128xi32, #tpu.memory_space<hbm>> -> memref<1x2x128xi32, #tpu.memory_space<hbm>>
      %dma_start3A_337 = tpu.memref_squeeze %dma_start3A_336 : memref<1x2x128xi32, #tpu.memory_space<hbm>> -> memref<2x128xi32, #tpu.memory_space<hbm>>
      %dma_start3A_338 = arith.constant 0 : i32
      %dma_start3A_339 = arith.constant 0 : i32
      %dma_start3A_340 = arith.constant 0 : i32
      %dma_start3A_341 = tpu.memref_slice %arg3[%add3A, %dma_start3A_338, %dma_start3A_339, %dma_start3A_340] : memref<32x88x2x128xi32, #tpu.memory_space<hbm>> -> memref<1x88x2x128xi32, #tpu.memory_space<hbm>>
      %dma_start3A_342 = tpu.memref_squeeze %dma_start3A_341 : memref<1x88x2x128xi32, #tpu.memory_space<hbm>> -> memref<88x2x128xi32, #tpu.memory_space<hbm>>
      %dma_start3A_343 = arith.constant 0 : i32
      %dma_start3A_344 = arith.constant 0 : i32
      %dma_start3A_345 = tpu.memref_slice %dma_start3A_342[%add3A_320, %dma_start3A_343, %dma_start3A_344] : memref<88x2x128xi32, #tpu.memory_space<hbm>> -> memref<1x2x128xi32, #tpu.memory_space<hbm>>
      %dma_start3A_346 = tpu.memref_squeeze %dma_start3A_345 : memref<1x2x128xi32, #tpu.memory_space<hbm>> -> memref<2x128xi32, #tpu.memory_space<hbm>>
      tpu.enqueue_dma source(%dma_start3A_346 : memref<2x128xi32, #tpu.memory_space<hbm>>) target(%arg8 : memref<2x128xi32, #tpu.memory_space<vmem>>) target_semaphore(%arg15 : memref<!tpu.dma_semaphore, #tpu.memory_space<semaphore_mem>>)
      %add3A_347 = arith.constant 4 : i32
      %add3A_348 = arith.addi %mul3A_182, %add3A_347 : i32
      %dma_wait3A_349 = arith.constant 0 : i32
      %dma_wait3A_350 = arith.constant 0 : i32
      %dma_wait3A_351 = arith.constant 0 : i32
      %dma_wait3A_352 = tpu.memref_slice %arg3[%add3A, %dma_wait3A_349, %dma_wait3A_350, %dma_wait3A_351] : memref<32x88x2x128xi32, #tpu.memory_space<hbm>> -> memref<1x88x2x128xi32, #tpu.memory_space<hbm>>
      %dma_wait3A_353 = tpu.memref_squeeze %dma_wait3A_352 : memref<1x88x2x128xi32, #tpu.memory_space<hbm>> -> memref<88x2x128xi32, #tpu.memory_space<hbm>>
      %dma_wait3A_354 = arith.constant 0 : i32
      %dma_wait3A_355 = arith.constant 0 : i32
      %dma_wait3A_356 = tpu.memref_slice %dma_wait3A_353[%add3A_348, %dma_wait3A_354, %dma_wait3A_355] : memref<88x2x128xi32, #tpu.memory_space<hbm>> -> memref<1x2x128xi32, #tpu.memory_space<hbm>>
      %dma_wait3A_357 = tpu.memref_squeeze %dma_wait3A_356 : memref<1x2x128xi32, #tpu.memory_space<hbm>> -> memref<2x128xi32, #tpu.memory_space<hbm>>
      %dma_wait3A_358 = arith.constant 0 : i32
      %dma_wait3A_359 = arith.constant 0 : i32
      %dma_wait3A_360 = arith.constant 0 : i32
      %dma_wait3A_361 = tpu.memref_slice %arg3[%add3A, %dma_wait3A_358, %dma_wait3A_359, %dma_wait3A_360] : memref<32x88x2x128xi32, #tpu.memory_space<hbm>> -> memref<1x88x2x128xi32, #tpu.memory_space<hbm>>
      %dma_wait3A_362 = tpu.memref_squeeze %dma_wait3A_361 : memref<1x88x2x128xi32, #tpu.memory_space<hbm>> -> memref<88x2x128xi32, #tpu.memory_space<hbm>>
      %dma_wait3A_363 = arith.constant 0 : i32
      %dma_wait3A_364 = arith.constant 0 : i32
      %dma_wait3A_365 = tpu.memref_slice %dma_wait3A_362[%add3A_348, %dma_wait3A_363, %dma_wait3A_364] : memref<88x2x128xi32, #tpu.memory_space<hbm>> -> memref<1x2x128xi32, #tpu.memory_space<hbm>>
      %dma_wait3A_366 = tpu.memref_squeeze %dma_wait3A_365 : memref<1x2x128xi32, #tpu.memory_space<hbm>> -> memref<2x128xi32, #tpu.memory_space<hbm>>
      tpu.wait_dma2 semaphore(%arg13 : memref<!tpu.dma_semaphore, #tpu.memory_space<semaphore_mem>>) src(%dma_wait3A_366 : memref<2x128xi32, #tpu.memory_space<hbm>>) dst(%arg6 : memref<2x128xi32, #tpu.memory_space<vmem>>)
      %dma_start3A_367 = arith.constant 0 : i32
      %dma_start3A_368 = arith.constant 0 : i32
      %dma_start3A_369 = tpu.memref_slice %arg6[%dma_start3A_367, %dma_start3A_368] : memref<2x128xi32, #tpu.memory_space<vmem>> -> memref<1x128xi32, #tpu.memory_space<vmem>>
      %dma_start3A_370 = tpu.memref_squeeze %dma_start3A_369 : memref<1x128xi32, #tpu.memory_space<vmem>> -> memref<128xi32, #tpu.memory_space<vmem>>
      %dma_start3A_371 = arith.constant 0 : i32
      %dma_start3A_372 = arith.constant 0 : i32
      %dma_start3A_373 = tpu.memref_slice %arg2[%dma_start3A_371, %dma_start3A_372] : memref<10000x128xf32, #tpu.memory_space<hbm>> -> memref<10000x128xf32, #tpu.memory_space<hbm>>
      tpu.enqueue_indirect_dma source(%dma_start3A_373 : memref<10000x128xf32, #tpu.memory_space<hbm>>) target(%arg10 : memref<128x128xf32, #tpu.memory_space<vmem>>) offsets(%dma_start3A_370 : memref<128xi32, #tpu.memory_space<vmem>>) semaphore(%arg17 : memref<!tpu.dma_semaphore, #tpu.memory_space<semaphore_mem>>)
      %add3A_374 = arith.constant 7 : i32
      %add3A_375 = arith.addi %mul3A_182, %add3A_374 : i32
      %dma_wait3A_376 = arith.constant 0 : i32
      %dma_wait3A_377 = arith.constant 0 : i32
      %dma_wait3A_378 = tpu.memref_slice %arg9[%dma_wait3A_376, %dma_wait3A_377] : memref<2x128xi32, #tpu.memory_space<vmem>> -> memref<1x128xi32, #tpu.memory_space<vmem>>
      %dma_wait3A_379 = tpu.memref_squeeze %dma_wait3A_378 : memref<1x128xi32, #tpu.memory_space<vmem>> -> memref<128xi32, #tpu.memory_space<vmem>>
      %dma_wait3A_380 = arith.constant 0 : i32
      %dma_wait3A_381 = arith.constant 0 : i32
      %dma_wait3A_382 = tpu.memref_slice %arg2[%dma_wait3A_380, %dma_wait3A_381] : memref<10000x128xf32, #tpu.memory_space<hbm>> -> memref<10000x128xf32, #tpu.memory_space<hbm>>
      tpu.wait_indirect_dma semaphore(%arg18 : memref<!tpu.dma_semaphore, #tpu.memory_space<semaphore_mem>>) src(%dma_wait3A_382 : memref<10000x128xf32, #tpu.memory_space<hbm>>) dst(%arg11 : memref<128x128xf32, #tpu.memory_space<vmem>>)
      %run_scoped3A_383 = arith.constant 1 : i32
      "tpu.region"() ({
        %run_scoped3A_402 = tpu.sem_alloc : memref<!tpu.dma_semaphore, #tpu.memory_space<semaphore_mem>>
        %dma_start3A_403 = arith.constant 0 : i32
        %dma_start3A_404 = tpu.memref_slice %arg9[%run_scoped3A_383, %dma_start3A_403] : memref<2x128xi32, #tpu.memory_space<vmem>> -> memref<1x128xi32, #tpu.memory_space<vmem>>
        %dma_start3A_405 = tpu.memref_squeeze %dma_start3A_404 : memref<1x128xi32, #tpu.memory_space<vmem>> -> memref<128xi32, #tpu.memory_space<vmem>>
        %dma_start3A_406 = arith.constant 0 : i32
        %dma_start3A_407 = arith.constant 0 : i32
        %dma_start3A_408 = tpu.memref_slice %arg12[%dma_start3A_406, %dma_start3A_407] : memref<10112x128xf32, #tpu.memory_space<vmem_shared>> -> memref<10112x128xf32, #tpu.memory_space<vmem_shared>>
        tpu.enqueue_indirect_dma source(%arg11 : memref<128x128xf32, #tpu.memory_space<vmem>>) target(%dma_start3A_408 : memref<10112x128xf32, #tpu.memory_space<vmem_shared>>) offsets(%dma_start3A_405 : memref<128xi32, #tpu.memory_space<vmem>>) semaphore(%run_scoped3A_402 : memref<!tpu.dma_semaphore, #tpu.memory_space<semaphore_mem>>) {add = true}
        %dma_wait3A_409 = arith.constant 0 : i32
        %dma_wait3A_410 = tpu.memref_slice %arg9[%run_scoped3A_383, %dma_wait3A_409] : memref<2x128xi32, #tpu.memory_space<vmem>> -> memref<1x128xi32, #tpu.memory_space<vmem>>
        %dma_wait3A_411 = tpu.memref_squeeze %dma_wait3A_410 : memref<1x128xi32, #tpu.memory_space<vmem>> -> memref<128xi32, #tpu.memory_space<vmem>>
        %dma_wait3A_412 = arith.constant 0 : i32
        %dma_wait3A_413 = arith.constant 0 : i32
        %dma_wait3A_414 = tpu.memref_slice %arg12[%dma_wait3A_412, %dma_wait3A_413] : memref<10112x128xf32, #tpu.memory_space<vmem_shared>> -> memref<10112x128xf32, #tpu.memory_space<vmem_shared>>
        tpu.wait_indirect_dma semaphore(%run_scoped3A_402 : memref<!tpu.dma_semaphore, #tpu.memory_space<semaphore_mem>>) src(%arg11 : memref<128x128xf32, #tpu.memory_space<vmem>>) dst(%dma_wait3A_414 : memref<10112x128xf32, #tpu.memory_space<vmem_shared>>)
        tpu.yield
      }) : () -> ()
      %dma_start3A_384 = arith.constant 0 : i32
      %dma_start3A_385 = arith.constant 0 : i32
      %dma_start3A_386 = arith.constant 0 : i32
      %dma_start3A_387 = tpu.memref_slice %arg3[%add3A, %dma_start3A_384, %dma_start3A_385, %dma_start3A_386] : memref<32x88x2x128xi32, #tpu.memory_space<hbm>> -> memref<1x88x2x128xi32, #tpu.memory_space<hbm>>
      %dma_start3A_388 = tpu.memref_squeeze %dma_start3A_387 : memref<1x88x2x128xi32, #tpu.memory_space<hbm>> -> memref<88x2x128xi32, #tpu.memory_space<hbm>>
      %dma_start3A_389 = arith.constant 0 : i32
      %dma_start3A_390 = arith.constant 0 : i32
      %dma_start3A_391 = tpu.memref_slice %dma_start3A_388[%add3A_375, %dma_start3A_389, %dma_start3A_390] : memref<88x2x128xi32, #tpu.memory_space<hbm>> -> memref<1x2x128xi32, #tpu.memory_space<hbm>>
      %dma_start3A_392 = tpu.memref_squeeze %dma_start3A_391 : memref<1x2x128xi32, #tpu.memory_space<hbm>> -> memref<2x128xi32, #tpu.memory_space<hbm>>
      %dma_start3A_393 = arith.constant 0 : i32
      %dma_start3A_394 = arith.constant 0 : i32
      %dma_start3A_395 = arith.constant 0 : i32
      %dma_start3A_396 = tpu.memref_slice %arg3[%add3A, %dma_start3A_393, %dma_start3A_394, %dma_start3A_395] : memref<32x88x2x128xi32, #tpu.memory_space<hbm>> -> memref<1x88x2x128xi32, #tpu.memory_space<hbm>>
      %dma_start3A_397 = tpu.memref_squeeze %dma_start3A_396 : memref<1x88x2x128xi32, #tpu.memory_space<hbm>> -> memref<88x2x128xi32, #tpu.memory_space<hbm>>
      %dma_start3A_398 = arith.constant 0 : i32
      %dma_start3A_399 = arith.constant 0 : i32
      %dma_start3A_400 = tpu.memref_slice %dma_start3A_397[%add3A_375, %dma_start3A_398, %dma_start3A_399] : memref<88x2x128xi32, #tpu.memory_space<hbm>> -> memref<1x2x128xi32, #tpu.memory_space<hbm>>
      %dma_start3A_401 = tpu.memref_squeeze %dma_start3A_400 : memref<1x2x128xi32, #tpu.memory_space<hbm>> -> memref<2x128xi32, #tpu.memory_space<hbm>>
      tpu.enqueue_dma source(%dma_start3A_401 : memref<2x128xi32, #tpu.memory_space<hbm>>) target(%arg9 : memref<2x128xi32, #tpu.memory_space<vmem>>) target_semaphore(%arg16 : memref<!tpu.dma_semaphore, #tpu.memory_space<semaphore_mem>>)
    }
    %scan3A_106 = arith.constant 20 : i32
    %dma_wait3A_107 = arith.constant 0 : i32
    %dma_wait3A_108 = arith.constant 0 : i32
    %dma_wait3A_109 = tpu.memref_slice %arg6[%dma_wait3A_107, %dma_wait3A_108] : memref<2x128xi32, #tpu.memory_space<vmem>> -> memref<1x128xi32, #tpu.memory_space<vmem>>
    %dma_wait3A_110 = tpu.memref_squeeze %dma_wait3A_109 : memref<1x128xi32, #tpu.memory_space<vmem>> -> memref<128xi32, #tpu.memory_space<vmem>>
    %dma_wait3A_111 = arith.constant 0 : i32
    %dma_wait3A_112 = arith.constant 0 : i32
    %dma_wait3A_113 = tpu.memref_slice %arg2[%dma_wait3A_111, %dma_wait3A_112] : memref<10000x128xf32, #tpu.memory_space<hbm>> -> memref<10000x128xf32, #tpu.memory_space<hbm>>
    tpu.wait_indirect_dma semaphore(%arg17 : memref<!tpu.dma_semaphore, #tpu.memory_space<semaphore_mem>>) src(%dma_wait3A_113 : memref<10000x128xf32, #tpu.memory_space<hbm>>) dst(%arg10 : memref<128x128xf32, #tpu.memory_space<vmem>>)
    %dma_wait3A_114 = arith.constant 81 : i32
    %dma_wait3A_115 = arith.constant 0 : i32
    %dma_wait3A_116 = arith.constant 0 : i32
    %dma_wait3A_117 = arith.constant 0 : i32
    %dma_wait3A_118 = tpu.memref_slice %arg3[%add3A, %dma_wait3A_115, %dma_wait3A_116, %dma_wait3A_117] : memref<32x88x2x128xi32, #tpu.memory_space<hbm>> -> memref<1x88x2x128xi32, #tpu.memory_space<hbm>>
    %dma_wait3A_119 = tpu.memref_squeeze %dma_wait3A_118 : memref<1x88x2x128xi32, #tpu.memory_space<hbm>> -> memref<88x2x128xi32, #tpu.memory_space<hbm>>
    %dma_wait3A_120 = arith.constant 0 : i32
    %dma_wait3A_121 = arith.constant 0 : i32
    %dma_wait3A_122 = tpu.memref_slice %dma_wait3A_119[%dma_wait3A_114, %dma_wait3A_120, %dma_wait3A_121] : memref<88x2x128xi32, #tpu.memory_space<hbm>> -> memref<1x2x128xi32, #tpu.memory_space<hbm>>
    %dma_wait3A_123 = tpu.memref_squeeze %dma_wait3A_122 : memref<1x2x128xi32, #tpu.memory_space<hbm>> -> memref<2x128xi32, #tpu.memory_space<hbm>>
    %dma_wait3A_124 = arith.constant 0 : i32
    %dma_wait3A_125 = arith.constant 0 : i32
    %dma_wait3A_126 = arith.constant 0 : i32
    %dma_wait3A_127 = tpu.memref_slice %arg3[%add3A, %dma_wait3A_124, %dma_wait3A_125, %dma_wait3A_126] : memref<32x88x2x128xi32, #tpu.memory_space<hbm>> -> memref<1x88x2x128xi32, #tpu.memory_space<hbm>>
    %dma_wait3A_128 = tpu.memref_squeeze %dma_wait3A_127 : memref<1x88x2x128xi32, #tpu.memory_space<hbm>> -> memref<88x2x128xi32, #tpu.memory_space<hbm>>
    %dma_wait3A_129 = arith.constant 0 : i32
    %dma_wait3A_130 = arith.constant 0 : i32
    %dma_wait3A_131 = tpu.memref_slice %dma_wait3A_128[%dma_wait3A_114, %dma_wait3A_129, %dma_wait3A_130] : memref<88x2x128xi32, #tpu.memory_space<hbm>> -> memref<1x2x128xi32, #tpu.memory_space<hbm>>
    %dma_wait3A_132 = tpu.memref_squeeze %dma_wait3A_131 : memref<1x2x128xi32, #tpu.memory_space<hbm>> -> memref<2x128xi32, #tpu.memory_space<hbm>>
    tpu.wait_dma2 semaphore(%arg14 : memref<!tpu.dma_semaphore, #tpu.memory_space<semaphore_mem>>) src(%dma_wait3A_132 : memref<2x128xi32, #tpu.memory_space<hbm>>) dst(%arg7 : memref<2x128xi32, #tpu.memory_space<vmem>>)
    %dma_wait3A_133 = arith.constant 82 : i32
    %dma_wait3A_134 = arith.constant 0 : i32
    %dma_wait3A_135 = arith.constant 0 : i32
    %dma_wait3A_136 = arith.constant 0 : i32
    %dma_wait3A_137 = tpu.memref_slice %arg3[%add3A, %dma_wait3A_134, %dma_wait3A_135, %dma_wait3A_136] : memref<32x88x2x128xi32, #tpu.memory_space<hbm>> -> memref<1x88x2x128xi32, #tpu.memory_space<hbm>>
    %dma_wait3A_138 = tpu.memref_squeeze %dma_wait3A_137 : memref<1x88x2x128xi32, #tpu.memory_space<hbm>> -> memref<88x2x128xi32, #tpu.memory_space<hbm>>
    %dma_wait3A_139 = arith.constant 0 : i32
    %dma_wait3A_140 = arith.constant 0 : i32
    %dma_wait3A_141 = tpu.memref_slice %dma_wait3A_138[%dma_wait3A_133, %dma_wait3A_139, %dma_wait3A_140] : memref<88x2x128xi32, #tpu.memory_space<hbm>> -> memref<1x2x128xi32, #tpu.memory_space<hbm>>
    %dma_wait3A_142 = tpu.memref_squeeze %dma_wait3A_141 : memref<1x2x128xi32, #tpu.memory_space<hbm>> -> memref<2x128xi32, #tpu.memory_space<hbm>>
    %dma_wait3A_143 = arith.constant 0 : i32
    %dma_wait3A_144 = arith.constant 0 : i32
    %dma_wait3A_145 = arith.constant 0 : i32
    %dma_wait3A_146 = tpu.memref_slice %arg3[%add3A, %dma_wait3A_143, %dma_wait3A_144, %dma_wait3A_145] : memref<32x88x2x128xi32, #tpu.memory_space<hbm>> -> memref<1x88x2x128xi32, #tpu.memory_space<hbm>>
    %dma_wait3A_147 = tpu.memref_squeeze %dma_wait3A_146 : memref<1x88x2x128xi32, #tpu.memory_space<hbm>> -> memref<88x2x128xi32, #tpu.memory_space<hbm>>
    %dma_wait3A_148 = arith.constant 0 : i32
    %dma_wait3A_149 = arith.constant 0 : i32
    %dma_wait3A_150 = tpu.memref_slice %dma_wait3A_147[%dma_wait3A_133, %dma_wait3A_148, %dma_wait3A_149] : memref<88x2x128xi32, #tpu.memory_space<hbm>> -> memref<1x2x128xi32, #tpu.memory_space<hbm>>
    %dma_wait3A_151 = tpu.memref_squeeze %dma_wait3A_150 : memref<1x2x128xi32, #tpu.memory_space<hbm>> -> memref<2x128xi32, #tpu.memory_space<hbm>>
    tpu.wait_dma2 semaphore(%arg15 : memref<!tpu.dma_semaphore, #tpu.memory_space<semaphore_mem>>) src(%dma_wait3A_151 : memref<2x128xi32, #tpu.memory_space<hbm>>) dst(%arg8 : memref<2x128xi32, #tpu.memory_space<vmem>>)
    %dma_wait3A_152 = arith.constant 83 : i32
    %dma_wait3A_153 = arith.constant 0 : i32
    %dma_wait3A_154 = arith.constant 0 : i32
    %dma_wait3A_155 = arith.constant 0 : i32
    %dma_wait3A_156 = tpu.memref_slice %arg3[%add3A, %dma_wait3A_153, %dma_wait3A_154, %dma_wait3A_155] : memref<32x88x2x128xi32, #tpu.memory_space<hbm>> -> memref<1x88x2x128xi32, #tpu.memory_space<hbm>>
    %dma_wait3A_157 = tpu.memref_squeeze %dma_wait3A_156 : memref<1x88x2x128xi32, #tpu.memory_space<hbm>> -> memref<88x2x128xi32, #tpu.memory_space<hbm>>
    %dma_wait3A_158 = arith.constant 0 : i32
    %dma_wait3A_159 = arith.constant 0 : i32
    %dma_wait3A_160 = tpu.memref_slice %dma_wait3A_157[%dma_wait3A_152, %dma_wait3A_158, %dma_wait3A_159] : memref<88x2x128xi32, #tpu.memory_space<hbm>> -> memref<1x2x128xi32, #tpu.memory_space<hbm>>
    %dma_wait3A_161 = tpu.memref_squeeze %dma_wait3A_160 : memref<1x2x128xi32, #tpu.memory_space<hbm>> -> memref<2x128xi32, #tpu.memory_space<hbm>>
    %dma_wait3A_162 = arith.constant 0 : i32
    %dma_wait3A_163 = arith.constant 0 : i32
    %dma_wait3A_164 = arith.constant 0 : i32
    %dma_wait3A_165 = tpu.memref_slice %arg3[%add3A, %dma_wait3A_162, %dma_wait3A_163, %dma_wait3A_164] : memref<32x88x2x128xi32, #tpu.memory_space<hbm>> -> memref<1x88x2x128xi32, #tpu.memory_space<hbm>>
    %dma_wait3A_166 = tpu.memref_squeeze %dma_wait3A_165 : memref<1x88x2x128xi32, #tpu.memory_space<hbm>> -> memref<88x2x128xi32, #tpu.memory_space<hbm>>
    %dma_wait3A_167 = arith.constant 0 : i32
    %dma_wait3A_168 = arith.constant 0 : i32
    %dma_wait3A_169 = tpu.memref_slice %dma_wait3A_166[%dma_wait3A_152, %dma_wait3A_167, %dma_wait3A_168] : memref<88x2x128xi32, #tpu.memory_space<hbm>> -> memref<1x2x128xi32, #tpu.memory_space<hbm>>
    %dma_wait3A_170 = tpu.memref_squeeze %dma_wait3A_169 : memref<1x2x128xi32, #tpu.memory_space<hbm>> -> memref<2x128xi32, #tpu.memory_space<hbm>>
    tpu.wait_dma2 semaphore(%arg16 : memref<!tpu.dma_semaphore, #tpu.memory_space<semaphore_mem>>) src(%dma_wait3A_170 : memref<2x128xi32, #tpu.memory_space<hbm>>) dst(%arg9 : memref<2x128xi32, #tpu.memory_space<vmem>>)
    %barrier3A_171 = arith.constant 0 : index
    tpu.barrier barrier_id(%barrier3A_171)
    %mul3A_172 = arith.constant 632 : i32
    %mul3A_173 = arith.muli %arg1, %mul3A_172 : i32
    %mul3A_174 = arith.constant 632 : i32
    %mul3A_175 = arith.muli %arg1, %mul3A_174 : i32
    "tpu.region"() ({
      %run_scoped3A = tpu.sem_alloc : memref<!tpu.dma_semaphore, #tpu.memory_space<semaphore_mem>>
      %dma_start3A_176 = arith.constant 0 : i32
      %dma_start3A_177 = tpu.memref_slice %arg5[%arg0, %mul3A_175, %dma_start3A_176] : memref<2x10112x128xf32, #tpu.memory_space<hbm>> -> memref<1x632x128xf32, #tpu.memory_space<hbm>>
      %dma_start3A_178 = tpu.memref_squeeze %dma_start3A_177 : memref<1x632x128xf32, #tpu.memory_space<hbm>> -> memref<632x128xf32, #tpu.memory_space<hbm>>
      %dma_start3A_179 = arith.constant 0 : i32
      %dma_start3A_180 = tpu.memref_slice %arg12[%mul3A_173, %dma_start3A_179] : memref<10112x128xf32, #tpu.memory_space<vmem_shared>> -> memref<632x128xf32, #tpu.memory_space<vmem_shared>>
      tpu.enqueue_dma source(%dma_start3A_180 : memref<632x128xf32, #tpu.memory_space<vmem_shared>>) target(%dma_start3A_178 : memref<632x128xf32, #tpu.memory_space<hbm>>) target_semaphore(%run_scoped3A : memref<!tpu.dma_semaphore, #tpu.memory_space<semaphore_mem>>)
      %dma_wait3A_181 = arith.constant 0 : i32
      %dma_wait3A_182 = tpu.memref_slice %arg5[%arg0, %mul3A_175, %dma_wait3A_181] : memref<2x10112x128xf32, #tpu.memory_space<hbm>> -> memref<1x632x128xf32, #tpu.memory_space<hbm>>
      %dma_wait3A_183 = tpu.memref_squeeze %dma_wait3A_182 : memref<1x632x128xf32, #tpu.memory_space<hbm>> -> memref<632x128xf32, #tpu.memory_space<hbm>>
      %dma_wait3A_184 = arith.constant 0 : i32
      %dma_wait3A_185 = tpu.memref_slice %arg12[%mul3A_173, %dma_wait3A_184] : memref<10112x128xf32, #tpu.memory_space<vmem_shared>> -> memref<632x128xf32, #tpu.memory_space<vmem_shared>>
      tpu.wait_dma2 semaphore(%run_scoped3A : memref<!tpu.dma_semaphore, #tpu.memory_space<semaphore_mem>>) src(%dma_wait3A_185 : memref<632x128xf32, #tpu.memory_space<vmem_shared>>) dst(%dma_wait3A_183 : memref<632x128xf32, #tpu.memory_space<hbm>>)
      tpu.yield
    }) : () -> ()
    return
  }
}

module attributes {stable_mosaic.version = 14 : i64} {
  func.func @body(%arg0: memref<32x640x16xf32, #tpu.memory_space<vmem>>, %arg1: memref<640x16xf32, #tpu.memory_space<vmem>>) attributes {dimension_semantics = [], scalar_prefetch = 0 : i64, scratch_operands = 0 : i64, tpu.core_type = #tpu.core_type<tc>} {
    %get3A = arith.constant 0 : index
    %get3A_0 = arith.constant 0 : index
    %get3A_1 = arith.constant 0 : index
    %get3A_2 = vector.load %arg0[%get3A, %get3A_0, %get3A_1] : memref<32x640x16xf32, #tpu.memory_space<vmem>>, vector<32x640x16xf32>
    %reduce_sum3A = arith.constant dense<0.000000e+00> : vector<640x16xf32>
    %reduce_sum3A_3 = vector.multi_reduction <add>, %get3A_2, %reduce_sum3A [0] : vector<32x640x16xf32> to vector<640x16xf32>
    %swap3A = arith.constant 0 : index
    %swap3A_4 = arith.constant 0 : index
    %swap3A_5 = vector.load %arg1[%swap3A, %swap3A_4] : memref<640x16xf32, #tpu.memory_space<vmem>>, vector<640x16xf32>
    tpu.vector_store %arg1[%swap3A, %swap3A_4], %reduce_sum3A_3 {strides = array<i32>} : memref<640x16xf32, #tpu.memory_space<vmem>>, vector<640x16xf32>,
    return
  }
}

module attributes {stable_mosaic.version = 14 : i64} {
  func.func @body(%arg0: i32, %arg1: memref<1000x1xf32, #tpu.memory_space<vmem>>, %arg2: memref<1000x128xf32, #tpu.memory_space<vmem>>, %arg3: memref<1000x1xf32, #tpu.memory_space<vmem>>, %arg4: memref<1000x128xf32, #tpu.memory_space<vmem>>) attributes {dimension_semantics = [#tpu.dimension_semantics<arbitrary>], iteration_bounds = array<i64: 10>, scalar_prefetch = 0 : i64, scratch_operands = 0 : i64, tpu.core_type = #tpu.core_type<tc>, window_params = [{transform_indices = @transform_0, window_bounds = array<i64: 1000, 1>}, {transform_indices = @transform_1, window_bounds = array<i64: 1000, 128>}, {transform_indices = @transform_2, window_bounds = array<i64: 1000, 1>}, {transform_indices = @transform_3, window_bounds = array<i64: 1000, 128>}]} {
    %get3A = arith.constant 0 : index
    %get3A_0 = arith.constant 0 : index
    %get3A_1 = vector.load %arg1[%get3A, %get3A_0] : memref<1000x1xf32, #tpu.memory_space<vmem>>, vector<1000x1xf32>
    %add3A = arith.constant 1.000000e+00 : f32
    %add3A_2 = vector.broadcast %add3A : f32 to vector<1000x1xf32>
    %add3A_3 = arith.addf %get3A_1, %add3A_2 : vector<1000x1xf32>
    %rsqrt3A = math.rsqrt %add3A_3 : vector<1000x1xf32>
    %swap3A = arith.constant 0 : index
    %swap3A_4 = arith.constant 0 : index
    %swap3A_5 = vector.load %arg3[%swap3A, %swap3A_4] : memref<1000x1xf32, #tpu.memory_space<vmem>>, vector<1000x1xf32>
    tpu.vector_store %arg3[%swap3A, %swap3A_4], %rsqrt3A {strides = array<i32>} : memref<1000x1xf32, #tpu.memory_space<vmem>>, vector<1000x1xf32>,
    %get3A_6 = arith.constant 0 : index
    %get3A_7 = arith.constant 0 : index
    %get3A_8 = vector.load %arg2[%get3A_6, %get3A_7] : memref<1000x128xf32, #tpu.memory_space<vmem>>, vector<1000x128xf32>
    %mul3A = vector.broadcast %rsqrt3A : vector<1000x1xf32> to vector<1000x128xf32>
    %mul3A_9 = arith.mulf %get3A_8, %mul3A : vector<1000x128xf32>
    %swap3A_10 = arith.constant 0 : index
    %swap3A_11 = arith.constant 0 : index
    %swap3A_12 = vector.load %arg4[%swap3A_10, %swap3A_11] : memref<1000x128xf32, #tpu.memory_space<vmem>>, vector<1000x128xf32>
    tpu.vector_store %arg4[%swap3A_10, %swap3A_11], %mul3A_9 {strides = array<i32>} : memref<1000x128xf32, #tpu.memory_space<vmem>>, vector<1000x128xf32>,
    return
  }
  func.func @transform_0(%arg0: i32) -> (i32, i32) {
    %c0_i32 = arith.constant 0 : i32
    %c0_i32_0 = arith.constant 0 : i32
    return %arg0, %c0_i32 : i32, i32
  }
  func.func @transform_1(%arg0: i32) -> (i32, i32) {
    %c0_i32 = arith.constant 0 : i32
    %c0_i32_0 = arith.constant 0 : i32
    return %arg0, %c0_i32 : i32, i32
  }
  func.func @transform_2(%arg0: i32) -> (i32, i32) {
    %c0_i32 = arith.constant 0 : i32
    %c0_i32_0 = arith.constant 0 : i32
    return %arg0, %c0_i32 : i32, i32
  }
  func.func @transform_3(%arg0: i32) -> (i32, i32) {
    %c0_i32 = arith.constant 0 : i32
    %c0_i32_0 = arith.constant 0 : i32
    return %arg0, %c0_i32 : i32, i32
  }
}

module attributes {stable_mosaic.version = 14 : i64} {
  func.func @body(%arg0: i32, %arg1: memref<2x1000x128xf32, #tpu.memory_space<vmem>>, %arg2: memref<1000x128xf32, #tpu.memory_space<vmem>>, %arg3: memref<1000x1xf32, #tpu.memory_space<vmem>>, %arg4: memref<128x256xf32, #tpu.memory_space<vmem>>, %arg5: memref<1x256xf32, #tpu.memory_space<vmem>>, %arg6: memref<1x256xf32, #tpu.memory_space<vmem>>, %arg7: memref<1x256xf32, #tpu.memory_space<vmem>>, %arg8: memref<1x256xf32, #tpu.memory_space<vmem>>, %arg9: memref<1x256xf32, #tpu.memory_space<vmem>>, %arg10: memref<1000x128xf32, #tpu.memory_space<vmem>>, %arg11: memref<1000x128xf32, #tpu.memory_space<vmem>>) attributes {dimension_semantics = [#tpu.dimension_semantics<arbitrary>], iteration_bounds = array<i64: 10>, scalar_prefetch = 0 : i64, scratch_operands = 0 : i64, tpu.core_type = #tpu.core_type<tc>, window_params = [{transform_indices = @transform_0, window_bounds = array<i64: 2, 1000, 128>}, {transform_indices = @transform_1, window_bounds = array<i64: 1000, 128>}, {transform_indices = @transform_2, window_bounds = array<i64: 1000, 1>}, {pipeline_mode = #tpu.pipeline_mode<synchronous>, transform_indices = @transform_3, window_bounds = array<i64: 128, 256>}, {pipeline_mode = #tpu.pipeline_mode<synchronous>, transform_indices = @transform_4, window_bounds = array<i64: 1, 256>}, {pipeline_mode = #tpu.pipeline_mode<synchronous>, transform_indices = @transform_5, window_bounds = array<i64: 1, 256>}, {pipeline_mode = #tpu.pipeline_mode<synchronous>, transform_indices = @transform_6, window_bounds = array<i64: 1, 256>}, {pipeline_mode = #tpu.pipeline_mode<synchronous>, transform_indices = @transform_7, window_bounds = array<i64: 1, 256>}, {pipeline_mode = #tpu.pipeline_mode<synchronous>, transform_indices = @transform_8, window_bounds = array<i64: 1, 256>}, {transform_indices = @transform_9, window_bounds = array<i64: 1000, 128>}, {transform_indices = @transform_10, window_bounds = array<i64: 1000, 128>}]} {
    %get3A = arith.constant 0 : index
    %get3A_0 = arith.constant 0 : index
    %get3A_1 = vector.load %arg3[%get3A, %get3A_0] : memref<1000x1xf32, #tpu.memory_space<vmem>>, vector<1000x1xf32>
    %get3A_2 = arith.constant 0 : index
    %get3A_3 = arith.constant 0 : index
    %get3A_4 = arith.constant 0 : index
    %get3A_5 = vector.load %arg1[%get3A_2, %get3A_3, %get3A_4] : memref<2x1000x128xf32, #tpu.memory_space<vmem>>, vector<1x1000x128xf32>
    %get3A_6 = vector.shape_cast %get3A_5 : vector<1x1000x128xf32> to vector<1000x128xf32>
    %get3A_7 = arith.constant 1 : index
    %get3A_8 = arith.constant 0 : index
    %get3A_9 = arith.constant 0 : index
    %get3A_10 = vector.load %arg1[%get3A_7, %get3A_8, %get3A_9] : memref<2x1000x128xf32, #tpu.memory_space<vmem>>, vector<1x1000x128xf32>
    %get3A_11 = vector.shape_cast %get3A_10 : vector<1x1000x128xf32> to vector<1000x128xf32>
    %add3A = arith.addf %get3A_6, %get3A_11 : vector<1000x128xf32>
    %get3A_12 = arith.constant 0 : index
    %get3A_13 = arith.constant 0 : index
    %get3A_14 = vector.load %arg2[%get3A_12, %get3A_13] : memref<1000x128xf32, #tpu.memory_space<vmem>>, vector<1000x128xf32>
    %add3A_15 = arith.addf %add3A, %get3A_14 : vector<1000x128xf32>
    %mul3A = vector.broadcast %get3A_1 : vector<1000x1xf32> to vector<1000x128xf32>
    %mul3A_16 = arith.mulf %add3A_15, %mul3A : vector<1000x128xf32>
    %get3A_17 = arith.constant 0 : index
    %get3A_18 = arith.constant 0 : index
    %get3A_19 = vector.load %arg4[%get3A_17, %get3A_18] : memref<128x256xf32, #tpu.memory_space<vmem>>, vector<128x256xf32>
    %dot_general3A = arith.constant dense<0.000000e+00> : vector<1000x256xf32>
    %dot_general3A_20 = tpu.matmul %mul3A_16, %get3A_19, %dot_general3A {dimension_numbers = #tpu.dot_dimension_numbers<[1], [0], [0], [1], [0, 0, 1, 1], [], []>, transpose_lhs_hint = false} : vector<1000x128xf32>, vector<128x256xf32>, vector<1000x256xf32> -> vector<1000x256xf32>
    %get3A_21 = arith.constant 0 : index
    %get3A_22 = arith.constant 0 : index
    %get3A_23 = vector.load %arg5[%get3A_21, %get3A_22] : memref<1x256xf32, #tpu.memory_space<vmem>>, vector<1x256xf32>
    %get3A_24 = arith.constant 0 : index
    %get3A_25 = arith.constant 0 : index
    %get3A_26 = vector.load %arg6[%get3A_24, %get3A_25] : memref<1x256xf32, #tpu.memory_space<vmem>>, vector<1x256xf32>
    %get3A_27 = arith.constant 0 : index
    %get3A_28 = arith.constant 0 : index
    %get3A_29 = vector.load %arg7[%get3A_27, %get3A_28] : memref<1x256xf32, #tpu.memory_space<vmem>>, vector<1x256xf32>
    %get3A_30 = arith.constant 0 : index
    %get3A_31 = arith.constant 0 : index
    %get3A_32 = vector.load %arg8[%get3A_30, %get3A_31] : memref<1x256xf32, #tpu.memory_space<vmem>>, vector<1x256xf32>
    %get3A_33 = arith.constant 0 : index
    %get3A_34 = arith.constant 0 : index
    %get3A_35 = vector.load %arg9[%get3A_33, %get3A_34] : memref<1x256xf32, #tpu.memory_space<vmem>>, vector<1x256xf32>
    %add3A_36 = arith.constant 9.99999974E-6 : f32
    %add3A_37 = vector.broadcast %add3A_36 : f32 to vector<1x256xf32>
    %add3A_38 = arith.addf %get3A_35, %add3A_37 : vector<1x256xf32>
    %rsqrt3A = math.rsqrt %add3A_38 : vector<1x256xf32>
    %mul3A_39 = arith.mulf %get3A_26, %rsqrt3A : vector<1x256xf32>
    %sub3A = arith.subf %get3A_23, %get3A_32 : vector<1x256xf32>
    %mul3A_40 = arith.mulf %sub3A, %mul3A_39 : vector<1x256xf32>
    %add3A_41 = arith.addf %mul3A_40, %get3A_29 : vector<1x256xf32>
    %mul3A_42 = vector.broadcast %mul3A_39 : vector<1x256xf32> to vector<1000x256xf32>
    %mul3A_43 = arith.mulf %dot_general3A_20, %mul3A_42 : vector<1000x256xf32>
    %add3A_44 = vector.broadcast %add3A_41 : vector<1x256xf32> to vector<1000x256xf32>
    %add3A_45 = arith.addf %mul3A_43, %add3A_44 : vector<1000x256xf32>
    %max3A = arith.constant 0.000000e+00 : f32
    %max3A_46 = vector.broadcast %max3A : f32 to vector<1000x256xf32>
    %max3A_47 = arith.maximumf %add3A_45, %max3A_46 : vector<1000x256xf32>
    %mul3A_48 = vector.broadcast %get3A_1 : vector<1000x1xf32> to vector<1000x256xf32>
    %mul3A_49 = arith.mulf %max3A_47, %mul3A_48 : vector<1000x256xf32>
    %slice3A = vector.extract_strided_slice %mul3A_49 {offsets = [0, 0], sizes = [1000, 128], strides = [1, 1]} : vector<1000x256xf32> to vector<1000x128xf32>
    %swap3A = arith.constant 0 : index
    %swap3A_50 = arith.constant 0 : index
    %swap3A_51 = vector.load %arg10[%swap3A, %swap3A_50] : memref<1000x128xf32, #tpu.memory_space<vmem>>, vector<1000x128xf32>
    tpu.vector_store %arg10[%swap3A, %swap3A_50], %slice3A {strides = array<i32>} : memref<1000x128xf32, #tpu.memory_space<vmem>>, vector<1000x128xf32>,
    %slice3A_52 = vector.extract_strided_slice %mul3A_49 {offsets = [0, 128], sizes = [1000, 128], strides = [1, 1]} : vector<1000x256xf32> to vector<1000x128xf32>
    %swap3A_53 = arith.constant 0 : index
    %swap3A_54 = arith.constant 0 : index
    %swap3A_55 = vector.load %arg11[%swap3A_53, %swap3A_54] : memref<1000x128xf32, #tpu.memory_space<vmem>>, vector<1000x128xf32>
    tpu.vector_store %arg11[%swap3A_53, %swap3A_54], %slice3A_52 {strides = array<i32>} : memref<1000x128xf32, #tpu.memory_space<vmem>>, vector<1000x128xf32>,
    return
  }
  func.func @transform_0(%arg0: i32) -> (i32, i32, i32) {
    %c0_i32 = arith.constant 0 : i32
    %c0_i32_0 = arith.constant 0 : i32
    %c0_i32_1 = arith.constant 0 : i32
    return %c0_i32, %arg0, %c0_i32_0 : i32, i32, i32
  }
  func.func @transform_1(%arg0: i32) -> (i32, i32) {
    %c0_i32 = arith.constant 0 : i32
    %c0_i32_0 = arith.constant 0 : i32
    return %arg0, %c0_i32 : i32, i32
  }
  func.func @transform_2(%arg0: i32) -> (i32, i32) {
    %c0_i32 = arith.constant 0 : i32
    %c0_i32_0 = arith.constant 0 : i32
    return %arg0, %c0_i32 : i32, i32
  }
  func.func @transform_3(%arg0: i32) -> (i32, i32) {
    %c0_i32 = arith.constant 0 : i32
    %c0_i32_0 = arith.constant 0 : i32
    %c0_i32_1 = arith.constant 0 : i32
    return %c0_i32, %c0_i32_0 : i32, i32
  }
  func.func @transform_4(%arg0: i32) -> (i32, i32) {
    %c0_i32 = arith.constant 0 : i32
    %c0_i32_0 = arith.constant 0 : i32
    %c0_i32_1 = arith.constant 0 : i32
    return %c0_i32, %c0_i32_0 : i32, i32
  }
  func.func @transform_5(%arg0: i32) -> (i32, i32) {
    %c0_i32 = arith.constant 0 : i32
    %c0_i32_0 = arith.constant 0 : i32
    %c0_i32_1 = arith.constant 0 : i32
    return %c0_i32, %c0_i32_0 : i32, i32
  }
  func.func @transform_6(%arg0: i32) -> (i32, i32) {
    %c0_i32 = arith.constant 0 : i32
    %c0_i32_0 = arith.constant 0 : i32
    %c0_i32_1 = arith.constant 0 : i32
    return %c0_i32, %c0_i32_0 : i32, i32
  }
  func.func @transform_7(%arg0: i32) -> (i32, i32) {
    %c0_i32 = arith.constant 0 : i32
    %c0_i32_0 = arith.constant 0 : i32
    %c0_i32_1 = arith.constant 0 : i32
    return %c0_i32, %c0_i32_0 : i32, i32
  }
  func.func @transform_8(%arg0: i32) -> (i32, i32) {
    %c0_i32 = arith.constant 0 : i32
    %c0_i32_0 = arith.constant 0 : i32
    %c0_i32_1 = arith.constant 0 : i32
    return %c0_i32, %c0_i32_0 : i32, i32
  }
  func.func @transform_9(%arg0: i32) -> (i32, i32) {
    %c0_i32 = arith.constant 0 : i32
    %c0_i32_0 = arith.constant 0 : i32
    return %arg0, %c0_i32 : i32, i32
  }
  func.func @transform_10(%arg0: i32) -> (i32, i32) {
    %c0_i32 = arith.constant 0 : i32
    %c0_i32_0 = arith.constant 0 : i32
    return %arg0, %c0_i32 : i32, i32
  }
}

module attributes {stable_mosaic.version = 14 : i64} {
  func.func @body(%arg0: i32, %arg1: memref<2x1000x128xf32, #tpu.memory_space<vmem>>, %arg2: memref<2x1000x128xf32, #tpu.memory_space<vmem>>, %arg3: memref<1000x128xf32, #tpu.memory_space<vmem>>, %arg4: memref<1000x128xf32, #tpu.memory_space<vmem>>, %arg5: memref<1000x1xf32, #tpu.memory_space<vmem>>, %arg6: memref<256x256xf32, #tpu.memory_space<vmem>>, %arg7: memref<1x256xf32, #tpu.memory_space<vmem>>, %arg8: memref<1x256xf32, #tpu.memory_space<vmem>>, %arg9: memref<1x256xf32, #tpu.memory_space<vmem>>, %arg10: memref<1x256xf32, #tpu.memory_space<vmem>>, %arg11: memref<1x256xf32, #tpu.memory_space<vmem>>, %arg12: memref<256x128xf32, #tpu.memory_space<vmem>>, %arg13: memref<1000x128xf32, #tpu.memory_space<vmem>>) attributes {dimension_semantics = [#tpu.dimension_semantics<arbitrary>], iteration_bounds = array<i64: 10>, scalar_prefetch = 0 : i64, scratch_operands = 0 : i64, tpu.core_type = #tpu.core_type<tc>, window_params = [{transform_indices = @transform_0, window_bounds = array<i64: 2, 1000, 128>}, {transform_indices = @transform_1, window_bounds = array<i64: 2, 1000, 128>}, {transform_indices = @transform_2, window_bounds = array<i64: 1000, 128>}, {transform_indices = @transform_3, window_bounds = array<i64: 1000, 128>}, {transform_indices = @transform_4, window_bounds = array<i64: 1000, 1>}, {pipeline_mode = #tpu.pipeline_mode<synchronous>, transform_indices = @transform_5, window_bounds = array<i64: 256, 256>}, {pipeline_mode = #tpu.pipeline_mode<synchronous>, transform_indices = @transform_6, window_bounds = array<i64: 1, 256>}, {pipeline_mode = #tpu.pipeline_mode<synchronous>, transform_indices = @transform_7, window_bounds = array<i64: 1, 256>}, {pipeline_mode = #tpu.pipeline_mode<synchronous>, transform_indices = @transform_8, window_bounds = array<i64: 1, 256>}, {pipeline_mode = #tpu.pipeline_mode<synchronous>, transform_indices = @transform_9, window_bounds = array<i64: 1, 256>}, {pipeline_mode = #tpu.pipeline_mode<synchronous>, transform_indices = @transform_10, window_bounds = array<i64: 1, 256>}, {pipeline_mode = #tpu.pipeline_mode<synchronous>, transform_indices = @transform_11, window_bounds = array<i64: 256, 128>}, {transform_indices = @transform_12, window_bounds = array<i64: 1000, 128>}]} {
    %get3A = arith.constant 0 : index
    %get3A_0 = arith.constant 0 : index
    %get3A_1 = vector.load %arg5[%get3A, %get3A_0] : memref<1000x1xf32, #tpu.memory_space<vmem>>, vector<1000x1xf32>
    %get3A_2 = arith.constant 0 : index
    %get3A_3 = arith.constant 0 : index
    %get3A_4 = arith.constant 0 : index
    %get3A_5 = vector.load %arg1[%get3A_2, %get3A_3, %get3A_4] : memref<2x1000x128xf32, #tpu.memory_space<vmem>>, vector<1x1000x128xf32>
    %get3A_6 = vector.shape_cast %get3A_5 : vector<1x1000x128xf32> to vector<1000x128xf32>
    %get3A_7 = arith.constant 1 : index
    %get3A_8 = arith.constant 0 : index
    %get3A_9 = arith.constant 0 : index
    %get3A_10 = vector.load %arg1[%get3A_7, %get3A_8, %get3A_9] : memref<2x1000x128xf32, #tpu.memory_space<vmem>>, vector<1x1000x128xf32>
    %get3A_11 = vector.shape_cast %get3A_10 : vector<1x1000x128xf32> to vector<1000x128xf32>
    %add3A = arith.addf %get3A_6, %get3A_11 : vector<1000x128xf32>
    %get3A_12 = arith.constant 0 : index
    %get3A_13 = arith.constant 0 : index
    %get3A_14 = vector.load %arg3[%get3A_12, %get3A_13] : memref<1000x128xf32, #tpu.memory_space<vmem>>, vector<1000x128xf32>
    %add3A_15 = arith.addf %add3A, %get3A_14 : vector<1000x128xf32>
    %mul3A = vector.broadcast %get3A_1 : vector<1000x1xf32> to vector<1000x128xf32>
    %mul3A_16 = arith.mulf %add3A_15, %mul3A : vector<1000x128xf32>
    %get3A_17 = arith.constant 0 : index
    %get3A_18 = arith.constant 0 : index
    %get3A_19 = arith.constant 0 : index
    %get3A_20 = vector.load %arg2[%get3A_17, %get3A_18, %get3A_19] : memref<2x1000x128xf32, #tpu.memory_space<vmem>>, vector<1x1000x128xf32>
    %get3A_21 = vector.shape_cast %get3A_20 : vector<1x1000x128xf32> to vector<1000x128xf32>
    %get3A_22 = arith.constant 1 : index
    %get3A_23 = arith.constant 0 : index
    %get3A_24 = arith.constant 0 : index
    %get3A_25 = vector.load %arg2[%get3A_22, %get3A_23, %get3A_24] : memref<2x1000x128xf32, #tpu.memory_space<vmem>>, vector<1x1000x128xf32>
    %get3A_26 = vector.shape_cast %get3A_25 : vector<1x1000x128xf32> to vector<1000x128xf32>
    %add3A_27 = arith.addf %get3A_21, %get3A_26 : vector<1000x128xf32>
    %get3A_28 = arith.constant 0 : index
    %get3A_29 = arith.constant 0 : index
    %get3A_30 = vector.load %arg4[%get3A_28, %get3A_29] : memref<1000x128xf32, #tpu.memory_space<vmem>>, vector<1000x128xf32>
    %add3A_31 = arith.addf %add3A_27, %get3A_30 : vector<1000x128xf32>
    %mul3A_32 = vector.broadcast %get3A_1 : vector<1000x1xf32> to vector<1000x128xf32>
    %mul3A_33 = arith.mulf %add3A_31, %mul3A_32 : vector<1000x128xf32>
    %concatenate3A = tpu.concatenate %mul3A_16, %mul3A_33 in 1 : vector<1000x128xf32>, vector<1000x128xf32> -> vector<1000x256xf32>
    %get3A_34 = arith.constant 0 : index
    %get3A_35 = arith.constant 0 : index
    %get3A_36 = vector.load %arg6[%get3A_34, %get3A_35] : memref<256x256xf32, #tpu.memory_space<vmem>>, vector<256x256xf32>
    %dot_general3A = arith.constant dense<0.000000e+00> : vector<1000x256xf32>
    %dot_general3A_37 = tpu.matmul %concatenate3A, %get3A_36, %dot_general3A {dimension_numbers = #tpu.dot_dimension_numbers<[1], [0], [0], [1], [0, 0, 1, 1], [], []>, transpose_lhs_hint = false} : vector<1000x256xf32>, vector<256x256xf32>, vector<1000x256xf32> -> vector<1000x256xf32>
    %get3A_38 = arith.constant 0 : index
    %get3A_39 = arith.constant 0 : index
    %get3A_40 = vector.load %arg7[%get3A_38, %get3A_39] : memref<1x256xf32, #tpu.memory_space<vmem>>, vector<1x256xf32>
    %get3A_41 = arith.constant 0 : index
    %get3A_42 = arith.constant 0 : index
    %get3A_43 = vector.load %arg8[%get3A_41, %get3A_42] : memref<1x256xf32, #tpu.memory_space<vmem>>, vector<1x256xf32>
    %get3A_44 = arith.constant 0 : index
    %get3A_45 = arith.constant 0 : index
    %get3A_46 = vector.load %arg9[%get3A_44, %get3A_45] : memref<1x256xf32, #tpu.memory_space<vmem>>, vector<1x256xf32>
    %get3A_47 = arith.constant 0 : index
    %get3A_48 = arith.constant 0 : index
    %get3A_49 = vector.load %arg10[%get3A_47, %get3A_48] : memref<1x256xf32, #tpu.memory_space<vmem>>, vector<1x256xf32>
    %get3A_50 = arith.constant 0 : index
    %get3A_51 = arith.constant 0 : index
    %get3A_52 = vector.load %arg11[%get3A_50, %get3A_51] : memref<1x256xf32, #tpu.memory_space<vmem>>, vector<1x256xf32>
    %add3A_53 = arith.constant 9.99999974E-6 : f32
    %add3A_54 = vector.broadcast %add3A_53 : f32 to vector<1x256xf32>
    %add3A_55 = arith.addf %get3A_52, %add3A_54 : vector<1x256xf32>
    %rsqrt3A = math.rsqrt %add3A_55 : vector<1x256xf32>
    %mul3A_56 = arith.mulf %get3A_43, %rsqrt3A : vector<1x256xf32>
    %sub3A = arith.subf %get3A_40, %get3A_49 : vector<1x256xf32>
    %mul3A_57 = arith.mulf %sub3A, %mul3A_56 : vector<1x256xf32>
    %add3A_58 = arith.addf %mul3A_57, %get3A_46 : vector<1x256xf32>
    %mul3A_59 = vector.broadcast %mul3A_56 : vector<1x256xf32> to vector<1000x256xf32>
    %mul3A_60 = arith.mulf %dot_general3A_37, %mul3A_59 : vector<1000x256xf32>
    %add3A_61 = vector.broadcast %add3A_58 : vector<1x256xf32> to vector<1000x256xf32>
    %add3A_62 = arith.addf %mul3A_60, %add3A_61 : vector<1000x256xf32>
    %max3A = arith.constant 0.000000e+00 : f32
    %max3A_63 = vector.broadcast %max3A : f32 to vector<1000x256xf32>
    %max3A_64 = arith.maximumf %add3A_62, %max3A_63 : vector<1000x256xf32>
    %get3A_65 = arith.constant 0 : index
    %get3A_66 = arith.constant 0 : index
    %get3A_67 = vector.load %arg12[%get3A_65, %get3A_66] : memref<256x128xf32, #tpu.memory_space<vmem>>, vector<256x128xf32>
    %dot_general3A_68 = arith.constant dense<0.000000e+00> : vector<1000x128xf32>
    %dot_general3A_69 = tpu.matmul %max3A_64, %get3A_67, %dot_general3A_68 {dimension_numbers = #tpu.dot_dimension_numbers<[1], [0], [0], [1], [0, 0, 1, 1], [], []>, transpose_lhs_hint = false} : vector<1000x256xf32>, vector<256x128xf32>, vector<1000x128xf32> -> vector<1000x128xf32>
    %mul3A_70 = vector.broadcast %get3A_1 : vector<1000x1xf32> to vector<1000x128xf32>
    %mul3A_71 = arith.mulf %dot_general3A_69, %mul3A_70 : vector<1000x128xf32>
    %swap3A = arith.constant 0 : index
    %swap3A_72 = arith.constant 0 : index
    %swap3A_73 = vector.load %arg13[%swap3A, %swap3A_72] : memref<1000x128xf32, #tpu.memory_space<vmem>>, vector<1000x128xf32>
    tpu.vector_store %arg13[%swap3A, %swap3A_72], %mul3A_71 {strides = array<i32>} : memref<1000x128xf32, #tpu.memory_space<vmem>>, vector<1000x128xf32>,
    return
  }
  func.func @transform_0(%arg0: i32) -> (i32, i32, i32) {
    %c0_i32 = arith.constant 0 : i32
    %c0_i32_0 = arith.constant 0 : i32
    %c0_i32_1 = arith.constant 0 : i32
    return %c0_i32, %arg0, %c0_i32_0 : i32, i32, i32
  }
  func.func @transform_1(%arg0: i32) -> (i32, i32, i32) {
    %c0_i32 = arith.constant 0 : i32
    %c0_i32_0 = arith.constant 0 : i32
    %c0_i32_1 = arith.constant 0 : i32
    return %c0_i32, %arg0, %c0_i32_0 : i32, i32, i32
  }
  func.func @transform_2(%arg0: i32) -> (i32, i32) {
    %c0_i32 = arith.constant 0 : i32
    %c0_i32_0 = arith.constant 0 : i32
    return %arg0, %c0_i32 : i32, i32
  }
  func.func @transform_3(%arg0: i32) -> (i32, i32) {
    %c0_i32 = arith.constant 0 : i32
    %c0_i32_0 = arith.constant 0 : i32
    return %arg0, %c0_i32 : i32, i32
  }
  func.func @transform_4(%arg0: i32) -> (i32, i32) {
    %c0_i32 = arith.constant 0 : i32
    %c0_i32_0 = arith.constant 0 : i32
    return %arg0, %c0_i32 : i32, i32
  }
  func.func @transform_5(%arg0: i32) -> (i32, i32) {
    %c0_i32 = arith.constant 0 : i32
    %c0_i32_0 = arith.constant 0 : i32
    %c0_i32_1 = arith.constant 0 : i32
    return %c0_i32, %c0_i32_0 : i32, i32
  }
  func.func @transform_6(%arg0: i32) -> (i32, i32) {
    %c0_i32 = arith.constant 0 : i32
    %c0_i32_0 = arith.constant 0 : i32
    %c0_i32_1 = arith.constant 0 : i32
    return %c0_i32, %c0_i32_0 : i32, i32
  }
  func.func @transform_7(%arg0: i32) -> (i32, i32) {
    %c0_i32 = arith.constant 0 : i32
    %c0_i32_0 = arith.constant 0 : i32
    %c0_i32_1 = arith.constant 0 : i32
    return %c0_i32, %c0_i32_0 : i32, i32
  }
  func.func @transform_8(%arg0: i32) -> (i32, i32) {
    %c0_i32 = arith.constant 0 : i32
    %c0_i32_0 = arith.constant 0 : i32
    %c0_i32_1 = arith.constant 0 : i32
    return %c0_i32, %c0_i32_0 : i32, i32
  }
  func.func @transform_9(%arg0: i32) -> (i32, i32) {
    %c0_i32 = arith.constant 0 : i32
    %c0_i32_0 = arith.constant 0 : i32
    %c0_i32_1 = arith.constant 0 : i32
    return %c0_i32, %c0_i32_0 : i32, i32
  }
  func.func @transform_10(%arg0: i32) -> (i32, i32) {
    %c0_i32 = arith.constant 0 : i32
    %c0_i32_0 = arith.constant 0 : i32
    %c0_i32_1 = arith.constant 0 : i32
    return %c0_i32, %c0_i32_0 : i32, i32
  }
  func.func @transform_11(%arg0: i32) -> (i32, i32) {
    %c0_i32 = arith.constant 0 : i32
    %c0_i32_0 = arith.constant 0 : i32
    %c0_i32_1 = arith.constant 0 : i32
    return %c0_i32, %c0_i32_0 : i32, i32
  }
  func.func @transform_12(%arg0: i32) -> (i32, i32) {
    %c0_i32 = arith.constant 0 : i32
    %c0_i32_0 = arith.constant 0 : i32
    return %arg0, %c0_i32 : i32, i32
  }
}

module attributes {stable_mosaic.version = 14 : i64} {
  func.func @body(%arg0: i32, %arg1: memref<2x1000x128xf32, #tpu.memory_space<vmem>>, %arg2: memref<1000x128xf32, #tpu.memory_space<vmem>>, %arg3: memref<1000x1xf32, #tpu.memory_space<vmem>>, %arg4: memref<1x128xf32, #tpu.memory_space<vmem>>, %arg5: memref<1000x128xf32, #tpu.memory_space<vmem>>) attributes {dimension_semantics = [#tpu.dimension_semantics<arbitrary>], iteration_bounds = array<i64: 10>, scalar_prefetch = 0 : i64, scratch_operands = 0 : i64, tpu.core_type = #tpu.core_type<tc>, window_params = [{transform_indices = @transform_0, window_bounds = array<i64: 2, 1000, 128>}, {transform_indices = @transform_1, window_bounds = array<i64: 1000, 128>}, {transform_indices = @transform_2, window_bounds = array<i64: 1000, 1>}, {pipeline_mode = #tpu.pipeline_mode<synchronous>, transform_indices = @transform_3, window_bounds = array<i64: 1, 128>}, {transform_indices = @transform_4, window_bounds = array<i64: 1000, 128>}]} {
    %get3A = arith.constant 0 : index
    %get3A_0 = arith.constant 0 : index
    %get3A_1 = arith.constant 0 : index
    %get3A_2 = vector.load %arg1[%get3A, %get3A_0, %get3A_1] : memref<2x1000x128xf32, #tpu.memory_space<vmem>>, vector<1x1000x128xf32>
    %get3A_3 = vector.shape_cast %get3A_2 : vector<1x1000x128xf32> to vector<1000x128xf32>
    %get3A_4 = arith.constant 1 : index
    %get3A_5 = arith.constant 0 : index
    %get3A_6 = arith.constant 0 : index
    %get3A_7 = vector.load %arg1[%get3A_4, %get3A_5, %get3A_6] : memref<2x1000x128xf32, #tpu.memory_space<vmem>>, vector<1x1000x128xf32>
    %get3A_8 = vector.shape_cast %get3A_7 : vector<1x1000x128xf32> to vector<1000x128xf32>
    %add3A = arith.addf %get3A_3, %get3A_8 : vector<1000x128xf32>
    %get3A_9 = arith.constant 0 : index
    %get3A_10 = arith.constant 0 : index
    %get3A_11 = vector.load %arg2[%get3A_9, %get3A_10] : memref<1000x128xf32, #tpu.memory_space<vmem>>, vector<1000x128xf32>
    %add3A_12 = arith.addf %add3A, %get3A_11 : vector<1000x128xf32>
    %get3A_13 = arith.constant 0 : index
    %get3A_14 = arith.constant 0 : index
    %get3A_15 = vector.load %arg3[%get3A_13, %get3A_14] : memref<1000x1xf32, #tpu.memory_space<vmem>>, vector<1000x1xf32>
    %mul3A = vector.broadcast %get3A_15 : vector<1000x1xf32> to vector<1000x128xf32>
    %mul3A_16 = arith.mulf %add3A_12, %mul3A : vector<1000x128xf32>
    %get3A_17 = arith.constant 0 : index
    %get3A_18 = arith.constant 0 : index
    %get3A_19 = vector.load %arg4[%get3A_17, %get3A_18] : memref<1x128xf32, #tpu.memory_space<vmem>>, vector<1x128xf32>
    %add3A_20 = vector.broadcast %get3A_19 : vector<1x128xf32> to vector<1000x128xf32>
    %add3A_21 = arith.addf %mul3A_16, %add3A_20 : vector<1000x128xf32>
    %iota3A = tpu.iota {dimensions = array<i32: 1>} : vector<1000x128xi32>
    %lt3A = arith.constant 40 : i32
    %lt3A_22 = vector.broadcast %lt3A : i32 to vector<1000x128xi32>
    %lt3A_23 = arith.cmpi slt, %iota3A, %lt3A_22 : vector<1000x128xi32>
    %jit3A = arith.constant -1.000000e+30 : f32
    %broadcast_in_dim3A = vector.broadcast %jit3A : f32 to vector<1000x128xf32>
    %select_n3A = arith.select %lt3A_23, %add3A_21, %broadcast_in_dim3A : vector<1000x128xi1>, vector<1000x128xf32>
    %reduce_max3A = arith.constant dense<0xFF800000> : vector<1000xf32>
    %reduce_max3A_24 = vector.multi_reduction <maximumf>, %select_n3A, %reduce_max3A [1] : vector<1000x128xf32> to vector<1000xf32>
    %broadcast_in_dim3A_25 = vector.shape_cast %reduce_max3A_24 : vector<1000xf32> to vector<1000x1xf32>
    %sub3A = vector.broadcast %broadcast_in_dim3A_25 : vector<1000x1xf32> to vector<1000x128xf32>
    %sub3A_26 = arith.subf %select_n3A, %sub3A : vector<1000x128xf32>
    %exp3A = math.exp %sub3A_26 : vector<1000x128xf32>
    %reduce_sum3A = arith.constant dense<0.000000e+00> : vector<1000xf32>
    %reduce_sum3A_27 = vector.multi_reduction <add>, %exp3A, %reduce_sum3A [1] : vector<1000x128xf32> to vector<1000xf32>
    %broadcast_in_dim3A_28 = vector.shape_cast %reduce_sum3A_27 : vector<1000xf32> to vector<1000x1xf32>
    %log3A = math.log %broadcast_in_dim3A_28 : vector<1000x1xf32>
    %sub3A_29 = vector.broadcast %broadcast_in_dim3A_25 : vector<1000x1xf32> to vector<1000x128xf32>
    %sub3A_30 = arith.subf %add3A_21, %sub3A_29 : vector<1000x128xf32>
    %sub3A_31 = vector.broadcast %log3A : vector<1000x1xf32> to vector<1000x128xf32>
    %sub3A_32 = arith.subf %sub3A_30, %sub3A_31 : vector<1000x128xf32>
    %swap3A = arith.constant 0 : index
    %swap3A_33 = arith.constant 0 : index
    %swap3A_34 = vector.load %arg5[%swap3A, %swap3A_33] : memref<1000x128xf32, #tpu.memory_space<vmem>>, vector<1000x128xf32>
    tpu.vector_store %arg5[%swap3A, %swap3A_33], %sub3A_32 {strides = array<i32>} : memref<1000x128xf32, #tpu.memory_space<vmem>>, vector<1000x128xf32>,
    return
  }
  func.func @transform_0(%arg0: i32) -> (i32, i32, i32) {
    %c0_i32 = arith.constant 0 : i32
    %c0_i32_0 = arith.constant 0 : i32
    %c0_i32_1 = arith.constant 0 : i32
    return %c0_i32, %arg0, %c0_i32_0 : i32, i32, i32
  }
  func.func @transform_1(%arg0: i32) -> (i32, i32) {
    %c0_i32 = arith.constant 0 : i32
    %c0_i32_0 = arith.constant 0 : i32
    return %arg0, %c0_i32 : i32, i32
  }
  func.func @transform_2(%arg0: i32) -> (i32, i32) {
    %c0_i32 = arith.constant 0 : i32
    %c0_i32_0 = arith.constant 0 : i32
    return %arg0, %c0_i32 : i32, i32
  }
  func.func @transform_3(%arg0: i32) -> (i32, i32) {
    %c0_i32 = arith.constant 0 : i32
    %c0_i32_0 = arith.constant 0 : i32
    %c0_i32_1 = arith.constant 0 : i32
    return %c0_i32, %c0_i32_0 : i32, i32
  }
  func.func @transform_4(%arg0: i32) -> (i32, i32) {
    %c0_i32 = arith.constant 0 : i32
    %c0_i32_0 = arith.constant 0 : i32
    return %arg0, %c0_i32 : i32, i32
  }
}

</mosaic_0001>

<sc_bundles>
// kernel: kernel.12.cloned.1.call-start
scs
__scs_entry_jumppad:
0x0: {  	(pc) =	sbr.rel $0x88, $3  }
0x1: {  	(tag) =	ssettag $0x0;
	lr =	simm.s32 $0x1  }
0x2: {  	[smem:$0x3F91] =	sst lr;
	_ =	strace $0xD0000000  }
0x3: {  	_ = 	snop  }
0x4: {  	_ = 	snop  }
0x5: {  	_ = 	snop  }
0x6: {  	_ = 	snop  }
0x7: {  	_ = 	snop  }
__scs_overlays_trampoline_lowered:
0x8: {  	[smem:$0x3FA0] =	sst s0  }
0x9: {  	[smem:$0x3FA1] =	sst s1  }
0xa: {  	[smem:$0x3FA2] =	sst s2  }
0xb: {  	[smem:$0x3FA3] =	sst s3  }
0xc: {  	[smem:$0x3FA4] =	sst s4  }
0xd: {  	[smem:$0x3FA5] =	sst s5  }
0xe: {  	[smem:$0x3FA6] =	sst s6  }
0xf: {  	[smem:$0x3FA7] =	sst s7  }
0x10: {  	[smem:$0x3FA8] =	sst s8  }
0x11: {  	[smem:$0x3FA9] =	sst s9;
	s0 =	simm.s32 @!p0 $0x0  }
0x12: {  	s1 =	sld [smem:$0x3F8F];
	s0 =	simm.s32 @p0 $0x1  }
0x13: {  	[smem:$0x3FAA] =	sst s0;
	s0 =	simm.s32 @!p1 $0x0  }
0x14: {  	s2 =	sld [smem:$0x3F8E];
	s0 =	simm.s32 @p1 $0x1  }
0x15: {  	[smem:$0x3FAB] =	sst s0;
	s0 =	simm.s32 @!p2 $0x0  }
0x16: {  	s3 =	sld [smem:$0x3FDB];
	s0 =	simm.s32 @p2 $0x1  }
0x17: {  	s4 =	simm.s32 $0x1BF5;
	[smem:$0x3FAD] =	sst s0  }
0x18: {  	s0 =	sld [smem:$0x3F90];
	_ =	swait.ge [sflag:s4], $0x0  }
0x19: {  	s7 =	sld [smem:$0x3F91]  }
0x1a: {  	s8 =	sadd.s32 $0xFFFFE003, lr  }
0x1b: {  	s9 =	sadd.s32 $0xFFFFFEF7, lr;
	s5 =	simm.s32 $0xFFFFFFFF;
	p2 =	slt.u32 s8, $0xFFFFF086  }
0x1c: {  	p1 =	slt.u32 s9, $0xF7A;
	s5 =	simm.s32 @!p2 $0x0  }
0x1d: {  	s5 =	simm.s32 @p1 $0x1;
	p0 =	seq.s32 s7, s2  }
0x1e: {  	s7 =	smul.u32 @!p0 $0xF7A, s2;
	p2 =	seq.s32 @!p0 s5, $0x0  }
0x1f: {  	s9 =	smul.u32 $0xF7A, s1;
	s8 =	simm.s32 @!p0 $0x1BF5;
	p2 =	por !p2, p0  }
0x20: {  	[sflag:s8] =	ssyncset.s32 @!p0 $0xFFFFF086;
	s6 =	sadd.s32 @!p0 s3, s7;
	s7 =	simm.s32 @!p0 $0x108  }
0x21: {  	s3 =	sadd.s32 s3, s9;
	s6 =	sadd.s32 @!p0 $0x88, s6;
	s7 =	simm.s32 @p2 $0x1082  }
0x22: {  	[simem:s7], [sflag:s8] =	dma.local @!p0 [hbm:s6], $0xF7A  }
0x23: {  	s9 =	sor.u32 $0xD0000000, s2;
	s6 =	simm.s32 $0x108;
	_ =	swait.ge @!p0 [sflag:s8], $0x0  }
0x24: {  	s3 =	sadd.s32 $0x88, s3;
	s6 =	simm.s32 @!p1 $0x1082;
	[sflag:s4] =	ssyncset.s32 $0xFFFFF086  }
0x25: {  	[simem:s6], [sflag:s4] =	dma.local [hbm:s3], $0xF7A  }
0x26: {  	[smem:$0x3F91] =	sst s1;
	(tag) =	ssettag s2;
	_ =	strace s9  }
0x27: {  	s1 =	sld [smem:$0x3FA1]  }
0x28: {  	s2 =	sld [smem:$0x3FA2]  }
0x29: {  	s4 =	sld [smem:$0x3FA4]  }
0x2a: {  	p0 =	seq.s32 s5, $0x0;
	s5 =	sld [smem:$0x3FA5]  }
0x2b: {  	s6 =	sld [smem:$0x3FA6]  }
0x2c: {  	s7 =	sld [smem:$0x3FA7]  }
0x2d: {  	s3 =	simm.s32 $0x108;
	s8 =	sld [smem:$0x3FA8]  }
0x2e: {  	s3 =	simm.s32 @!p0 $0x1082;
	s9 =	sld [smem:$0x3FA9]  }
0x2f: {  	lr =	sadd.s32 s0, s3;
	s0 =	sld [smem:$0x3FA0]  }
0x30: {  	s3 =	sld [smem:$0x3FA3]  }
0x31: {  	[smem:$0x3FAC] =	sst s10  }
0x32: {  	s10 =	sld [smem:$0x3FAA];
	_ =	sdelay $0x3  }
0x33: {  	p0 =	seq.s32 s10, $0x1;
	s10 =	sld [smem:$0x3FAC];
	_ =	sdelay $0x3  }
0x34: {  	[smem:$0x3FAC] =	sst s10  }
0x35: {  	s10 =	sld [smem:$0x3FAB];
	_ =	sdelay $0x3  }
0x36: {  	p1 =	seq.s32 s10, $0x1;
	s10 =	sld [smem:$0x3FAC];
	_ =	sdelay $0x3  }
0x37: {  	[smem:$0x3FAC] =	sst s10  }
0x38: {  	s10 =	sld [smem:$0x3FAD]  }
0x39: {  	_ = 	snop;
	(pc) =	sbr.ind lr, $3  }
0x3a: {  	_ = 	snop  }
0x3b: {  	_ = 	snop  }
0x3c: {  	p2 =	seq.s32 s10, $0x1;
	s10 =	sld [smem:$0x3FAC]  }
0x3d: {  	_ =	shalt  }
0x3e: {  	_ =	shalt  }
0x3f: {  	_ =	shalt  }
0x40: {  	_ =	shalt  }
0x41: {  	_ =	shalt  }
0x42: {  	_ =	shalt  }
0x43: {  	_ =	shalt  }
0x44: {  	_ =	shalt  }
0x45: {  	_ =	shalt  }
0x46: {  	_ =	shalt  }
0x47: {  	_ =	shalt  }
0x48: {  	_ =	shalt  }
0x49: {  	_ =	shalt  }
0x4a: {  	_ =	shalt  }
0x4b: {  	_ =	shalt  }
0x4c: {  	_ =	shalt  }
0x4d: {  	_ =	shalt  }
0x4e: {  	_ =	shalt  }
0x4f: {  	_ =	shalt  }
0x50: {  	_ =	shalt  }
0x51: {  	_ =	shalt  }
0x52: {  	_ =	shalt  }
0x53: {  	_ =	shalt  }
0x54: {  	_ =	shalt  }
0x55: {  	_ =	shalt  }
0x56: {  	_ =	shalt  }
0x57: {  	_ =	shalt  }
0x58: {  	_ =	shalt  }
0x59: {  	_ =	shalt  }
0x5a: {  	_ =	shalt  }
0x5b: {  	_ =	shalt  }
0x5c: {  	_ =	shalt  }
0x5d: {  	_ =	shalt  }
0x5e: {  	_ =	shalt  }
0x5f: {  	_ =	shalt  }
0x60: {  	_ =	shalt  }
0x61: {  	_ =	shalt  }
0x62: {  	_ =	shalt  }
0x63: {  	_ =	shalt  }
0x64: {  	_ =	shalt  }
0x65: {  	_ =	shalt  }
0x66: {  	_ =	shalt  }
0x67: {  	_ =	shalt  }
0x68: {  	_ =	shalt  }
0x69: {  	_ =	shalt  }
0x6a: {  	_ =	shalt  }
0x6b: {  	_ =	shalt  }
0x6c: {  	_ =	shalt  }
0x6d: {  	_ =	shalt  }
0x6e: {  	_ =	shalt  }
0x6f: {  	_ =	shalt  }
0x70: {  	_ =	shalt  }
0x71: {  	_ =	shalt  }
0x72: {  	_ =	shalt  }
0x73: {  	_ =	shalt  }
0x74: {  	_ =	shalt  }
0x75: {  	_ =	shalt  }
0x76: {  	_ =	shalt  }
0x77: {  	_ =	shalt  }
0x78: {  	_ =	shalt  }
0x79: {  	_ =	shalt  }
0x7a: {  	_ =	shalt  }
0x7b: {  	_ =	shalt  }
0x7c: {  	_ =	shalt  }
0x7d: {  	_ =	shalt  }
0x7e: {  	_ =	shalt  }
0x7f: {  	_ =	shalt  }
0x80: {  	_ =	shalt  }
0x81: {  	_ =	shalt  }
0x82: {  	_ =	shalt  }
0x83: {  	_ =	shalt  }
0x84: {  	_ =	shalt  }
0x85: {  	_ =	shalt  }
0x86: {  	_ =	shalt  }
0x87: {  	_ =	shalt  }
.Lfunc_end0:
.L_simem_size_0:
called_computation_lowered:
.L_overlay_start_0:
0x88: {  	s2 =	sld [smem:$0x3FD9]  }
0x89: {  	s3 =	sld [smem:$0x3FFE];
	_ =	sdelay $0x1  }
0x8a: {  	s1 =	srdreg.scid  }
0x8b: {  	s0 =	sand.u32 $0x1, s1  }
0x8c: {  	s17 =	sshll.u32 s0, $0xA;
	s2 =	sadd.s32 s3, s2  }
0x8d: {  	s2 =	sadd.s32 s2, s17  }
0x8e: {  	[smem:$0x3FB8] =	sst s2  }
0x8f: {  	_ = 	snop  }
0x90: {  	s2 =	sld [smem:$0x3FD0];
	(tm) =	ssettm $0x1  }
0x91: {  	s18 =	sld [smem:$0x3FFB];
	_ =	sdelay $0x3  }
0x92: {  	_ =	strace s18  }
0x93: {  	s3 =	sld [smem:$0x3FFC];
	_ =	sdelay $0x3  }
0x94: {  	_ =	strace s3  }
0x95: {  	s3 =	sld [smem:$0x3FFD];
	_ =	sdelay $0x3  }
0x96: {  	_ =	strace s3  }
0x97: {  	_ =	strace $0x8FFFFFFF  }
0x98: {  	s19 =	sld [smem:$0x3FDB];
	_ =	sdelay $0x1  }
0x99: {  	s4 =	simm.s32 $_scs_section_size  }
0x9a: {  	s5 =	simm.s32 $_size__tile_overlayer_lowered;
	s6 =	simm.s32 $_tile_overlayer_lowered  }
0x9b: {  	s22 =	simm.s32 $0x1BFF;
	s21 =	sshll.u32 s6, $0x1;
	s3 =	sadd.s32 s4, s19  }
0x9c: {  	s7 =	simm.s32 $0x0;
	s20 =	sshll.u32 s5, $0x1;
	s5 =	sadd.s32 s21, s3  }
0x9d: {  	[timem:s7], [sflag:s22] =	dma.local [hbm:s5], s20  }
0x9e: {  	_ =	swait.ge [sflag:s22], s20  }
0x9f: {  	s4 =	ssub.s32 $0x0, s20;
	[sflag:s22] =	ssyncset.done $0x0  }
0xa0: {  	[sflag:s22] =	ssyncadd.s32 s4;
	_ =	sdelay $0x1  }
0xa1: {  	s23 =	simm.s32 $0x1B8B  }
0xa2: {  	_ =	swait.ge [sflag:s23], $0x1  }
0xa3: {  	[sflag:s23] =	ssyncset.done $0x0  }
0xa4: {  	s25 =	simm.s32 $0x1B8E;
	s24 =	sld [smem:$0x3FFE];
	[sflag:s23] =	ssyncadd.s32 $0xFFFFFFFF  }
0xa5: {  	s26 =	simm.s32 $execute0_lowered;
	[smem:$0x3FD2] =	sst s25  }
0xa6: {  	s5 =	sshll.u32 s26, $0x1;
	_ =	strace $0x80000046;
	[dreg:$0x1] =	wrdreg $0xFFFFFFFF  }
0xa7: {  	s28 =	simm.s32 $_size_execute0_lowered;
	s3 =	sadd.s32 s3, s5;
	[dreg:$0x0] =	wrdreg $0x0  }
0xa8: {  	s5 =	sshll.u32 s28, $0x1;
	[dreg:$0x2] =	wrdreg s3  }
0xa9: {  	[dreg:$0x3] =	wrdreg s5  }
0xaa: {  	[dreg:$0x4] =	wrdreg $0xC0  }
0xab: {  	_ =	task [dreg:s7], $0x5FFFF  }
0xac: {  	[dreg:$0x1] =	wrdreg $0xFFFFFFFF  }
0xad: {  	[dreg:$0x0] =	wrdreg $0x60  }
0xae: {  	[dreg:$0x2] =	wrdreg s2  }
0xaf: {  	[dreg:$0x3] =	wrdreg s24  }
0xb0: {  	[dreg:$0x4] =	wrdreg $0x9  }
0xb1: {  	_ =	task.clear_ibuf [dreg:s7], $0x5FFFF;
	_ =	strace $0x90000046  }
0xb2: {  	s29 =	simm.s32 $0x9;
	_ =	strace $0x80000048  }
0xb3: {  	_ =	swait.ge [sflag:s29], $0x1  }
0xb4: {  	[sflag:s29] =	ssyncadd.s32 $0xFFFFFFFF  }
0xb5: {  	_ =	strace $0x90000048  }
0xb6: {  	_ =	sfence  }
0xb7: {  	s30 =	sld [smem:$0x0];
	_ =	sdelay $0x2  }
0xb8: {  	s31 =	sshll.u32 s1, $0xD;
	s1 =	sshrl.u32 s1, $0x2  }
0xb9: {  	s3 =	sand.u32 $0x4000, s31;
	s1 =	sadd.s32 s1, s30  }
0xba: {  	s0 =	sor.u32 s3, s0;
	s1 =	sshll.u32 s1, $0x11  }
0xbb: {  	s0 =	sor.u32 s1, s0  }
0xbc: {  	s0 =	sadd.s32 $0x8F2B, s0  }
0xbd: {  	[sflag:s0] =	ssyncadd.remote.s32 $0x1  }
0xbe: {  	_ =	sfence.sel $0xFFFF  }
0xbf: {  	[dreg:$0x0] =	wrdreg $0xFFFFFFFF;
	(pc) =	sbr.abs _section_cstart, $3  }
0xc0: {  	[dreg:$0x1] =	wrdreg $0xFFFFFFFF  }
0xc1: {  	_ =	task.clear_ibuf [dreg:s7], $0x2FFFF;
	_ =	strace $0x9FFFFFFF  }
0xc2: {  	(tm) =	ssettm $0x7FFFFFFF  }
0xc3: {  	_ =	shalt  }
tec
execute0_lowered:
.L_overlay_start_1:
0x0: {  	(tag) =	ssettag $0x1  }
0x1: {  	s0 =	srdreg.scid  }
0x2: {  	s4 =	rddreg [dreg:$0x0];
	s3 =	sand.u32 $0x1, s0  }
0x3: {  	s5 =	rddreg [dreg:$0x1];
	s1 =	stileid.u32;
	s6 =	sshll.u32 s3, $0x4  }
0x4: {  	s2 =	simm.s32 $0x0;
	s0 =	rddreg [dreg:$0x2];
	s6 =	sor.u32 s1, s6  }
0x5: {  	[smem:$0x7FF] =	sst s2;
	s8 =	ssub.s32 $0x2, s3;
	s7 =	smul.u32 $0x2800, s6  }
0x6: {  	_ =	strace $0x80000047;
	s9 =	sshrl.u32 s8, $0x1;
	s6 =	smul.u32 $0x500, s6  }
0x7: {  	s3 =	sadd.s32 $0x5E00, s5;
	s31 =	ssub.s32 s8, s9;
	s8 =	simm.s32 $0x2800  }
0x8: {  	s9 =	simm.s32 $0x0;
	s5 =	sadd.s32 s7, s5;
	s4 =	sadd.s32 s4, s6  }
0x9: {  	v0 =	vimm.f32 $1.000000000e+00;
	s6 =	smax.u32 s31, $0x1;
	s7 =	simm.s32 $0x1;
	s5 =	sadd.s32 $0x8600, s5  }
.LBB2_1:
0xa: {  	[tilespmem:s2], [sflag:$0x1] =	stream.linear.gather [hbm4b:s4+s2], $0x2800, $0x38;
	[tilespmem:$0x16800] =	vst v63  }
0xb: {  	_ =	swait.ge [sflag:s7], $0x2800  }
0xc: {  	[sflag:s7] =	ssyncset.done $0x0  }
0xd: {  	[sflag:s7] =	ssyncadd.s32 $0xFFFFD800  }
0xe: {  	[tilespmem:s8], [sflag:$0x1] =	stream.linear.gather [hbm4b:s3+s2], $0x14000, $0x38;
	[tilespmem:$0x16800] =	vst v63  }
0xf: {  	_ =	swait.ge [sflag:s7], $0x14000  }
0x10: {  	[sflag:s7] =	ssyncset.done $0x0  }
0x11: {  	s10 =	simm.s32 $0x1C0;
	[sflag:s7] =	ssyncadd.s32 $0xFFFEC000  }
.LBB2_2:
0x12: {  	s11 =	sshra.s32 s10, $0x2  }
0x13: {  	v1 =	vld [tilespmem:s11+$0xFFFFFF90];
	_ =	sdelay $0x4  }
0x14: {  	v2 =	vshll.u32 v1, $0x3  }
0x15: {  	v1 =	vand.u32 $0xF, v1;
	v2 =	vand.u32 $0xFFFFFF80, v2  }
0x16: {  	v1 =	vor.u32 v1, v2;
	_ =	sdelay $0x4  }
0x17: {  	[tilespmem:v1+s8+$0x0] =	vst.idx.add.f32.msk $0xffff, v0  }
0x18: {  	v1 =	vld [tilespmem:s11+$0xFFFFFFA0];
	_ =	sdelay $0x4  }
0x19: {  	v2 =	vshll.u32 v1, $0x3  }
0x1a: {  	v1 =	vand.u32 $0xF, v1;
	v2 =	vand.u32 $0xFFFFFF80, v2  }
0x1b: {  	v1 =	vor.u32 v1, v2;
	_ =	sdelay $0x4  }
0x1c: {  	[tilespmem:v1+s8+$0x0] =	vst.idx.add.f32.msk $0xffff, v0  }
0x1d: {  	v1 =	vld [tilespmem:s11+$0xFFFFFFB0];
	_ =	sdelay $0x4  }
0x1e: {  	v2 =	vshll.u32 v1, $0x3  }
0x1f: {  	v1 =	vand.u32 $0xF, v1;
	v2 =	vand.u32 $0xFFFFFF80, v2  }
0x20: {  	v1 =	vor.u32 v1, v2;
	_ =	sdelay $0x4  }
0x21: {  	[tilespmem:v1+s8+$0x0] =	vst.idx.add.f32.msk $0xffff, v0  }
0x22: {  	v1 =	vld [tilespmem:s11+$0xFFFFFFC0];
	_ =	sdelay $0x4  }
0x23: {  	v2 =	vshll.u32 v1, $0x3  }
0x24: {  	v1 =	vand.u32 $0xF, v1;
	v2 =	vand.u32 $0xFFFFFF80, v2  }
0x25: {  	v1 =	vor.u32 v1, v2;
	_ =	sdelay $0x4  }
0x26: {  	[tilespmem:v1+s8+$0x0] =	vst.idx.add.f32.msk $0xffff, v0  }
0x27: {  	v1 =	vld [tilespmem:s11+$0xFFFFFFD0];
	_ =	sdelay $0x4  }
0x28: {  	v2 =	vshll.u32 v1, $0x3  }
0x29: {  	v1 =	vand.u32 $0xF, v1;
	v2 =	vand.u32 $0xFFFFFF80, v2  }
0x2a: {  	v1 =	vor.u32 v1, v2;
	_ =	sdelay $0x4  }
0x2b: {  	[tilespmem:v1+s8+$0x0] =	vst.idx.add.f32.msk $0xffff, v0  }
0x2c: {  	v1 =	vld [tilespmem:s11+$0xFFFFFFE0];
	_ =	sdelay $0x4  }
0x2d: {  	v2 =	vshll.u32 v1, $0x3  }
0x2e: {  	v1 =	vand.u32 $0xF, v1;
	v2 =	vand.u32 $0xFFFFFF80, v2  }
0x2f: {  	v1 =	vor.u32 v1, v2;
	_ =	sdelay $0x4  }
0x30: {  	[tilespmem:v1+s8+$0x0] =	vst.idx.add.f32.msk $0xffff, v0  }
0x31: {  	v1 =	vld [tilespmem:s11+$0xFFFFFFF0];
	_ =	sdelay $0x4  }
0x32: {  	v2 =	vshll.u32 v1, $0x3  }
0x33: {  	v1 =	vand.u32 $0xF, v1;
	v2 =	vand.u32 $0xFFFFFF80, v2  }
0x34: {  	v1 =	vor.u32 v1, v2;
	_ =	sdelay $0x4  }
0x35: {  	[tilespmem:v1+s8+$0x0] =	vst.idx.add.f32.msk $0xffff, v0  }
0x36: {  	v1 =	vld [tilespmem:s11+$0x0];
	_ =	sdelay $0x4  }
0x37: {  	v2 =	vshll.u32 v1, $0x3  }
0x38: {  	v1 =	vand.u32 $0xF, v1;
	v2 =	vand.u32 $0xFFFFFF80, v2  }
0x39: {  	p0 =	sne.s32 s10, $0x9FC0;
	v1 =	vor.u32 v1, v2  }
.Ltmp0:
0x3a: {  	_ = 	snop;
	(pc) =	sbr.rel @p0 .LBB2_2-.Ltmp0, $2  }
0x3b: {  	_ =	sdelay $0x2  }
0x3c: {  	s10 =	sadd.s32 $0x200, s10;
	[tilespmem:v1+s8+$0x0] =	vst.idx.add.f32.msk $0xffff, v0  }
0x3d: {  	s9 =	sadd.s32 $0x1, s9  }
0x3e: {  	p0 =	sne.s32 s9, s6  }
.Ltmp1:
0x3f: {  	_ = 	snop;
	(pc) =	sbr.rel @p0 .LBB2_1-.Ltmp1, $4  }
0x40: {  	[hbm4b:s5+s2] =	stream.linear.scatter [tilespmem:s8], [sflag:$0x1], $0x14000, $0x38;
	[tilespmem:$0x16800] =	vst v63  }
0x41: {  	_ =	swait.ge [sflag:s7], $0x14000  }
0x42: {  	[sflag:s7] =	ssyncset.done $0x0  }
0x43: {  	[sflag:s7] =	ssyncadd.s32 $0xFFFEC000  }
0x44: {  	_ =	sfence.sel $0x180000  }
0x45: {  	[bflag:$0x0] =	sbarrier.arrive $0xFFFF  }
0x46: {  	p0 =	sne.s32 s1, $0x0;
	_ =	strace $0x90000047  }
0x47: {  	s0 =	sadd.s32 @!p0 $0x100000, s0;
	[bflag:$0x2] =	sbarrier.arrive $0xFFFF  }
0x48: {  	[sflag:s0] =	ssyncadd.tile.s32 @!p0 $0x1;
	_ =	shalt  }
.Lfunc_end2:
_tile_overlayer_lowered:
.L_overlay_start_2:
0x49: {  	(tag) =	ssettag $0x2  }
0x4a: {  	s0 =	rddreg [dreg:$0x0];
	s2 =	stileid.u32  }
0x4b: {  	s1 =	rddreg [dreg:$0x1];
	p0 =	sne.s32 s2, $0x0  }
0x4c: {  	s3 =	rddreg [dreg:$0x2];
	[bflag:$0x3] =	sbarrier.arrive $0xFFFF;
	s2 =	simm.s32 @!p0 $0x1C01  }
0x4d: {  	[timem:s3], [sflag:s2] =	dma.local @!p0 [hbm:s0], s1  }
0x4e: {  	s0 =	simm.s32 @!p0 $0x1  }
0x4f: {  	_ =	swait.ge @!p0 [sflag:s0], s1  }
0x50: {  	s1 =	ssub.s32 @!p0 $0x0, s1;
	[sflag:s0] =	ssyncset.done @!p0 $0x0  }
0x51: {  	[sflag:s0] =	ssyncadd.s32 @!p0 s1  }
0x52: {  	[bflag:$0x3] =	sbarrier.arrive $0xFFFF  }
0x53: {  	_ =	shalt  }

// kernel: kernel.15.cloned.1.call-start
scs
__scs_entry_jumppad:
0x0: {  	(pc) =	sbr.rel $0x88, $3  }
0x1: {  	(tag) =	ssettag $0x0;
	lr =	simm.s32 $0x1  }
0x2: {  	[smem:$0x3F91] =	sst lr;
	_ =	strace $0xD0000000  }
0x3: {  	_ = 	snop  }
0x4: {  	_ = 	snop  }
0x5: {  	_ = 	snop  }
0x6: {  	_ = 	snop  }
0x7: {  	_ = 	snop  }
__scs_overlays_trampoline_lowered:
0x8: {  	[smem:$0x3FA0] =	sst s0  }
0x9: {  	[smem:$0x3FA1] =	sst s1  }
0xa: {  	[smem:$0x3FA2] =	sst s2  }
0xb: {  	[smem:$0x3FA3] =	sst s3  }
0xc: {  	[smem:$0x3FA4] =	sst s4  }
0xd: {  	[smem:$0x3FA5] =	sst s5  }
0xe: {  	[smem:$0x3FA6] =	sst s6  }
0xf: {  	[smem:$0x3FA7] =	sst s7  }
0x10: {  	[smem:$0x3FA8] =	sst s8  }
0x11: {  	[smem:$0x3FA9] =	sst s9;
	s0 =	simm.s32 @!p0 $0x0  }
0x12: {  	s1 =	sld [smem:$0x3F8F];
	s0 =	simm.s32 @p0 $0x1  }
0x13: {  	[smem:$0x3FAA] =	sst s0;
	s0 =	simm.s32 @!p1 $0x0  }
0x14: {  	s2 =	sld [smem:$0x3F8E];
	s0 =	simm.s32 @p1 $0x1  }
0x15: {  	[smem:$0x3FAB] =	sst s0;
	s0 =	simm.s32 @!p2 $0x0  }
0x16: {  	s3 =	sld [smem:$0x3FDB];
	s0 =	simm.s32 @p2 $0x1  }
0x17: {  	s4 =	simm.s32 $0x1BF5;
	[smem:$0x3FAD] =	sst s0  }
0x18: {  	s0 =	sld [smem:$0x3F90];
	_ =	swait.ge [sflag:s4], $0x0  }
0x19: {  	s7 =	sld [smem:$0x3F91]  }
0x1a: {  	s8 =	sadd.s32 $0xFFFFE003, lr  }
0x1b: {  	s9 =	sadd.s32 $0xFFFFFEF7, lr;
	s5 =	simm.s32 $0xFFFFFFFF;
	p2 =	slt.u32 s8, $0xFFFFF086  }
0x1c: {  	p1 =	slt.u32 s9, $0xF7A;
	s5 =	simm.s32 @!p2 $0x0  }
0x1d: {  	s5 =	simm.s32 @p1 $0x1;
	p0 =	seq.s32 s7, s2  }
0x1e: {  	s7 =	smul.u32 @!p0 $0xF7A, s2;
	p2 =	seq.s32 @!p0 s5, $0x0  }
0x1f: {  	s9 =	smul.u32 $0xF7A, s1;
	s8 =	simm.s32 @!p0 $0x1BF5;
	p2 =	por !p2, p0  }
0x20: {  	[sflag:s8] =	ssyncset.s32 @!p0 $0xFFFFF086;
	s6 =	sadd.s32 @!p0 s3, s7;
	s7 =	simm.s32 @!p0 $0x108  }
0x21: {  	s3 =	sadd.s32 s3, s9;
	s6 =	sadd.s32 @!p0 $0x88, s6;
	s7 =	simm.s32 @p2 $0x1082  }
0x22: {  	[simem:s7], [sflag:s8] =	dma.local @!p0 [hbm:s6], $0xF7A  }
0x23: {  	s9 =	sor.u32 $0xD0000000, s2;
	s6 =	simm.s32 $0x108;
	_ =	swait.ge @!p0 [sflag:s8], $0x0  }
0x24: {  	s3 =	sadd.s32 $0x88, s3;
	s6 =	simm.s32 @!p1 $0x1082;
	[sflag:s4] =	ssyncset.s32 $0xFFFFF086  }
0x25: {  	[simem:s6], [sflag:s4] =	dma.local [hbm:s3], $0xF7A  }
0x26: {  	[smem:$0x3F91] =	sst s1;
	(tag) =	ssettag s2;
	_ =	strace s9  }
0x27: {  	s1 =	sld [smem:$0x3FA1]  }
0x28: {  	s2 =	sld [smem:$0x3FA2]  }
0x29: {  	s4 =	sld [smem:$0x3FA4]  }
0x2a: {  	p0 =	seq.s32 s5, $0x0;
	s5 =	sld [smem:$0x3FA5]  }
0x2b: {  	s6 =	sld [smem:$0x3FA6]  }
0x2c: {  	s7 =	sld [smem:$0x3FA7]  }
0x2d: {  	s3 =	simm.s32 $0x108;
	s8 =	sld [smem:$0x3FA8]  }
0x2e: {  	s3 =	simm.s32 @!p0 $0x1082;
	s9 =	sld [smem:$0x3FA9]  }
0x2f: {  	lr =	sadd.s32 s0, s3;
	s0 =	sld [smem:$0x3FA0]  }
0x30: {  	s3 =	sld [smem:$0x3FA3]  }
0x31: {  	[smem:$0x3FAC] =	sst s10  }
0x32: {  	s10 =	sld [smem:$0x3FAA];
	_ =	sdelay $0x3  }
0x33: {  	p0 =	seq.s32 s10, $0x1;
	s10 =	sld [smem:$0x3FAC];
	_ =	sdelay $0x3  }
0x34: {  	[smem:$0x3FAC] =	sst s10  }
0x35: {  	s10 =	sld [smem:$0x3FAB];
	_ =	sdelay $0x3  }
0x36: {  	p1 =	seq.s32 s10, $0x1;
	s10 =	sld [smem:$0x3FAC];
	_ =	sdelay $0x3  }
0x37: {  	[smem:$0x3FAC] =	sst s10  }
0x38: {  	s10 =	sld [smem:$0x3FAD]  }
0x39: {  	_ = 	snop;
	(pc) =	sbr.ind lr, $3  }
0x3a: {  	_ = 	snop  }
0x3b: {  	_ = 	snop  }
0x3c: {  	p2 =	seq.s32 s10, $0x1;
	s10 =	sld [smem:$0x3FAC]  }
0x3d: {  	_ =	shalt  }
0x3e: {  	_ =	shalt  }
0x3f: {  	_ =	shalt  }
0x40: {  	_ =	shalt  }
0x41: {  	_ =	shalt  }
0x42: {  	_ =	shalt  }
0x43: {  	_ =	shalt  }
0x44: {  	_ =	shalt  }
0x45: {  	_ =	shalt  }
0x46: {  	_ =	shalt  }
0x47: {  	_ =	shalt  }
0x48: {  	_ =	shalt  }
0x49: {  	_ =	shalt  }
0x4a: {  	_ =	shalt  }
0x4b: {  	_ =	shalt  }
0x4c: {  	_ =	shalt  }
0x4d: {  	_ =	shalt  }
0x4e: {  	_ =	shalt  }
0x4f: {  	_ =	shalt  }
0x50: {  	_ =	shalt  }
0x51: {  	_ =	shalt  }
0x52: {  	_ =	shalt  }
0x53: {  	_ =	shalt  }
0x54: {  	_ =	shalt  }
0x55: {  	_ =	shalt  }
0x56: {  	_ =	shalt  }
0x57: {  	_ =	shalt  }
0x58: {  	_ =	shalt  }
0x59: {  	_ =	shalt  }
0x5a: {  	_ =	shalt  }
0x5b: {  	_ =	shalt  }
0x5c: {  	_ =	shalt  }
0x5d: {  	_ =	shalt  }
0x5e: {  	_ =	shalt  }
0x5f: {  	_ =	shalt  }
0x60: {  	_ =	shalt  }
0x61: {  	_ =	shalt  }
0x62: {  	_ =	shalt  }
0x63: {  	_ =	shalt  }
0x64: {  	_ =	shalt  }
0x65: {  	_ =	shalt  }
0x66: {  	_ =	shalt  }
0x67: {  	_ =	shalt  }
0x68: {  	_ =	shalt  }
0x69: {  	_ =	shalt  }
0x6a: {  	_ =	shalt  }
0x6b: {  	_ =	shalt  }
0x6c: {  	_ =	shalt  }
0x6d: {  	_ =	shalt  }
0x6e: {  	_ =	shalt  }
0x6f: {  	_ =	shalt  }
0x70: {  	_ =	shalt  }
0x71: {  	_ =	shalt  }
0x72: {  	_ =	shalt  }
0x73: {  	_ =	shalt  }
0x74: {  	_ =	shalt  }
0x75: {  	_ =	shalt  }
0x76: {  	_ =	shalt  }
0x77: {  	_ =	shalt  }
0x78: {  	_ =	shalt  }
0x79: {  	_ =	shalt  }
0x7a: {  	_ =	shalt  }
0x7b: {  	_ =	shalt  }
0x7c: {  	_ =	shalt  }
0x7d: {  	_ =	shalt  }
0x7e: {  	_ =	shalt  }
0x7f: {  	_ =	shalt  }
0x80: {  	_ =	shalt  }
0x81: {  	_ =	shalt  }
0x82: {  	_ =	shalt  }
0x83: {  	_ =	shalt  }
0x84: {  	_ =	shalt  }
0x85: {  	_ =	shalt  }
0x86: {  	_ =	shalt  }
0x87: {  	_ =	shalt  }
.Lfunc_end0:
.L_simem_size_0:
called_computation.1_lowered:
.L_overlay_start_0:
0x88: {  	s2 =	sld [smem:$0x3FD9]  }
0x89: {  	s3 =	sld [smem:$0x3FFE];
	_ =	sdelay $0x1  }
0x8a: {  	s1 =	srdreg.scid  }
0x8b: {  	s0 =	sand.u32 $0x1, s1  }
0x8c: {  	s17 =	sshll.u32 s0, $0xA;
	s2 =	sadd.s32 s3, s2  }
0x8d: {  	s2 =	sadd.s32 s2, s17  }
0x8e: {  	[smem:$0x3FB8] =	sst s2  }
0x8f: {  	_ = 	snop  }
0x90: {  	s2 =	sld [smem:$0x3FD0];
	(tm) =	ssettm $0x1  }
0x91: {  	s18 =	sld [smem:$0x3FFB];
	_ =	sdelay $0x3  }
0x92: {  	_ =	strace s18  }
0x93: {  	s3 =	sld [smem:$0x3FFC];
	_ =	sdelay $0x3  }
0x94: {  	_ =	strace s3  }
0x95: {  	s3 =	sld [smem:$0x3FFD];
	_ =	sdelay $0x3  }
0x96: {  	_ =	strace s3  }
0x97: {  	_ =	strace $0x8FFFFFFF  }
0x98: {  	s19 =	sld [smem:$0x3FDB];
	_ =	sdelay $0x1  }
0x99: {  	s4 =	simm.s32 $_scs_section_size  }
0x9a: {  	s5 =	simm.s32 $_size__tile_overlayer_lowered;
	s6 =	simm.s32 $_tile_overlayer_lowered  }
0x9b: {  	s22 =	simm.s32 $0x1BFF;
	s21 =	sshll.u32 s6, $0x1;
	s3 =	sadd.s32 s4, s19  }
0x9c: {  	s7 =	simm.s32 $0x0;
	s20 =	sshll.u32 s5, $0x1;
	s5 =	sadd.s32 s21, s3  }
0x9d: {  	[timem:s7], [sflag:s22] =	dma.local [hbm:s5], s20  }
0x9e: {  	_ =	swait.ge [sflag:s22], s20  }
0x9f: {  	s4 =	ssub.s32 $0x0, s20;
	[sflag:s22] =	ssyncset.done $0x0  }
0xa0: {  	[sflag:s22] =	ssyncadd.s32 s4;
	_ =	sdelay $0x1  }
0xa1: {  	s23 =	simm.s32 $0x1B8B  }
0xa2: {  	_ =	swait.ge [sflag:s23], $0x1  }
0xa3: {  	[sflag:s23] =	ssyncset.done $0x0  }
0xa4: {  	s25 =	simm.s32 $0x1B8E;
	s24 =	sld [smem:$0x3FFE];
	[sflag:s23] =	ssyncadd.s32 $0xFFFFFFFF  }
0xa5: {  	s26 =	simm.s32 $execute0_lowered;
	[smem:$0x3FD2] =	sst s25  }
0xa6: {  	s5 =	sshll.u32 s26, $0x1;
	_ =	strace $0x80000049;
	[dreg:$0x1] =	wrdreg $0xFFFFFFFF  }
0xa7: {  	s28 =	simm.s32 $_size_execute0_lowered;
	s3 =	sadd.s32 s3, s5;
	[dreg:$0x0] =	wrdreg $0x0  }
0xa8: {  	s5 =	sshll.u32 s28, $0x1;
	[dreg:$0x2] =	wrdreg s3  }
0xa9: {  	[dreg:$0x3] =	wrdreg s5  }
0xaa: {  	[dreg:$0x4] =	wrdreg $0xC0  }
0xab: {  	_ =	task [dreg:s7], $0x5FFFF  }
0xac: {  	[dreg:$0x1] =	wrdreg $0xFFFFFFFF  }
0xad: {  	[dreg:$0x0] =	wrdreg $0x60  }
0xae: {  	[dreg:$0x2] =	wrdreg s24  }
0xaf: {  	[dreg:$0x3] =	wrdreg s2  }
0xb0: {  	[dreg:$0x4] =	wrdreg $0x84000  }
0xb1: {  	[dreg:$0x5] =	wrdreg $0x9  }
0xb2: {  	_ =	task.clear_ibuf [dreg:s7], $0x6FFFF;
	_ =	strace $0x90000049  }
0xb3: {  	s29 =	simm.s32 $0x9;
	_ =	strace $0x8000004B  }
0xb4: {  	_ =	swait.ge [sflag:s29], $0x1  }
0xb5: {  	[sflag:s29] =	ssyncadd.s32 $0xFFFFFFFF  }
0xb6: {  	_ =	strace $0x9000004B  }
0xb7: {  	_ =	sfence  }
0xb8: {  	s30 =	sld [smem:$0x0];
	_ =	sdelay $0x2  }
0xb9: {  	s31 =	sshll.u32 s1, $0xD;
	s1 =	sshrl.u32 s1, $0x2  }
0xba: {  	s3 =	sand.u32 $0x4000, s31;
	s1 =	sadd.s32 s1, s30  }
0xbb: {  	s0 =	sor.u32 s3, s0;
	s1 =	sshll.u32 s1, $0x11  }
0xbc: {  	s0 =	sor.u32 s1, s0  }
0xbd: {  	s0 =	sadd.s32 $0x8F2B, s0  }
0xbe: {  	[sflag:s0] =	ssyncadd.remote.s32 $0x1  }
0xbf: {  	_ =	sfence.sel $0xFFFF  }
0xc0: {  	[dreg:$0x0] =	wrdreg $0xFFFFFFFF;
	(pc) =	sbr.abs _section_cstart, $3  }
0xc1: {  	[dreg:$0x1] =	wrdreg $0xFFFFFFFF  }
0xc2: {  	_ =	task.clear_ibuf [dreg:s7], $0x2FFFF;
	_ =	strace $0x9FFFFFFF  }
0xc3: {  	(tm) =	ssettm $0x7FFFFFFF  }
tec
execute0_lowered:
.L_overlay_start_1:
0x0: {  	(tag) =	ssettag $0x1  }
0x1: {  	s0 =	srdreg.scid;
	s1 =	rddreg [dreg:$0x0]  }
0x2: {  	s2 =	stileid.u32;
	s13 =	simm.s32 $0x100;
	s14 =	simm.s32 $0x200  }
0x3: {  	s15 =	simm.s32 $0x300;
	s17 =	simm.s32 $0x7;
	s18 =	simm.s32 $0x1  }
0x4: {  	s19 =	simm.s32 $0x80;
	s20 =	simm.s32 $0x400;
	s21 =	simm.s32 $0x2  }
0x5: {  	s22 =	simm.s32 $0x4400;
	s23 =	simm.s32 $0x5;
	s28 =	simm.s32 $0x4  }
0x6: {  	s29 =	simm.s32 $0x280;
	s30 =	simm.s32 $0x380;
	s31 =	simm.s32 $0x0  }
0x7: {  	s0 =	sand.u32 $0x1, s0;
	s8 =	smul.u32 $0x13C00, s2;
	s5 =	sadd.s32 $0x5E00, s1  }
0x8: {  	s10 =	smul.u32 $0x4F000, s2;
	s26 =	sshll.u32 s2, $0x6;
	s3 =	sshll.u32 s0, $0x4  }
0x9: {  	s7 =	smul.u32 $0x13C000, s0;
	s0 =	ssub.s32 $0x2, s0;
	s4 =	sor.u32 s2, s3  }
0xa: {  	s3 =	rddreg [dreg:$0x2];
	s25 =	sshrl.u32 s0, $0x1;
	s10 =	sshrl.u32 s10, $0x2  }
0xb: {  	s6 =	smul.u32 $0xB00, s4;
	s4 =	simm.s32 $0x0;
	s24 =	sadd.s32 s8, s7  }
0xc: {  	s0 =	ssub.s32 s0, s25;
	s16 =	sadd.s32 s10, s3;
	s10 =	sor.u32 $0x1C07, s26  }
0xd: {  	s25 =	simm.s32 $0x6;
	s26 =	simm.s32 $0x180;
	[smem:$0x7FF] =	sst s4  }
0xe: {  	s12 =	smax.u32 s0, $0x1;
	s16 =	sshrl.u32 s16, $0x3;
	_ =	strace $0x8000004A  }
0xf: {  	s9 =	sadd.s32 s6, s1;
	s6 =	sshrl.u32 s24, $0x3;
	s24 =	simm.s32 $0x3  }
0x10: {  	s1 =	sadd.s32 s6, s1;
	s6 =	sadd.s32 $0x58600, s9;
	s7 =	sadd.s32 $0x58620, s9  }
0x11: {  	s8 =	sadd.s32 $0x58640, s9;
	s9 =	sadd.s32 $0x58660, s9;
	s11 =	sadd.s32 $0x6E600, s1  }
.LBB2_1:
0x12: {  	[tilespmem:s4], [sflag:$0x1] =	stream.linear.gather [hbm4b:s6+s4], $0x100, $0x38;
	[tilespmem:$0x1C000] =	vst v63  }
0x13: {  	_ = 	snop  }
0x14: {  	[tilespmem:s13], [sflag:$0x2] =	stream.linear.gather [hbm4b:s7+s4], $0x100, $0x38;
	[tilespmem:$0x1C000] =	vst v63  }
0x15: {  	_ = 	snop  }
0x16: {  	[tilespmem:s14], [sflag:$0x3] =	stream.linear.gather [hbm4b:s8+s4], $0x100, $0x38;
	[tilespmem:$0x1C000] =	vst v63  }
0x17: {  	s0 =	rddreg [dreg:$0x1]  }
0x18: {  	[tilespmem:s15], [sflag:$0x4] =	stream.linear.gather [hbm4b:s9+s4], $0x100, $0x38;
	[tilespmem:$0x1C000] =	vst v63  }
0x19: {  	[spmem:s16], [sflag:s10] =	dma.local [hbm:s0], $0x2780  }
0x1a: {  	_ =	swait.ge [sflag:s17], $0x2780  }
0x1b: {  	[sflag:s17] =	ssyncset.done $0x0  }
0x1c: {  	[sflag:s17] =	ssyncadd.s32 $0xFFFFD880  }
0x1d: {  	[bflag:$0x0] =	sbarrier.arrive $0xFFFF  }
0x1e: {  	_ =	swait.ge [sflag:s18], $0x100  }
0x1f: {  	[sflag:s18] =	ssyncset.done $0x0  }
0x20: {  	[sflag:s18] =	ssyncadd.s32 $0xFFFFFF00  }
0x21: {  	[tilespmem:s20], [sflag:$0x5] =	stream.indirect.gather [hbm4b:s5+s19], $0x80, s4, s19, $0xb8;
	[tilespmem:$0x1C000] =	vst v63  }
0x22: {  	_ =	swait.ge [sflag:s21], $0x100  }
0x23: {  	[sflag:s21] =	ssyncset.done $0x0  }
0x24: {  	[sflag:s21] =	ssyncadd.s32 $0xFFFFFF00  }
0x25: {  	[tilespmem:s22], [sflag:$0x6] =	stream.indirect.gather [hbm4b:s5+s19], $0x80, s13, s19, $0xb8;
	[tilespmem:$0x1C000] =	vst v63  }
0x26: {  	_ =	swait.ge [sflag:s23], $0x4000  }
0x27: {  	[sflag:s23] =	ssyncset.done $0x0  }
0x28: {  	[sflag:s23] =	ssyncadd.s32 $0xFFFFC000  }
0x29: {  	[spmem:s3] =	stream.indirect.scatter.add.f32 [tilespmem:s20], [sflag:$0x7], $0x80, s19, s19, $0xb8;
	[tilespmem:$0x1C000] =	vst v63  }
0x2a: {  	_ =	swait.ge [sflag:s17], $0x4000  }
0x2b: {  	s0 =	sadd.s32 $0xFFFFF600, s6;
	[sflag:s17] =	ssyncset.done $0x0  }
0x2c: {  	s1 =	sadd.s32 $0xA80, s0;
	[sflag:s17] =	ssyncadd.s32 $0xFFFFC000  }
0x2d: {  	[tilespmem:s4], [sflag:$0x1] =	stream.linear.gather [hbm4b:s1+s4], $0x100, $0x38;
	[tilespmem:$0x1C000] =	vst v63  }
0x2e: {  	_ =	swait.ge [sflag:s24], $0x100  }
0x2f: {  	[sflag:s24] =	ssyncset.done $0x0  }
0x30: {  	[sflag:s24] =	ssyncadd.s32 $0xFFFFFF00  }
0x31: {  	[tilespmem:s20], [sflag:$0x5] =	stream.indirect.gather [hbm4b:s5+s19], $0x80, s14, s19, $0xb8;
	[tilespmem:$0x1C000] =	vst v63  }
0x32: {  	_ =	swait.ge [sflag:s25], $0x4000  }
0x33: {  	[sflag:s25] =	ssyncset.done $0x0  }
0x34: {  	[sflag:s25] =	ssyncadd.s32 $0xFFFFC000  }
0x35: {  	[spmem:s3] =	stream.indirect.scatter.add.f32 [tilespmem:s22], [sflag:$0x7], $0x80, s26, s19, $0xb8;
	[tilespmem:$0x1C000] =	vst v63  }
0x36: {  	_ =	swait.ge [sflag:s17], $0x4000  }
0x37: {  	[sflag:s17] =	ssyncset.done $0x0  }
0x38: {  	s2 =	sadd.s32 $0xAA0, s0;
	[sflag:s17] =	ssyncadd.s32 $0xFFFFC000  }
0x39: {  	[tilespmem:s13], [sflag:$0x2] =	stream.linear.gather [hbm4b:s2+s4], $0x100, $0x38;
	[tilespmem:$0x1C000] =	vst v63  }
0x3a: {  	_ =	swait.ge [sflag:s28], $0x100  }
0x3b: {  	[sflag:s28] =	ssyncset.done $0x0  }
0x3c: {  	[sflag:s28] =	ssyncadd.s32 $0xFFFFFF00  }
0x3d: {  	[tilespmem:s22], [sflag:$0x6] =	stream.indirect.gather [hbm4b:s5+s19], $0x80, s15, s19, $0xb8;
	[tilespmem:$0x1C000] =	vst v63  }
0x3e: {  	_ =	swait.ge [sflag:s23], $0x4000  }
0x3f: {  	[sflag:s23] =	ssyncset.done $0x0  }
0x40: {  	[sflag:s23] =	ssyncadd.s32 $0xFFFFC000  }
0x41: {  	[spmem:s3] =	stream.indirect.scatter.add.f32 [tilespmem:s20], [sflag:$0x7], $0x80, s29, s19, $0xb8;
	[tilespmem:$0x1C000] =	vst v63  }
0x42: {  	_ =	swait.ge [sflag:s17], $0x4000  }
0x43: {  	[sflag:s17] =	ssyncset.done $0x0  }
0x44: {  	s2 =	sadd.s32 $0xAC0, s0;
	[sflag:s17] =	ssyncadd.s32 $0xFFFFC000  }
0x45: {  	[tilespmem:s14], [sflag:$0x3] =	stream.linear.gather [hbm4b:s2+s4], $0x100, $0x38;
	[tilespmem:$0x1C000] =	vst v63  }
0x46: {  	_ =	swait.ge [sflag:s18], $0x100  }
0x47: {  	[sflag:s18] =	ssyncset.done $0x0  }
0x48: {  	[sflag:s18] =	ssyncadd.s32 $0xFFFFFF00  }
0x49: {  	[tilespmem:s20], [sflag:$0x5] =	stream.indirect.gather [hbm4b:s5+s19], $0x80, s4, s19, $0xb8;
	[tilespmem:$0x1C000] =	vst v63  }
0x4a: {  	_ =	swait.ge [sflag:s25], $0x4000  }
0x4b: {  	[sflag:s25] =	ssyncset.done $0x0  }
0x4c: {  	[sflag:s25] =	ssyncadd.s32 $0xFFFFC000  }
0x4d: {  	[spmem:s3] =	stream.indirect.scatter.add.f32 [tilespmem:s22], [sflag:$0x7], $0x80, s30, s19, $0xb8;
	[tilespmem:$0x1C000] =	vst v63  }
0x4e: {  	_ =	swait.ge [sflag:s17], $0x4000  }
0x4f: {  	[sflag:s17] =	ssyncset.done $0x0  }
0x50: {  	s1 =	simm.s32 $0xFFFFF680;
	s0 =	sadd.s32 $0xAE0, s0;
	[sflag:s17] =	ssyncadd.s32 $0xFFFFC000  }
.LBB2_2:
0x51: {  	[tilespmem:s15], [sflag:$0x4] =	stream.linear.gather [hbm4b:s0+s4], $0x100, $0x38;
	[tilespmem:$0x1C000] =	vst v63  }
0x52: {  	s0 =	smov.u32 s1  }
0x53: {  	p0 =	sne.s32 s1, $0xFFFFFF80;
	s1 =	sadd.s32 $0x80, s1;
	_ =	swait.ge [sflag:s21], $0x100  }
0x54: {  	[sflag:s21] =	ssyncset.done $0x0  }
0x55: {  	[sflag:s21] =	ssyncadd.s32 $0xFFFFFF00  }
0x56: {  	[tilespmem:s22], [sflag:$0x6] =	stream.indirect.gather [hbm4b:s5+s19], $0x80, s13, s19, $0xb8;
	[tilespmem:$0x1C000] =	vst v63  }
0x57: {  	_ =	swait.ge [sflag:s23], $0x4000  }
0x58: {  	[sflag:s23] =	ssyncset.done $0x0  }
0x59: {  	[sflag:s23] =	ssyncadd.s32 $0xFFFFC000  }
0x5a: {  	[spmem:s3] =	stream.indirect.scatter.add.f32 [tilespmem:s20], [sflag:$0x7], $0x80, s19, s19, $0xb8;
	[tilespmem:$0x1C000] =	vst v63  }
0x5b: {  	_ =	swait.ge [sflag:s17], $0x4000  }
0x5c: {  	s0 =	sadd.s32 s0, s6;
	[sflag:s17] =	ssyncset.done $0x0  }
0x5d: {  	s2 =	sadd.s32 $0xA80, s0;
	[sflag:s17] =	ssyncadd.s32 $0xFFFFC000  }
0x5e: {  	[tilespmem:s4], [sflag:$0x1] =	stream.linear.gather [hbm4b:s2+s4], $0x100, $0x38;
	[tilespmem:$0x1C000] =	vst v63  }
0x5f: {  	_ =	swait.ge [sflag:s24], $0x100  }
0x60: {  	[sflag:s24] =	ssyncset.done $0x0  }
0x61: {  	[sflag:s24] =	ssyncadd.s32 $0xFFFFFF00  }
0x62: {  	[tilespmem:s20], [sflag:$0x5] =	stream.indirect.gather [hbm4b:s5+s19], $0x80, s14, s19, $0xb8;
	[tilespmem:$0x1C000] =	vst v63  }
0x63: {  	_ =	swait.ge [sflag:s25], $0x4000  }
0x64: {  	[sflag:s25] =	ssyncset.done $0x0  }
0x65: {  	[sflag:s25] =	ssyncadd.s32 $0xFFFFC000  }
0x66: {  	[spmem:s3] =	stream.indirect.scatter.add.f32 [tilespmem:s22], [sflag:$0x7], $0x80, s26, s19, $0xb8;
	[tilespmem:$0x1C000] =	vst v63  }
0x67: {  	_ =	swait.ge [sflag:s17], $0x4000  }
0x68: {  	[sflag:s17] =	ssyncset.done $0x0  }
0x69: {  	s2 =	sadd.s32 $0xAA0, s0;
	[sflag:s17] =	ssyncadd.s32 $0xFFFFC000  }
0x6a: {  	[tilespmem:s13], [sflag:$0x2] =	stream.linear.gather [hbm4b:s2+s4], $0x100, $0x38;
	[tilespmem:$0x1C000] =	vst v63  }
0x6b: {  	_ =	swait.ge [sflag:s28], $0x100  }
0x6c: {  	[sflag:s28] =	ssyncset.done $0x0  }
0x6d: {  	[sflag:s28] =	ssyncadd.s32 $0xFFFFFF00  }
0x6e: {  	[tilespmem:s22], [sflag:$0x6] =	stream.indirect.gather [hbm4b:s5+s19], $0x80, s15, s19, $0xb8;
	[tilespmem:$0x1C000] =	vst v63  }
0x6f: {  	_ =	swait.ge [sflag:s23], $0x4000  }
0x70: {  	[sflag:s23] =	ssyncset.done $0x0  }
0x71: {  	[sflag:s23] =	ssyncadd.s32 $0xFFFFC000  }
0x72: {  	[spmem:s3] =	stream.indirect.scatter.add.f32 [tilespmem:s20], [sflag:$0x7], $0x80, s29, s19, $0xb8;
	[tilespmem:$0x1C000] =	vst v63  }
0x73: {  	_ =	swait.ge [sflag:s17], $0x4000  }
0x74: {  	[sflag:s17] =	ssyncset.done $0x0  }
0x75: {  	s2 =	sadd.s32 $0xAC0, s0;
	[sflag:s17] =	ssyncadd.s32 $0xFFFFC000  }
0x76: {  	[tilespmem:s14], [sflag:$0x3] =	stream.linear.gather [hbm4b:s2+s4], $0x100, $0x38;
	[tilespmem:$0x1C000] =	vst v63  }
0x77: {  	_ =	swait.ge [sflag:s18], $0x100  }
0x78: {  	[sflag:s18] =	ssyncset.done $0x0  }
0x79: {  	[sflag:s18] =	ssyncadd.s32 $0xFFFFFF00  }
0x7a: {  	[tilespmem:s20], [sflag:$0x5] =	stream.indirect.gather [hbm4b:s5+s19], $0x80, s4, s19, $0xb8;
	[tilespmem:$0x1C000] =	vst v63  }
0x7b: {  	_ =	swait.ge [sflag:s25], $0x4000  }
0x7c: {  	[sflag:s25] =	ssyncset.done $0x0  }
.Ltmp0:
0x7d: {  	[sflag:s25] =	ssyncadd.s32 $0xFFFFC000;
	(pc) =	sbr.rel @p0 .LBB2_2-.Ltmp0, $4  }
0x7e: {  	[spmem:s3] =	stream.indirect.scatter.add.f32 [tilespmem:s22], [sflag:$0x7], $0x80, s30, s19, $0xb8;
	[tilespmem:$0x1C000] =	vst v63  }
0x7f: {  	_ =	swait.ge [sflag:s17], $0x4000  }
0x80: {  	[sflag:s17] =	ssyncset.done $0x0  }
0x81: {  	s0 =	sadd.s32 $0xAE0, s0;
	[sflag:s17] =	ssyncadd.s32 $0xFFFFC000  }
0x82: {  	[tilespmem:s15], [sflag:$0x4] =	stream.linear.gather [hbm4b:s0+s4], $0x100, $0x38;
	[tilespmem:$0x1C000] =	vst v63  }
0x83: {  	_ =	swait.ge [sflag:s23], $0x4000  }
0x84: {  	[sflag:s23] =	ssyncset.done $0x0  }
0x85: {  	[sflag:s23] =	ssyncadd.s32 $0xFFFFC000  }
0x86: {  	_ =	swait.ge [sflag:s21], $0x100  }
0x87: {  	[sflag:s21] =	ssyncset.done $0x0  }
0x88: {  	[sflag:s21] =	ssyncadd.s32 $0xFFFFFF00  }
0x89: {  	_ =	swait.ge [sflag:s24], $0x100  }
0x8a: {  	[sflag:s24] =	ssyncset.done $0x0  }
0x8b: {  	[sflag:s24] =	ssyncadd.s32 $0xFFFFFF00  }
0x8c: {  	_ =	swait.ge [sflag:s28], $0x100  }
0x8d: {  	s31 =	sadd.s32 $0x1, s31;
	[sflag:s28] =	ssyncset.done $0x0  }
0x8e: {  	p0 =	sne.s32 s31, s12;
	[sflag:s28] =	ssyncadd.s32 $0xFFFFFF00  }
.Ltmp1:
0x8f: {  	[bflag:$0x0] =	sbarrier.arrive $0xFFFF;
	(pc) =	sbr.rel @p0 .LBB2_1-.Ltmp1, $4  }
0x90: {  	[hbm:s11], [sflag:s10] =	dma.local [spmem:s16], $0x2780  }
0x91: {  	_ =	swait.ge [sflag:s17], $0x2780  }
0x92: {  	[sflag:s17] =	ssyncset.done $0x0  }
0x93: {  	[sflag:s17] =	ssyncadd.s32 $0xFFFFD880  }
0x94: {  	_ =	sfence.sel $0x180000  }
0x95: {  	[bflag:$0x0] =	sbarrier.arrive $0xFFFF  }
0x96: {  	_ =	strace $0x9000004A  }
0x97: {  	s0 =	stileid.u32;
	[bflag:$0x2] =	sbarrier.arrive $0xFFFF  }
0x98: {  	p0 =	sne.s32 s0, $0x0;
	s0 =	rddreg [dreg:$0x3]  }
0x99: {  	s0 =	sadd.s32 @!p0 $0x100000, s0  }
0x9a: {  	[sflag:s0] =	ssyncadd.tile.s32 @!p0 $0x1;
	_ =	shalt  }
.Lfunc_end2:
_tile_overlayer_lowered:
.L_overlay_start_2:
0x9b: {  	(tag) =	ssettag $0x2  }
0x9c: {  	s0 =	rddreg [dreg:$0x0];
	s2 =	stileid.u32  }
0x9d: {  	s1 =	rddreg [dreg:$0x1];
	p0 =	sne.s32 s2, $0x0  }
0x9e: {  	s3 =	rddreg [dreg:$0x2];
	[bflag:$0x3] =	sbarrier.arrive $0xFFFF;
	s2 =	simm.s32 @!p0 $0x1C07  }
0x9f: {  	[timem:s3], [sflag:s2] =	dma.local @!p0 [hbm:s0], s1  }
0xa0: {  	s0 =	simm.s32 @!p0 $0x7  }
0xa1: {  	_ =	swait.ge @!p0 [sflag:s0], s1  }
0xa2: {  	s1 =	ssub.s32 @!p0 $0x0, s1;
	[sflag:s0] =	ssyncset.done @!p0 $0x0  }
0xa3: {  	[sflag:s0] =	ssyncadd.s32 @!p0 s1  }
0xa4: {  	[bflag:$0x3] =	sbarrier.arrive $0xFFFF  }
0xa5: {  	_ =	shalt  }

// kernel: kernel.18.cloned.1.call-start
scs
__scs_entry_jumppad:
0x0: {  	(pc) =	sbr.rel $0x88, $3  }
0x1: {  	(tag) =	ssettag $0x0;
	lr =	simm.s32 $0x1  }
0x2: {  	[smem:$0x3F91] =	sst lr;
	_ =	strace $0xD0000000  }
0x3: {  	_ = 	snop  }
0x4: {  	_ = 	snop  }
0x5: {  	_ = 	snop  }
0x6: {  	_ = 	snop  }
0x7: {  	_ = 	snop  }
__scs_overlays_trampoline_lowered:
0x8: {  	[smem:$0x3FA0] =	sst s0  }
0x9: {  	[smem:$0x3FA1] =	sst s1  }
0xa: {  	[smem:$0x3FA2] =	sst s2  }
0xb: {  	[smem:$0x3FA3] =	sst s3  }
0xc: {  	[smem:$0x3FA4] =	sst s4  }
0xd: {  	[smem:$0x3FA5] =	sst s5  }
0xe: {  	[smem:$0x3FA6] =	sst s6  }
0xf: {  	[smem:$0x3FA7] =	sst s7  }
0x10: {  	[smem:$0x3FA8] =	sst s8  }
0x11: {  	[smem:$0x3FA9] =	sst s9;
	s0 =	simm.s32 @!p0 $0x0  }
0x12: {  	s1 =	sld [smem:$0x3F8F];
	s0 =	simm.s32 @p0 $0x1  }
0x13: {  	[smem:$0x3FAA] =	sst s0;
	s0 =	simm.s32 @!p1 $0x0  }
0x14: {  	s2 =	sld [smem:$0x3F8E];
	s0 =	simm.s32 @p1 $0x1  }
0x15: {  	[smem:$0x3FAB] =	sst s0;
	s0 =	simm.s32 @!p2 $0x0  }
0x16: {  	s3 =	sld [smem:$0x3FDB];
	s0 =	simm.s32 @p2 $0x1  }
0x17: {  	s4 =	simm.s32 $0x1BF5;
	[smem:$0x3FAD] =	sst s0  }
0x18: {  	s0 =	sld [smem:$0x3F90];
	_ =	swait.ge [sflag:s4], $0x0  }
0x19: {  	s7 =	sld [smem:$0x3F91]  }
0x1a: {  	s8 =	sadd.s32 $0xFFFFE003, lr  }
0x1b: {  	s9 =	sadd.s32 $0xFFFFFEF7, lr;
	s5 =	simm.s32 $0xFFFFFFFF;
	p2 =	slt.u32 s8, $0xFFFFF086  }
0x1c: {  	p1 =	slt.u32 s9, $0xF7A;
	s5 =	simm.s32 @!p2 $0x0  }
0x1d: {  	s5 =	simm.s32 @p1 $0x1;
	p0 =	seq.s32 s7, s2  }
0x1e: {  	s7 =	smul.u32 @!p0 $0xF7A, s2;
	p2 =	seq.s32 @!p0 s5, $0x0  }
0x1f: {  	s9 =	smul.u32 $0xF7A, s1;
	s8 =	simm.s32 @!p0 $0x1BF5;
	p2 =	por !p2, p0  }
0x20: {  	[sflag:s8] =	ssyncset.s32 @!p0 $0xFFFFF086;
	s6 =	sadd.s32 @!p0 s3, s7;
	s7 =	simm.s32 @!p0 $0x108  }
0x21: {  	s3 =	sadd.s32 s3, s9;
	s6 =	sadd.s32 @!p0 $0x88, s6;
	s7 =	simm.s32 @p2 $0x1082  }
0x22: {  	[simem:s7], [sflag:s8] =	dma.local @!p0 [hbm:s6], $0xF7A  }
0x23: {  	s9 =	sor.u32 $0xD0000000, s2;
	s6 =	simm.s32 $0x108;
	_ =	swait.ge @!p0 [sflag:s8], $0x0  }
0x24: {  	s3 =	sadd.s32 $0x88, s3;
	s6 =	simm.s32 @!p1 $0x1082;
	[sflag:s4] =	ssyncset.s32 $0xFFFFF086  }
0x25: {  	[simem:s6], [sflag:s4] =	dma.local [hbm:s3], $0xF7A  }
0x26: {  	[smem:$0x3F91] =	sst s1;
	(tag) =	ssettag s2;
	_ =	strace s9  }
0x27: {  	s1 =	sld [smem:$0x3FA1]  }
0x28: {  	s2 =	sld [smem:$0x3FA2]  }
0x29: {  	s4 =	sld [smem:$0x3FA4]  }
0x2a: {  	p0 =	seq.s32 s5, $0x0;
	s5 =	sld [smem:$0x3FA5]  }
0x2b: {  	s6 =	sld [smem:$0x3FA6]  }
0x2c: {  	s7 =	sld [smem:$0x3FA7]  }
0x2d: {  	s3 =	simm.s32 $0x108;
	s8 =	sld [smem:$0x3FA8]  }
0x2e: {  	s3 =	simm.s32 @!p0 $0x1082;
	s9 =	sld [smem:$0x3FA9]  }
0x2f: {  	lr =	sadd.s32 s0, s3;
	s0 =	sld [smem:$0x3FA0]  }
0x30: {  	s3 =	sld [smem:$0x3FA3]  }
0x31: {  	[smem:$0x3FAC] =	sst s10  }
0x32: {  	s10 =	sld [smem:$0x3FAA];
	_ =	sdelay $0x3  }
0x33: {  	p0 =	seq.s32 s10, $0x1;
	s10 =	sld [smem:$0x3FAC];
	_ =	sdelay $0x3  }
0x34: {  	[smem:$0x3FAC] =	sst s10  }
0x35: {  	s10 =	sld [smem:$0x3FAB];
	_ =	sdelay $0x3  }
0x36: {  	p1 =	seq.s32 s10, $0x1;
	s10 =	sld [smem:$0x3FAC];
	_ =	sdelay $0x3  }
0x37: {  	[smem:$0x3FAC] =	sst s10  }
0x38: {  	s10 =	sld [smem:$0x3FAD]  }
0x39: {  	_ = 	snop;
	(pc) =	sbr.ind lr, $3  }
0x3a: {  	_ = 	snop  }
0x3b: {  	_ = 	snop  }
0x3c: {  	p2 =	seq.s32 s10, $0x1;
	s10 =	sld [smem:$0x3FAC]  }
0x3d: {  	_ =	shalt  }
0x3e: {  	_ =	shalt  }
0x3f: {  	_ =	shalt  }
0x40: {  	_ =	shalt  }
0x41: {  	_ =	shalt  }
0x42: {  	_ =	shalt  }
0x43: {  	_ =	shalt  }
0x44: {  	_ =	shalt  }
0x45: {  	_ =	shalt  }
0x46: {  	_ =	shalt  }
0x47: {  	_ =	shalt  }
0x48: {  	_ =	shalt  }
0x49: {  	_ =	shalt  }
0x4a: {  	_ =	shalt  }
0x4b: {  	_ =	shalt  }
0x4c: {  	_ =	shalt  }
0x4d: {  	_ =	shalt  }
0x4e: {  	_ =	shalt  }
0x4f: {  	_ =	shalt  }
0x50: {  	_ =	shalt  }
0x51: {  	_ =	shalt  }
0x52: {  	_ =	shalt  }
0x53: {  	_ =	shalt  }
0x54: {  	_ =	shalt  }
0x55: {  	_ =	shalt  }
0x56: {  	_ =	shalt  }
0x57: {  	_ =	shalt  }
0x58: {  	_ =	shalt  }
0x59: {  	_ =	shalt  }
0x5a: {  	_ =	shalt  }
0x5b: {  	_ =	shalt  }
0x5c: {  	_ =	shalt  }
0x5d: {  	_ =	shalt  }
0x5e: {  	_ =	shalt  }
0x5f: {  	_ =	shalt  }
0x60: {  	_ =	shalt  }
0x61: {  	_ =	shalt  }
0x62: {  	_ =	shalt  }
0x63: {  	_ =	shalt  }
0x64: {  	_ =	shalt  }
0x65: {  	_ =	shalt  }
0x66: {  	_ =	shalt  }
0x67: {  	_ =	shalt  }
0x68: {  	_ =	shalt  }
0x69: {  	_ =	shalt  }
0x6a: {  	_ =	shalt  }
0x6b: {  	_ =	shalt  }
0x6c: {  	_ =	shalt  }
0x6d: {  	_ =	shalt  }
0x6e: {  	_ =	shalt  }
0x6f: {  	_ =	shalt  }
0x70: {  	_ =	shalt  }
0x71: {  	_ =	shalt  }
0x72: {  	_ =	shalt  }
0x73: {  	_ =	shalt  }
0x74: {  	_ =	shalt  }
0x75: {  	_ =	shalt  }
0x76: {  	_ =	shalt  }
0x77: {  	_ =	shalt  }
0x78: {  	_ =	shalt  }
0x79: {  	_ =	shalt  }
0x7a: {  	_ =	shalt  }
0x7b: {  	_ =	shalt  }
0x7c: {  	_ =	shalt  }
0x7d: {  	_ =	shalt  }
0x7e: {  	_ =	shalt  }
0x7f: {  	_ =	shalt  }
0x80: {  	_ =	shalt  }
0x81: {  	_ =	shalt  }
0x82: {  	_ =	shalt  }
0x83: {  	_ =	shalt  }
0x84: {  	_ =	shalt  }
0x85: {  	_ =	shalt  }
0x86: {  	_ =	shalt  }
0x87: {  	_ =	shalt  }
.Lfunc_end0:
.L_simem_size_0:
called_computation.2_lowered:
.L_overlay_start_0:
0x88: {  	s2 =	sld [smem:$0x3FD9]  }
0x89: {  	s3 =	sld [smem:$0x3FFE];
	_ =	sdelay $0x1  }
0x8a: {  	s1 =	srdreg.scid  }
0x8b: {  	s0 =	sand.u32 $0x1, s1  }
0x8c: {  	s17 =	sshll.u32 s0, $0xA;
	s2 =	sadd.s32 s3, s2  }
0x8d: {  	s2 =	sadd.s32 s2, s17  }
0x8e: {  	[smem:$0x3FB8] =	sst s2  }
0x8f: {  	_ = 	snop  }
0x90: {  	s18 =	sld [smem:$0x3FD0];
	(tm) =	ssettm $0x1  }
0x91: {  	s19 =	sld [smem:$0x3FFB];
	_ =	sdelay $0x3  }
0x92: {  	_ =	strace s19  }
0x93: {  	s2 =	sld [smem:$0x3FFC];
	_ =	sdelay $0x3  }
0x94: {  	_ =	strace s2  }
0x95: {  	s2 =	sld [smem:$0x3FFD];
	_ =	sdelay $0x3  }
0x96: {  	_ =	strace s2  }
0x97: {  	_ =	strace $0x8FFFFFFF  }
0x98: {  	s20 =	sld [smem:$0x3FDB];
	_ =	sdelay $0x1  }
0x99: {  	s4 =	simm.s32 $_scs_section_size  }
0x9a: {  	s5 =	simm.s32 $_size__tile_overlayer_lowered;
	s6 =	simm.s32 $_tile_overlayer_lowered  }
0x9b: {  	s7 =	simm.s32 $0x1BFF;
	s21 =	sshll.u32 s6, $0x1;
	s4 =	sadd.s32 s4, s20  }
0x9c: {  	s22 =	simm.s32 $0x0;
	s5 =	sshll.u32 s5, $0x1;
	s6 =	sadd.s32 s21, s4  }
0x9d: {  	[timem:s22], [sflag:s7] =	dma.local [hbm:s6], s5  }
0x9e: {  	_ =	swait.ge [sflag:s7], s5  }
0x9f: {  	s5 =	ssub.s32 $0x0, s5;
	[sflag:s7] =	ssyncset.done $0x0  }
0xa0: {  	[sflag:s7] =	ssyncadd.s32 s5;
	_ =	sdelay $0x1  }
0xa1: {  	s23 =	simm.s32 $0x1B8B  }
0xa2: {  	_ =	swait.ge [sflag:s23], $0x1  }
0xa3: {  	[sflag:s23] =	ssyncset.done $0x0  }
0xa4: {  	[sflag:s23] =	ssyncadd.s32 $0xFFFFFFFF  }
0xa5: {  	s5 =	sld [smem:$0x0]  }
0xa6: {  	s6 =	sand.u32 $0xFFFFFFFE, s1  }
0xa7: {  	p0 =	sne.s32 s1, s6  }
0xa8: {  	s6 =	sshll.u32 @p0 s6, $0xE  }
0xa9: {  	s6 =	sadd.s32 @p0 $0x11B8D, s6;
	s7 =	sshll.u32 @p0 s5, $0x11  }
0xaa: {  	s6 =	sor.u32 @p0 s7, s6  }
0xab: {  	[sflag:s6] =	ssyncadd.remote.s32 @p0 $0x1;
	_ =	sdelay $0x1  }
0xac: {  	s6 =	simm.s32 @p0 $0x1B8D  }
0xad: {  	_ =	swait.eq @p0 [sflag:s6], $0x1  }
0xae: {  	[sflag:s6] =	ssyncadd.s32 @p0 $0xFFFFFFFF  }
0xaf: {  	s7 =	sshll.u32 @!p0 s1, $0xE  }
0xb0: {  	s7 =	sor.u32 @!p0 $0x4000, s7;
	s6 =	simm.s32 @!p0 $0x1B8D  }
0xb1: {  	s5 =	sshll.u32 @!p0 s5, $0x11;
	s7 =	sadd.s32 @!p0 $0x11B8D, s7;
	_ =	swait.eq @!p0 [sflag:s6], $0x1  }
0xb2: {  	s5 =	sor.u32 @!p0 s5, s7;
	[sflag:s6] =	ssyncadd.s32 @!p0 $0xFFFFFFFF  }
0xb3: {  	s25 =	simm.s32 $0x1B8E;
	s24 =	sld [smem:$0x3FFE];
	[sflag:s5] =	ssyncadd.remote.s32 @!p0 $0x1  }
0xb4: {  	s26 =	simm.s32 $execute0_lowered;
	[smem:$0x3FD2] =	sst s25  }
0xb5: {  	s6 =	sshll.u32 s26, $0x1;
	_ =	strace $0x8000004F;
	[dreg:$0x1] =	wrdreg $0xFFFFFFFF  }
0xb6: {  	s28 =	simm.s32 $_size_execute0_lowered;
	s4 =	sadd.s32 s4, s6;
	[dreg:$0x0] =	wrdreg $0x0  }
0xb7: {  	s6 =	sshll.u32 s28, $0x1;
	[dreg:$0x2] =	wrdreg s4  }
0xb8: {  	[dreg:$0x3] =	wrdreg s6  }
0xb9: {  	[dreg:$0x4] =	wrdreg $0xC0  }
0xba: {  	_ =	task [dreg:s22], $0x5FFFF  }
0xbb: {  	[dreg:$0x1] =	wrdreg $0xFFFFFFFF  }
0xbc: {  	[dreg:$0x0] =	wrdreg $0x60  }
0xbd: {  	[dreg:$0x2] =	wrdreg s24  }
0xbe: {  	[dreg:$0x3] =	wrdreg s18  }
0xbf: {  	[dreg:$0x4] =	wrdreg $0x84000  }
0xc0: {  	[dreg:$0x5] =	wrdreg $0x9  }
0xc1: {  	_ =	task.clear_ibuf [dreg:s22], $0x6FFFF;
	_ =	strace $0x9000004F  }
0xc2: {  	s29 =	simm.s32 $0x9;
	_ =	strace $0x80000051  }
0xc3: {  	_ =	swait.ge [sflag:s29], $0x1  }
0xc4: {  	[sflag:s29] =	ssyncadd.s32 $0xFFFFFFFF  }
0xc5: {  	_ =	strace $0x90000051  }
0xc6: {  	_ =	sfence  }
0xc7: {  	s30 =	sld [smem:$0x0];
	_ =	sdelay $0x2  }
0xc8: {  	s31 =	sshll.u32 s1, $0xD;
	s1 =	sshrl.u32 s1, $0x2  }
0xc9: {  	s4 =	sand.u32 $0x4000, s31;
	s1 =	sadd.s32 s1, s30  }
0xca: {  	s0 =	sor.u32 s4, s0;
	s1 =	sshll.u32 s1, $0x11  }
0xcb: {  	s0 =	sor.u32 s1, s0  }
0xcc: {  	s0 =	sadd.s32 $0x8F2B, s0  }
0xcd: {  	[sflag:s0] =	ssyncadd.remote.s32 $0x1  }
0xce: {  	_ =	sfence.sel $0xFFFF  }
0xcf: {  	[dreg:$0x0] =	wrdreg $0xFFFFFFFF;
	(pc) =	sbr.abs _section_cstart, $3  }
0xd0: {  	[dreg:$0x1] =	wrdreg $0xFFFFFFFF  }
0xd1: {  	_ =	task.clear_ibuf [dreg:s22], $0x2FFFF;
	_ =	strace $0x9FFFFFFF  }
0xd2: {  	(tm) =	ssettm $0x7FFFFFFF  }
0xd3: {  	_ =	shalt  }
tec
execute0_lowered:
.L_overlay_start_1:
0x0: {  	(tag) =	ssettag $0x1  }
0x1: {  	s0 =	srdreg.scid;
	s1 =	rddreg [dreg:$0x0]  }
0x2: {  	s2 =	stileid.u32;
	s13 =	simm.s32 $0x100;
	s14 =	simm.s32 $0x200  }
0x3: {  	s15 =	simm.s32 $0x300;
	s17 =	simm.s32 $0x7;
	s18 =	simm.s32 $0x1  }
0x4: {  	s19 =	simm.s32 $0x80;
	s20 =	simm.s32 $0x400;
	s21 =	simm.s32 $0x2  }
0x5: {  	s22 =	simm.s32 $0x4400;
	s23 =	simm.s32 $0x5;
	s28 =	simm.s32 $0x4  }
0x6: {  	s29 =	simm.s32 $0x280;
	s30 =	simm.s32 $0x380;
	s31 =	simm.s32 $0x0  }
0x7: {  	s0 =	sand.u32 $0x1, s0;
	s8 =	smul.u32 $0x13C00, s2;
	s5 =	sadd.s32 $0x2D000, s1  }
0x8: {  	s10 =	smul.u32 $0x4F000, s2;
	s26 =	sshll.u32 s2, $0x6;
	s3 =	sshll.u32 s0, $0x4  }
0x9: {  	s7 =	smul.u32 $0x13C000, s0;
	s0 =	ssub.s32 $0x2, s0;
	s4 =	sor.u32 s2, s3  }
0xa: {  	s3 =	rddreg [dreg:$0x2];
	s25 =	sshrl.u32 s0, $0x1;
	s10 =	sshrl.u32 s10, $0x2  }
0xb: {  	s6 =	smul.u32 $0xB00, s4;
	s4 =	simm.s32 $0x0;
	s24 =	sadd.s32 s8, s7  }
0xc: {  	s0 =	ssub.s32 s0, s25;
	s16 =	sadd.s32 s10, s3;
	s10 =	sor.u32 $0x1C07, s26  }
0xd: {  	s25 =	simm.s32 $0x6;
	s26 =	simm.s32 $0x180;
	[smem:$0x7FF] =	sst s4  }
0xe: {  	s12 =	smax.u32 s0, $0x1;
	s16 =	sshrl.u32 s16, $0x3;
	_ =	strace $0x80000050  }
0xf: {  	s9 =	sadd.s32 s6, s1;
	s6 =	sshrl.u32 s24, $0x3;
	s24 =	simm.s32 $0x3  }
0x10: {  	s1 =	sadd.s32 s6, s1;
	s6 =	sadd.s32 $0x58600, s9;
	s7 =	sadd.s32 $0x58620, s9  }
0x11: {  	s8 =	sadd.s32 $0x58640, s9;
	s9 =	sadd.s32 $0x58660, s9;
	s11 =	sadd.s32 $0xBD600, s1  }
.LBB2_1:
0x12: {  	[tilespmem:s4], [sflag:$0x1] =	stream.linear.gather [hbm4b:s6+s4], $0x100, $0x38;
	[tilespmem:$0x1C000] =	vst v63  }
0x13: {  	_ = 	snop  }
0x14: {  	[tilespmem:s13], [sflag:$0x2] =	stream.linear.gather [hbm4b:s7+s4], $0x100, $0x38;
	[tilespmem:$0x1C000] =	vst v63  }
0x15: {  	_ = 	snop  }
0x16: {  	[tilespmem:s14], [sflag:$0x3] =	stream.linear.gather [hbm4b:s8+s4], $0x100, $0x38;
	[tilespmem:$0x1C000] =	vst v63  }
0x17: {  	s0 =	rddreg [dreg:$0x1]  }
0x18: {  	[tilespmem:s15], [sflag:$0x4] =	stream.linear.gather [hbm4b:s9+s4], $0x100, $0x38;
	[tilespmem:$0x1C000] =	vst v63  }
0x19: {  	[spmem:s16], [sflag:s10] =	dma.local [hbm:s0], $0x2780  }
0x1a: {  	_ =	swait.ge [sflag:s17], $0x2780  }
0x1b: {  	[sflag:s17] =	ssyncset.done $0x0  }
0x1c: {  	[sflag:s17] =	ssyncadd.s32 $0xFFFFD880  }
0x1d: {  	[bflag:$0x0] =	sbarrier.arrive $0xFFFF  }
0x1e: {  	_ =	swait.ge [sflag:s18], $0x100  }
0x1f: {  	[sflag:s18] =	ssyncset.done $0x0  }
0x20: {  	[sflag:s18] =	ssyncadd.s32 $0xFFFFFF00  }
0x21: {  	[tilespmem:s20], [sflag:$0x5] =	stream.indirect.gather [hbm4b:s5+s19], $0x80, s4, s19, $0xb8;
	[tilespmem:$0x1C000] =	vst v63  }
0x22: {  	_ =	swait.ge [sflag:s21], $0x100  }
0x23: {  	[sflag:s21] =	ssyncset.done $0x0  }
0x24: {  	[sflag:s21] =	ssyncadd.s32 $0xFFFFFF00  }
0x25: {  	[tilespmem:s22], [sflag:$0x6] =	stream.indirect.gather [hbm4b:s5+s19], $0x80, s13, s19, $0xb8;
	[tilespmem:$0x1C000] =	vst v63  }
0x26: {  	_ =	swait.ge [sflag:s23], $0x4000  }
0x27: {  	[sflag:s23] =	ssyncset.done $0x0  }
0x28: {  	[sflag:s23] =	ssyncadd.s32 $0xFFFFC000  }
0x29: {  	[spmem:s3] =	stream.indirect.scatter.add.f32 [tilespmem:s20], [sflag:$0x7], $0x80, s19, s19, $0xb8;
	[tilespmem:$0x1C000] =	vst v63  }
0x2a: {  	_ =	swait.ge [sflag:s17], $0x4000  }
0x2b: {  	s0 =	sadd.s32 $0xFFFFF600, s6;
	[sflag:s17] =	ssyncset.done $0x0  }
0x2c: {  	s1 =	sadd.s32 $0xA80, s0;
	[sflag:s17] =	ssyncadd.s32 $0xFFFFC000  }
0x2d: {  	[tilespmem:s4], [sflag:$0x1] =	stream.linear.gather [hbm4b:s1+s4], $0x100, $0x38;
	[tilespmem:$0x1C000] =	vst v63  }
0x2e: {  	_ =	swait.ge [sflag:s24], $0x100  }
0x2f: {  	[sflag:s24] =	ssyncset.done $0x0  }
0x30: {  	[sflag:s24] =	ssyncadd.s32 $0xFFFFFF00  }
0x31: {  	[tilespmem:s20], [sflag:$0x5] =	stream.indirect.gather [hbm4b:s5+s19], $0x80, s14, s19, $0xb8;
	[tilespmem:$0x1C000] =	vst v63  }
0x32: {  	_ =	swait.ge [sflag:s25], $0x4000  }
0x33: {  	[sflag:s25] =	ssyncset.done $0x0  }
0x34: {  	[sflag:s25] =	ssyncadd.s32 $0xFFFFC000  }
0x35: {  	[spmem:s3] =	stream.indirect.scatter.add.f32 [tilespmem:s22], [sflag:$0x7], $0x80, s26, s19, $0xb8;
	[tilespmem:$0x1C000] =	vst v63  }
0x36: {  	_ =	swait.ge [sflag:s17], $0x4000  }
0x37: {  	[sflag:s17] =	ssyncset.done $0x0  }
0x38: {  	s2 =	sadd.s32 $0xAA0, s0;
	[sflag:s17] =	ssyncadd.s32 $0xFFFFC000  }
0x39: {  	[tilespmem:s13], [sflag:$0x2] =	stream.linear.gather [hbm4b:s2+s4], $0x100, $0x38;
	[tilespmem:$0x1C000] =	vst v63  }
0x3a: {  	_ =	swait.ge [sflag:s28], $0x100  }
0x3b: {  	[sflag:s28] =	ssyncset.done $0x0  }
0x3c: {  	[sflag:s28] =	ssyncadd.s32 $0xFFFFFF00  }
0x3d: {  	[tilespmem:s22], [sflag:$0x6] =	stream.indirect.gather [hbm4b:s5+s19], $0x80, s15, s19, $0xb8;
	[tilespmem:$0x1C000] =	vst v63  }
0x3e: {  	_ =	swait.ge [sflag:s23], $0x4000  }
0x3f: {  	[sflag:s23] =	ssyncset.done $0x0  }
0x40: {  	[sflag:s23] =	ssyncadd.s32 $0xFFFFC000  }
0x41: {  	[spmem:s3] =	stream.indirect.scatter.add.f32 [tilespmem:s20], [sflag:$0x7], $0x80, s29, s19, $0xb8;
	[tilespmem:$0x1C000] =	vst v63  }
0x42: {  	_ =	swait.ge [sflag:s17], $0x4000  }
0x43: {  	[sflag:s17] =	ssyncset.done $0x0  }
0x44: {  	s2 =	sadd.s32 $0xAC0, s0;
	[sflag:s17] =	ssyncadd.s32 $0xFFFFC000  }
0x45: {  	[tilespmem:s14], [sflag:$0x3] =	stream.linear.gather [hbm4b:s2+s4], $0x100, $0x38;
	[tilespmem:$0x1C000] =	vst v63  }
0x46: {  	_ =	swait.ge [sflag:s18], $0x100  }
0x47: {  	[sflag:s18] =	ssyncset.done $0x0  }
0x48: {  	[sflag:s18] =	ssyncadd.s32 $0xFFFFFF00  }
0x49: {  	[tilespmem:s20], [sflag:$0x5] =	stream.indirect.gather [hbm4b:s5+s19], $0x80, s4, s19, $0xb8;
	[tilespmem:$0x1C000] =	vst v63  }
0x4a: {  	_ =	swait.ge [sflag:s25], $0x4000  }
0x4b: {  	[sflag:s25] =	ssyncset.done $0x0  }
0x4c: {  	[sflag:s25] =	ssyncadd.s32 $0xFFFFC000  }
0x4d: {  	[spmem:s3] =	stream.indirect.scatter.add.f32 [tilespmem:s22], [sflag:$0x7], $0x80, s30, s19, $0xb8;
	[tilespmem:$0x1C000] =	vst v63  }
0x4e: {  	_ =	swait.ge [sflag:s17], $0x4000  }
0x4f: {  	[sflag:s17] =	ssyncset.done $0x0  }
0x50: {  	s1 =	simm.s32 $0xFFFFF680;
	s0 =	sadd.s32 $0xAE0, s0;
	[sflag:s17] =	ssyncadd.s32 $0xFFFFC000  }
.LBB2_2:
0x51: {  	[tilespmem:s15], [sflag:$0x4] =	stream.linear.gather [hbm4b:s0+s4], $0x100, $0x38;
	[tilespmem:$0x1C000] =	vst v63  }
0x52: {  	s0 =	smov.u32 s1  }
0x53: {  	p0 =	sne.s32 s1, $0xFFFFFF80;
	s1 =	sadd.s32 $0x80, s1;
	_ =	swait.ge [sflag:s21], $0x100  }
0x54: {  	[sflag:s21] =	ssyncset.done $0x0  }
0x55: {  	[sflag:s21] =	ssyncadd.s32 $0xFFFFFF00  }
0x56: {  	[tilespmem:s22], [sflag:$0x6] =	stream.indirect.gather [hbm4b:s5+s19], $0x80, s13, s19, $0xb8;
	[tilespmem:$0x1C000] =	vst v63  }
0x57: {  	_ =	swait.ge [sflag:s23], $0x4000  }
0x58: {  	[sflag:s23] =	ssyncset.done $0x0  }
0x59: {  	[sflag:s23] =	ssyncadd.s32 $0xFFFFC000  }
0x5a: {  	[spmem:s3] =	stream.indirect.scatter.add.f32 [tilespmem:s20], [sflag:$0x7], $0x80, s19, s19, $0xb8;
	[tilespmem:$0x1C000] =	vst v63  }
0x5b: {  	_ =	swait.ge [sflag:s17], $0x4000  }
0x5c: {  	s0 =	sadd.s32 s0, s6;
	[sflag:s17] =	ssyncset.done $0x0  }
0x5d: {  	s2 =	sadd.s32 $0xA80, s0;
	[sflag:s17] =	ssyncadd.s32 $0xFFFFC000  }
0x5e: {  	[tilespmem:s4], [sflag:$0x1] =	stream.linear.gather [hbm4b:s2+s4], $0x100, $0x38;
	[tilespmem:$0x1C000] =	vst v63  }
0x5f: {  	_ =	swait.ge [sflag:s24], $0x100  }
0x60: {  	[sflag:s24] =	ssyncset.done $0x0  }
0x61: {  	[sflag:s24] =	ssyncadd.s32 $0xFFFFFF00  }
0x62: {  	[tilespmem:s20], [sflag:$0x5] =	stream.indirect.gather [hbm4b:s5+s19], $0x80, s14, s19, $0xb8;
	[tilespmem:$0x1C000] =	vst v63  }
0x63: {  	_ =	swait.ge [sflag:s25], $0x4000  }
0x64: {  	[sflag:s25] =	ssyncset.done $0x0  }
0x65: {  	[sflag:s25] =	ssyncadd.s32 $0xFFFFC000  }
0x66: {  	[spmem:s3] =	stream.indirect.scatter.add.f32 [tilespmem:s22], [sflag:$0x7], $0x80, s26, s19, $0xb8;
	[tilespmem:$0x1C000] =	vst v63  }
0x67: {  	_ =	swait.ge [sflag:s17], $0x4000  }
0x68: {  	[sflag:s17] =	ssyncset.done $0x0  }
0x69: {  	s2 =	sadd.s32 $0xAA0, s0;
	[sflag:s17] =	ssyncadd.s32 $0xFFFFC000  }
0x6a: {  	[tilespmem:s13], [sflag:$0x2] =	stream.linear.gather [hbm4b:s2+s4], $0x100, $0x38;
	[tilespmem:$0x1C000] =	vst v63  }
0x6b: {  	_ =	swait.ge [sflag:s28], $0x100  }
0x6c: {  	[sflag:s28] =	ssyncset.done $0x0  }
0x6d: {  	[sflag:s28] =	ssyncadd.s32 $0xFFFFFF00  }
0x6e: {  	[tilespmem:s22], [sflag:$0x6] =	stream.indirect.gather [hbm4b:s5+s19], $0x80, s15, s19, $0xb8;
	[tilespmem:$0x1C000] =	vst v63  }
0x6f: {  	_ =	swait.ge [sflag:s23], $0x4000  }
0x70: {  	[sflag:s23] =	ssyncset.done $0x0  }
0x71: {  	[sflag:s23] =	ssyncadd.s32 $0xFFFFC000  }
0x72: {  	[spmem:s3] =	stream.indirect.scatter.add.f32 [tilespmem:s20], [sflag:$0x7], $0x80, s29, s19, $0xb8;
	[tilespmem:$0x1C000] =	vst v63  }
0x73: {  	_ =	swait.ge [sflag:s17], $0x4000  }
0x74: {  	[sflag:s17] =	ssyncset.done $0x0  }
0x75: {  	s2 =	sadd.s32 $0xAC0, s0;
	[sflag:s17] =	ssyncadd.s32 $0xFFFFC000  }
0x76: {  	[tilespmem:s14], [sflag:$0x3] =	stream.linear.gather [hbm4b:s2+s4], $0x100, $0x38;
	[tilespmem:$0x1C000] =	vst v63  }
0x77: {  	_ =	swait.ge [sflag:s18], $0x100  }
0x78: {  	[sflag:s18] =	ssyncset.done $0x0  }
0x79: {  	[sflag:s18] =	ssyncadd.s32 $0xFFFFFF00  }
0x7a: {  	[tilespmem:s20], [sflag:$0x5] =	stream.indirect.gather [hbm4b:s5+s19], $0x80, s4, s19, $0xb8;
	[tilespmem:$0x1C000] =	vst v63  }
0x7b: {  	_ =	swait.ge [sflag:s25], $0x4000  }
0x7c: {  	[sflag:s25] =	ssyncset.done $0x0  }
.Ltmp0:
0x7d: {  	[sflag:s25] =	ssyncadd.s32 $0xFFFFC000;
	(pc) =	sbr.rel @p0 .LBB2_2-.Ltmp0, $4  }
0x7e: {  	[spmem:s3] =	stream.indirect.scatter.add.f32 [tilespmem:s22], [sflag:$0x7], $0x80, s30, s19, $0xb8;
	[tilespmem:$0x1C000] =	vst v63  }
0x7f: {  	_ =	swait.ge [sflag:s17], $0x4000  }
0x80: {  	[sflag:s17] =	ssyncset.done $0x0  }
0x81: {  	s0 =	sadd.s32 $0xAE0, s0;
	[sflag:s17] =	ssyncadd.s32 $0xFFFFC000  }
0x82: {  	[tilespmem:s15], [sflag:$0x4] =	stream.linear.gather [hbm4b:s0+s4], $0x100, $0x38;
	[tilespmem:$0x1C000] =	vst v63  }
0x83: {  	_ =	swait.ge [sflag:s23], $0x4000  }
0x84: {  	[sflag:s23] =	ssyncset.done $0x0  }
0x85: {  	[sflag:s23] =	ssyncadd.s32 $0xFFFFC000  }
0x86: {  	_ =	swait.ge [sflag:s21], $0x100  }
0x87: {  	[sflag:s21] =	ssyncset.done $0x0  }
0x88: {  	[sflag:s21] =	ssyncadd.s32 $0xFFFFFF00  }
0x89: {  	_ =	swait.ge [sflag:s24], $0x100  }
0x8a: {  	[sflag:s24] =	ssyncset.done $0x0  }
0x8b: {  	[sflag:s24] =	ssyncadd.s32 $0xFFFFFF00  }
0x8c: {  	_ =	swait.ge [sflag:s28], $0x100  }
0x8d: {  	s31 =	sadd.s32 $0x1, s31;
	[sflag:s28] =	ssyncset.done $0x0  }
0x8e: {  	p0 =	sne.s32 s31, s12;
	[sflag:s28] =	ssyncadd.s32 $0xFFFFFF00  }
.Ltmp1:
0x8f: {  	[bflag:$0x0] =	sbarrier.arrive $0xFFFF;
	(pc) =	sbr.rel @p0 .LBB2_1-.Ltmp1, $4  }
0x90: {  	[hbm:s11], [sflag:s10] =	dma.local [spmem:s16], $0x2780  }
0x91: {  	_ =	swait.ge [sflag:s17], $0x2780  }
0x92: {  	[sflag:s17] =	ssyncset.done $0x0  }
0x93: {  	[sflag:s17] =	ssyncadd.s32 $0xFFFFD880  }
0x94: {  	_ =	sfence.sel $0x180000  }
0x95: {  	[bflag:$0x0] =	sbarrier.arrive $0xFFFF  }
0x96: {  	_ =	strace $0x90000050  }
0x97: {  	s0 =	stileid.u32;
	[bflag:$0x2] =	sbarrier.arrive $0xFFFF  }
0x98: {  	p0 =	sne.s32 s0, $0x0;
	s0 =	rddreg [dreg:$0x3]  }
0x99: {  	s0 =	sadd.s32 @!p0 $0x100000, s0  }
0x9a: {  	[sflag:s0] =	ssyncadd.tile.s32 @!p0 $0x1;
	_ =	shalt  }
.Lfunc_end2:
_tile_overlayer_lowered:
.L_overlay_start_2:
0x9b: {  	(tag) =	ssettag $0x2  }
0x9c: {  	s0 =	rddreg [dreg:$0x0];
	s2 =	stileid.u32  }
0x9d: {  	s1 =	rddreg [dreg:$0x1];
	p0 =	sne.s32 s2, $0x0  }
0x9e: {  	s3 =	rddreg [dreg:$0x2];
	[bflag:$0x3] =	sbarrier.arrive $0xFFFF;
	s2 =	simm.s32 @!p0 $0x1C07  }
0x9f: {  	[timem:s3], [sflag:s2] =	dma.local @!p0 [hbm:s0], s1  }
0xa0: {  	s0 =	simm.s32 @!p0 $0x7  }
0xa1: {  	_ =	swait.ge @!p0 [sflag:s0], s1  }
0xa2: {  	s1 =	ssub.s32 @!p0 $0x0, s1;
	[sflag:s0] =	ssyncset.done @!p0 $0x0  }
0xa3: {  	[sflag:s0] =	ssyncadd.s32 @!p0 s1  }
0xa4: {  	[bflag:$0x3] =	sbarrier.arrive $0xFFFF  }
0xa5: {  	_ =	shalt  }

// kernel: kernel.21.cloned.1.call-start
scs
__scs_entry_jumppad:
0x0: {  	(pc) =	sbr.rel $0x88, $3  }
0x1: {  	(tag) =	ssettag $0x0;
	lr =	simm.s32 $0x1  }
0x2: {  	[smem:$0x3F91] =	sst lr;
	_ =	strace $0xD0000000  }
0x3: {  	_ = 	snop  }
0x4: {  	_ = 	snop  }
0x5: {  	_ = 	snop  }
0x6: {  	_ = 	snop  }
0x7: {  	_ = 	snop  }
__scs_overlays_trampoline_lowered:
0x8: {  	[smem:$0x3FA0] =	sst s0  }
0x9: {  	[smem:$0x3FA1] =	sst s1  }
0xa: {  	[smem:$0x3FA2] =	sst s2  }
0xb: {  	[smem:$0x3FA3] =	sst s3  }
0xc: {  	[smem:$0x3FA4] =	sst s4  }
0xd: {  	[smem:$0x3FA5] =	sst s5  }
0xe: {  	[smem:$0x3FA6] =	sst s6  }
0xf: {  	[smem:$0x3FA7] =	sst s7  }
0x10: {  	[smem:$0x3FA8] =	sst s8  }
0x11: {  	[smem:$0x3FA9] =	sst s9;
	s0 =	simm.s32 @!p0 $0x0  }
0x12: {  	s1 =	sld [smem:$0x3F8F];
	s0 =	simm.s32 @p0 $0x1  }
0x13: {  	[smem:$0x3FAA] =	sst s0;
	s0 =	simm.s32 @!p1 $0x0  }
0x14: {  	s2 =	sld [smem:$0x3F8E];
	s0 =	simm.s32 @p1 $0x1  }
0x15: {  	[smem:$0x3FAB] =	sst s0;
	s0 =	simm.s32 @!p2 $0x0  }
0x16: {  	s3 =	sld [smem:$0x3FDB];
	s0 =	simm.s32 @p2 $0x1  }
0x17: {  	s4 =	simm.s32 $0x1BF5;
	[smem:$0x3FAD] =	sst s0  }
0x18: {  	s0 =	sld [smem:$0x3F90];
	_ =	swait.ge [sflag:s4], $0x0  }
0x19: {  	s7 =	sld [smem:$0x3F91]  }
0x1a: {  	s8 =	sadd.s32 $0xFFFFE003, lr  }
0x1b: {  	s9 =	sadd.s32 $0xFFFFFEF7, lr;
	s5 =	simm.s32 $0xFFFFFFFF;
	p2 =	slt.u32 s8, $0xFFFFF086  }
0x1c: {  	p1 =	slt.u32 s9, $0xF7A;
	s5 =	simm.s32 @!p2 $0x0  }
0x1d: {  	s5 =	simm.s32 @p1 $0x1;
	p0 =	seq.s32 s7, s2  }
0x1e: {  	s7 =	smul.u32 @!p0 $0xF7A, s2;
	p2 =	seq.s32 @!p0 s5, $0x0  }
0x1f: {  	s9 =	smul.u32 $0xF7A, s1;
	s8 =	simm.s32 @!p0 $0x1BF5;
	p2 =	por !p2, p0  }
0x20: {  	[sflag:s8] =	ssyncset.s32 @!p0 $0xFFFFF086;
	s6 =	sadd.s32 @!p0 s3, s7;
	s7 =	simm.s32 @!p0 $0x108  }
0x21: {  	s3 =	sadd.s32 s3, s9;
	s6 =	sadd.s32 @!p0 $0x88, s6;
	s7 =	simm.s32 @p2 $0x1082  }
0x22: {  	[simem:s7], [sflag:s8] =	dma.local @!p0 [hbm:s6], $0xF7A  }
0x23: {  	s9 =	sor.u32 $0xD0000000, s2;
	s6 =	simm.s32 $0x108;
	_ =	swait.ge @!p0 [sflag:s8], $0x0  }
0x24: {  	s3 =	sadd.s32 $0x88, s3;
	s6 =	simm.s32 @!p1 $0x1082;
	[sflag:s4] =	ssyncset.s32 $0xFFFFF086  }
0x25: {  	[simem:s6], [sflag:s4] =	dma.local [hbm:s3], $0xF7A  }
0x26: {  	[smem:$0x3F91] =	sst s1;
	(tag) =	ssettag s2;
	_ =	strace s9  }
0x27: {  	s1 =	sld [smem:$0x3FA1]  }
0x28: {  	s2 =	sld [smem:$0x3FA2]  }
0x29: {  	s4 =	sld [smem:$0x3FA4]  }
0x2a: {  	p0 =	seq.s32 s5, $0x0;
	s5 =	sld [smem:$0x3FA5]  }
0x2b: {  	s6 =	sld [smem:$0x3FA6]  }
0x2c: {  	s7 =	sld [smem:$0x3FA7]  }
0x2d: {  	s3 =	simm.s32 $0x108;
	s8 =	sld [smem:$0x3FA8]  }
0x2e: {  	s3 =	simm.s32 @!p0 $0x1082;
	s9 =	sld [smem:$0x3FA9]  }
0x2f: {  	lr =	sadd.s32 s0, s3;
	s0 =	sld [smem:$0x3FA0]  }
0x30: {  	s3 =	sld [smem:$0x3FA3]  }
0x31: {  	[smem:$0x3FAC] =	sst s10  }
0x32: {  	s10 =	sld [smem:$0x3FAA];
	_ =	sdelay $0x3  }
0x33: {  	p0 =	seq.s32 s10, $0x1;
	s10 =	sld [smem:$0x3FAC];
	_ =	sdelay $0x3  }
0x34: {  	[smem:$0x3FAC] =	sst s10  }
0x35: {  	s10 =	sld [smem:$0x3FAB];
	_ =	sdelay $0x3  }
0x36: {  	p1 =	seq.s32 s10, $0x1;
	s10 =	sld [smem:$0x3FAC];
	_ =	sdelay $0x3  }
0x37: {  	[smem:$0x3FAC] =	sst s10  }
0x38: {  	s10 =	sld [smem:$0x3FAD]  }
0x39: {  	_ = 	snop;
	(pc) =	sbr.ind lr, $3  }
0x3a: {  	_ = 	snop  }
0x3b: {  	_ = 	snop  }
0x3c: {  	p2 =	seq.s32 s10, $0x1;
	s10 =	sld [smem:$0x3FAC]  }
0x3d: {  	_ =	shalt  }
0x3e: {  	_ =	shalt  }
0x3f: {  	_ =	shalt  }
0x40: {  	_ =	shalt  }
0x41: {  	_ =	shalt  }
0x42: {  	_ =	shalt  }
0x43: {  	_ =	shalt  }
0x44: {  	_ =	shalt  }
0x45: {  	_ =	shalt  }
0x46: {  	_ =	shalt  }
0x47: {  	_ =	shalt  }
0x48: {  	_ =	shalt  }
0x49: {  	_ =	shalt  }
0x4a: {  	_ =	shalt  }
0x4b: {  	_ =	shalt  }
0x4c: {  	_ =	shalt  }
0x4d: {  	_ =	shalt  }
0x4e: {  	_ =	shalt  }
0x4f: {  	_ =	shalt  }
0x50: {  	_ =	shalt  }
0x51: {  	_ =	shalt  }
0x52: {  	_ =	shalt  }
0x53: {  	_ =	shalt  }
0x54: {  	_ =	shalt  }
0x55: {  	_ =	shalt  }
0x56: {  	_ =	shalt  }
0x57: {  	_ =	shalt  }
0x58: {  	_ =	shalt  }
0x59: {  	_ =	shalt  }
0x5a: {  	_ =	shalt  }
0x5b: {  	_ =	shalt  }
0x5c: {  	_ =	shalt  }
0x5d: {  	_ =	shalt  }
0x5e: {  	_ =	shalt  }
0x5f: {  	_ =	shalt  }
0x60: {  	_ =	shalt  }
0x61: {  	_ =	shalt  }
0x62: {  	_ =	shalt  }
0x63: {  	_ =	shalt  }
0x64: {  	_ =	shalt  }
0x65: {  	_ =	shalt  }
0x66: {  	_ =	shalt  }
0x67: {  	_ =	shalt  }
0x68: {  	_ =	shalt  }
0x69: {  	_ =	shalt  }
0x6a: {  	_ =	shalt  }
0x6b: {  	_ =	shalt  }
0x6c: {  	_ =	shalt  }
0x6d: {  	_ =	shalt  }
0x6e: {  	_ =	shalt  }
0x6f: {  	_ =	shalt  }
0x70: {  	_ =	shalt  }
0x71: {  	_ =	shalt  }
0x72: {  	_ =	shalt  }
0x73: {  	_ =	shalt  }
0x74: {  	_ =	shalt  }
0x75: {  	_ =	shalt  }
0x76: {  	_ =	shalt  }
0x77: {  	_ =	shalt  }
0x78: {  	_ =	shalt  }
0x79: {  	_ =	shalt  }
0x7a: {  	_ =	shalt  }
0x7b: {  	_ =	shalt  }
0x7c: {  	_ =	shalt  }
0x7d: {  	_ =	shalt  }
0x7e: {  	_ =	shalt  }
0x7f: {  	_ =	shalt  }
0x80: {  	_ =	shalt  }
0x81: {  	_ =	shalt  }
0x82: {  	_ =	shalt  }
0x83: {  	_ =	shalt  }
0x84: {  	_ =	shalt  }
0x85: {  	_ =	shalt  }
0x86: {  	_ =	shalt  }
0x87: {  	_ =	shalt  }
.Lfunc_end0:
.L_simem_size_0:
called_computation.3_lowered:
.L_overlay_start_0:
0x88: {  	s2 =	sld [smem:$0x3FD9]  }
0x89: {  	s3 =	sld [smem:$0x3FFE];
	_ =	sdelay $0x1  }
0x8a: {  	s1 =	srdreg.scid  }
0x8b: {  	s0 =	sand.u32 $0x1, s1  }
0x8c: {  	s17 =	sshll.u32 s0, $0xA;
	s2 =	sadd.s32 s3, s2  }
0x8d: {  	s2 =	sadd.s32 s2, s17  }
0x8e: {  	[smem:$0x3FB8] =	sst s2  }
0x8f: {  	_ = 	snop  }
0x90: {  	s2 =	sld [smem:$0x3FD0];
	(tm) =	ssettm $0x1  }
0x91: {  	s18 =	sld [smem:$0x3FFB];
	_ =	sdelay $0x3  }
0x92: {  	_ =	strace s18  }
0x93: {  	s3 =	sld [smem:$0x3FFC];
	_ =	sdelay $0x3  }
0x94: {  	_ =	strace s3  }
0x95: {  	s3 =	sld [smem:$0x3FFD];
	_ =	sdelay $0x3  }
0x96: {  	_ =	strace s3  }
0x97: {  	_ =	strace $0x8FFFFFFF  }
0x98: {  	s19 =	sld [smem:$0x3FDB];
	_ =	sdelay $0x1  }
0x99: {  	s4 =	simm.s32 $_scs_section_size  }
0x9a: {  	s5 =	simm.s32 $_size__tile_overlayer_lowered;
	s6 =	simm.s32 $_tile_overlayer_lowered  }
0x9b: {  	s22 =	simm.s32 $0x1BFF;
	s21 =	sshll.u32 s6, $0x1;
	s3 =	sadd.s32 s4, s19  }
0x9c: {  	s7 =	simm.s32 $0x0;
	s20 =	sshll.u32 s5, $0x1;
	s5 =	sadd.s32 s21, s3  }
0x9d: {  	[timem:s7], [sflag:s22] =	dma.local [hbm:s5], s20  }
0x9e: {  	_ =	swait.ge [sflag:s22], s20  }
0x9f: {  	s4 =	ssub.s32 $0x0, s20;
	[sflag:s22] =	ssyncset.done $0x0  }
0xa0: {  	[sflag:s22] =	ssyncadd.s32 s4;
	_ =	sdelay $0x1  }
0xa1: {  	s23 =	simm.s32 $0x1B8B  }
0xa2: {  	_ =	swait.ge [sflag:s23], $0x1  }
0xa3: {  	[sflag:s23] =	ssyncset.done $0x0  }
0xa4: {  	s25 =	simm.s32 $0x1B8E;
	s24 =	sld [smem:$0x3FFE];
	[sflag:s23] =	ssyncadd.s32 $0xFFFFFFFF  }
0xa5: {  	s26 =	simm.s32 $execute0_lowered;
	[smem:$0x3FD2] =	sst s25  }
0xa6: {  	s5 =	sshll.u32 s26, $0x1;
	_ =	strace $0x8000004C;
	[dreg:$0x1] =	wrdreg $0xFFFFFFFF  }
0xa7: {  	s28 =	simm.s32 $_size_execute0_lowered;
	s3 =	sadd.s32 s3, s5;
	[dreg:$0x0] =	wrdreg $0x0  }
0xa8: {  	s5 =	sshll.u32 s28, $0x1;
	[dreg:$0x2] =	wrdreg s3  }
0xa9: {  	[dreg:$0x3] =	wrdreg s5  }
0xaa: {  	[dreg:$0x4] =	wrdreg $0xC0  }
0xab: {  	_ =	task [dreg:s7], $0x5FFFF  }
0xac: {  	[dreg:$0x1] =	wrdreg $0xFFFFFFFF  }
0xad: {  	[dreg:$0x0] =	wrdreg $0x60  }
0xae: {  	[dreg:$0x2] =	wrdreg s24  }
0xaf: {  	[dreg:$0x3] =	wrdreg s2  }
0xb0: {  	[dreg:$0x4] =	wrdreg $0x84000  }
0xb1: {  	[dreg:$0x5] =	wrdreg $0xA  }
0xb2: {  	_ =	task.clear_ibuf [dreg:s7], $0x6FFFF;
	_ =	strace $0x9000004C  }
0xb3: {  	s29 =	simm.s32 $0xA;
	_ =	strace $0x8000004E  }
0xb4: {  	_ =	swait.ge [sflag:s29], $0x1  }
0xb5: {  	[sflag:s29] =	ssyncadd.s32 $0xFFFFFFFF  }
0xb6: {  	_ =	strace $0x9000004E  }
0xb7: {  	_ =	sfence  }
0xb8: {  	s30 =	sld [smem:$0x0];
	_ =	sdelay $0x2  }
0xb9: {  	s31 =	sshll.u32 s1, $0xD;
	s1 =	sshrl.u32 s1, $0x2  }
0xba: {  	s3 =	sand.u32 $0x4000, s31;
	s1 =	sadd.s32 s1, s30  }
0xbb: {  	s0 =	sor.u32 s3, s0;
	s1 =	sshll.u32 s1, $0x11  }
0xbc: {  	s0 =	sor.u32 s1, s0  }
0xbd: {  	s0 =	sadd.s32 $0x8F2B, s0  }
0xbe: {  	[sflag:s0] =	ssyncadd.remote.s32 $0x1  }
0xbf: {  	_ =	sfence.sel $0xFFFF  }
0xc0: {  	[dreg:$0x0] =	wrdreg $0xFFFFFFFF;
	(pc) =	sbr.abs _section_cstart, $3  }
0xc1: {  	[dreg:$0x1] =	wrdreg $0xFFFFFFFF  }
0xc2: {  	_ =	task.clear_ibuf [dreg:s7], $0x2FFFF;
	_ =	strace $0x9FFFFFFF  }
0xc3: {  	(tm) =	ssettm $0x7FFFFFFF  }
tec
execute0_lowered:
.L_overlay_start_1:
0x0: {  	(tag) =	ssettag $0x1  }
0x1: {  	s0 =	srdreg.scid;
	s1 =	rddreg [dreg:$0x0]  }
0x2: {  	s2 =	stileid.u32;
	s13 =	simm.s32 $0x100;
	s14 =	simm.s32 $0x200  }
0x3: {  	s15 =	simm.s32 $0x300;
	s17 =	simm.s32 $0x7;
	s18 =	simm.s32 $0x1  }
0x4: {  	s19 =	simm.s32 $0x80;
	s20 =	simm.s32 $0x400;
	s21 =	simm.s32 $0x2  }
0x5: {  	s22 =	simm.s32 $0x4400;
	s23 =	simm.s32 $0x5;
	s28 =	simm.s32 $0x4  }
0x6: {  	s29 =	simm.s32 $0x280;
	s30 =	simm.s32 $0x380;
	s31 =	simm.s32 $0x0  }
0x7: {  	s0 =	sand.u32 $0x1, s0;
	s8 =	smul.u32 $0x13C00, s2;
	s5 =	sadd.s32 $0x5E00, s1  }
0x8: {  	s10 =	smul.u32 $0x4F000, s2;
	s26 =	sshll.u32 s2, $0x6;
	s3 =	sshll.u32 s0, $0x4  }
0x9: {  	s7 =	smul.u32 $0x13C000, s0;
	s0 =	ssub.s32 $0x2, s0;
	s4 =	sor.u32 s2, s3  }
0xa: {  	s3 =	rddreg [dreg:$0x2];
	s25 =	sshrl.u32 s0, $0x1;
	s10 =	sshrl.u32 s10, $0x2  }
0xb: {  	s6 =	smul.u32 $0xB00, s4;
	s4 =	simm.s32 $0x0;
	s24 =	sadd.s32 s8, s7  }
0xc: {  	s0 =	ssub.s32 s0, s25;
	s16 =	sadd.s32 s10, s3;
	s10 =	sor.u32 $0x1C07, s26  }
0xd: {  	s25 =	simm.s32 $0x6;
	s26 =	simm.s32 $0x180;
	[smem:$0x7FF] =	sst s4  }
0xe: {  	s12 =	smax.u32 s0, $0x1;
	s16 =	sshrl.u32 s16, $0x3;
	_ =	strace $0x8000004D  }
0xf: {  	s9 =	sadd.s32 s6, s1;
	s6 =	sshrl.u32 s24, $0x3;
	s24 =	simm.s32 $0x3  }
0x10: {  	s1 =	sadd.s32 s6, s1;
	s6 =	sadd.s32 $0x58600, s9;
	s7 =	sadd.s32 $0x58620, s9  }
0x11: {  	s8 =	sadd.s32 $0x58640, s9;
	s9 =	sadd.s32 $0x58660, s9;
	s11 =	sadd.s32 $0x6E600, s1  }
.LBB2_1:
0x12: {  	[tilespmem:s4], [sflag:$0x1] =	stream.linear.gather [hbm4b:s6+s4], $0x100, $0x38;
	[tilespmem:$0x1C000] =	vst v63  }
0x13: {  	_ = 	snop  }
0x14: {  	[tilespmem:s13], [sflag:$0x2] =	stream.linear.gather [hbm4b:s7+s4], $0x100, $0x38;
	[tilespmem:$0x1C000] =	vst v63  }
0x15: {  	_ = 	snop  }
0x16: {  	[tilespmem:s14], [sflag:$0x3] =	stream.linear.gather [hbm4b:s8+s4], $0x100, $0x38;
	[tilespmem:$0x1C000] =	vst v63  }
0x17: {  	s0 =	rddreg [dreg:$0x1]  }
0x18: {  	[tilespmem:s15], [sflag:$0x4] =	stream.linear.gather [hbm4b:s9+s4], $0x100, $0x38;
	[tilespmem:$0x1C000] =	vst v63  }
0x19: {  	[spmem:s16], [sflag:s10] =	dma.local [hbm:s0], $0x2780  }
0x1a: {  	_ =	swait.ge [sflag:s17], $0x2780  }
0x1b: {  	[sflag:s17] =	ssyncset.done $0x0  }
0x1c: {  	[sflag:s17] =	ssyncadd.s32 $0xFFFFD880  }
0x1d: {  	[bflag:$0x0] =	sbarrier.arrive $0xFFFF  }
0x1e: {  	_ =	swait.ge [sflag:s18], $0x100  }
0x1f: {  	[sflag:s18] =	ssyncset.done $0x0  }
0x20: {  	[sflag:s18] =	ssyncadd.s32 $0xFFFFFF00  }
0x21: {  	[tilespmem:s20], [sflag:$0x5] =	stream.indirect.gather [hbm4b:s5+s19], $0x80, s4, s19, $0xb8;
	[tilespmem:$0x1C000] =	vst v63  }
0x22: {  	_ =	swait.ge [sflag:s21], $0x100  }
0x23: {  	[sflag:s21] =	ssyncset.done $0x0  }
0x24: {  	[sflag:s21] =	ssyncadd.s32 $0xFFFFFF00  }
0x25: {  	[tilespmem:s22], [sflag:$0x6] =	stream.indirect.gather [hbm4b:s5+s19], $0x80, s13, s19, $0xb8;
	[tilespmem:$0x1C000] =	vst v63  }
0x26: {  	_ =	swait.ge [sflag:s23], $0x4000  }
0x27: {  	[sflag:s23] =	ssyncset.done $0x0  }
0x28: {  	[sflag:s23] =	ssyncadd.s32 $0xFFFFC000  }
0x29: {  	[spmem:s3] =	stream.indirect.scatter.add.f32 [tilespmem:s20], [sflag:$0x7], $0x80, s19, s19, $0xb8;
	[tilespmem:$0x1C000] =	vst v63  }
0x2a: {  	_ =	swait.ge [sflag:s17], $0x4000  }
0x2b: {  	s0 =	sadd.s32 $0xFFFFF600, s6;
	[sflag:s17] =	ssyncset.done $0x0  }
0x2c: {  	s1 =	sadd.s32 $0xA80, s0;
	[sflag:s17] =	ssyncadd.s32 $0xFFFFC000  }
0x2d: {  	[tilespmem:s4], [sflag:$0x1] =	stream.linear.gather [hbm4b:s1+s4], $0x100, $0x38;
	[tilespmem:$0x1C000] =	vst v63  }
0x2e: {  	_ =	swait.ge [sflag:s24], $0x100  }
0x2f: {  	[sflag:s24] =	ssyncset.done $0x0  }
0x30: {  	[sflag:s24] =	ssyncadd.s32 $0xFFFFFF00  }
0x31: {  	[tilespmem:s20], [sflag:$0x5] =	stream.indirect.gather [hbm4b:s5+s19], $0x80, s14, s19, $0xb8;
	[tilespmem:$0x1C000] =	vst v63  }
0x32: {  	_ =	swait.ge [sflag:s25], $0x4000  }
0x33: {  	[sflag:s25] =	ssyncset.done $0x0  }
0x34: {  	[sflag:s25] =	ssyncadd.s32 $0xFFFFC000  }
0x35: {  	[spmem:s3] =	stream.indirect.scatter.add.f32 [tilespmem:s22], [sflag:$0x7], $0x80, s26, s19, $0xb8;
	[tilespmem:$0x1C000] =	vst v63  }
0x36: {  	_ =	swait.ge [sflag:s17], $0x4000  }
0x37: {  	[sflag:s17] =	ssyncset.done $0x0  }
0x38: {  	s2 =	sadd.s32 $0xAA0, s0;
	[sflag:s17] =	ssyncadd.s32 $0xFFFFC000  }
0x39: {  	[tilespmem:s13], [sflag:$0x2] =	stream.linear.gather [hbm4b:s2+s4], $0x100, $0x38;
	[tilespmem:$0x1C000] =	vst v63  }
0x3a: {  	_ =	swait.ge [sflag:s28], $0x100  }
0x3b: {  	[sflag:s28] =	ssyncset.done $0x0  }
0x3c: {  	[sflag:s28] =	ssyncadd.s32 $0xFFFFFF00  }
0x3d: {  	[tilespmem:s22], [sflag:$0x6] =	stream.indirect.gather [hbm4b:s5+s19], $0x80, s15, s19, $0xb8;
	[tilespmem:$0x1C000] =	vst v63  }
0x3e: {  	_ =	swait.ge [sflag:s23], $0x4000  }
0x3f: {  	[sflag:s23] =	ssyncset.done $0x0  }
0x40: {  	[sflag:s23] =	ssyncadd.s32 $0xFFFFC000  }
0x41: {  	[spmem:s3] =	stream.indirect.scatter.add.f32 [tilespmem:s20], [sflag:$0x7], $0x80, s29, s19, $0xb8;
	[tilespmem:$0x1C000] =	vst v63  }
0x42: {  	_ =	swait.ge [sflag:s17], $0x4000  }
0x43: {  	[sflag:s17] =	ssyncset.done $0x0  }
0x44: {  	s2 =	sadd.s32 $0xAC0, s0;
	[sflag:s17] =	ssyncadd.s32 $0xFFFFC000  }
0x45: {  	[tilespmem:s14], [sflag:$0x3] =	stream.linear.gather [hbm4b:s2+s4], $0x100, $0x38;
	[tilespmem:$0x1C000] =	vst v63  }
0x46: {  	_ =	swait.ge [sflag:s18], $0x100  }
0x47: {  	[sflag:s18] =	ssyncset.done $0x0  }
0x48: {  	[sflag:s18] =	ssyncadd.s32 $0xFFFFFF00  }
0x49: {  	[tilespmem:s20], [sflag:$0x5] =	stream.indirect.gather [hbm4b:s5+s19], $0x80, s4, s19, $0xb8;
	[tilespmem:$0x1C000] =	vst v63  }
0x4a: {  	_ =	swait.ge [sflag:s25], $0x4000  }
0x4b: {  	[sflag:s25] =	ssyncset.done $0x0  }
0x4c: {  	[sflag:s25] =	ssyncadd.s32 $0xFFFFC000  }
0x4d: {  	[spmem:s3] =	stream.indirect.scatter.add.f32 [tilespmem:s22], [sflag:$0x7], $0x80, s30, s19, $0xb8;
	[tilespmem:$0x1C000] =	vst v63  }
0x4e: {  	_ =	swait.ge [sflag:s17], $0x4000  }
0x4f: {  	[sflag:s17] =	ssyncset.done $0x0  }
0x50: {  	s1 =	simm.s32 $0xFFFFF680;
	s0 =	sadd.s32 $0xAE0, s0;
	[sflag:s17] =	ssyncadd.s32 $0xFFFFC000  }
.LBB2_2:
0x51: {  	[tilespmem:s15], [sflag:$0x4] =	stream.linear.gather [hbm4b:s0+s4], $0x100, $0x38;
	[tilespmem:$0x1C000] =	vst v63  }
0x52: {  	s0 =	smov.u32 s1  }
0x53: {  	p0 =	sne.s32 s1, $0xFFFFFF80;
	s1 =	sadd.s32 $0x80, s1;
	_ =	swait.ge [sflag:s21], $0x100  }
0x54: {  	[sflag:s21] =	ssyncset.done $0x0  }
0x55: {  	[sflag:s21] =	ssyncadd.s32 $0xFFFFFF00  }
0x56: {  	[tilespmem:s22], [sflag:$0x6] =	stream.indirect.gather [hbm4b:s5+s19], $0x80, s13, s19, $0xb8;
	[tilespmem:$0x1C000] =	vst v63  }
0x57: {  	_ =	swait.ge [sflag:s23], $0x4000  }
0x58: {  	[sflag:s23] =	ssyncset.done $0x0  }
0x59: {  	[sflag:s23] =	ssyncadd.s32 $0xFFFFC000  }
0x5a: {  	[spmem:s3] =	stream.indirect.scatter.add.f32 [tilespmem:s20], [sflag:$0x7], $0x80, s19, s19, $0xb8;
	[tilespmem:$0x1C000] =	vst v63  }
0x5b: {  	_ =	swait.ge [sflag:s17], $0x4000  }
0x5c: {  	s0 =	sadd.s32 s0, s6;
	[sflag:s17] =	ssyncset.done $0x0  }
0x5d: {  	s2 =	sadd.s32 $0xA80, s0;
	[sflag:s17] =	ssyncadd.s32 $0xFFFFC000  }
0x5e: {  	[tilespmem:s4], [sflag:$0x1] =	stream.linear.gather [hbm4b:s2+s4], $0x100, $0x38;
	[tilespmem:$0x1C000] =	vst v63  }
0x5f: {  	_ =	swait.ge [sflag:s24], $0x100  }
0x60: {  	[sflag:s24] =	ssyncset.done $0x0  }
0x61: {  	[sflag:s24] =	ssyncadd.s32 $0xFFFFFF00  }
0x62: {  	[tilespmem:s20], [sflag:$0x5] =	stream.indirect.gather [hbm4b:s5+s19], $0x80, s14, s19, $0xb8;
	[tilespmem:$0x1C000] =	vst v63  }
0x63: {  	_ =	swait.ge [sflag:s25], $0x4000  }
0x64: {  	[sflag:s25] =	ssyncset.done $0x0  }
0x65: {  	[sflag:s25] =	ssyncadd.s32 $0xFFFFC000  }
0x66: {  	[spmem:s3] =	stream.indirect.scatter.add.f32 [tilespmem:s22], [sflag:$0x7], $0x80, s26, s19, $0xb8;
	[tilespmem:$0x1C000] =	vst v63  }
0x67: {  	_ =	swait.ge [sflag:s17], $0x4000  }
0x68: {  	[sflag:s17] =	ssyncset.done $0x0  }
0x69: {  	s2 =	sadd.s32 $0xAA0, s0;
	[sflag:s17] =	ssyncadd.s32 $0xFFFFC000  }
0x6a: {  	[tilespmem:s13], [sflag:$0x2] =	stream.linear.gather [hbm4b:s2+s4], $0x100, $0x38;
	[tilespmem:$0x1C000] =	vst v63  }
0x6b: {  	_ =	swait.ge [sflag:s28], $0x100  }
0x6c: {  	[sflag:s28] =	ssyncset.done $0x0  }
0x6d: {  	[sflag:s28] =	ssyncadd.s32 $0xFFFFFF00  }
0x6e: {  	[tilespmem:s22], [sflag:$0x6] =	stream.indirect.gather [hbm4b:s5+s19], $0x80, s15, s19, $0xb8;
	[tilespmem:$0x1C000] =	vst v63  }
0x6f: {  	_ =	swait.ge [sflag:s23], $0x4000  }
0x70: {  	[sflag:s23] =	ssyncset.done $0x0  }
0x71: {  	[sflag:s23] =	ssyncadd.s32 $0xFFFFC000  }
0x72: {  	[spmem:s3] =	stream.indirect.scatter.add.f32 [tilespmem:s20], [sflag:$0x7], $0x80, s29, s19, $0xb8;
	[tilespmem:$0x1C000] =	vst v63  }
0x73: {  	_ =	swait.ge [sflag:s17], $0x4000  }
0x74: {  	[sflag:s17] =	ssyncset.done $0x0  }
0x75: {  	s2 =	sadd.s32 $0xAC0, s0;
	[sflag:s17] =	ssyncadd.s32 $0xFFFFC000  }
0x76: {  	[tilespmem:s14], [sflag:$0x3] =	stream.linear.gather [hbm4b:s2+s4], $0x100, $0x38;
	[tilespmem:$0x1C000] =	vst v63  }
0x77: {  	_ =	swait.ge [sflag:s18], $0x100  }
0x78: {  	[sflag:s18] =	ssyncset.done $0x0  }
0x79: {  	[sflag:s18] =	ssyncadd.s32 $0xFFFFFF00  }
0x7a: {  	[tilespmem:s20], [sflag:$0x5] =	stream.indirect.gather [hbm4b:s5+s19], $0x80, s4, s19, $0xb8;
	[tilespmem:$0x1C000] =	vst v63  }
0x7b: {  	_ =	swait.ge [sflag:s25], $0x4000  }
0x7c: {  	[sflag:s25] =	ssyncset.done $0x0  }
.Ltmp0:
0x7d: {  	[sflag:s25] =	ssyncadd.s32 $0xFFFFC000;
	(pc) =	sbr.rel @p0 .LBB2_2-.Ltmp0, $4  }
0x7e: {  	[spmem:s3] =	stream.indirect.scatter.add.f32 [tilespmem:s22], [sflag:$0x7], $0x80, s30, s19, $0xb8;
	[tilespmem:$0x1C000] =	vst v63  }
0x7f: {  	_ =	swait.ge [sflag:s17], $0x4000  }
0x80: {  	[sflag:s17] =	ssyncset.done $0x0  }
0x81: {  	s0 =	sadd.s32 $0xAE0, s0;
	[sflag:s17] =	ssyncadd.s32 $0xFFFFC000  }
0x82: {  	[tilespmem:s15], [sflag:$0x4] =	stream.linear.gather [hbm4b:s0+s4], $0x100, $0x38;
	[tilespmem:$0x1C000] =	vst v63  }
0x83: {  	_ =	swait.ge [sflag:s23], $0x4000  }
0x84: {  	[sflag:s23] =	ssyncset.done $0x0  }
0x85: {  	[sflag:s23] =	ssyncadd.s32 $0xFFFFC000  }
0x86: {  	_ =	swait.ge [sflag:s21], $0x100  }
0x87: {  	[sflag:s21] =	ssyncset.done $0x0  }
0x88: {  	[sflag:s21] =	ssyncadd.s32 $0xFFFFFF00  }
0x89: {  	_ =	swait.ge [sflag:s24], $0x100  }
0x8a: {  	[sflag:s24] =	ssyncset.done $0x0  }
0x8b: {  	[sflag:s24] =	ssyncadd.s32 $0xFFFFFF00  }
0x8c: {  	_ =	swait.ge [sflag:s28], $0x100  }
0x8d: {  	s31 =	sadd.s32 $0x1, s31;
	[sflag:s28] =	ssyncset.done $0x0  }
0x8e: {  	p0 =	sne.s32 s31, s12;
	[sflag:s28] =	ssyncadd.s32 $0xFFFFFF00  }
.Ltmp1:
0x8f: {  	[bflag:$0x0] =	sbarrier.arrive $0xFFFF;
	(pc) =	sbr.rel @p0 .LBB2_1-.Ltmp1, $4  }
0x90: {  	[hbm:s11], [sflag:s10] =	dma.local [spmem:s16], $0x2780  }
0x91: {  	_ =	swait.ge [sflag:s17], $0x2780  }
0x92: {  	[sflag:s17] =	ssyncset.done $0x0  }
0x93: {  	[sflag:s17] =	ssyncadd.s32 $0xFFFFD880  }
0x94: {  	_ =	sfence.sel $0x180000  }
0x95: {  	[bflag:$0x0] =	sbarrier.arrive $0xFFFF  }
0x96: {  	_ =	strace $0x9000004D  }
0x97: {  	s0 =	stileid.u32;
	[bflag:$0x2] =	sbarrier.arrive $0xFFFF  }
0x98: {  	p0 =	sne.s32 s0, $0x0;
	s0 =	rddreg [dreg:$0x3]  }
0x99: {  	s0 =	sadd.s32 @!p0 $0x100000, s0  }
0x9a: {  	[sflag:s0] =	ssyncadd.tile.s32 @!p0 $0x1;
	_ =	shalt  }
.Lfunc_end2:
_tile_overlayer_lowered:
.L_overlay_start_2:
0x9b: {  	(tag) =	ssettag $0x2  }
0x9c: {  	s0 =	rddreg [dreg:$0x0];
	s2 =	stileid.u32  }
0x9d: {  	s1 =	rddreg [dreg:$0x1];
	p0 =	sne.s32 s2, $0x0  }
0x9e: {  	s3 =	rddreg [dreg:$0x2];
	[bflag:$0x3] =	sbarrier.arrive $0xFFFF;
	s2 =	simm.s32 @!p0 $0x1C07  }
0x9f: {  	[timem:s3], [sflag:s2] =	dma.local @!p0 [hbm:s0], s1  }
0xa0: {  	s0 =	simm.s32 @!p0 $0x7  }
0xa1: {  	_ =	swait.ge @!p0 [sflag:s0], s1  }
0xa2: {  	s1 =	ssub.s32 @!p0 $0x0, s1;
	[sflag:s0] =	ssyncset.done @!p0 $0x0  }
0xa3: {  	[sflag:s0] =	ssyncadd.s32 @!p0 s1  }
0xa4: {  	[bflag:$0x3] =	sbarrier.arrive $0xFFFF  }
0xa5: {  	_ =	shalt  }

// kernel: kernel.24.cloned.1.call-start
scs
__scs_entry_jumppad:
0x0: {  	(pc) =	sbr.rel $0x88, $3  }
0x1: {  	(tag) =	ssettag $0x0;
	lr =	simm.s32 $0x1  }
0x2: {  	[smem:$0x3F91] =	sst lr;
	_ =	strace $0xD0000000  }
0x3: {  	_ = 	snop  }
0x4: {  	_ = 	snop  }
0x5: {  	_ = 	snop  }
0x6: {  	_ = 	snop  }
0x7: {  	_ = 	snop  }
__scs_overlays_trampoline_lowered:
0x8: {  	[smem:$0x3FA0] =	sst s0  }
0x9: {  	[smem:$0x3FA1] =	sst s1  }
0xa: {  	[smem:$0x3FA2] =	sst s2  }
0xb: {  	[smem:$0x3FA3] =	sst s3  }
0xc: {  	[smem:$0x3FA4] =	sst s4  }
0xd: {  	[smem:$0x3FA5] =	sst s5  }
0xe: {  	[smem:$0x3FA6] =	sst s6  }
0xf: {  	[smem:$0x3FA7] =	sst s7  }
0x10: {  	[smem:$0x3FA8] =	sst s8  }
0x11: {  	[smem:$0x3FA9] =	sst s9;
	s0 =	simm.s32 @!p0 $0x0  }
0x12: {  	s1 =	sld [smem:$0x3F8F];
	s0 =	simm.s32 @p0 $0x1  }
0x13: {  	[smem:$0x3FAA] =	sst s0;
	s0 =	simm.s32 @!p1 $0x0  }
0x14: {  	s2 =	sld [smem:$0x3F8E];
	s0 =	simm.s32 @p1 $0x1  }
0x15: {  	[smem:$0x3FAB] =	sst s0;
	s0 =	simm.s32 @!p2 $0x0  }
0x16: {  	s3 =	sld [smem:$0x3FDB];
	s0 =	simm.s32 @p2 $0x1  }
0x17: {  	s4 =	simm.s32 $0x1BF5;
	[smem:$0x3FAD] =	sst s0  }
0x18: {  	s0 =	sld [smem:$0x3F90];
	_ =	swait.ge [sflag:s4], $0x0  }
0x19: {  	s7 =	sld [smem:$0x3F91]  }
0x1a: {  	s8 =	sadd.s32 $0xFFFFE003, lr  }
0x1b: {  	s9 =	sadd.s32 $0xFFFFFEF7, lr;
	s5 =	simm.s32 $0xFFFFFFFF;
	p2 =	slt.u32 s8, $0xFFFFF086  }
0x1c: {  	p1 =	slt.u32 s9, $0xF7A;
	s5 =	simm.s32 @!p2 $0x0  }
0x1d: {  	s5 =	simm.s32 @p1 $0x1;
	p0 =	seq.s32 s7, s2  }
0x1e: {  	s7 =	smul.u32 @!p0 $0xF7A, s2;
	p2 =	seq.s32 @!p0 s5, $0x0  }
0x1f: {  	s9 =	smul.u32 $0xF7A, s1;
	s8 =	simm.s32 @!p0 $0x1BF5;
	p2 =	por !p2, p0  }
0x20: {  	[sflag:s8] =	ssyncset.s32 @!p0 $0xFFFFF086;
	s6 =	sadd.s32 @!p0 s3, s7;
	s7 =	simm.s32 @!p0 $0x108  }
0x21: {  	s3 =	sadd.s32 s3, s9;
	s6 =	sadd.s32 @!p0 $0x88, s6;
	s7 =	simm.s32 @p2 $0x1082  }
0x22: {  	[simem:s7], [sflag:s8] =	dma.local @!p0 [hbm:s6], $0xF7A  }
0x23: {  	s9 =	sor.u32 $0xD0000000, s2;
	s6 =	simm.s32 $0x108;
	_ =	swait.ge @!p0 [sflag:s8], $0x0  }
0x24: {  	s3 =	sadd.s32 $0x88, s3;
	s6 =	simm.s32 @!p1 $0x1082;
	[sflag:s4] =	ssyncset.s32 $0xFFFFF086  }
0x25: {  	[simem:s6], [sflag:s4] =	dma.local [hbm:s3], $0xF7A  }
0x26: {  	[smem:$0x3F91] =	sst s1;
	(tag) =	ssettag s2;
	_ =	strace s9  }
0x27: {  	s1 =	sld [smem:$0x3FA1]  }
0x28: {  	s2 =	sld [smem:$0x3FA2]  }
0x29: {  	s4 =	sld [smem:$0x3FA4]  }
0x2a: {  	p0 =	seq.s32 s5, $0x0;
	s5 =	sld [smem:$0x3FA5]  }
0x2b: {  	s6 =	sld [smem:$0x3FA6]  }
0x2c: {  	s7 =	sld [smem:$0x3FA7]  }
0x2d: {  	s3 =	simm.s32 $0x108;
	s8 =	sld [smem:$0x3FA8]  }
0x2e: {  	s3 =	simm.s32 @!p0 $0x1082;
	s9 =	sld [smem:$0x3FA9]  }
0x2f: {  	lr =	sadd.s32 s0, s3;
	s0 =	sld [smem:$0x3FA0]  }
0x30: {  	s3 =	sld [smem:$0x3FA3]  }
0x31: {  	[smem:$0x3FAC] =	sst s10  }
0x32: {  	s10 =	sld [smem:$0x3FAA];
	_ =	sdelay $0x3  }
0x33: {  	p0 =	seq.s32 s10, $0x1;
	s10 =	sld [smem:$0x3FAC];
	_ =	sdelay $0x3  }
0x34: {  	[smem:$0x3FAC] =	sst s10  }
0x35: {  	s10 =	sld [smem:$0x3FAB];
	_ =	sdelay $0x3  }
0x36: {  	p1 =	seq.s32 s10, $0x1;
	s10 =	sld [smem:$0x3FAC];
	_ =	sdelay $0x3  }
0x37: {  	[smem:$0x3FAC] =	sst s10  }
0x38: {  	s10 =	sld [smem:$0x3FAD]  }
0x39: {  	_ = 	snop;
	(pc) =	sbr.ind lr, $3  }
0x3a: {  	_ = 	snop  }
0x3b: {  	_ = 	snop  }
0x3c: {  	p2 =	seq.s32 s10, $0x1;
	s10 =	sld [smem:$0x3FAC]  }
0x3d: {  	_ =	shalt  }
0x3e: {  	_ =	shalt  }
0x3f: {  	_ =	shalt  }
0x40: {  	_ =	shalt  }
0x41: {  	_ =	shalt  }
0x42: {  	_ =	shalt  }
0x43: {  	_ =	shalt  }
0x44: {  	_ =	shalt  }
0x45: {  	_ =	shalt  }
0x46: {  	_ =	shalt  }
0x47: {  	_ =	shalt  }
0x48: {  	_ =	shalt  }
0x49: {  	_ =	shalt  }
0x4a: {  	_ =	shalt  }
0x4b: {  	_ =	shalt  }
0x4c: {  	_ =	shalt  }
0x4d: {  	_ =	shalt  }
0x4e: {  	_ =	shalt  }
0x4f: {  	_ =	shalt  }
0x50: {  	_ =	shalt  }
0x51: {  	_ =	shalt  }
0x52: {  	_ =	shalt  }
0x53: {  	_ =	shalt  }
0x54: {  	_ =	shalt  }
0x55: {  	_ =	shalt  }
0x56: {  	_ =	shalt  }
0x57: {  	_ =	shalt  }
0x58: {  	_ =	shalt  }
0x59: {  	_ =	shalt  }
0x5a: {  	_ =	shalt  }
0x5b: {  	_ =	shalt  }
0x5c: {  	_ =	shalt  }
0x5d: {  	_ =	shalt  }
0x5e: {  	_ =	shalt  }
0x5f: {  	_ =	shalt  }
0x60: {  	_ =	shalt  }
0x61: {  	_ =	shalt  }
0x62: {  	_ =	shalt  }
0x63: {  	_ =	shalt  }
0x64: {  	_ =	shalt  }
0x65: {  	_ =	shalt  }
0x66: {  	_ =	shalt  }
0x67: {  	_ =	shalt  }
0x68: {  	_ =	shalt  }
0x69: {  	_ =	shalt  }
0x6a: {  	_ =	shalt  }
0x6b: {  	_ =	shalt  }
0x6c: {  	_ =	shalt  }
0x6d: {  	_ =	shalt  }
0x6e: {  	_ =	shalt  }
0x6f: {  	_ =	shalt  }
0x70: {  	_ =	shalt  }
0x71: {  	_ =	shalt  }
0x72: {  	_ =	shalt  }
0x73: {  	_ =	shalt  }
0x74: {  	_ =	shalt  }
0x75: {  	_ =	shalt  }
0x76: {  	_ =	shalt  }
0x77: {  	_ =	shalt  }
0x78: {  	_ =	shalt  }
0x79: {  	_ =	shalt  }
0x7a: {  	_ =	shalt  }
0x7b: {  	_ =	shalt  }
0x7c: {  	_ =	shalt  }
0x7d: {  	_ =	shalt  }
0x7e: {  	_ =	shalt  }
0x7f: {  	_ =	shalt  }
0x80: {  	_ =	shalt  }
0x81: {  	_ =	shalt  }
0x82: {  	_ =	shalt  }
0x83: {  	_ =	shalt  }
0x84: {  	_ =	shalt  }
0x85: {  	_ =	shalt  }
0x86: {  	_ =	shalt  }
0x87: {  	_ =	shalt  }
.Lfunc_end0:
.L_simem_size_0:
called_computation.4_lowered:
.L_overlay_start_0:
0x88: {  	s2 =	sld [smem:$0x3FD9]  }
0x89: {  	s3 =	sld [smem:$0x3FFE];
	_ =	sdelay $0x1  }
0x8a: {  	s1 =	srdreg.scid  }
0x8b: {  	s0 =	sand.u32 $0x1, s1  }
0x8c: {  	s17 =	sshll.u32 s0, $0xA;
	s2 =	sadd.s32 s3, s2  }
0x8d: {  	s2 =	sadd.s32 s2, s17  }
0x8e: {  	[smem:$0x3FB8] =	sst s2  }
0x8f: {  	_ = 	snop  }
0x90: {  	s2 =	sld [smem:$0x3FD0];
	(tm) =	ssettm $0x1  }
0x91: {  	s18 =	sld [smem:$0x3FFB];
	_ =	sdelay $0x3  }
0x92: {  	_ =	strace s18  }
0x93: {  	s3 =	sld [smem:$0x3FFC];
	_ =	sdelay $0x3  }
0x94: {  	_ =	strace s3  }
0x95: {  	s3 =	sld [smem:$0x3FFD];
	_ =	sdelay $0x3  }
0x96: {  	_ =	strace s3  }
0x97: {  	_ =	strace $0x8FFFFFFF  }
0x98: {  	s19 =	sld [smem:$0x3FDB];
	_ =	sdelay $0x1  }
0x99: {  	s4 =	simm.s32 $_scs_section_size  }
0x9a: {  	s5 =	simm.s32 $_size__tile_overlayer_lowered;
	s6 =	simm.s32 $_tile_overlayer_lowered  }
0x9b: {  	s22 =	simm.s32 $0x1BFF;
	s21 =	sshll.u32 s6, $0x1;
	s3 =	sadd.s32 s4, s19  }
0x9c: {  	s7 =	simm.s32 $0x0;
	s20 =	sshll.u32 s5, $0x1;
	s5 =	sadd.s32 s21, s3  }
0x9d: {  	[timem:s7], [sflag:s22] =	dma.local [hbm:s5], s20  }
0x9e: {  	_ =	swait.ge [sflag:s22], s20  }
0x9f: {  	s4 =	ssub.s32 $0x0, s20;
	[sflag:s22] =	ssyncset.done $0x0  }
0xa0: {  	[sflag:s22] =	ssyncadd.s32 s4;
	_ =	sdelay $0x1  }
0xa1: {  	s23 =	simm.s32 $0x1B8B  }
0xa2: {  	_ =	swait.ge [sflag:s23], $0x1  }
0xa3: {  	[sflag:s23] =	ssyncset.done $0x0  }
0xa4: {  	s25 =	simm.s32 $0x1B8E;
	s24 =	sld [smem:$0x3FFE];
	[sflag:s23] =	ssyncadd.s32 $0xFFFFFFFF  }
0xa5: {  	s26 =	simm.s32 $execute0_lowered;
	[smem:$0x3FD2] =	sst s25  }
0xa6: {  	s5 =	sshll.u32 s26, $0x1;
	_ =	strace $0x80000052;
	[dreg:$0x1] =	wrdreg $0xFFFFFFFF  }
0xa7: {  	s28 =	simm.s32 $_size_execute0_lowered;
	s3 =	sadd.s32 s3, s5;
	[dreg:$0x0] =	wrdreg $0x0  }
0xa8: {  	s5 =	sshll.u32 s28, $0x1;
	[dreg:$0x2] =	wrdreg s3  }
0xa9: {  	[dreg:$0x3] =	wrdreg s5  }
0xaa: {  	[dreg:$0x4] =	wrdreg $0xC0  }
0xab: {  	_ =	task [dreg:s7], $0x5FFFF  }
0xac: {  	[dreg:$0x1] =	wrdreg $0xFFFFFFFF  }
0xad: {  	[dreg:$0x0] =	wrdreg $0x60  }
0xae: {  	[dreg:$0x2] =	wrdreg s24  }
0xaf: {  	[dreg:$0x3] =	wrdreg s2  }
0xb0: {  	[dreg:$0x4] =	wrdreg $0x84000  }
0xb1: {  	[dreg:$0x5] =	wrdreg $0x9  }
0xb2: {  	_ =	task.clear_ibuf [dreg:s7], $0x6FFFF;
	_ =	strace $0x90000052  }
0xb3: {  	s29 =	simm.s32 $0x9;
	_ =	strace $0x80000054  }
0xb4: {  	_ =	swait.ge [sflag:s29], $0x1  }
0xb5: {  	[sflag:s29] =	ssyncadd.s32 $0xFFFFFFFF  }
0xb6: {  	_ =	strace $0x90000054  }
0xb7: {  	_ =	sfence  }
0xb8: {  	s30 =	sld [smem:$0x0];
	_ =	sdelay $0x2  }
0xb9: {  	s31 =	sshll.u32 s1, $0xD;
	s1 =	sshrl.u32 s1, $0x2  }
0xba: {  	s3 =	sand.u32 $0x4000, s31;
	s1 =	sadd.s32 s1, s30  }
0xbb: {  	s0 =	sor.u32 s3, s0;
	s1 =	sshll.u32 s1, $0x11  }
0xbc: {  	s0 =	sor.u32 s1, s0  }
0xbd: {  	s0 =	sadd.s32 $0x8F2B, s0  }
0xbe: {  	[sflag:s0] =	ssyncadd.remote.s32 $0x1  }
0xbf: {  	_ =	sfence.sel $0xFFFF  }
0xc0: {  	[dreg:$0x0] =	wrdreg $0xFFFFFFFF;
	(pc) =	sbr.abs _section_cstart, $3  }
0xc1: {  	[dreg:$0x1] =	wrdreg $0xFFFFFFFF  }
0xc2: {  	_ =	task.clear_ibuf [dreg:s7], $0x2FFFF;
	_ =	strace $0x9FFFFFFF  }
0xc3: {  	(tm) =	ssettm $0x7FFFFFFF  }
tec
execute0_lowered:
.L_overlay_start_1:
0x0: {  	(tag) =	ssettag $0x1  }
0x1: {  	s0 =	srdreg.scid;
	s1 =	rddreg [dreg:$0x0]  }
0x2: {  	s2 =	stileid.u32;
	s13 =	simm.s32 $0x100;
	s14 =	simm.s32 $0x200  }
0x3: {  	s15 =	simm.s32 $0x300;
	s17 =	simm.s32 $0x7;
	s18 =	simm.s32 $0x1  }
0x4: {  	s19 =	simm.s32 $0x80;
	s20 =	simm.s32 $0x400;
	s21 =	simm.s32 $0x2  }
0x5: {  	s22 =	simm.s32 $0x4400;
	s23 =	simm.s32 $0x5;
	s28 =	simm.s32 $0x4  }
0x6: {  	s29 =	simm.s32 $0x280;
	s30 =	simm.s32 $0x380;
	s31 =	simm.s32 $0x0  }
0x7: {  	s0 =	sand.u32 $0x1, s0;
	s8 =	smul.u32 $0x13C00, s2;
	s5 =	sadd.s32 $0x5E00, s1  }
0x8: {  	s10 =	smul.u32 $0x4F000, s2;
	s26 =	sshll.u32 s2, $0x6;
	s3 =	sshll.u32 s0, $0x4  }
0x9: {  	s7 =	smul.u32 $0x13C000, s0;
	s0 =	ssub.s32 $0x2, s0;
	s4 =	sor.u32 s2, s3  }
0xa: {  	s3 =	rddreg [dreg:$0x2];
	s25 =	sshrl.u32 s0, $0x1;
	s10 =	sshrl.u32 s10, $0x2  }
0xb: {  	s6 =	smul.u32 $0xB00, s4;
	s4 =	simm.s32 $0x0;
	s24 =	sadd.s32 s8, s7  }
0xc: {  	s0 =	ssub.s32 s0, s25;
	s16 =	sadd.s32 s10, s3;
	s10 =	sor.u32 $0x1C07, s26  }
0xd: {  	s25 =	simm.s32 $0x6;
	s26 =	simm.s32 $0x180;
	[smem:$0x7FF] =	sst s4  }
0xe: {  	s12 =	smax.u32 s0, $0x1;
	s16 =	sshrl.u32 s16, $0x3;
	_ =	strace $0x80000053  }
0xf: {  	s9 =	sadd.s32 s6, s1;
	s6 =	sshrl.u32 s24, $0x3;
	s24 =	simm.s32 $0x3  }
0x10: {  	s1 =	sadd.s32 s6, s1;
	s6 =	sadd.s32 $0x58600, s9;
	s7 =	sadd.s32 $0x58620, s9  }
0x11: {  	s8 =	sadd.s32 $0x58640, s9;
	s9 =	sadd.s32 $0x58660, s9;
	s11 =	sadd.s32 $0x6E600, s1  }
.LBB2_1:
0x12: {  	[tilespmem:s4], [sflag:$0x1] =	stream.linear.gather [hbm4b:s6+s4], $0x100, $0x38;
	[tilespmem:$0x1C000] =	vst v63  }
0x13: {  	_ = 	snop  }
0x14: {  	[tilespmem:s13], [sflag:$0x2] =	stream.linear.gather [hbm4b:s7+s4], $0x100, $0x38;
	[tilespmem:$0x1C000] =	vst v63  }
0x15: {  	_ = 	snop  }
0x16: {  	[tilespmem:s14], [sflag:$0x3] =	stream.linear.gather [hbm4b:s8+s4], $0x100, $0x38;
	[tilespmem:$0x1C000] =	vst v63  }
0x17: {  	s0 =	rddreg [dreg:$0x1]  }
0x18: {  	[tilespmem:s15], [sflag:$0x4] =	stream.linear.gather [hbm4b:s9+s4], $0x100, $0x38;
	[tilespmem:$0x1C000] =	vst v63  }
0x19: {  	[spmem:s16], [sflag:s10] =	dma.local [hbm:s0], $0x2780  }
0x1a: {  	_ =	swait.ge [sflag:s17], $0x2780  }
0x1b: {  	[sflag:s17] =	ssyncset.done $0x0  }
0x1c: {  	[sflag:s17] =	ssyncadd.s32 $0xFFFFD880  }
0x1d: {  	[bflag:$0x0] =	sbarrier.arrive $0xFFFF  }
0x1e: {  	_ =	swait.ge [sflag:s18], $0x100  }
0x1f: {  	[sflag:s18] =	ssyncset.done $0x0  }
0x20: {  	[sflag:s18] =	ssyncadd.s32 $0xFFFFFF00  }
0x21: {  	[tilespmem:s20], [sflag:$0x5] =	stream.indirect.gather [hbm4b:s5+s19], $0x80, s4, s19, $0xb8;
	[tilespmem:$0x1C000] =	vst v63  }
0x22: {  	_ =	swait.ge [sflag:s21], $0x100  }
0x23: {  	[sflag:s21] =	ssyncset.done $0x0  }
0x24: {  	[sflag:s21] =	ssyncadd.s32 $0xFFFFFF00  }
0x25: {  	[tilespmem:s22], [sflag:$0x6] =	stream.indirect.gather [hbm4b:s5+s19], $0x80, s13, s19, $0xb8;
	[tilespmem:$0x1C000] =	vst v63  }
0x26: {  	_ =	swait.ge [sflag:s23], $0x4000  }
0x27: {  	[sflag:s23] =	ssyncset.done $0x0  }
0x28: {  	[sflag:s23] =	ssyncadd.s32 $0xFFFFC000  }
0x29: {  	[spmem:s3] =	stream.indirect.scatter.add.f32 [tilespmem:s20], [sflag:$0x7], $0x80, s19, s19, $0xb8;
	[tilespmem:$0x1C000] =	vst v63  }
0x2a: {  	_ =	swait.ge [sflag:s17], $0x4000  }
0x2b: {  	s0 =	sadd.s32 $0xFFFFF600, s6;
	[sflag:s17] =	ssyncset.done $0x0  }
0x2c: {  	s1 =	sadd.s32 $0xA80, s0;
	[sflag:s17] =	ssyncadd.s32 $0xFFFFC000  }
0x2d: {  	[tilespmem:s4], [sflag:$0x1] =	stream.linear.gather [hbm4b:s1+s4], $0x100, $0x38;
	[tilespmem:$0x1C000] =	vst v63  }
0x2e: {  	_ =	swait.ge [sflag:s24], $0x100  }
0x2f: {  	[sflag:s24] =	ssyncset.done $0x0  }
0x30: {  	[sflag:s24] =	ssyncadd.s32 $0xFFFFFF00  }
0x31: {  	[tilespmem:s20], [sflag:$0x5] =	stream.indirect.gather [hbm4b:s5+s19], $0x80, s14, s19, $0xb8;
	[tilespmem:$0x1C000] =	vst v63  }
0x32: {  	_ =	swait.ge [sflag:s25], $0x4000  }
0x33: {  	[sflag:s25] =	ssyncset.done $0x0  }
0x34: {  	[sflag:s25] =	ssyncadd.s32 $0xFFFFC000  }
0x35: {  	[spmem:s3] =	stream.indirect.scatter.add.f32 [tilespmem:s22], [sflag:$0x7], $0x80, s26, s19, $0xb8;
	[tilespmem:$0x1C000] =	vst v63  }
0x36: {  	_ =	swait.ge [sflag:s17], $0x4000  }
0x37: {  	[sflag:s17] =	ssyncset.done $0x0  }
0x38: {  	s2 =	sadd.s32 $0xAA0, s0;
	[sflag:s17] =	ssyncadd.s32 $0xFFFFC000  }
0x39: {  	[tilespmem:s13], [sflag:$0x2] =	stream.linear.gather [hbm4b:s2+s4], $0x100, $0x38;
	[tilespmem:$0x1C000] =	vst v63  }
0x3a: {  	_ =	swait.ge [sflag:s28], $0x100  }
0x3b: {  	[sflag:s28] =	ssyncset.done $0x0  }
0x3c: {  	[sflag:s28] =	ssyncadd.s32 $0xFFFFFF00  }
0x3d: {  	[tilespmem:s22], [sflag:$0x6] =	stream.indirect.gather [hbm4b:s5+s19], $0x80, s15, s19, $0xb8;
	[tilespmem:$0x1C000] =	vst v63  }
0x3e: {  	_ =	swait.ge [sflag:s23], $0x4000  }
0x3f: {  	[sflag:s23] =	ssyncset.done $0x0  }
0x40: {  	[sflag:s23] =	ssyncadd.s32 $0xFFFFC000  }
0x41: {  	[spmem:s3] =	stream.indirect.scatter.add.f32 [tilespmem:s20], [sflag:$0x7], $0x80, s29, s19, $0xb8;
	[tilespmem:$0x1C000] =	vst v63  }
0x42: {  	_ =	swait.ge [sflag:s17], $0x4000  }
0x43: {  	[sflag:s17] =	ssyncset.done $0x0  }
0x44: {  	s2 =	sadd.s32 $0xAC0, s0;
	[sflag:s17] =	ssyncadd.s32 $0xFFFFC000  }
0x45: {  	[tilespmem:s14], [sflag:$0x3] =	stream.linear.gather [hbm4b:s2+s4], $0x100, $0x38;
	[tilespmem:$0x1C000] =	vst v63  }
0x46: {  	_ =	swait.ge [sflag:s18], $0x100  }
0x47: {  	[sflag:s18] =	ssyncset.done $0x0  }
0x48: {  	[sflag:s18] =	ssyncadd.s32 $0xFFFFFF00  }
0x49: {  	[tilespmem:s20], [sflag:$0x5] =	stream.indirect.gather [hbm4b:s5+s19], $0x80, s4, s19, $0xb8;
	[tilespmem:$0x1C000] =	vst v63  }
0x4a: {  	_ =	swait.ge [sflag:s25], $0x4000  }
0x4b: {  	[sflag:s25] =	ssyncset.done $0x0  }
0x4c: {  	[sflag:s25] =	ssyncadd.s32 $0xFFFFC000  }
0x4d: {  	[spmem:s3] =	stream.indirect.scatter.add.f32 [tilespmem:s22], [sflag:$0x7], $0x80, s30, s19, $0xb8;
	[tilespmem:$0x1C000] =	vst v63  }
0x4e: {  	_ =	swait.ge [sflag:s17], $0x4000  }
0x4f: {  	[sflag:s17] =	ssyncset.done $0x0  }
0x50: {  	s1 =	simm.s32 $0xFFFFF680;
	s0 =	sadd.s32 $0xAE0, s0;
	[sflag:s17] =	ssyncadd.s32 $0xFFFFC000  }
.LBB2_2:
0x51: {  	[tilespmem:s15], [sflag:$0x4] =	stream.linear.gather [hbm4b:s0+s4], $0x100, $0x38;
	[tilespmem:$0x1C000] =	vst v63  }
0x52: {  	s0 =	smov.u32 s1  }
0x53: {  	p0 =	sne.s32 s1, $0xFFFFFF80;
	s1 =	sadd.s32 $0x80, s1;
	_ =	swait.ge [sflag:s21], $0x100  }
0x54: {  	[sflag:s21] =	ssyncset.done $0x0  }
0x55: {  	[sflag:s21] =	ssyncadd.s32 $0xFFFFFF00  }
0x56: {  	[tilespmem:s22], [sflag:$0x6] =	stream.indirect.gather [hbm4b:s5+s19], $0x80, s13, s19, $0xb8;
	[tilespmem:$0x1C000] =	vst v63  }
0x57: {  	_ =	swait.ge [sflag:s23], $0x4000  }
0x58: {  	[sflag:s23] =	ssyncset.done $0x0  }
0x59: {  	[sflag:s23] =	ssyncadd.s32 $0xFFFFC000  }
0x5a: {  	[spmem:s3] =	stream.indirect.scatter.add.f32 [tilespmem:s20], [sflag:$0x7], $0x80, s19, s19, $0xb8;
	[tilespmem:$0x1C000] =	vst v63  }
0x5b: {  	_ =	swait.ge [sflag:s17], $0x4000  }
0x5c: {  	s0 =	sadd.s32 s0, s6;
	[sflag:s17] =	ssyncset.done $0x0  }
0x5d: {  	s2 =	sadd.s32 $0xA80, s0;
	[sflag:s17] =	ssyncadd.s32 $0xFFFFC000  }
0x5e: {  	[tilespmem:s4], [sflag:$0x1] =	stream.linear.gather [hbm4b:s2+s4], $0x100, $0x38;
	[tilespmem:$0x1C000] =	vst v63  }
0x5f: {  	_ =	swait.ge [sflag:s24], $0x100  }
0x60: {  	[sflag:s24] =	ssyncset.done $0x0  }
0x61: {  	[sflag:s24] =	ssyncadd.s32 $0xFFFFFF00  }
0x62: {  	[tilespmem:s20], [sflag:$0x5] =	stream.indirect.gather [hbm4b:s5+s19], $0x80, s14, s19, $0xb8;
	[tilespmem:$0x1C000] =	vst v63  }
0x63: {  	_ =	swait.ge [sflag:s25], $0x4000  }
0x64: {  	[sflag:s25] =	ssyncset.done $0x0  }
0x65: {  	[sflag:s25] =	ssyncadd.s32 $0xFFFFC000  }
0x66: {  	[spmem:s3] =	stream.indirect.scatter.add.f32 [tilespmem:s22], [sflag:$0x7], $0x80, s26, s19, $0xb8;
	[tilespmem:$0x1C000] =	vst v63  }
0x67: {  	_ =	swait.ge [sflag:s17], $0x4000  }
0x68: {  	[sflag:s17] =	ssyncset.done $0x0  }
0x69: {  	s2 =	sadd.s32 $0xAA0, s0;
	[sflag:s17] =	ssyncadd.s32 $0xFFFFC000  }
0x6a: {  	[tilespmem:s13], [sflag:$0x2] =	stream.linear.gather [hbm4b:s2+s4], $0x100, $0x38;
	[tilespmem:$0x1C000] =	vst v63  }
0x6b: {  	_ =	swait.ge [sflag:s28], $0x100  }
0x6c: {  	[sflag:s28] =	ssyncset.done $0x0  }
0x6d: {  	[sflag:s28] =	ssyncadd.s32 $0xFFFFFF00  }
0x6e: {  	[tilespmem:s22], [sflag:$0x6] =	stream.indirect.gather [hbm4b:s5+s19], $0x80, s15, s19, $0xb8;
	[tilespmem:$0x1C000] =	vst v63  }
0x6f: {  	_ =	swait.ge [sflag:s23], $0x4000  }
0x70: {  	[sflag:s23] =	ssyncset.done $0x0  }
0x71: {  	[sflag:s23] =	ssyncadd.s32 $0xFFFFC000  }
0x72: {  	[spmem:s3] =	stream.indirect.scatter.add.f32 [tilespmem:s20], [sflag:$0x7], $0x80, s29, s19, $0xb8;
	[tilespmem:$0x1C000] =	vst v63  }
0x73: {  	_ =	swait.ge [sflag:s17], $0x4000  }
0x74: {  	[sflag:s17] =	ssyncset.done $0x0  }
0x75: {  	s2 =	sadd.s32 $0xAC0, s0;
	[sflag:s17] =	ssyncadd.s32 $0xFFFFC000  }
0x76: {  	[tilespmem:s14], [sflag:$0x3] =	stream.linear.gather [hbm4b:s2+s4], $0x100, $0x38;
	[tilespmem:$0x1C000] =	vst v63  }
0x77: {  	_ =	swait.ge [sflag:s18], $0x100  }
0x78: {  	[sflag:s18] =	ssyncset.done $0x0  }
0x79: {  	[sflag:s18] =	ssyncadd.s32 $0xFFFFFF00  }
0x7a: {  	[tilespmem:s20], [sflag:$0x5] =	stream.indirect.gather [hbm4b:s5+s19], $0x80, s4, s19, $0xb8;
	[tilespmem:$0x1C000] =	vst v63  }
0x7b: {  	_ =	swait.ge [sflag:s25], $0x4000  }
0x7c: {  	[sflag:s25] =	ssyncset.done $0x0  }
.Ltmp0:
0x7d: {  	[sflag:s25] =	ssyncadd.s32 $0xFFFFC000;
	(pc) =	sbr.rel @p0 .LBB2_2-.Ltmp0, $4  }
0x7e: {  	[spmem:s3] =	stream.indirect.scatter.add.f32 [tilespmem:s22], [sflag:$0x7], $0x80, s30, s19, $0xb8;
	[tilespmem:$0x1C000] =	vst v63  }
0x7f: {  	_ =	swait.ge [sflag:s17], $0x4000  }
0x80: {  	[sflag:s17] =	ssyncset.done $0x0  }
0x81: {  	s0 =	sadd.s32 $0xAE0, s0;
	[sflag:s17] =	ssyncadd.s32 $0xFFFFC000  }
0x82: {  	[tilespmem:s15], [sflag:$0x4] =	stream.linear.gather [hbm4b:s0+s4], $0x100, $0x38;
	[tilespmem:$0x1C000] =	vst v63  }
0x83: {  	_ =	swait.ge [sflag:s23], $0x4000  }
0x84: {  	[sflag:s23] =	ssyncset.done $0x0  }
0x85: {  	[sflag:s23] =	ssyncadd.s32 $0xFFFFC000  }
0x86: {  	_ =	swait.ge [sflag:s21], $0x100  }
0x87: {  	[sflag:s21] =	ssyncset.done $0x0  }
0x88: {  	[sflag:s21] =	ssyncadd.s32 $0xFFFFFF00  }
0x89: {  	_ =	swait.ge [sflag:s24], $0x100  }
0x8a: {  	[sflag:s24] =	ssyncset.done $0x0  }
0x8b: {  	[sflag:s24] =	ssyncadd.s32 $0xFFFFFF00  }
0x8c: {  	_ =	swait.ge [sflag:s28], $0x100  }
0x8d: {  	s31 =	sadd.s32 $0x1, s31;
	[sflag:s28] =	ssyncset.done $0x0  }
0x8e: {  	p0 =	sne.s32 s31, s12;
	[sflag:s28] =	ssyncadd.s32 $0xFFFFFF00  }
.Ltmp1:
0x8f: {  	[bflag:$0x0] =	sbarrier.arrive $0xFFFF;
	(pc) =	sbr.rel @p0 .LBB2_1-.Ltmp1, $4  }
0x90: {  	[hbm:s11], [sflag:s10] =	dma.local [spmem:s16], $0x2780  }
0x91: {  	_ =	swait.ge [sflag:s17], $0x2780  }
0x92: {  	[sflag:s17] =	ssyncset.done $0x0  }
0x93: {  	[sflag:s17] =	ssyncadd.s32 $0xFFFFD880  }
0x94: {  	_ =	sfence.sel $0x180000  }
0x95: {  	[bflag:$0x0] =	sbarrier.arrive $0xFFFF  }
0x96: {  	_ =	strace $0x90000053  }
0x97: {  	s0 =	stileid.u32;
	[bflag:$0x2] =	sbarrier.arrive $0xFFFF  }
0x98: {  	p0 =	sne.s32 s0, $0x0;
	s0 =	rddreg [dreg:$0x3]  }
0x99: {  	s0 =	sadd.s32 @!p0 $0x100000, s0  }
0x9a: {  	[sflag:s0] =	ssyncadd.tile.s32 @!p0 $0x1;
	_ =	shalt  }
.Lfunc_end2:
_tile_overlayer_lowered:
.L_overlay_start_2:
0x9b: {  	(tag) =	ssettag $0x2  }
0x9c: {  	s0 =	rddreg [dreg:$0x0];
	s2 =	stileid.u32  }
0x9d: {  	s1 =	rddreg [dreg:$0x1];
	p0 =	sne.s32 s2, $0x0  }
0x9e: {  	s3 =	rddreg [dreg:$0x2];
	[bflag:$0x3] =	sbarrier.arrive $0xFFFF;
	s2 =	simm.s32 @!p0 $0x1C07  }
0x9f: {  	[timem:s3], [sflag:s2] =	dma.local @!p0 [hbm:s0], s1  }
0xa0: {  	s0 =	simm.s32 @!p0 $0x7  }
0xa1: {  	_ =	swait.ge @!p0 [sflag:s0], s1  }
0xa2: {  	s1 =	ssub.s32 @!p0 $0x0, s1;
	[sflag:s0] =	ssyncset.done @!p0 $0x0  }
0xa3: {  	[sflag:s0] =	ssyncadd.s32 @!p0 s1  }
0xa4: {  	[bflag:$0x3] =	sbarrier.arrive $0xFFFF  }
0xa5: {  	_ =	shalt  }

</sc_bundles>
